<compile_context>
chip_gen: v7x
topology: tpu7x:2x2x1
jax: 0.10.2.dev20260603
libtpu: 0.0.44.dev20260713+nightly
codegen_flags: <defaults>
</compile_context>

<pallas_src>
import dataclasses
import functools

import jax
import jax.numpy as jnp
from jax import lax
from jax.experimental import pallas as pl
from jax.experimental.pallas import tpu as pltpu
from jax.experimental.pallas import tpu_sc as plsc

NC, NS, L = 2, 16, 16
NW = NC * NS


def _prep_body(h_ref, wfc_ref, a2_ref, whaug_ref, alphas_ref):
    wh = lax.dot_general(h_ref[...], wfc_ref[...], (((1,), (1,)), ((), ())),
                         preferred_element_type=jnp.float32)
    alphas_ref[...] = jnp.dot(wh, a2_ref[...], preferred_element_type=jnp.float32)
    whaug_ref[:, : wh.shape[1]] = wh
    br = wh.shape[0]
    lane = lax.broadcasted_iota(jnp.int32, (br, 16), 1)
    whaug_ref[:, wh.shape[1]:] = jnp.where(lane == 0, 1.0, 0.0).astype(jnp.float32)


def _fin_body(p_ref, o_ref, *, d):
    tot = p_ref[0] + p_ref[1]
    num = tot[:, :d]
    s = tot[:, d : d + 1]
    safe = jnp.where(s == 0.0, 1.0, s)
    r = num / safe
    o_ref[...] = jnp.where(r > 0.0, r, jnp.exp(jnp.minimum(r, 0.0)) - 1.0)


def _sc_compiler_params():
    cp = pltpu.CompilerParams()
    if "needs_layout_passes" in pltpu.CompilerParams.__dataclass_fields__:
        cp = dataclasses.replace(cp, needs_layout_passes=False)
    if "use_tc_tiling_on_sc" in pltpu.CompilerParams.__dataclass_fields__:
        cp = dataclasses.replace(cp, use_tc_tiling_on_sc=False)
    return cp


def _sc_mesh():
    return plsc.VectorSubcoreMesh(core_axis_name="c", subcore_axis_name="s",
                                  num_cores=NC, num_subcores=NS)


def _make_score_kernel(n, e_pad, ks):
    m = e_pad // NW
    n_chunks = m // ks

    @functools.partial(
        pl.kernel,
        compiler_params=_sc_compiler_params(),
        out_type=jax.ShapeDtypeStruct((e_pad,), jnp.float32),
        mesh=_sc_mesh(),
        scratch_types=[
            pltpu.VMEM((n,), jnp.float32),
            pltpu.VMEM((n,), jnp.float32),
            pltpu.VMEM((ks,), jnp.int32),
            pltpu.VMEM((ks,), jnp.int32),
            pltpu.VMEM((ks,), jnp.int32),
            pltpu.VMEM((ks,), jnp.int32),
            pltpu.VMEM((ks,), jnp.float32),
            pltpu.VMEM((ks,), jnp.float32),
            pltpu.SemaphoreType.DMA,
            pltpu.SemaphoreType.DMA,
        ],
    )
    def score_kernel(asrc_hbm, adst_hbm, src_hbm, dst_hbm, ex_hbm,
                     asrc_v, adst_v, src_v0, src_v1, dst_v0, dst_v1,
                     ex_v0, ex_v1, sem0, sem1):
        cid = lax.axis_index("c")
        sid = lax.axis_index("s")
        wid = sid * NC + cid
        src_b = (src_v0, src_v1)
        dst_b = (dst_v0, dst_v1)
        ex_b = (ex_v0, ex_v1)
        sem_b = (sem0, sem1)

        pltpu.sync_copy(asrc_hbm, asrc_v)
        pltpu.sync_copy(adst_hbm, adst_v)

        def issue(ci, b):
            base = wid * m + ci * ks
            pltpu.async_copy(src_hbm.at[pl.ds(base, ks)], src_b[b], sem_b[b])
            pltpu.async_copy(dst_hbm.at[pl.ds(base, ks)], dst_b[b], sem_b[b])

        def process(ci, b):
            base = wid * m + ci * ks
            pltpu.make_async_copy(src_hbm.at[pl.ds(base, ks)], src_b[b], sem_b[b]).wait()
            pltpu.make_async_copy(dst_hbm.at[pl.ds(base, ks)], dst_b[b], sem_b[b]).wait()

            @pl.loop(0, ks // L, unroll=4)
            def _(g):
                s16 = src_b[b][pl.ds(g * L, L)]
                d16 = dst_b[b][pl.ds(g * L, L)]
                e = plsc.load_gather(asrc_v, [s16]) + plsc.load_gather(adst_v, [d16])
                e = jnp.maximum(e, 0.2 * e)
                ex_b[b][pl.ds(g * L, L)] = jnp.exp(e)

            pltpu.sync_copy(ex_b[b], ex_hbm.at[pl.ds(base, ks)])

        issue(0, 0)

        @pl.loop(0, n_chunks, step=2)
        def _(ci):
            issue(ci + 1, 1)
            process(ci, 0)

            @pl.when(ci + 2 < n_chunks)
            def _():
                issue(ci + 2, 0)

            process(ci + 1, 1)

    return score_kernel


def _make_scatter_kernel(n_acc, da, e_pad, k):
    m = e_pad // NW
    n_chunks = m // k
    n_slice = n_acc // NS

    @functools.partial(
        pl.kernel,
        compiler_params=_sc_compiler_params(),
        out_type=jax.ShapeDtypeStruct((NC, n_acc, da), jnp.float32),
        mesh=_sc_mesh(),
        scratch_types=[
            pltpu.VMEM((k,), jnp.int32),
            pltpu.VMEM((k,), jnp.int32),
            pltpu.VMEM((k,), jnp.int32),
            pltpu.VMEM((k,), jnp.int32),
            pltpu.VMEM((k,), jnp.int32),
            pltpu.VMEM((k,), jnp.int32),
            pltpu.VMEM((k,), jnp.int32),
            pltpu.VMEM((k,), jnp.int32),
            pltpu.VMEM((2 * k,), jnp.float32),
            pltpu.VMEM((2 * k,), jnp.float32),
            pltpu.VMEM((k, da), jnp.float32),
            pltpu.VMEM((k, da), jnp.float32),
            pltpu.VMEM_SHARED((n_acc, da), jnp.float32),
            pltpu.SemaphoreType.DMA,
            pltpu.SemaphoreType.DMA,
            pltpu.SemaphoreType.DMA,
            pltpu.SemaphoreType.DMA,
            pltpu.SemaphoreType.DMA,
            pltpu.SemaphoreType.DMA,
        ],
    )
    def scatter_kernel(src_hbm, dst_hbm, ex_hbm, whaug_hbm, out_hbm,
                       src00, src01, src10, src11, dst00, dst01, dst10, dst11,
                       ex_s0, ex_s1, rows_v0, rows_v1, acc,
                       gsem0, gsem1, ssem0, ssem1, isem0, isem1):
        cid = lax.axis_index("c")
        sid = lax.axis_index("s")
        wid = sid * NC + cid
        src_b = ((src00, src01), (src10, src11))
        dst_b = ((dst00, dst01), (dst10, dst11))
        ex_b = (ex_s0, ex_s1)
        rows_b = (rows_v0, rows_v1)
        gsem_b = (gsem0, gsem1)
        ssem_b = (ssem0, ssem1)
        isem_b = (isem0, isem1)
        npairs = n_chunks // 2

        @pl.loop(0, k)
        def _(r):
            for c in range(da // L):
                rows_v0[r, pl.ds(c * L, L)] = jnp.zeros((L,), jnp.float32)

        for p in range(n_slice // k):
            pltpu.sync_copy(rows_v0, acc.at[pl.ds(sid * n_slice + p * k, k)])
        plsc.subcore_barrier()

        def idx_copies(p, s):
            base = wid * m + p * 2 * k
            return (
                (src_hbm.at[pl.ds(base, k)], src_b[s][0]),
                (src_hbm.at[pl.ds(base + k, k)], src_b[s][1]),
                (dst_hbm.at[pl.ds(base, k)], dst_b[s][0]),
                (dst_hbm.at[pl.ds(base + k, k)], dst_b[s][1]),
                (ex_hbm.at[pl.ds(base, 2 * k)], ex_b[s]),
            )

        def load_idx(p, s):
            for a, b in idx_copies(p, s):
                pltpu.async_copy(a, b, isem_b[s])

        def wait_idx(p, s):
            for a, b in idx_copies(p, s):
                pltpu.make_async_copy(a, b, isem_b[s]).wait()

        def gather(s, h):
            pltpu.async_copy(whaug_hbm.at[src_b[s][h]], rows_b[h], gsem_b[h])

        def wait_gather(s, h):
            pltpu.make_async_copy(whaug_hbm.at[src_b[s][h]], rows_b[h],
                                  gsem_b[h]).wait()

        def scatter(s, h):
            pltpu.async_copy(rows_b[h], acc.at[dst_b[s][h]], ssem_b[h], add=True)

        def wait_scatter(s, h):
            pltpu.make_async_copy(rows_b[h], acc.at[dst_b[s][h]],
                                  ssem_b[h]).wait()

        def scale(s, h):
            rows_v = rows_b[h]

            @pl.loop(0, k, unroll=4)
            def _(r):
                bc = plsc.load_gather(ex_b[s], [jnp.full((L,), h * k + r,
                                                         jnp.int32)])
                for c in range(da // L):
                    rows_v[r, pl.ds(c * L, L)] = rows_v[r, pl.ds(c * L, L)] * bc

        def pair(p, s):
            ns = 1 - s

            @pl.when(p >= 1)
            def _():
                wait_scatter(ns, 1)

            gather(s, 1)

            @pl.when(p + 1 < npairs)
            def _():
                load_idx(p + 1, ns)

            wait_gather(s, 0)
            scale(s, 0)
            scatter(s, 0)
            wait_gather(s, 1)
            scale(s, 1)
            scatter(s, 1)

            @pl.when(p + 1 < npairs)
            def _():
                wait_scatter(s, 0)
                wait_idx(p + 1, ns)
                gather(ns, 0)

        load_idx(0, 0)
        wait_idx(0, 0)
        gather(0, 0)

        @pl.loop(0, npairs, step=2)
        def _(p):
            pair(p, 0)
            pair(p + 1, 1)

        wait_scatter(1, 0)
        wait_scatter(1, 1)
        plsc.subcore_barrier()
        for p in range(n_slice // k):
            sl = pl.ds(sid * n_slice + p * k, k)
            pltpu.sync_copy(acc.at[sl], out_hbm.at[cid].at[sl])

    return scatter_kernel


@jax.jit
def kernel(h, edge_index, W_fc, W_attn):
    b, n, d = h.shape
    e = edge_index.shape[1]
    da = d + 16
    n_acc = ((n + 1 + 1023) // 1024) * 1024
    k = 128
    step = NW * k * 4
    e_pad = ((e + step - 1) // step) * step

    h2 = h.reshape(n, d)
    a2 = W_attn.reshape(2, d).T
    src = edge_index[0]
    dst = edge_index[1]
    pad = e_pad - e
    if pad:
        spare = n_acc - n
        src = jnp.concatenate([src, jnp.zeros((pad,), jnp.int32)])
        dst = jnp.concatenate(
            [dst, n + jnp.arange(pad, dtype=jnp.int32) % spare])

    br = 1000
    whaug, alphas = pl.pallas_call(
        _prep_body,
        grid=(n // br,),
        in_specs=[
            pl.BlockSpec((br, d), lambda i: (i, 0)),
            pl.BlockSpec((d, d), lambda i: (0, 0)),
            pl.BlockSpec((d, 2), lambda i: (0, 0)),
        ],
        out_specs=[
            pl.BlockSpec((br, da), lambda i: (i, 0)),
            pl.BlockSpec((br, 2), lambda i: (i, 0)),
        ],
        out_shape=[
            jax.ShapeDtypeStruct((n, da), jnp.float32),
            jax.ShapeDtypeStruct((n, 2), jnp.float32),
        ],
    )(h2, W_fc, a2)

    asrc = alphas[:, 0]
    adst = alphas[:, 1]

    ex = _make_score_kernel(n, e_pad, 512)(asrc, adst, src, dst)
    parts = _make_scatter_kernel(n_acc, da, e_pad, k)(src, dst, ex, whaug)

    bf = 1024
    out = pl.pallas_call(
        functools.partial(_fin_body, d=d),
        grid=(n_acc // bf,),
        in_specs=[pl.BlockSpec((NC, bf, da), lambda i: (0, i, 0))],
        out_specs=pl.BlockSpec((bf, d), lambda i: (i, 0)),
        out_shape=jax.ShapeDtypeStruct((n_acc, d), jnp.float32),
    )(parts)

    return out[:n].reshape(b, n, d)

# --- scband reference (transcript-rebuilt; emitter-appended) ---
"""Pipeline reference for scband-graph-attention-layer-43559558316887 (READ-ONLY COPY).

The authoritative reference and input builder live on the scoring server;
editing this copy changes nothing except your own understanding.
"""

import jax, jax.numpy as jnp
import numpy as np


def setup_inputs(seed: int = 0) -> dict:
    key = jax.random.key(seed)
    k1, k2, k3, k4 = jax.random.split(key, 4)
    B, N, E, D = 1, 10000, 320000, 128
    h = jax.random.normal(k1, (B, N, D), dtype=jnp.float32)
    edge_index = jax.random.randint(k2, (2, E), 0, N, dtype=jnp.int32)
    # nn.Linear(in_features, out_features, bias=False) weight: [out, in]
    W_fc = jax.random.normal(k3, (D, D), dtype=jnp.float32) * (1.0 / np.sqrt(D))
    # nn.Linear(2*out_features, 1, bias=False) weight: [1, 2*out]
    W_attn = jax.random.normal(k4, (1, 2 * D), dtype=jnp.float32) * (1.0 / np.sqrt(2 * D))
    return {"h": h, "edge_index": edge_index, "W_fc": W_fc, "W_attn": W_attn}


def reference(h, edge_index, W_fc, W_attn):
    # Wh = fc(h)
    Wh = h @ W_fc.T  # [B, N, D]
    src = edge_index[0]
    dst = edge_index[1]
    src_h = Wh[:, src, :]  # gather: [B, E, D]
    dst_h = Wh[:, dst, :]  # gather: [B, E, D]
    cat = jnp.concatenate([src_h, dst_h], axis=-1)  # [B, E, 2D]
    e = jax.nn.leaky_relu(jnp.squeeze(cat @ W_attn.T, -1), negative_slope=0.2)  # [B, E]
    N = Wh.shape[1]
    # per-destination softmax over incoming edges (vectorized segment softmax,
    # equivalent to the original per-unique-dst loop; torch.softmax subtracts max internally)
    eT = e.T  # [E, B]
    m = jax.ops.segment_max(eT, dst, num_segments=N)  # [N, B]
    m = jnp.where(jnp.isfinite(m), m, 0.0)
    ex = jnp.exp(eT - m[dst])  # [E, B]
    denom = jax.ops.segment_sum(ex, dst, num_segments=N)  # [N, B]
    attnT = ex / denom[dst]  # [E, B]
    # scatter-add: out[:, dst[i]] += attn[:, i] * src_h[:, i]
    src_hT = jnp.transpose(src_h, (1, 0, 2))  # [E, B, D]
    weighted = attnT[:, :, None] * src_hT  # [E, B, D]
    outT = jax.ops.segment_sum(weighted, dst, num_segments=N)  # [N, B, D]
    out = jnp.transpose(outT, (1, 0, 2))  # [B, N, D]
    return jax.nn.elu(out)

if __name__ == "__main__":
    import jax
    _d = setup_inputs()
    print(jax.jit(kernel)(*tuple(_d.values())))

</pallas_src>

<mosaic_0001>
#map = affine_map<(d0, d1) -> (0)>
#map1 = affine_map<(d0, d1) -> (0, 0)>
#map2 = affine_map<(d0, d1) -> (0, 0, 0)>
module attributes {stable_mosaic.version = 14 : i64} {
  func.func @scatter_kernel(%arg0: i32, %arg1: i32, %arg2: memref<327680xi32, #tpu.memory_space<hbm>>, %arg3: memref<327680xi32, #tpu.memory_space<hbm>>, %arg4: memref<327680xf32, #tpu.memory_space<hbm>>, %arg5: memref<10000x144xf32, #tpu.memory_space<hbm>>, %arg6: memref<2x10240x144xf32, #tpu.memory_space<hbm>>, %arg7: memref<128xi32, #tpu.memory_space<vmem>>, %arg8: memref<128xi32, #tpu.memory_space<vmem>>, %arg9: memref<128xi32, #tpu.memory_space<vmem>>, %arg10: memref<128xi32, #tpu.memory_space<vmem>>, %arg11: memref<128xi32, #tpu.memory_space<vmem>>, %arg12: memref<128xi32, #tpu.memory_space<vmem>>, %arg13: memref<128xi32, #tpu.memory_space<vmem>>, %arg14: memref<128xi32, #tpu.memory_space<vmem>>, %arg15: memref<256xf32, #tpu.memory_space<vmem>>, %arg16: memref<256xf32, #tpu.memory_space<vmem>>, %arg17: memref<128x144xf32, #tpu.memory_space<vmem>>, %arg18: memref<128x144xf32, #tpu.memory_space<vmem>>, %arg19: memref<10240x144xf32, #tpu.memory_space<vmem_shared>>, %arg20: memref<!tpu.dma_semaphore, #tpu.memory_space<semaphore_mem>>, %arg21: memref<!tpu.dma_semaphore, #tpu.memory_space<semaphore_mem>>, %arg22: memref<!tpu.dma_semaphore, #tpu.memory_space<semaphore_mem>>, %arg23: memref<!tpu.dma_semaphore, #tpu.memory_space<semaphore_mem>>, %arg24: memref<!tpu.dma_semaphore, #tpu.memory_space<semaphore_mem>>, %arg25: memref<!tpu.dma_semaphore, #tpu.memory_space<semaphore_mem>>) attributes {dimension_semantics = [#tpu.dimension_semantics<core_parallel>, #tpu.dimension_semantics<subcore_parallel>], iteration_bounds = array<i64: 2, 16>, scalar_prefetch = 0 : i64, scratch_operands = 19 : i64, tpu.core_type = #tpu.core_type<sc_vector_subcore>, window_params = [{transform_indices = #map}, {transform_indices = #map}, {transform_indices = #map}, {transform_indices = #map1}, {transform_indices = #map2}]} {
    %mul3A = arith.constant 2 : i32
    %mul3A_0 = arith.muli %arg1, %mul3A : i32
    %add3A = arith.addi %mul3A_0, %arg0 : i32
    %scan3A = arith.constant 0 : i32
    %scan3A_1 = arith.constant 128 : i32
    %scan3A_2 = arith.addi %scan3A, %scan3A_1 : i32
    %scan3A_3 = arith.constant 1 : i32
    scf.for %scan3A_94 = %scan3A to %scan3A_2 step %scan3A_3  : i32 {
      %mul3A_95 = arith.constant 1 : i32
      %mul3A_96 = arith.muli %scan3A_94, %mul3A_95 : i32
      %add3A_97 = arith.constant 0 : i32
      %add3A_98 = arith.addi %add3A_97, %mul3A_96 : i32
      %broadcast_in_dim3A = arith.constant 0.000000e+00 : f32
      %broadcast_in_dim3A_99 = vector.broadcast %broadcast_in_dim3A : f32 to vector<16xf32>
      %swap3A = arith.index_cast %add3A_98 : i32 to index
      %swap3A_100 = arith.constant 0 : index
      %swap3A_101 = tpu.vector_load %arg17[%swap3A, %swap3A_100] {strides = array<i32>} : memref<128x144xf32, #tpu.memory_space<vmem>>, vector<16xf32>,
      tpu.vector_store %arg17[%swap3A, %swap3A_100], %broadcast_in_dim3A_99 {strides = array<i32>} : memref<128x144xf32, #tpu.memory_space<vmem>>, vector<16xf32>,
      %broadcast_in_dim3A_102 = arith.constant 0.000000e+00 : f32
      %broadcast_in_dim3A_103 = vector.broadcast %broadcast_in_dim3A_102 : f32 to vector<16xf32>
      %swap3A_104 = arith.index_cast %add3A_98 : i32 to index
      %swap3A_105 = arith.constant 16 : index
      %swap3A_106 = tpu.vector_load %arg17[%swap3A_104, %swap3A_105] {strides = array<i32>} : memref<128x144xf32, #tpu.memory_space<vmem>>, vector<16xf32>,
      tpu.vector_store %arg17[%swap3A_104, %swap3A_105], %broadcast_in_dim3A_103 {strides = array<i32>} : memref<128x144xf32, #tpu.memory_space<vmem>>, vector<16xf32>,
      %broadcast_in_dim3A_107 = arith.constant 0.000000e+00 : f32
      %broadcast_in_dim3A_108 = vector.broadcast %broadcast_in_dim3A_107 : f32 to vector<16xf32>
      %swap3A_109 = arith.index_cast %add3A_98 : i32 to index
      %swap3A_110 = arith.constant 32 : index
      %swap3A_111 = tpu.vector_load %arg17[%swap3A_109, %swap3A_110] {strides = array<i32>} : memref<128x144xf32, #tpu.memory_space<vmem>>, vector<16xf32>,
      tpu.vector_store %arg17[%swap3A_109, %swap3A_110], %broadcast_in_dim3A_108 {strides = array<i32>} : memref<128x144xf32, #tpu.memory_space<vmem>>, vector<16xf32>,
      %broadcast_in_dim3A_112 = arith.constant 0.000000e+00 : f32
      %broadcast_in_dim3A_113 = vector.broadcast %broadcast_in_dim3A_112 : f32 to vector<16xf32>
      %swap3A_114 = arith.index_cast %add3A_98 : i32 to index
      %swap3A_115 = arith.constant 48 : index
      %swap3A_116 = tpu.vector_load %arg17[%swap3A_114, %swap3A_115] {strides = array<i32>} : memref<128x144xf32, #tpu.memory_space<vmem>>, vector<16xf32>,
      tpu.vector_store %arg17[%swap3A_114, %swap3A_115], %broadcast_in_dim3A_113 {strides = array<i32>} : memref<128x144xf32, #tpu.memory_space<vmem>>, vector<16xf32>,
      %broadcast_in_dim3A_117 = arith.constant 0.000000e+00 : f32
      %broadcast_in_dim3A_118 = vector.broadcast %broadcast_in_dim3A_117 : f32 to vector<16xf32>
      %swap3A_119 = arith.index_cast %add3A_98 : i32 to index
      %swap3A_120 = arith.constant 64 : index
      %swap3A_121 = tpu.vector_load %arg17[%swap3A_119, %swap3A_120] {strides = array<i32>} : memref<128x144xf32, #tpu.memory_space<vmem>>, vector<16xf32>,
      tpu.vector_store %arg17[%swap3A_119, %swap3A_120], %broadcast_in_dim3A_118 {strides = array<i32>} : memref<128x144xf32, #tpu.memory_space<vmem>>, vector<16xf32>,
      %broadcast_in_dim3A_122 = arith.constant 0.000000e+00 : f32
      %broadcast_in_dim3A_123 = vector.broadcast %broadcast_in_dim3A_122 : f32 to vector<16xf32>
      %swap3A_124 = arith.index_cast %add3A_98 : i32 to index
      %swap3A_125 = arith.constant 80 : index
      %swap3A_126 = tpu.vector_load %arg17[%swap3A_124, %swap3A_125] {strides = array<i32>} : memref<128x144xf32, #tpu.memory_space<vmem>>, vector<16xf32>,
      tpu.vector_store %arg17[%swap3A_124, %swap3A_125], %broadcast_in_dim3A_123 {strides = array<i32>} : memref<128x144xf32, #tpu.memory_space<vmem>>, vector<16xf32>,
      %broadcast_in_dim3A_127 = arith.constant 0.000000e+00 : f32
      %broadcast_in_dim3A_128 = vector.broadcast %broadcast_in_dim3A_127 : f32 to vector<16xf32>
      %swap3A_129 = arith.index_cast %add3A_98 : i32 to index
      %swap3A_130 = arith.constant 96 : index
      %swap3A_131 = tpu.vector_load %arg17[%swap3A_129, %swap3A_130] {strides = array<i32>} : memref<128x144xf32, #tpu.memory_space<vmem>>, vector<16xf32>,
      tpu.vector_store %arg17[%swap3A_129, %swap3A_130], %broadcast_in_dim3A_128 {strides = array<i32>} : memref<128x144xf32, #tpu.memory_space<vmem>>, vector<16xf32>,
      %broadcast_in_dim3A_132 = arith.constant 0.000000e+00 : f32
      %broadcast_in_dim3A_133 = vector.broadcast %broadcast_in_dim3A_132 : f32 to vector<16xf32>
      %swap3A_134 = arith.index_cast %add3A_98 : i32 to index
      %swap3A_135 = arith.constant 112 : index
      %swap3A_136 = tpu.vector_load %arg17[%swap3A_134, %swap3A_135] {strides = array<i32>} : memref<128x144xf32, #tpu.memory_space<vmem>>, vector<16xf32>,
      tpu.vector_store %arg17[%swap3A_134, %swap3A_135], %broadcast_in_dim3A_133 {strides = array<i32>} : memref<128x144xf32, #tpu.memory_space<vmem>>, vector<16xf32>,
      %broadcast_in_dim3A_137 = arith.constant 0.000000e+00 : f32
      %broadcast_in_dim3A_138 = vector.broadcast %broadcast_in_dim3A_137 : f32 to vector<16xf32>
      %swap3A_139 = arith.index_cast %add3A_98 : i32 to index
      %swap3A_140 = arith.constant 128 : index
      %swap3A_141 = tpu.vector_load %arg17[%swap3A_139, %swap3A_140] {strides = array<i32>} : memref<128x144xf32, #tpu.memory_space<vmem>>, vector<16xf32>,
      tpu.vector_store %arg17[%swap3A_139, %swap3A_140], %broadcast_in_dim3A_138 {strides = array<i32>} : memref<128x144xf32, #tpu.memory_space<vmem>>, vector<16xf32>,
    }
    %scan3A_4 = arith.constant 128 : i32
    %mul3A_5 = arith.constant 640 : i32
    %mul3A_6 = arith.muli %arg1, %mul3A_5 : i32
    %add3A_7 = arith.constant 0 : i32
    %add3A_8 = arith.addi %mul3A_6, %add3A_7 : i32
    "tpu.region"() ({
      %run_scoped3A = tpu.sem_alloc : memref<!tpu.dma_semaphore, #tpu.memory_space<semaphore_mem>>
      %dma_start3A_94 = arith.constant 0 : i32
      %dma_start3A_95 = tpu.memref_slice %arg19[%add3A_8, %dma_start3A_94] : memref<10240x144xf32, #tpu.memory_space<vmem_shared>> -> memref<128x144xf32, #tpu.memory_space<vmem_shared>>
      %dma_start3A_96 = arith.constant 0 : i32
      %dma_start3A_97 = tpu.memref_slice %arg19[%add3A_8, %dma_start3A_96] : memref<10240x144xf32, #tpu.memory_space<vmem_shared>> -> memref<128x144xf32, #tpu.memory_space<vmem_shared>>
      tpu.enqueue_dma source(%arg17 : memref<128x144xf32, #tpu.memory_space<vmem>>) target(%dma_start3A_97 : memref<128x144xf32, #tpu.memory_space<vmem_shared>>) target_semaphore(%run_scoped3A : memref<!tpu.dma_semaphore, #tpu.memory_space<semaphore_mem>>)
      %dma_wait3A_98 = arith.constant 0 : i32
      %dma_wait3A_99 = tpu.memref_slice %arg19[%add3A_8, %dma_wait3A_98] : memref<10240x144xf32, #tpu.memory_space<vmem_shared>> -> memref<128x144xf32, #tpu.memory_space<vmem_shared>>
      %dma_wait3A_100 = arith.constant 0 : i32
      %dma_wait3A_101 = tpu.memref_slice %arg19[%add3A_8, %dma_wait3A_100] : memref<10240x144xf32, #tpu.memory_space<vmem_shared>> -> memref<128x144xf32, #tpu.memory_space<vmem_shared>>
      tpu.wait_dma2 semaphore(%run_scoped3A : memref<!tpu.dma_semaphore, #tpu.memory_space<semaphore_mem>>) src(%arg17 : memref<128x144xf32, #tpu.memory_space<vmem>>) dst(%dma_wait3A_101 : memref<128x144xf32, #tpu.memory_space<vmem_shared>>)
      tpu.yield
    }) : () -> ()
    %mul3A_9 = arith.constant 640 : i32
    %mul3A_10 = arith.muli %arg1, %mul3A_9 : i32
    %add3A_11 = arith.constant 128 : i32
    %add3A_12 = arith.addi %mul3A_10, %add3A_11 : i32
    "tpu.region"() ({
      %run_scoped3A = tpu.sem_alloc : memref<!tpu.dma_semaphore, #tpu.memory_space<semaphore_mem>>
      %dma_start3A_94 = arith.constant 0 : i32
      %dma_start3A_95 = tpu.memref_slice %arg19[%add3A_12, %dma_start3A_94] : memref<10240x144xf32, #tpu.memory_space<vmem_shared>> -> memref<128x144xf32, #tpu.memory_space<vmem_shared>>
      %dma_start3A_96 = arith.constant 0 : i32
      %dma_start3A_97 = tpu.memref_slice %arg19[%add3A_12, %dma_start3A_96] : memref<10240x144xf32, #tpu.memory_space<vmem_shared>> -> memref<128x144xf32, #tpu.memory_space<vmem_shared>>
      tpu.enqueue_dma source(%arg17 : memref<128x144xf32, #tpu.memory_space<vmem>>) target(%dma_start3A_97 : memref<128x144xf32, #tpu.memory_space<vmem_shared>>) target_semaphore(%run_scoped3A : memref<!tpu.dma_semaphore, #tpu.memory_space<semaphore_mem>>)
      %dma_wait3A_98 = arith.constant 0 : i32
      %dma_wait3A_99 = tpu.memref_slice %arg19[%add3A_12, %dma_wait3A_98] : memref<10240x144xf32, #tpu.memory_space<vmem_shared>> -> memref<128x144xf32, #tpu.memory_space<vmem_shared>>
      %dma_wait3A_100 = arith.constant 0 : i32
      %dma_wait3A_101 = tpu.memref_slice %arg19[%add3A_12, %dma_wait3A_100] : memref<10240x144xf32, #tpu.memory_space<vmem_shared>> -> memref<128x144xf32, #tpu.memory_space<vmem_shared>>
      tpu.wait_dma2 semaphore(%run_scoped3A : memref<!tpu.dma_semaphore, #tpu.memory_space<semaphore_mem>>) src(%arg17 : memref<128x144xf32, #tpu.memory_space<vmem>>) dst(%dma_wait3A_101 : memref<128x144xf32, #tpu.memory_space<vmem_shared>>)
      tpu.yield
    }) : () -> ()
    %mul3A_13 = arith.constant 640 : i32
    %mul3A_14 = arith.muli %arg1, %mul3A_13 : i32
    %add3A_15 = arith.constant 256 : i32
    %add3A_16 = arith.addi %mul3A_14, %add3A_15 : i32
    "tpu.region"() ({
      %run_scoped3A = tpu.sem_alloc : memref<!tpu.dma_semaphore, #tpu.memory_space<semaphore_mem>>
      %dma_start3A_94 = arith.constant 0 : i32
      %dma_start3A_95 = tpu.memref_slice %arg19[%add3A_16, %dma_start3A_94] : memref<10240x144xf32, #tpu.memory_space<vmem_shared>> -> memref<128x144xf32, #tpu.memory_space<vmem_shared>>
      %dma_start3A_96 = arith.constant 0 : i32
      %dma_start3A_97 = tpu.memref_slice %arg19[%add3A_16, %dma_start3A_96] : memref<10240x144xf32, #tpu.memory_space<vmem_shared>> -> memref<128x144xf32, #tpu.memory_space<vmem_shared>>
      tpu.enqueue_dma source(%arg17 : memref<128x144xf32, #tpu.memory_space<vmem>>) target(%dma_start3A_97 : memref<128x144xf32, #tpu.memory_space<vmem_shared>>) target_semaphore(%run_scoped3A : memref<!tpu.dma_semaphore, #tpu.memory_space<semaphore_mem>>)
      %dma_wait3A_98 = arith.constant 0 : i32
      %dma_wait3A_99 = tpu.memref_slice %arg19[%add3A_16, %dma_wait3A_98] : memref<10240x144xf32, #tpu.memory_space<vmem_shared>> -> memref<128x144xf32, #tpu.memory_space<vmem_shared>>
      %dma_wait3A_100 = arith.constant 0 : i32
      %dma_wait3A_101 = tpu.memref_slice %arg19[%add3A_16, %dma_wait3A_100] : memref<10240x144xf32, #tpu.memory_space<vmem_shared>> -> memref<128x144xf32, #tpu.memory_space<vmem_shared>>
      tpu.wait_dma2 semaphore(%run_scoped3A : memref<!tpu.dma_semaphore, #tpu.memory_space<semaphore_mem>>) src(%arg17 : memref<128x144xf32, #tpu.memory_space<vmem>>) dst(%dma_wait3A_101 : memref<128x144xf32, #tpu.memory_space<vmem_shared>>)
      tpu.yield
    }) : () -> ()
    %mul3A_17 = arith.constant 640 : i32
    %mul3A_18 = arith.muli %arg1, %mul3A_17 : i32
    %add3A_19 = arith.constant 384 : i32
    %add3A_20 = arith.addi %mul3A_18, %add3A_19 : i32
    "tpu.region"() ({
      %run_scoped3A = tpu.sem_alloc : memref<!tpu.dma_semaphore, #tpu.memory_space<semaphore_mem>>
      %dma_start3A_94 = arith.constant 0 : i32
      %dma_start3A_95 = tpu.memref_slice %arg19[%add3A_20, %dma_start3A_94] : memref<10240x144xf32, #tpu.memory_space<vmem_shared>> -> memref<128x144xf32, #tpu.memory_space<vmem_shared>>
      %dma_start3A_96 = arith.constant 0 : i32
      %dma_start3A_97 = tpu.memref_slice %arg19[%add3A_20, %dma_start3A_96] : memref<10240x144xf32, #tpu.memory_space<vmem_shared>> -> memref<128x144xf32, #tpu.memory_space<vmem_shared>>
      tpu.enqueue_dma source(%arg17 : memref<128x144xf32, #tpu.memory_space<vmem>>) target(%dma_start3A_97 : memref<128x144xf32, #tpu.memory_space<vmem_shared>>) target_semaphore(%run_scoped3A : memref<!tpu.dma_semaphore, #tpu.memory_space<semaphore_mem>>)
      %dma_wait3A_98 = arith.constant 0 : i32
      %dma_wait3A_99 = tpu.memref_slice %arg19[%add3A_20, %dma_wait3A_98] : memref<10240x144xf32, #tpu.memory_space<vmem_shared>> -> memref<128x144xf32, #tpu.memory_space<vmem_shared>>
      %dma_wait3A_100 = arith.constant 0 : i32
      %dma_wait3A_101 = tpu.memref_slice %arg19[%add3A_20, %dma_wait3A_100] : memref<10240x144xf32, #tpu.memory_space<vmem_shared>> -> memref<128x144xf32, #tpu.memory_space<vmem_shared>>
      tpu.wait_dma2 semaphore(%run_scoped3A : memref<!tpu.dma_semaphore, #tpu.memory_space<semaphore_mem>>) src(%arg17 : memref<128x144xf32, #tpu.memory_space<vmem>>) dst(%dma_wait3A_101 : memref<128x144xf32, #tpu.memory_space<vmem_shared>>)
      tpu.yield
    }) : () -> ()
    %mul3A_21 = arith.constant 640 : i32
    %mul3A_22 = arith.muli %arg1, %mul3A_21 : i32
    %add3A_23 = arith.constant 512 : i32
    %add3A_24 = arith.addi %mul3A_22, %add3A_23 : i32
    "tpu.region"() ({
      %run_scoped3A = tpu.sem_alloc : memref<!tpu.dma_semaphore, #tpu.memory_space<semaphore_mem>>
      %dma_start3A_94 = arith.constant 0 : i32
      %dma_start3A_95 = tpu.memref_slice %arg19[%add3A_24, %dma_start3A_94] : memref<10240x144xf32, #tpu.memory_space<vmem_shared>> -> memref<128x144xf32, #tpu.memory_space<vmem_shared>>
      %dma_start3A_96 = arith.constant 0 : i32
      %dma_start3A_97 = tpu.memref_slice %arg19[%add3A_24, %dma_start3A_96] : memref<10240x144xf32, #tpu.memory_space<vmem_shared>> -> memref<128x144xf32, #tpu.memory_space<vmem_shared>>
      tpu.enqueue_dma source(%arg17 : memref<128x144xf32, #tpu.memory_space<vmem>>) target(%dma_start3A_97 : memref<128x144xf32, #tpu.memory_space<vmem_shared>>) target_semaphore(%run_scoped3A : memref<!tpu.dma_semaphore, #tpu.memory_space<semaphore_mem>>)
      %dma_wait3A_98 = arith.constant 0 : i32
      %dma_wait3A_99 = tpu.memref_slice %arg19[%add3A_24, %dma_wait3A_98] : memref<10240x144xf32, #tpu.memory_space<vmem_shared>> -> memref<128x144xf32, #tpu.memory_space<vmem_shared>>
      %dma_wait3A_100 = arith.constant 0 : i32
      %dma_wait3A_101 = tpu.memref_slice %arg19[%add3A_24, %dma_wait3A_100] : memref<10240x144xf32, #tpu.memory_space<vmem_shared>> -> memref<128x144xf32, #tpu.memory_space<vmem_shared>>
      tpu.wait_dma2 semaphore(%run_scoped3A : memref<!tpu.dma_semaphore, #tpu.memory_space<semaphore_mem>>) src(%arg17 : memref<128x144xf32, #tpu.memory_space<vmem>>) dst(%dma_wait3A_101 : memref<128x144xf32, #tpu.memory_space<vmem_shared>>)
      tpu.yield
    }) : () -> ()
    %barrier3A = arith.constant 0 : index
    tpu.barrier barrier_id(%barrier3A)
    %mul3A_25 = arith.constant 10240 : i32
    %mul3A_26 = arith.muli %add3A, %mul3A_25 : i32
    %add3A_27 = arith.constant 0 : i32
    %add3A_28 = arith.addi %mul3A_26, %add3A_27 : i32
    %add3A_29 = arith.constant 128 : i32
    %add3A_30 = arith.addi %add3A_28, %add3A_29 : i32
    %add3A_31 = arith.constant 128 : i32
    %add3A_32 = arith.addi %add3A_28, %add3A_31 : i32
    %dma_start3A = tpu.memref_slice %arg2[%add3A_28] : memref<327680xi32, #tpu.memory_space<hbm>> -> memref<128xi32, #tpu.memory_space<hbm>>
    %dma_start3A_33 = tpu.memref_slice %arg2[%add3A_28] : memref<327680xi32, #tpu.memory_space<hbm>> -> memref<128xi32, #tpu.memory_space<hbm>>
    tpu.enqueue_dma source(%dma_start3A_33 : memref<128xi32, #tpu.memory_space<hbm>>) target(%arg7 : memref<128xi32, #tpu.memory_space<vmem>>) target_semaphore(%arg24 : memref<!tpu.dma_semaphore, #tpu.memory_space<semaphore_mem>>)
    %dma_start3A_34 = tpu.memref_slice %arg2[%add3A_30] : memref<327680xi32, #tpu.memory_space<hbm>> -> memref<128xi32, #tpu.memory_space<hbm>>
    %dma_start3A_35 = tpu.memref_slice %arg2[%add3A_30] : memref<327680xi32, #tpu.memory_space<hbm>> -> memref<128xi32, #tpu.memory_space<hbm>>
    tpu.enqueue_dma source(%dma_start3A_35 : memref<128xi32, #tpu.memory_space<hbm>>) target(%arg8 : memref<128xi32, #tpu.memory_space<vmem>>) target_semaphore(%arg24 : memref<!tpu.dma_semaphore, #tpu.memory_space<semaphore_mem>>)
    %dma_start3A_36 = tpu.memref_slice %arg3[%add3A_28] : memref<327680xi32, #tpu.memory_space<hbm>> -> memref<128xi32, #tpu.memory_space<hbm>>
    %dma_start3A_37 = tpu.memref_slice %arg3[%add3A_28] : memref<327680xi32, #tpu.memory_space<hbm>> -> memref<128xi32, #tpu.memory_space<hbm>>
    tpu.enqueue_dma source(%dma_start3A_37 : memref<128xi32, #tpu.memory_space<hbm>>) target(%arg11 : memref<128xi32, #tpu.memory_space<vmem>>) target_semaphore(%arg24 : memref<!tpu.dma_semaphore, #tpu.memory_space<semaphore_mem>>)
    %dma_start3A_38 = tpu.memref_slice %arg3[%add3A_32] : memref<327680xi32, #tpu.memory_space<hbm>> -> memref<128xi32, #tpu.memory_space<hbm>>
    %dma_start3A_39 = tpu.memref_slice %arg3[%add3A_32] : memref<327680xi32, #tpu.memory_space<hbm>> -> memref<128xi32, #tpu.memory_space<hbm>>
    tpu.enqueue_dma source(%dma_start3A_39 : memref<128xi32, #tpu.memory_space<hbm>>) target(%arg12 : memref<128xi32, #tpu.memory_space<vmem>>) target_semaphore(%arg24 : memref<!tpu.dma_semaphore, #tpu.memory_space<semaphore_mem>>)
    %dma_start3A_40 = tpu.memref_slice %arg4[%add3A_28] : memref<327680xf32, #tpu.memory_space<hbm>> -> memref<256xf32, #tpu.memory_space<hbm>>
    %dma_start3A_41 = tpu.memref_slice %arg4[%add3A_28] : memref<327680xf32, #tpu.memory_space<hbm>> -> memref<256xf32, #tpu.memory_space<hbm>>
    tpu.enqueue_dma source(%dma_start3A_41 : memref<256xf32, #tpu.memory_space<hbm>>) target(%arg15 : memref<256xf32, #tpu.memory_space<vmem>>) target_semaphore(%arg24 : memref<!tpu.dma_semaphore, #tpu.memory_space<semaphore_mem>>)
    %mul3A_42 = arith.constant 10240 : i32
    %mul3A_43 = arith.muli %add3A, %mul3A_42 : i32
    %add3A_44 = arith.constant 0 : i32
    %add3A_45 = arith.addi %mul3A_43, %add3A_44 : i32
    %add3A_46 = arith.constant 128 : i32
    %add3A_47 = arith.addi %add3A_45, %add3A_46 : i32
    %add3A_48 = arith.constant 128 : i32
    %add3A_49 = arith.addi %add3A_45, %add3A_48 : i32
    %dma_wait3A = tpu.memref_slice %arg2[%add3A_45] : memref<327680xi32, #tpu.memory_space<hbm>> -> memref<128xi32, #tpu.memory_space<hbm>>
    %dma_wait3A_50 = tpu.memref_slice %arg2[%add3A_45] : memref<327680xi32, #tpu.memory_space<hbm>> -> memref<128xi32, #tpu.memory_space<hbm>>
    tpu.wait_dma2 semaphore(%arg24 : memref<!tpu.dma_semaphore, #tpu.memory_space<semaphore_mem>>) src(%dma_wait3A_50 : memref<128xi32, #tpu.memory_space<hbm>>) dst(%arg7 : memref<128xi32, #tpu.memory_space<vmem>>)
    %dma_wait3A_51 = tpu.memref_slice %arg2[%add3A_47] : memref<327680xi32, #tpu.memory_space<hbm>> -> memref<128xi32, #tpu.memory_space<hbm>>
    %dma_wait3A_52 = tpu.memref_slice %arg2[%add3A_47] : memref<327680xi32, #tpu.memory_space<hbm>> -> memref<128xi32, #tpu.memory_space<hbm>>
    tpu.wait_dma2 semaphore(%arg24 : memref<!tpu.dma_semaphore, #tpu.memory_space<semaphore_mem>>) src(%dma_wait3A_52 : memref<128xi32, #tpu.memory_space<hbm>>) dst(%arg8 : memref<128xi32, #tpu.memory_space<vmem>>)
    %dma_wait3A_53 = tpu.memref_slice %arg3[%add3A_45] : memref<327680xi32, #tpu.memory_space<hbm>> -> memref<128xi32, #tpu.memory_space<hbm>>
    %dma_wait3A_54 = tpu.memref_slice %arg3[%add3A_45] : memref<327680xi32, #tpu.memory_space<hbm>> -> memref<128xi32, #tpu.memory_space<hbm>>
    tpu.wait_dma2 semaphore(%arg24 : memref<!tpu.dma_semaphore, #tpu.memory_space<semaphore_mem>>) src(%dma_wait3A_54 : memref<128xi32, #tpu.memory_space<hbm>>) dst(%arg11 : memref<128xi32, #tpu.memory_space<vmem>>)
    %dma_wait3A_55 = tpu.memref_slice %arg3[%add3A_49] : memref<327680xi32, #tpu.memory_space<hbm>> -> memref<128xi32, #tpu.memory_space<hbm>>
    %dma_wait3A_56 = tpu.memref_slice %arg3[%add3A_49] : memref<327680xi32, #tpu.memory_space<hbm>> -> memref<128xi32, #tpu.memory_space<hbm>>
    tpu.wait_dma2 semaphore(%arg24 : memref<!tpu.dma_semaphore, #tpu.memory_space<semaphore_mem>>) src(%dma_wait3A_56 : memref<128xi32, #tpu.memory_space<hbm>>) dst(%arg12 : memref<128xi32, #tpu.memory_space<vmem>>)
    %dma_wait3A_57 = tpu.memref_slice %arg4[%add3A_45] : memref<327680xf32, #tpu.memory_space<hbm>> -> memref<256xf32, #tpu.memory_space<hbm>>
    %dma_wait3A_58 = tpu.memref_slice %arg4[%add3A_45] : memref<327680xf32, #tpu.memory_space<hbm>> -> memref<256xf32, #tpu.memory_space<hbm>>
    tpu.wait_dma2 semaphore(%arg24 : memref<!tpu.dma_semaphore, #tpu.memory_space<semaphore_mem>>) src(%dma_wait3A_58 : memref<256xf32, #tpu.memory_space<hbm>>) dst(%arg15 : memref<256xf32, #tpu.memory_space<vmem>>)
    %dma_start3A_59 = arith.constant 0 : i32
    %dma_start3A_60 = arith.constant 0 : i32
    %dma_start3A_61 = tpu.memref_slice %arg5[%dma_start3A_59, %dma_start3A_60] : memref<10000x144xf32, #tpu.memory_space<hbm>> -> memref<10000x144xf32, #tpu.memory_space<hbm>>
    tpu.enqueue_indirect_dma source(%dma_start3A_61 : memref<10000x144xf32, #tpu.memory_space<hbm>>) target(%arg17 : memref<128x144xf32, #tpu.memory_space<vmem>>) offsets(%arg7 : memref<128xi32, #tpu.memory_space<vmem>>) semaphore(%arg20 : memref<!tpu.dma_semaphore, #tpu.memory_space<semaphore_mem>>)
    %scan3A_62 = arith.constant 0 : i32
    %scan3A_63 = arith.constant 20 : i32
    %scan3A_64 = arith.addi %scan3A_62, %scan3A_63 : i32
    %scan3A_65 = arith.constant 1 : i32
    scf.for %scan3A_94 = %scan3A_62 to %scan3A_64 step %scan3A_65  : i32 {
      %mul3A_95 = arith.constant 2 : i32
      %mul3A_96 = arith.muli %scan3A_94, %mul3A_95 : i32
      %add3A_97 = arith.constant 0 : i32
      %add3A_98 = arith.addi %add3A_97, %mul3A_96 : i32
      %ge3A = arith.constant 1 : i32
      %ge3A_99 = arith.cmpi sge, %add3A_98, %ge3A : i32
      %convert_element_type3A = arith.extui %ge3A_99 : i1 to i32
      %cond3A = arith.constant 0 : i32
      %cond3A_100 = arith.cmpi ne, %convert_element_type3A, %cond3A : i32
      scf.if %cond3A_100 {
        %dma_wait3A_185 = arith.constant 0 : i32
        %dma_wait3A_186 = arith.constant 0 : i32
        %dma_wait3A_187 = tpu.memref_slice %arg19[%dma_wait3A_185, %dma_wait3A_186] : memref<10240x144xf32, #tpu.memory_space<vmem_shared>> -> memref<10240x144xf32, #tpu.memory_space<vmem_shared>>
        tpu.wait_indirect_dma semaphore(%arg23 : memref<!tpu.dma_semaphore, #tpu.memory_space<semaphore_mem>>) src(%arg18 : memref<128x144xf32, #tpu.memory_space<vmem>>) dst(%dma_wait3A_187 : memref<10240x144xf32, #tpu.memory_space<vmem_shared>>)
      } else {
      }
      %dma_start3A_101 = arith.constant 0 : i32
      %dma_start3A_102 = arith.constant 0 : i32
      %dma_start3A_103 = tpu.memref_slice %arg5[%dma_start3A_101, %dma_start3A_102] : memref<10000x144xf32, #tpu.memory_space<hbm>> -> memref<10000x144xf32, #tpu.memory_space<hbm>>
      tpu.enqueue_indirect_dma source(%dma_start3A_103 : memref<10000x144xf32, #tpu.memory_space<hbm>>) target(%arg18 : memref<128x144xf32, #tpu.memory_space<vmem>>) offsets(%arg8 : memref<128xi32, #tpu.memory_space<vmem>>) semaphore(%arg21 : memref<!tpu.dma_semaphore, #tpu.memory_space<semaphore_mem>>)
      %add3A_104 = arith.constant 1 : i32
      %add3A_105 = arith.addi %add3A_98, %add3A_104 : i32
      %lt3A = arith.constant 40 : i32
      %lt3A_106 = arith.cmpi slt, %add3A_105, %lt3A : i32
      %convert_element_type3A_107 = arith.extui %lt3A_106 : i1 to i32
      %cond3A_108 = arith.constant 0 : i32
      %cond3A_109 = arith.cmpi ne, %convert_element_type3A_107, %cond3A_108 : i32
      scf.if %cond3A_109 {
        %add3A_185 = arith.constant 1 : i32
        %add3A_186 = arith.addi %add3A_98, %add3A_185 : i32
        %mul3A_187 = arith.constant 10240 : i32
        %mul3A_188 = arith.muli %add3A, %mul3A_187 : i32
        %mul3A_189 = arith.constant 2 : i32
        %mul3A_190 = arith.muli %add3A_186, %mul3A_189 : i32
        %mul3A_191 = arith.constant 128 : i32
        %mul3A_192 = arith.muli %mul3A_190, %mul3A_191 : i32
        %add3A_193 = arith.addi %mul3A_188, %mul3A_192 : i32
        %add3A_194 = arith.constant 128 : i32
        %add3A_195 = arith.addi %add3A_193, %add3A_194 : i32
        %add3A_196 = arith.constant 128 : i32
        %add3A_197 = arith.addi %add3A_193, %add3A_196 : i32
        %dma_start3A_198 = tpu.memref_slice %arg2[%add3A_193] : memref<327680xi32, #tpu.memory_space<hbm>> -> memref<128xi32, #tpu.memory_space<hbm>>
        %dma_start3A_199 = tpu.memref_slice %arg2[%add3A_193] : memref<327680xi32, #tpu.memory_space<hbm>> -> memref<128xi32, #tpu.memory_space<hbm>>
        tpu.enqueue_dma source(%dma_start3A_199 : memref<128xi32, #tpu.memory_space<hbm>>) target(%arg9 : memref<128xi32, #tpu.memory_space<vmem>>) target_semaphore(%arg25 : memref<!tpu.dma_semaphore, #tpu.memory_space<semaphore_mem>>)
        %dma_start3A_200 = tpu.memref_slice %arg2[%add3A_195] : memref<327680xi32, #tpu.memory_space<hbm>> -> memref<128xi32, #tpu.memory_space<hbm>>
        %dma_start3A_201 = tpu.memref_slice %arg2[%add3A_195] : memref<327680xi32, #tpu.memory_space<hbm>> -> memref<128xi32, #tpu.memory_space<hbm>>
        tpu.enqueue_dma source(%dma_start3A_201 : memref<128xi32, #tpu.memory_space<hbm>>) target(%arg10 : memref<128xi32, #tpu.memory_space<vmem>>) target_semaphore(%arg25 : memref<!tpu.dma_semaphore, #tpu.memory_space<semaphore_mem>>)
        %dma_start3A_202 = tpu.memref_slice %arg3[%add3A_193] : memref<327680xi32, #tpu.memory_space<hbm>> -> memref<128xi32, #tpu.memory_space<hbm>>
        %dma_start3A_203 = tpu.memref_slice %arg3[%add3A_193] : memref<327680xi32, #tpu.memory_space<hbm>> -> memref<128xi32, #tpu.memory_space<hbm>>
        tpu.enqueue_dma source(%dma_start3A_203 : memref<128xi32, #tpu.memory_space<hbm>>) target(%arg13 : memref<128xi32, #tpu.memory_space<vmem>>) target_semaphore(%arg25 : memref<!tpu.dma_semaphore, #tpu.memory_space<semaphore_mem>>)
        %dma_start3A_204 = tpu.memref_slice %arg3[%add3A_197] : memref<327680xi32, #tpu.memory_space<hbm>> -> memref<128xi32, #tpu.memory_space<hbm>>
        %dma_start3A_205 = tpu.memref_slice %arg3[%add3A_197] : memref<327680xi32, #tpu.memory_space<hbm>> -> memref<128xi32, #tpu.memory_space<hbm>>
        tpu.enqueue_dma source(%dma_start3A_205 : memref<128xi32, #tpu.memory_space<hbm>>) target(%arg14 : memref<128xi32, #tpu.memory_space<vmem>>) target_semaphore(%arg25 : memref<!tpu.dma_semaphore, #tpu.memory_space<semaphore_mem>>)
        %dma_start3A_206 = tpu.memref_slice %arg4[%add3A_193] : memref<327680xf32, #tpu.memory_space<hbm>> -> memref<256xf32, #tpu.memory_space<hbm>>
        %dma_start3A_207 = tpu.memref_slice %arg4[%add3A_193] : memref<327680xf32, #tpu.memory_space<hbm>> -> memref<256xf32, #tpu.memory_space<hbm>>
        tpu.enqueue_dma source(%dma_start3A_207 : memref<256xf32, #tpu.memory_space<hbm>>) target(%arg16 : memref<256xf32, #tpu.memory_space<vmem>>) target_semaphore(%arg25 : memref<!tpu.dma_semaphore, #tpu.memory_space<semaphore_mem>>)
      } else {
      }
      %dma_wait3A_110 = arith.constant 0 : i32
      %dma_wait3A_111 = arith.constant 0 : i32
      %dma_wait3A_112 = tpu.memref_slice %arg5[%dma_wait3A_110, %dma_wait3A_111] : memref<10000x144xf32, #tpu.memory_space<hbm>> -> memref<10000x144xf32, #tpu.memory_space<hbm>>
      tpu.wait_indirect_dma semaphore(%arg20 : memref<!tpu.dma_semaphore, #tpu.memory_space<semaphore_mem>>) src(%dma_wait3A_112 : memref<10000x144xf32, #tpu.memory_space<hbm>>) dst(%arg17 : memref<128x144xf32, #tpu.memory_space<vmem>>)
      %scan3A_113 = arith.constant 0 : i32
      %scan3A_114 = arith.constant 128 : i32
      %scan3A_115 = arith.addi %scan3A_113, %scan3A_114 : i32
      %scan3A_116 = arith.constant 4 : i32
      scf.for %scan3A_185 = %scan3A_113 to %scan3A_115 step %scan3A_116  : i32 {
        %mul3A_186 = arith.constant 1 : i32
        %mul3A_187 = arith.muli %scan3A_185, %mul3A_186 : i32
        %add3A_188 = arith.constant 0 : i32
        %add3A_189 = arith.addi %add3A_188, %mul3A_187 : i32
        %add3A_190 = arith.constant 0 : i32
        %add3A_191 = arith.addi %add3A_190, %add3A_189 : i32
        %broadcast_in_dim3A = vector.broadcast %add3A_191 : i32 to vector<16xi32>
        %gather3A = tpu.vector_load_idx %arg15[%broadcast_in_dim3A] : memref<256xf32, #tpu.memory_space<vmem>>[vector<16xi32>], vector<16xf32>,
        %get3A = arith.index_cast %add3A_189 : i32 to index
        %get3A_192 = arith.constant 0 : index
        %get3A_193 = tpu.vector_load %arg17[%get3A, %get3A_192] {strides = array<i32>} : memref<128x144xf32, #tpu.memory_space<vmem>>, vector<16xf32>,
        %mul3A_194 = arith.mulf %get3A_193, %gather3A : vector<16xf32>
        %swap3A = arith.index_cast %add3A_189 : i32 to index
        %swap3A_195 = arith.constant 0 : index
        %swap3A_196 = tpu.vector_load %arg17[%swap3A, %swap3A_195] {strides = array<i32>} : memref<128x144xf32, #tpu.memory_space<vmem>>, vector<16xf32>,
        tpu.vector_store %arg17[%swap3A, %swap3A_195], %mul3A_194 {strides = array<i32>} : memref<128x144xf32, #tpu.memory_space<vmem>>, vector<16xf32>,
        %get3A_197 = arith.index_cast %add3A_189 : i32 to index
        %get3A_198 = arith.constant 16 : index
        %get3A_199 = tpu.vector_load %arg17[%get3A_197, %get3A_198] {strides = array<i32>} : memref<128x144xf32, #tpu.memory_space<vmem>>, vector<16xf32>,
        %mul3A_200 = arith.mulf %get3A_199, %gather3A : vector<16xf32>
        %swap3A_201 = arith.index_cast %add3A_189 : i32 to index
        %swap3A_202 = arith.constant 16 : index
        %swap3A_203 = tpu.vector_load %arg17[%swap3A_201, %swap3A_202] {strides = array<i32>} : memref<128x144xf32, #tpu.memory_space<vmem>>, vector<16xf32>,
        tpu.vector_store %arg17[%swap3A_201, %swap3A_202], %mul3A_200 {strides = array<i32>} : memref<128x144xf32, #tpu.memory_space<vmem>>, vector<16xf32>,
        %get3A_204 = arith.index_cast %add3A_189 : i32 to index
        %get3A_205 = arith.constant 32 : index
        %get3A_206 = tpu.vector_load %arg17[%get3A_204, %get3A_205] {strides = array<i32>} : memref<128x144xf32, #tpu.memory_space<vmem>>, vector<16xf32>,
        %mul3A_207 = arith.mulf %get3A_206, %gather3A : vector<16xf32>
        %swap3A_208 = arith.index_cast %add3A_189 : i32 to index
        %swap3A_209 = arith.constant 32 : index
        %swap3A_210 = tpu.vector_load %arg17[%swap3A_208, %swap3A_209] {strides = array<i32>} : memref<128x144xf32, #tpu.memory_space<vmem>>, vector<16xf32>,
        tpu.vector_store %arg17[%swap3A_208, %swap3A_209], %mul3A_207 {strides = array<i32>} : memref<128x144xf32, #tpu.memory_space<vmem>>, vector<16xf32>,
        %get3A_211 = arith.index_cast %add3A_189 : i32 to index
        %get3A_212 = arith.constant 48 : index
        %get3A_213 = tpu.vector_load %arg17[%get3A_211, %get3A_212] {strides = array<i32>} : memref<128x144xf32, #tpu.memory_space<vmem>>, vector<16xf32>,
        %mul3A_214 = arith.mulf %get3A_213, %gather3A : vector<16xf32>
        %swap3A_215 = arith.index_cast %add3A_189 : i32 to index
        %swap3A_216 = arith.constant 48 : index
        %swap3A_217 = tpu.vector_load %arg17[%swap3A_215, %swap3A_216] {strides = array<i32>} : memref<128x144xf32, #tpu.memory_space<vmem>>, vector<16xf32>,
        tpu.vector_store %arg17[%swap3A_215, %swap3A_216], %mul3A_214 {strides = array<i32>} : memref<128x144xf32, #tpu.memory_space<vmem>>, vector<16xf32>,
        %get3A_218 = arith.index_cast %add3A_189 : i32 to index
        %get3A_219 = arith.constant 64 : index
        %get3A_220 = tpu.vector_load %arg17[%get3A_218, %get3A_219] {strides = array<i32>} : memref<128x144xf32, #tpu.memory_space<vmem>>, vector<16xf32>,
        %mul3A_221 = arith.mulf %get3A_220, %gather3A : vector<16xf32>
        %swap3A_222 = arith.index_cast %add3A_189 : i32 to index
        %swap3A_223 = arith.constant 64 : index
        %swap3A_224 = tpu.vector_load %arg17[%swap3A_222, %swap3A_223] {strides = array<i32>} : memref<128x144xf32, #tpu.memory_space<vmem>>, vector<16xf32>,
        tpu.vector_store %arg17[%swap3A_222, %swap3A_223], %mul3A_221 {strides = array<i32>} : memref<128x144xf32, #tpu.memory_space<vmem>>, vector<16xf32>,
        %get3A_225 = arith.index_cast %add3A_189 : i32 to index
        %get3A_226 = arith.constant 80 : index
        %get3A_227 = tpu.vector_load %arg17[%get3A_225, %get3A_226] {strides = array<i32>} : memref<128x144xf32, #tpu.memory_space<vmem>>, vector<16xf32>,
        %mul3A_228 = arith.mulf %get3A_227, %gather3A : vector<16xf32>
        %swap3A_229 = arith.index_cast %add3A_189 : i32 to index
        %swap3A_230 = arith.constant 80 : index
        %swap3A_231 = tpu.vector_load %arg17[%swap3A_229, %swap3A_230] {strides = array<i32>} : memref<128x144xf32, #tpu.memory_space<vmem>>, vector<16xf32>,
        tpu.vector_store %arg17[%swap3A_229, %swap3A_230], %mul3A_228 {strides = array<i32>} : memref<128x144xf32, #tpu.memory_space<vmem>>, vector<16xf32>,
        %get3A_232 = arith.index_cast %add3A_189 : i32 to index
        %get3A_233 = arith.constant 96 : index
        %get3A_234 = tpu.vector_load %arg17[%get3A_232, %get3A_233] {strides = array<i32>} : memref<128x144xf32, #tpu.memory_space<vmem>>, vector<16xf32>,
        %mul3A_235 = arith.mulf %get3A_234, %gather3A : vector<16xf32>
        %swap3A_236 = arith.index_cast %add3A_189 : i32 to index
        %swap3A_237 = arith.constant 96 : index
        %swap3A_238 = tpu.vector_load %arg17[%swap3A_236, %swap3A_237] {strides = array<i32>} : memref<128x144xf32, #tpu.memory_space<vmem>>, vector<16xf32>,
        tpu.vector_store %arg17[%swap3A_236, %swap3A_237], %mul3A_235 {strides = array<i32>} : memref<128x144xf32, #tpu.memory_space<vmem>>, vector<16xf32>,
        %get3A_239 = arith.index_cast %add3A_189 : i32 to index
        %get3A_240 = arith.constant 112 : index
        %get3A_241 = tpu.vector_load %arg17[%get3A_239, %get3A_240] {strides = array<i32>} : memref<128x144xf32, #tpu.memory_space<vmem>>, vector<16xf32>,
        %mul3A_242 = arith.mulf %get3A_241, %gather3A : vector<16xf32>
        %swap3A_243 = arith.index_cast %add3A_189 : i32 to index
        %swap3A_244 = arith.constant 112 : index
        %swap3A_245 = tpu.vector_load %arg17[%swap3A_243, %swap3A_244] {strides = array<i32>} : memref<128x144xf32, #tpu.memory_space<vmem>>, vector<16xf32>,
        tpu.vector_store %arg17[%swap3A_243, %swap3A_244], %mul3A_242 {strides = array<i32>} : memref<128x144xf32, #tpu.memory_space<vmem>>, vector<16xf32>,
        %get3A_246 = arith.index_cast %add3A_189 : i32 to index
        %get3A_247 = arith.constant 128 : index
        %get3A_248 = tpu.vector_load %arg17[%get3A_246, %get3A_247] {strides = array<i32>} : memref<128x144xf32, #tpu.memory_space<vmem>>, vector<16xf32>,
        %mul3A_249 = arith.mulf %get3A_248, %gather3A : vector<16xf32>
        %swap3A_250 = arith.index_cast %add3A_189 : i32 to index
        %swap3A_251 = arith.constant 128 : index
        %swap3A_252 = tpu.vector_load %arg17[%swap3A_250, %swap3A_251] {strides = array<i32>} : memref<128x144xf32, #tpu.memory_space<vmem>>, vector<16xf32>,
        tpu.vector_store %arg17[%swap3A_250, %swap3A_251], %mul3A_249 {strides = array<i32>} : memref<128x144xf32, #tpu.memory_space<vmem>>, vector<16xf32>,
        %scan3A_253 = arith.constant 1 : i32
        %scan3A_254 = arith.addi %scan3A_185, %scan3A_253 : i32
        %mul3A_255 = arith.constant 1 : i32
        %mul3A_256 = arith.muli %scan3A_254, %mul3A_255 : i32
        %add3A_257 = arith.constant 0 : i32
        %add3A_258 = arith.addi %add3A_257, %mul3A_256 : i32
        %add3A_259 = arith.constant 0 : i32
        %add3A_260 = arith.addi %add3A_259, %add3A_258 : i32
        %broadcast_in_dim3A_261 = vector.broadcast %add3A_260 : i32 to vector<16xi32>
        %gather3A_262 = tpu.vector_load_idx %arg15[%broadcast_in_dim3A_261] : memref<256xf32, #tpu.memory_space<vmem>>[vector<16xi32>], vector<16xf32>,
        %get3A_263 = arith.index_cast %add3A_258 : i32 to index
        %get3A_264 = arith.constant 0 : index
        %get3A_265 = tpu.vector_load %arg17[%get3A_263, %get3A_264] {strides = array<i32>} : memref<128x144xf32, #tpu.memory_space<vmem>>, vector<16xf32>,
        %mul3A_266 = arith.mulf %get3A_265, %gather3A_262 : vector<16xf32>
        %swap3A_267 = arith.index_cast %add3A_258 : i32 to index
        %swap3A_268 = arith.constant 0 : index
        %swap3A_269 = tpu.vector_load %arg17[%swap3A_267, %swap3A_268] {strides = array<i32>} : memref<128x144xf32, #tpu.memory_space<vmem>>, vector<16xf32>,
        tpu.vector_store %arg17[%swap3A_267, %swap3A_268], %mul3A_266 {strides = array<i32>} : memref<128x144xf32, #tpu.memory_space<vmem>>, vector<16xf32>,
        %get3A_270 = arith.index_cast %add3A_258 : i32 to index
        %get3A_271 = arith.constant 16 : index
        %get3A_272 = tpu.vector_load %arg17[%get3A_270, %get3A_271] {strides = array<i32>} : memref<128x144xf32, #tpu.memory_space<vmem>>, vector<16xf32>,
        %mul3A_273 = arith.mulf %get3A_272, %gather3A_262 : vector<16xf32>
        %swap3A_274 = arith.index_cast %add3A_258 : i32 to index
        %swap3A_275 = arith.constant 16 : index
        %swap3A_276 = tpu.vector_load %arg17[%swap3A_274, %swap3A_275] {strides = array<i32>} : memref<128x144xf32, #tpu.memory_space<vmem>>, vector<16xf32>,
        tpu.vector_store %arg17[%swap3A_274, %swap3A_275], %mul3A_273 {strides = array<i32>} : memref<128x144xf32, #tpu.memory_space<vmem>>, vector<16xf32>,
        %get3A_277 = arith.index_cast %add3A_258 : i32 to index
        %get3A_278 = arith.constant 32 : index
        %get3A_279 = tpu.vector_load %arg17[%get3A_277, %get3A_278] {strides = array<i32>} : memref<128x144xf32, #tpu.memory_space<vmem>>, vector<16xf32>,
        %mul3A_280 = arith.mulf %get3A_279, %gather3A_262 : vector<16xf32>
        %swap3A_281 = arith.index_cast %add3A_258 : i32 to index
        %swap3A_282 = arith.constant 32 : index
        %swap3A_283 = tpu.vector_load %arg17[%swap3A_281, %swap3A_282] {strides = array<i32>} : memref<128x144xf32, #tpu.memory_space<vmem>>, vector<16xf32>,
        tpu.vector_store %arg17[%swap3A_281, %swap3A_282], %mul3A_280 {strides = array<i32>} : memref<128x144xf32, #tpu.memory_space<vmem>>, vector<16xf32>,
        %get3A_284 = arith.index_cast %add3A_258 : i32 to index
        %get3A_285 = arith.constant 48 : index
        %get3A_286 = tpu.vector_load %arg17[%get3A_284, %get3A_285] {strides = array<i32>} : memref<128x144xf32, #tpu.memory_space<vmem>>, vector<16xf32>,
        %mul3A_287 = arith.mulf %get3A_286, %gather3A_262 : vector<16xf32>
        %swap3A_288 = arith.index_cast %add3A_258 : i32 to index
        %swap3A_289 = arith.constant 48 : index
        %swap3A_290 = tpu.vector_load %arg17[%swap3A_288, %swap3A_289] {strides = array<i32>} : memref<128x144xf32, #tpu.memory_space<vmem>>, vector<16xf32>,
        tpu.vector_store %arg17[%swap3A_288, %swap3A_289], %mul3A_287 {strides = array<i32>} : memref<128x144xf32, #tpu.memory_space<vmem>>, vector<16xf32>,
        %get3A_291 = arith.index_cast %add3A_258 : i32 to index
        %get3A_292 = arith.constant 64 : index
        %get3A_293 = tpu.vector_load %arg17[%get3A_291, %get3A_292] {strides = array<i32>} : memref<128x144xf32, #tpu.memory_space<vmem>>, vector<16xf32>,
        %mul3A_294 = arith.mulf %get3A_293, %gather3A_262 : vector<16xf32>
        %swap3A_295 = arith.index_cast %add3A_258 : i32 to index
        %swap3A_296 = arith.constant 64 : index
        %swap3A_297 = tpu.vector_load %arg17[%swap3A_295, %swap3A_296] {strides = array<i32>} : memref<128x144xf32, #tpu.memory_space<vmem>>, vector<16xf32>,
        tpu.vector_store %arg17[%swap3A_295, %swap3A_296], %mul3A_294 {strides = array<i32>} : memref<128x144xf32, #tpu.memory_space<vmem>>, vector<16xf32>,
        %get3A_298 = arith.index_cast %add3A_258 : i32 to index
        %get3A_299 = arith.constant 80 : index
        %get3A_300 = tpu.vector_load %arg17[%get3A_298, %get3A_299] {strides = array<i32>} : memref<128x144xf32, #tpu.memory_space<vmem>>, vector<16xf32>,
        %mul3A_301 = arith.mulf %get3A_300, %gather3A_262 : vector<16xf32>
        %swap3A_302 = arith.index_cast %add3A_258 : i32 to index
        %swap3A_303 = arith.constant 80 : index
        %swap3A_304 = tpu.vector_load %arg17[%swap3A_302, %swap3A_303] {strides = array<i32>} : memref<128x144xf32, #tpu.memory_space<vmem>>, vector<16xf32>,
        tpu.vector_store %arg17[%swap3A_302, %swap3A_303], %mul3A_301 {strides = array<i32>} : memref<128x144xf32, #tpu.memory_space<vmem>>, vector<16xf32>,
        %get3A_305 = arith.index_cast %add3A_258 : i32 to index
        %get3A_306 = arith.constant 96 : index
        %get3A_307 = tpu.vector_load %arg17[%get3A_305, %get3A_306] {strides = array<i32>} : memref<128x144xf32, #tpu.memory_space<vmem>>, vector<16xf32>,
        %mul3A_308 = arith.mulf %get3A_307, %gather3A_262 : vector<16xf32>
        %swap3A_309 = arith.index_cast %add3A_258 : i32 to index
        %swap3A_310 = arith.constant 96 : index
        %swap3A_311 = tpu.vector_load %arg17[%swap3A_309, %swap3A_310] {strides = array<i32>} : memref<128x144xf32, #tpu.memory_space<vmem>>, vector<16xf32>,
        tpu.vector_store %arg17[%swap3A_309, %swap3A_310], %mul3A_308 {strides = array<i32>} : memref<128x144xf32, #tpu.memory_space<vmem>>, vector<16xf32>,
        %get3A_312 = arith.index_cast %add3A_258 : i32 to index
        %get3A_313 = arith.constant 112 : index
        %get3A_314 = tpu.vector_load %arg17[%get3A_312, %get3A_313] {strides = array<i32>} : memref<128x144xf32, #tpu.memory_space<vmem>>, vector<16xf32>,
        %mul3A_315 = arith.mulf %get3A_314, %gather3A_262 : vector<16xf32>
        %swap3A_316 = arith.index_cast %add3A_258 : i32 to index
        %swap3A_317 = arith.constant 112 : index
        %swap3A_318 = tpu.vector_load %arg17[%swap3A_316, %swap3A_317] {strides = array<i32>} : memref<128x144xf32, #tpu.memory_space<vmem>>, vector<16xf32>,
        tpu.vector_store %arg17[%swap3A_316, %swap3A_317], %mul3A_315 {strides = array<i32>} : memref<128x144xf32, #tpu.memory_space<vmem>>, vector<16xf32>,
        %get3A_319 = arith.index_cast %add3A_258 : i32 to index
        %get3A_320 = arith.constant 128 : index
        %get3A_321 = tpu.vector_load %arg17[%get3A_319, %get3A_320] {strides = array<i32>} : memref<128x144xf32, #tpu.memory_space<vmem>>, vector<16xf32>,
        %mul3A_322 = arith.mulf %get3A_321, %gather3A_262 : vector<16xf32>
        %swap3A_323 = arith.index_cast %add3A_258 : i32 to index
        %swap3A_324 = arith.constant 128 : index
        %swap3A_325 = tpu.vector_load %arg17[%swap3A_323, %swap3A_324] {strides = array<i32>} : memref<128x144xf32, #tpu.memory_space<vmem>>, vector<16xf32>,
        tpu.vector_store %arg17[%swap3A_323, %swap3A_324], %mul3A_322 {strides = array<i32>} : memref<128x144xf32, #tpu.memory_space<vmem>>, vector<16xf32>,
        %scan3A_326 = arith.constant 2 : i32
        %scan3A_327 = arith.addi %scan3A_185, %scan3A_326 : i32
        %mul3A_328 = arith.constant 1 : i32
        %mul3A_329 = arith.muli %scan3A_327, %mul3A_328 : i32
        %add3A_330 = arith.constant 0 : i32
        %add3A_331 = arith.addi %add3A_330, %mul3A_329 : i32
        %add3A_332 = arith.constant 0 : i32
        %add3A_333 = arith.addi %add3A_332, %add3A_331 : i32
        %broadcast_in_dim3A_334 = vector.broadcast %add3A_333 : i32 to vector<16xi32>
        %gather3A_335 = tpu.vector_load_idx %arg15[%broadcast_in_dim3A_334] : memref<256xf32, #tpu.memory_space<vmem>>[vector<16xi32>], vector<16xf32>,
        %get3A_336 = arith.index_cast %add3A_331 : i32 to index
        %get3A_337 = arith.constant 0 : index
        %get3A_338 = tpu.vector_load %arg17[%get3A_336, %get3A_337] {strides = array<i32>} : memref<128x144xf32, #tpu.memory_space<vmem>>, vector<16xf32>,
        %mul3A_339 = arith.mulf %get3A_338, %gather3A_335 : vector<16xf32>
        %swap3A_340 = arith.index_cast %add3A_331 : i32 to index
        %swap3A_341 = arith.constant 0 : index
        %swap3A_342 = tpu.vector_load %arg17[%swap3A_340, %swap3A_341] {strides = array<i32>} : memref<128x144xf32, #tpu.memory_space<vmem>>, vector<16xf32>,
        tpu.vector_store %arg17[%swap3A_340, %swap3A_341], %mul3A_339 {strides = array<i32>} : memref<128x144xf32, #tpu.memory_space<vmem>>, vector<16xf32>,
        %get3A_343 = arith.index_cast %add3A_331 : i32 to index
        %get3A_344 = arith.constant 16 : index
        %get3A_345 = tpu.vector_load %arg17[%get3A_343, %get3A_344] {strides = array<i32>} : memref<128x144xf32, #tpu.memory_space<vmem>>, vector<16xf32>,
        %mul3A_346 = arith.mulf %get3A_345, %gather3A_335 : vector<16xf32>
        %swap3A_347 = arith.index_cast %add3A_331 : i32 to index
        %swap3A_348 = arith.constant 16 : index
        %swap3A_349 = tpu.vector_load %arg17[%swap3A_347, %swap3A_348] {strides = array<i32>} : memref<128x144xf32, #tpu.memory_space<vmem>>, vector<16xf32>,
        tpu.vector_store %arg17[%swap3A_347, %swap3A_348], %mul3A_346 {strides = array<i32>} : memref<128x144xf32, #tpu.memory_space<vmem>>, vector<16xf32>,
        %get3A_350 = arith.index_cast %add3A_331 : i32 to index
        %get3A_351 = arith.constant 32 : index
        %get3A_352 = tpu.vector_load %arg17[%get3A_350, %get3A_351] {strides = array<i32>} : memref<128x144xf32, #tpu.memory_space<vmem>>, vector<16xf32>,
        %mul3A_353 = arith.mulf %get3A_352, %gather3A_335 : vector<16xf32>
        %swap3A_354 = arith.index_cast %add3A_331 : i32 to index
        %swap3A_355 = arith.constant 32 : index
        %swap3A_356 = tpu.vector_load %arg17[%swap3A_354, %swap3A_355] {strides = array<i32>} : memref<128x144xf32, #tpu.memory_space<vmem>>, vector<16xf32>,
        tpu.vector_store %arg17[%swap3A_354, %swap3A_355], %mul3A_353 {strides = array<i32>} : memref<128x144xf32, #tpu.memory_space<vmem>>, vector<16xf32>,
        %get3A_357 = arith.index_cast %add3A_331 : i32 to index
        %get3A_358 = arith.constant 48 : index
        %get3A_359 = tpu.vector_load %arg17[%get3A_357, %get3A_358] {strides = array<i32>} : memref<128x144xf32, #tpu.memory_space<vmem>>, vector<16xf32>,
        %mul3A_360 = arith.mulf %get3A_359, %gather3A_335 : vector<16xf32>
        %swap3A_361 = arith.index_cast %add3A_331 : i32 to index
        %swap3A_362 = arith.constant 48 : index
        %swap3A_363 = tpu.vector_load %arg17[%swap3A_361, %swap3A_362] {strides = array<i32>} : memref<128x144xf32, #tpu.memory_space<vmem>>, vector<16xf32>,
        tpu.vector_store %arg17[%swap3A_361, %swap3A_362], %mul3A_360 {strides = array<i32>} : memref<128x144xf32, #tpu.memory_space<vmem>>, vector<16xf32>,
        %get3A_364 = arith.index_cast %add3A_331 : i32 to index
        %get3A_365 = arith.constant 64 : index
        %get3A_366 = tpu.vector_load %arg17[%get3A_364, %get3A_365] {strides = array<i32>} : memref<128x144xf32, #tpu.memory_space<vmem>>, vector<16xf32>,
        %mul3A_367 = arith.mulf %get3A_366, %gather3A_335 : vector<16xf32>
        %swap3A_368 = arith.index_cast %add3A_331 : i32 to index
        %swap3A_369 = arith.constant 64 : index
        %swap3A_370 = tpu.vector_load %arg17[%swap3A_368, %swap3A_369] {strides = array<i32>} : memref<128x144xf32, #tpu.memory_space<vmem>>, vector<16xf32>,
        tpu.vector_store %arg17[%swap3A_368, %swap3A_369], %mul3A_367 {strides = array<i32>} : memref<128x144xf32, #tpu.memory_space<vmem>>, vector<16xf32>,
        %get3A_371 = arith.index_cast %add3A_331 : i32 to index
        %get3A_372 = arith.constant 80 : index
        %get3A_373 = tpu.vector_load %arg17[%get3A_371, %get3A_372] {strides = array<i32>} : memref<128x144xf32, #tpu.memory_space<vmem>>, vector<16xf32>,
        %mul3A_374 = arith.mulf %get3A_373, %gather3A_335 : vector<16xf32>
        %swap3A_375 = arith.index_cast %add3A_331 : i32 to index
        %swap3A_376 = arith.constant 80 : index
        %swap3A_377 = tpu.vector_load %arg17[%swap3A_375, %swap3A_376] {strides = array<i32>} : memref<128x144xf32, #tpu.memory_space<vmem>>, vector<16xf32>,
        tpu.vector_store %arg17[%swap3A_375, %swap3A_376], %mul3A_374 {strides = array<i32>} : memref<128x144xf32, #tpu.memory_space<vmem>>, vector<16xf32>,
        %get3A_378 = arith.index_cast %add3A_331 : i32 to index
        %get3A_379 = arith.constant 96 : index
        %get3A_380 = tpu.vector_load %arg17[%get3A_378, %get3A_379] {strides = array<i32>} : memref<128x144xf32, #tpu.memory_space<vmem>>, vector<16xf32>,
        %mul3A_381 = arith.mulf %get3A_380, %gather3A_335 : vector<16xf32>
        %swap3A_382 = arith.index_cast %add3A_331 : i32 to index
        %swap3A_383 = arith.constant 96 : index
        %swap3A_384 = tpu.vector_load %arg17[%swap3A_382, %swap3A_383] {strides = array<i32>} : memref<128x144xf32, #tpu.memory_space<vmem>>, vector<16xf32>,
        tpu.vector_store %arg17[%swap3A_382, %swap3A_383], %mul3A_381 {strides = array<i32>} : memref<128x144xf32, #tpu.memory_space<vmem>>, vector<16xf32>,
        %get3A_385 = arith.index_cast %add3A_331 : i32 to index
        %get3A_386 = arith.constant 112 : index
        %get3A_387 = tpu.vector_load %arg17[%get3A_385, %get3A_386] {strides = array<i32>} : memref<128x144xf32, #tpu.memory_space<vmem>>, vector<16xf32>,
        %mul3A_388 = arith.mulf %get3A_387, %gather3A_335 : vector<16xf32>
        %swap3A_389 = arith.index_cast %add3A_331 : i32 to index
        %swap3A_390 = arith.constant 112 : index
        %swap3A_391 = tpu.vector_load %arg17[%swap3A_389, %swap3A_390] {strides = array<i32>} : memref<128x144xf32, #tpu.memory_space<vmem>>, vector<16xf32>,
        tpu.vector_store %arg17[%swap3A_389, %swap3A_390], %mul3A_388 {strides = array<i32>} : memref<128x144xf32, #tpu.memory_space<vmem>>, vector<16xf32>,
        %get3A_392 = arith.index_cast %add3A_331 : i32 to index
        %get3A_393 = arith.constant 128 : index
        %get3A_394 = tpu.vector_load %arg17[%get3A_392, %get3A_393] {strides = array<i32>} : memref<128x144xf32, #tpu.memory_space<vmem>>, vector<16xf32>,
        %mul3A_395 = arith.mulf %get3A_394, %gather3A_335 : vector<16xf32>
        %swap3A_396 = arith.index_cast %add3A_331 : i32 to index
        %swap3A_397 = arith.constant 128 : index
        %swap3A_398 = tpu.vector_load %arg17[%swap3A_396, %swap3A_397] {strides = array<i32>} : memref<128x144xf32, #tpu.memory_space<vmem>>, vector<16xf32>,
        tpu.vector_store %arg17[%swap3A_396, %swap3A_397], %mul3A_395 {strides = array<i32>} : memref<128x144xf32, #tpu.memory_space<vmem>>, vector<16xf32>,
        %scan3A_399 = arith.constant 3 : i32
        %scan3A_400 = arith.addi %scan3A_185, %scan3A_399 : i32
        %mul3A_401 = arith.constant 1 : i32
        %mul3A_402 = arith.muli %scan3A_400, %mul3A_401 : i32
        %add3A_403 = arith.constant 0 : i32
        %add3A_404 = arith.addi %add3A_403, %mul3A_402 : i32
        %add3A_405 = arith.constant 0 : i32
        %add3A_406 = arith.addi %add3A_405, %add3A_404 : i32
        %broadcast_in_dim3A_407 = vector.broadcast %add3A_406 : i32 to vector<16xi32>
        %gather3A_408 = tpu.vector_load_idx %arg15[%broadcast_in_dim3A_407] : memref<256xf32, #tpu.memory_space<vmem>>[vector<16xi32>], vector<16xf32>,
        %get3A_409 = arith.index_cast %add3A_404 : i32 to index
        %get3A_410 = arith.constant 0 : index
        %get3A_411 = tpu.vector_load %arg17[%get3A_409, %get3A_410] {strides = array<i32>} : memref<128x144xf32, #tpu.memory_space<vmem>>, vector<16xf32>,
        %mul3A_412 = arith.mulf %get3A_411, %gather3A_408 : vector<16xf32>
        %swap3A_413 = arith.index_cast %add3A_404 : i32 to index
        %swap3A_414 = arith.constant 0 : index
        %swap3A_415 = tpu.vector_load %arg17[%swap3A_413, %swap3A_414] {strides = array<i32>} : memref<128x144xf32, #tpu.memory_space<vmem>>, vector<16xf32>,
        tpu.vector_store %arg17[%swap3A_413, %swap3A_414], %mul3A_412 {strides = array<i32>} : memref<128x144xf32, #tpu.memory_space<vmem>>, vector<16xf32>,
        %get3A_416 = arith.index_cast %add3A_404 : i32 to index
        %get3A_417 = arith.constant 16 : index
        %get3A_418 = tpu.vector_load %arg17[%get3A_416, %get3A_417] {strides = array<i32>} : memref<128x144xf32, #tpu.memory_space<vmem>>, vector<16xf32>,
        %mul3A_419 = arith.mulf %get3A_418, %gather3A_408 : vector<16xf32>
        %swap3A_420 = arith.index_cast %add3A_404 : i32 to index
        %swap3A_421 = arith.constant 16 : index
        %swap3A_422 = tpu.vector_load %arg17[%swap3A_420, %swap3A_421] {strides = array<i32>} : memref<128x144xf32, #tpu.memory_space<vmem>>, vector<16xf32>,
        tpu.vector_store %arg17[%swap3A_420, %swap3A_421], %mul3A_419 {strides = array<i32>} : memref<128x144xf32, #tpu.memory_space<vmem>>, vector<16xf32>,
        %get3A_423 = arith.index_cast %add3A_404 : i32 to index
        %get3A_424 = arith.constant 32 : index
        %get3A_425 = tpu.vector_load %arg17[%get3A_423, %get3A_424] {strides = array<i32>} : memref<128x144xf32, #tpu.memory_space<vmem>>, vector<16xf32>,
        %mul3A_426 = arith.mulf %get3A_425, %gather3A_408 : vector<16xf32>
        %swap3A_427 = arith.index_cast %add3A_404 : i32 to index
        %swap3A_428 = arith.constant 32 : index
        %swap3A_429 = tpu.vector_load %arg17[%swap3A_427, %swap3A_428] {strides = array<i32>} : memref<128x144xf32, #tpu.memory_space<vmem>>, vector<16xf32>,
        tpu.vector_store %arg17[%swap3A_427, %swap3A_428], %mul3A_426 {strides = array<i32>} : memref<128x144xf32, #tpu.memory_space<vmem>>, vector<16xf32>,
        %get3A_430 = arith.index_cast %add3A_404 : i32 to index
        %get3A_431 = arith.constant 48 : index
        %get3A_432 = tpu.vector_load %arg17[%get3A_430, %get3A_431] {strides = array<i32>} : memref<128x144xf32, #tpu.memory_space<vmem>>, vector<16xf32>,
        %mul3A_433 = arith.mulf %get3A_432, %gather3A_408 : vector<16xf32>
        %swap3A_434 = arith.index_cast %add3A_404 : i32 to index
        %swap3A_435 = arith.constant 48 : index
        %swap3A_436 = tpu.vector_load %arg17[%swap3A_434, %swap3A_435] {strides = array<i32>} : memref<128x144xf32, #tpu.memory_space<vmem>>, vector<16xf32>,
        tpu.vector_store %arg17[%swap3A_434, %swap3A_435], %mul3A_433 {strides = array<i32>} : memref<128x144xf32, #tpu.memory_space<vmem>>, vector<16xf32>,
        %get3A_437 = arith.index_cast %add3A_404 : i32 to index
        %get3A_438 = arith.constant 64 : index
        %get3A_439 = tpu.vector_load %arg17[%get3A_437, %get3A_438] {strides = array<i32>} : memref<128x144xf32, #tpu.memory_space<vmem>>, vector<16xf32>,
        %mul3A_440 = arith.mulf %get3A_439, %gather3A_408 : vector<16xf32>
        %swap3A_441 = arith.index_cast %add3A_404 : i32 to index
        %swap3A_442 = arith.constant 64 : index
        %swap3A_443 = tpu.vector_load %arg17[%swap3A_441, %swap3A_442] {strides = array<i32>} : memref<128x144xf32, #tpu.memory_space<vmem>>, vector<16xf32>,
        tpu.vector_store %arg17[%swap3A_441, %swap3A_442], %mul3A_440 {strides = array<i32>} : memref<128x144xf32, #tpu.memory_space<vmem>>, vector<16xf32>,
        %get3A_444 = arith.index_cast %add3A_404 : i32 to index
        %get3A_445 = arith.constant 80 : index
        %get3A_446 = tpu.vector_load %arg17[%get3A_444, %get3A_445] {strides = array<i32>} : memref<128x144xf32, #tpu.memory_space<vmem>>, vector<16xf32>,
        %mul3A_447 = arith.mulf %get3A_446, %gather3A_408 : vector<16xf32>
        %swap3A_448 = arith.index_cast %add3A_404 : i32 to index
        %swap3A_449 = arith.constant 80 : index
        %swap3A_450 = tpu.vector_load %arg17[%swap3A_448, %swap3A_449] {strides = array<i32>} : memref<128x144xf32, #tpu.memory_space<vmem>>, vector<16xf32>,
        tpu.vector_store %arg17[%swap3A_448, %swap3A_449], %mul3A_447 {strides = array<i32>} : memref<128x144xf32, #tpu.memory_space<vmem>>, vector<16xf32>,
        %get3A_451 = arith.index_cast %add3A_404 : i32 to index
        %get3A_452 = arith.constant 96 : index
        %get3A_453 = tpu.vector_load %arg17[%get3A_451, %get3A_452] {strides = array<i32>} : memref<128x144xf32, #tpu.memory_space<vmem>>, vector<16xf32>,
        %mul3A_454 = arith.mulf %get3A_453, %gather3A_408 : vector<16xf32>
        %swap3A_455 = arith.index_cast %add3A_404 : i32 to index
        %swap3A_456 = arith.constant 96 : index
        %swap3A_457 = tpu.vector_load %arg17[%swap3A_455, %swap3A_456] {strides = array<i32>} : memref<128x144xf32, #tpu.memory_space<vmem>>, vector<16xf32>,
        tpu.vector_store %arg17[%swap3A_455, %swap3A_456], %mul3A_454 {strides = array<i32>} : memref<128x144xf32, #tpu.memory_space<vmem>>, vector<16xf32>,
        %get3A_458 = arith.index_cast %add3A_404 : i32 to index
        %get3A_459 = arith.constant 112 : index
        %get3A_460 = tpu.vector_load %arg17[%get3A_458, %get3A_459] {strides = array<i32>} : memref<128x144xf32, #tpu.memory_space<vmem>>, vector<16xf32>,
        %mul3A_461 = arith.mulf %get3A_460, %gather3A_408 : vector<16xf32>
        %swap3A_462 = arith.index_cast %add3A_404 : i32 to index
        %swap3A_463 = arith.constant 112 : index
        %swap3A_464 = tpu.vector_load %arg17[%swap3A_462, %swap3A_463] {strides = array<i32>} : memref<128x144xf32, #tpu.memory_space<vmem>>, vector<16xf32>,
        tpu.vector_store %arg17[%swap3A_462, %swap3A_463], %mul3A_461 {strides = array<i32>} : memref<128x144xf32, #tpu.memory_space<vmem>>, vector<16xf32>,
        %get3A_465 = arith.index_cast %add3A_404 : i32 to index
        %get3A_466 = arith.constant 128 : index
        %get3A_467 = tpu.vector_load %arg17[%get3A_465, %get3A_466] {strides = array<i32>} : memref<128x144xf32, #tpu.memory_space<vmem>>, vector<16xf32>,
        %mul3A_468 = arith.mulf %get3A_467, %gather3A_408 : vector<16xf32>
        %swap3A_469 = arith.index_cast %add3A_404 : i32 to index
        %swap3A_470 = arith.constant 128 : index
        %swap3A_471 = tpu.vector_load %arg17[%swap3A_469, %swap3A_470] {strides = array<i32>} : memref<128x144xf32, #tpu.memory_space<vmem>>, vector<16xf32>,
        tpu.vector_store %arg17[%swap3A_469, %swap3A_470], %mul3A_468 {strides = array<i32>} : memref<128x144xf32, #tpu.memory_space<vmem>>, vector<16xf32>,
      }
      %scan3A_117 = arith.constant 128 : i32
      %dma_start3A_118 = arith.constant 0 : i32
      %dma_start3A_119 = arith.constant 0 : i32
      %dma_start3A_120 = tpu.memref_slice %arg19[%dma_start3A_118, %dma_start3A_119] : memref<10240x144xf32, #tpu.memory_space<vmem_shared>> -> memref<10240x144xf32, #tpu.memory_space<vmem_shared>>
      tpu.enqueue_indirect_dma source(%arg17 : memref<128x144xf32, #tpu.memory_space<vmem>>) target(%dma_start3A_120 : memref<10240x144xf32, #tpu.memory_space<vmem_shared>>) offsets(%arg11 : memref<128xi32, #tpu.memory_space<vmem>>) semaphore(%arg22 : memref<!tpu.dma_semaphore, #tpu.memory_space<semaphore_mem>>) {add = true}
      %dma_wait3A_121 = arith.constant 0 : i32
      %dma_wait3A_122 = arith.constant 0 : i32
      %dma_wait3A_123 = tpu.memref_slice %arg5[%dma_wait3A_121, %dma_wait3A_122] : memref<10000x144xf32, #tpu.memory_space<hbm>> -> memref<10000x144xf32, #tpu.memory_space<hbm>>
      tpu.wait_indirect_dma semaphore(%arg21 : memref<!tpu.dma_semaphore, #tpu.memory_space<semaphore_mem>>) src(%dma_wait3A_123 : memref<10000x144xf32, #tpu.memory_space<hbm>>) dst(%arg18 : memref<128x144xf32, #tpu.memory_space<vmem>>)
      %scan3A_124 = arith.constant 0 : i32
      %scan3A_125 = arith.constant 128 : i32
      %scan3A_126 = arith.addi %scan3A_124, %scan3A_125 : i32
      %scan3A_127 = arith.constant 4 : i32
      scf.for %scan3A_185 = %scan3A_124 to %scan3A_126 step %scan3A_127  : i32 {
        %mul3A_186 = arith.constant 1 : i32
        %mul3A_187 = arith.muli %scan3A_185, %mul3A_186 : i32
        %add3A_188 = arith.constant 0 : i32
        %add3A_189 = arith.addi %add3A_188, %mul3A_187 : i32
        %add3A_190 = arith.constant 128 : i32
        %add3A_191 = arith.addi %add3A_190, %add3A_189 : i32
        %broadcast_in_dim3A = vector.broadcast %add3A_191 : i32 to vector<16xi32>
        %gather3A = tpu.vector_load_idx %arg15[%broadcast_in_dim3A] : memref<256xf32, #tpu.memory_space<vmem>>[vector<16xi32>], vector<16xf32>,
        %get3A = arith.index_cast %add3A_189 : i32 to index
        %get3A_192 = arith.constant 0 : index
        %get3A_193 = tpu.vector_load %arg18[%get3A, %get3A_192] {strides = array<i32>} : memref<128x144xf32, #tpu.memory_space<vmem>>, vector<16xf32>,
        %mul3A_194 = arith.mulf %get3A_193, %gather3A : vector<16xf32>
        %swap3A = arith.index_cast %add3A_189 : i32 to index
        %swap3A_195 = arith.constant 0 : index
        %swap3A_196 = tpu.vector_load %arg18[%swap3A, %swap3A_195] {strides = array<i32>} : memref<128x144xf32, #tpu.memory_space<vmem>>, vector<16xf32>,
        tpu.vector_store %arg18[%swap3A, %swap3A_195], %mul3A_194 {strides = array<i32>} : memref<128x144xf32, #tpu.memory_space<vmem>>, vector<16xf32>,
        %get3A_197 = arith.index_cast %add3A_189 : i32 to index
        %get3A_198 = arith.constant 16 : index
        %get3A_199 = tpu.vector_load %arg18[%get3A_197, %get3A_198] {strides = array<i32>} : memref<128x144xf32, #tpu.memory_space<vmem>>, vector<16xf32>,
        %mul3A_200 = arith.mulf %get3A_199, %gather3A : vector<16xf32>
        %swap3A_201 = arith.index_cast %add3A_189 : i32 to index
        %swap3A_202 = arith.constant 16 : index
        %swap3A_203 = tpu.vector_load %arg18[%swap3A_201, %swap3A_202] {strides = array<i32>} : memref<128x144xf32, #tpu.memory_space<vmem>>, vector<16xf32>,
        tpu.vector_store %arg18[%swap3A_201, %swap3A_202], %mul3A_200 {strides = array<i32>} : memref<128x144xf32, #tpu.memory_space<vmem>>, vector<16xf32>,
        %get3A_204 = arith.index_cast %add3A_189 : i32 to index
        %get3A_205 = arith.constant 32 : index
        %get3A_206 = tpu.vector_load %arg18[%get3A_204, %get3A_205] {strides = array<i32>} : memref<128x144xf32, #tpu.memory_space<vmem>>, vector<16xf32>,
        %mul3A_207 = arith.mulf %get3A_206, %gather3A : vector<16xf32>
        %swap3A_208 = arith.index_cast %add3A_189 : i32 to index
        %swap3A_209 = arith.constant 32 : index
        %swap3A_210 = tpu.vector_load %arg18[%swap3A_208, %swap3A_209] {strides = array<i32>} : memref<128x144xf32, #tpu.memory_space<vmem>>, vector<16xf32>,
        tpu.vector_store %arg18[%swap3A_208, %swap3A_209], %mul3A_207 {strides = array<i32>} : memref<128x144xf32, #tpu.memory_space<vmem>>, vector<16xf32>,
        %get3A_211 = arith.index_cast %add3A_189 : i32 to index
        %get3A_212 = arith.constant 48 : index
        %get3A_213 = tpu.vector_load %arg18[%get3A_211, %get3A_212] {strides = array<i32>} : memref<128x144xf32, #tpu.memory_space<vmem>>, vector<16xf32>,
        %mul3A_214 = arith.mulf %get3A_213, %gather3A : vector<16xf32>
        %swap3A_215 = arith.index_cast %add3A_189 : i32 to index
        %swap3A_216 = arith.constant 48 : index
        %swap3A_217 = tpu.vector_load %arg18[%swap3A_215, %swap3A_216] {strides = array<i32>} : memref<128x144xf32, #tpu.memory_space<vmem>>, vector<16xf32>,
        tpu.vector_store %arg18[%swap3A_215, %swap3A_216], %mul3A_214 {strides = array<i32>} : memref<128x144xf32, #tpu.memory_space<vmem>>, vector<16xf32>,
        %get3A_218 = arith.index_cast %add3A_189 : i32 to index
        %get3A_219 = arith.constant 64 : index
        %get3A_220 = tpu.vector_load %arg18[%get3A_218, %get3A_219] {strides = array<i32>} : memref<128x144xf32, #tpu.memory_space<vmem>>, vector<16xf32>,
        %mul3A_221 = arith.mulf %get3A_220, %gather3A : vector<16xf32>
        %swap3A_222 = arith.index_cast %add3A_189 : i32 to index
        %swap3A_223 = arith.constant 64 : index
        %swap3A_224 = tpu.vector_load %arg18[%swap3A_222, %swap3A_223] {strides = array<i32>} : memref<128x144xf32, #tpu.memory_space<vmem>>, vector<16xf32>,
        tpu.vector_store %arg18[%swap3A_222, %swap3A_223], %mul3A_221 {strides = array<i32>} : memref<128x144xf32, #tpu.memory_space<vmem>>, vector<16xf32>,
        %get3A_225 = arith.index_cast %add3A_189 : i32 to index
        %get3A_226 = arith.constant 80 : index
        %get3A_227 = tpu.vector_load %arg18[%get3A_225, %get3A_226] {strides = array<i32>} : memref<128x144xf32, #tpu.memory_space<vmem>>, vector<16xf32>,
        %mul3A_228 = arith.mulf %get3A_227, %gather3A : vector<16xf32>
        %swap3A_229 = arith.index_cast %add3A_189 : i32 to index
        %swap3A_230 = arith.constant 80 : index
        %swap3A_231 = tpu.vector_load %arg18[%swap3A_229, %swap3A_230] {strides = array<i32>} : memref<128x144xf32, #tpu.memory_space<vmem>>, vector<16xf32>,
        tpu.vector_store %arg18[%swap3A_229, %swap3A_230], %mul3A_228 {strides = array<i32>} : memref<128x144xf32, #tpu.memory_space<vmem>>, vector<16xf32>,
        %get3A_232 = arith.index_cast %add3A_189 : i32 to index
        %get3A_233 = arith.constant 96 : index
        %get3A_234 = tpu.vector_load %arg18[%get3A_232, %get3A_233] {strides = array<i32>} : memref<128x144xf32, #tpu.memory_space<vmem>>, vector<16xf32>,
        %mul3A_235 = arith.mulf %get3A_234, %gather3A : vector<16xf32>
        %swap3A_236 = arith.index_cast %add3A_189 : i32 to index
        %swap3A_237 = arith.constant 96 : index
        %swap3A_238 = tpu.vector_load %arg18[%swap3A_236, %swap3A_237] {strides = array<i32>} : memref<128x144xf32, #tpu.memory_space<vmem>>, vector<16xf32>,
        tpu.vector_store %arg18[%swap3A_236, %swap3A_237], %mul3A_235 {strides = array<i32>} : memref<128x144xf32, #tpu.memory_space<vmem>>, vector<16xf32>,
        %get3A_239 = arith.index_cast %add3A_189 : i32 to index
        %get3A_240 = arith.constant 112 : index
        %get3A_241 = tpu.vector_load %arg18[%get3A_239, %get3A_240] {strides = array<i32>} : memref<128x144xf32, #tpu.memory_space<vmem>>, vector<16xf32>,
        %mul3A_242 = arith.mulf %get3A_241, %gather3A : vector<16xf32>
        %swap3A_243 = arith.index_cast %add3A_189 : i32 to index
        %swap3A_244 = arith.constant 112 : index
        %swap3A_245 = tpu.vector_load %arg18[%swap3A_243, %swap3A_244] {strides = array<i32>} : memref<128x144xf32, #tpu.memory_space<vmem>>, vector<16xf32>,
        tpu.vector_store %arg18[%swap3A_243, %swap3A_244], %mul3A_242 {strides = array<i32>} : memref<128x144xf32, #tpu.memory_space<vmem>>, vector<16xf32>,
        %get3A_246 = arith.index_cast %add3A_189 : i32 to index
        %get3A_247 = arith.constant 128 : index
        %get3A_248 = tpu.vector_load %arg18[%get3A_246, %get3A_247] {strides = array<i32>} : memref<128x144xf32, #tpu.memory_space<vmem>>, vector<16xf32>,
        %mul3A_249 = arith.mulf %get3A_248, %gather3A : vector<16xf32>
        %swap3A_250 = arith.index_cast %add3A_189 : i32 to index
        %swap3A_251 = arith.constant 128 : index
        %swap3A_252 = tpu.vector_load %arg18[%swap3A_250, %swap3A_251] {strides = array<i32>} : memref<128x144xf32, #tpu.memory_space<vmem>>, vector<16xf32>,
        tpu.vector_store %arg18[%swap3A_250, %swap3A_251], %mul3A_249 {strides = array<i32>} : memref<128x144xf32, #tpu.memory_space<vmem>>, vector<16xf32>,
        %scan3A_253 = arith.constant 1 : i32
        %scan3A_254 = arith.addi %scan3A_185, %scan3A_253 : i32
        %mul3A_255 = arith.constant 1 : i32
        %mul3A_256 = arith.muli %scan3A_254, %mul3A_255 : i32
        %add3A_257 = arith.constant 0 : i32
        %add3A_258 = arith.addi %add3A_257, %mul3A_256 : i32
        %add3A_259 = arith.constant 128 : i32
        %add3A_260 = arith.addi %add3A_259, %add3A_258 : i32
        %broadcast_in_dim3A_261 = vector.broadcast %add3A_260 : i32 to vector<16xi32>
        %gather3A_262 = tpu.vector_load_idx %arg15[%broadcast_in_dim3A_261] : memref<256xf32, #tpu.memory_space<vmem>>[vector<16xi32>], vector<16xf32>,
        %get3A_263 = arith.index_cast %add3A_258 : i32 to index
        %get3A_264 = arith.constant 0 : index
        %get3A_265 = tpu.vector_load %arg18[%get3A_263, %get3A_264] {strides = array<i32>} : memref<128x144xf32, #tpu.memory_space<vmem>>, vector<16xf32>,
        %mul3A_266 = arith.mulf %get3A_265, %gather3A_262 : vector<16xf32>
        %swap3A_267 = arith.index_cast %add3A_258 : i32 to index
        %swap3A_268 = arith.constant 0 : index
        %swap3A_269 = tpu.vector_load %arg18[%swap3A_267, %swap3A_268] {strides = array<i32>} : memref<128x144xf32, #tpu.memory_space<vmem>>, vector<16xf32>,
        tpu.vector_store %arg18[%swap3A_267, %swap3A_268], %mul3A_266 {strides = array<i32>} : memref<128x144xf32, #tpu.memory_space<vmem>>, vector<16xf32>,
        %get3A_270 = arith.index_cast %add3A_258 : i32 to index
        %get3A_271 = arith.constant 16 : index
        %get3A_272 = tpu.vector_load %arg18[%get3A_270, %get3A_271] {strides = array<i32>} : memref<128x144xf32, #tpu.memory_space<vmem>>, vector<16xf32>,
        %mul3A_273 = arith.mulf %get3A_272, %gather3A_262 : vector<16xf32>
        %swap3A_274 = arith.index_cast %add3A_258 : i32 to index
        %swap3A_275 = arith.constant 16 : index
        %swap3A_276 = tpu.vector_load %arg18[%swap3A_274, %swap3A_275] {strides = array<i32>} : memref<128x144xf32, #tpu.memory_space<vmem>>, vector<16xf32>,
        tpu.vector_store %arg18[%swap3A_274, %swap3A_275], %mul3A_273 {strides = array<i32>} : memref<128x144xf32, #tpu.memory_space<vmem>>, vector<16xf32>,
        %get3A_277 = arith.index_cast %add3A_258 : i32 to index
        %get3A_278 = arith.constant 32 : index
        %get3A_279 = tpu.vector_load %arg18[%get3A_277, %get3A_278] {strides = array<i32>} : memref<128x144xf32, #tpu.memory_space<vmem>>, vector<16xf32>,
        %mul3A_280 = arith.mulf %get3A_279, %gather3A_262 : vector<16xf32>
        %swap3A_281 = arith.index_cast %add3A_258 : i32 to index
        %swap3A_282 = arith.constant 32 : index
        %swap3A_283 = tpu.vector_load %arg18[%swap3A_281, %swap3A_282] {strides = array<i32>} : memref<128x144xf32, #tpu.memory_space<vmem>>, vector<16xf32>,
        tpu.vector_store %arg18[%swap3A_281, %swap3A_282], %mul3A_280 {strides = array<i32>} : memref<128x144xf32, #tpu.memory_space<vmem>>, vector<16xf32>,
        %get3A_284 = arith.index_cast %add3A_258 : i32 to index
        %get3A_285 = arith.constant 48 : index
        %get3A_286 = tpu.vector_load %arg18[%get3A_284, %get3A_285] {strides = array<i32>} : memref<128x144xf32, #tpu.memory_space<vmem>>, vector<16xf32>,
        %mul3A_287 = arith.mulf %get3A_286, %gather3A_262 : vector<16xf32>
        %swap3A_288 = arith.index_cast %add3A_258 : i32 to index
        %swap3A_289 = arith.constant 48 : index
        %swap3A_290 = tpu.vector_load %arg18[%swap3A_288, %swap3A_289] {strides = array<i32>} : memref<128x144xf32, #tpu.memory_space<vmem>>, vector<16xf32>,
        tpu.vector_store %arg18[%swap3A_288, %swap3A_289], %mul3A_287 {strides = array<i32>} : memref<128x144xf32, #tpu.memory_space<vmem>>, vector<16xf32>,
        %get3A_291 = arith.index_cast %add3A_258 : i32 to index
        %get3A_292 = arith.constant 64 : index
        %get3A_293 = tpu.vector_load %arg18[%get3A_291, %get3A_292] {strides = array<i32>} : memref<128x144xf32, #tpu.memory_space<vmem>>, vector<16xf32>,
        %mul3A_294 = arith.mulf %get3A_293, %gather3A_262 : vector<16xf32>
        %swap3A_295 = arith.index_cast %add3A_258 : i32 to index
        %swap3A_296 = arith.constant 64 : index
        %swap3A_297 = tpu.vector_load %arg18[%swap3A_295, %swap3A_296] {strides = array<i32>} : memref<128x144xf32, #tpu.memory_space<vmem>>, vector<16xf32>,
        tpu.vector_store %arg18[%swap3A_295, %swap3A_296], %mul3A_294 {strides = array<i32>} : memref<128x144xf32, #tpu.memory_space<vmem>>, vector<16xf32>,
        %get3A_298 = arith.index_cast %add3A_258 : i32 to index
        %get3A_299 = arith.constant 80 : index
        %get3A_300 = tpu.vector_load %arg18[%get3A_298, %get3A_299] {strides = array<i32>} : memref<128x144xf32, #tpu.memory_space<vmem>>, vector<16xf32>,
        %mul3A_301 = arith.mulf %get3A_300, %gather3A_262 : vector<16xf32>
        %swap3A_302 = arith.index_cast %add3A_258 : i32 to index
        %swap3A_303 = arith.constant 80 : index
        %swap3A_304 = tpu.vector_load %arg18[%swap3A_302, %swap3A_303] {strides = array<i32>} : memref<128x144xf32, #tpu.memory_space<vmem>>, vector<16xf32>,
        tpu.vector_store %arg18[%swap3A_302, %swap3A_303], %mul3A_301 {strides = array<i32>} : memref<128x144xf32, #tpu.memory_space<vmem>>, vector<16xf32>,
        %get3A_305 = arith.index_cast %add3A_258 : i32 to index
        %get3A_306 = arith.constant 96 : index
        %get3A_307 = tpu.vector_load %arg18[%get3A_305, %get3A_306] {strides = array<i32>} : memref<128x144xf32, #tpu.memory_space<vmem>>, vector<16xf32>,
        %mul3A_308 = arith.mulf %get3A_307, %gather3A_262 : vector<16xf32>
        %swap3A_309 = arith.index_cast %add3A_258 : i32 to index
        %swap3A_310 = arith.constant 96 : index
        %swap3A_311 = tpu.vector_load %arg18[%swap3A_309, %swap3A_310] {strides = array<i32>} : memref<128x144xf32, #tpu.memory_space<vmem>>, vector<16xf32>,
        tpu.vector_store %arg18[%swap3A_309, %swap3A_310], %mul3A_308 {strides = array<i32>} : memref<128x144xf32, #tpu.memory_space<vmem>>, vector<16xf32>,
        %get3A_312 = arith.index_cast %add3A_258 : i32 to index
        %get3A_313 = arith.constant 112 : index
        %get3A_314 = tpu.vector_load %arg18[%get3A_312, %get3A_313] {strides = array<i32>} : memref<128x144xf32, #tpu.memory_space<vmem>>, vector<16xf32>,
        %mul3A_315 = arith.mulf %get3A_314, %gather3A_262 : vector<16xf32>
        %swap3A_316 = arith.index_cast %add3A_258 : i32 to index
        %swap3A_317 = arith.constant 112 : index
        %swap3A_318 = tpu.vector_load %arg18[%swap3A_316, %swap3A_317] {strides = array<i32>} : memref<128x144xf32, #tpu.memory_space<vmem>>, vector<16xf32>,
        tpu.vector_store %arg18[%swap3A_316, %swap3A_317], %mul3A_315 {strides = array<i32>} : memref<128x144xf32, #tpu.memory_space<vmem>>, vector<16xf32>,
        %get3A_319 = arith.index_cast %add3A_258 : i32 to index
        %get3A_320 = arith.constant 128 : index
        %get3A_321 = tpu.vector_load %arg18[%get3A_319, %get3A_320] {strides = array<i32>} : memref<128x144xf32, #tpu.memory_space<vmem>>, vector<16xf32>,
        %mul3A_322 = arith.mulf %get3A_321, %gather3A_262 : vector<16xf32>
        %swap3A_323 = arith.index_cast %add3A_258 : i32 to index
        %swap3A_324 = arith.constant 128 : index
        %swap3A_325 = tpu.vector_load %arg18[%swap3A_323, %swap3A_324] {strides = array<i32>} : memref<128x144xf32, #tpu.memory_space<vmem>>, vector<16xf32>,
        tpu.vector_store %arg18[%swap3A_323, %swap3A_324], %mul3A_322 {strides = array<i32>} : memref<128x144xf32, #tpu.memory_space<vmem>>, vector<16xf32>,
        %scan3A_326 = arith.constant 2 : i32
        %scan3A_327 = arith.addi %scan3A_185, %scan3A_326 : i32
        %mul3A_328 = arith.constant 1 : i32
        %mul3A_329 = arith.muli %scan3A_327, %mul3A_328 : i32
        %add3A_330 = arith.constant 0 : i32
        %add3A_331 = arith.addi %add3A_330, %mul3A_329 : i32
        %add3A_332 = arith.constant 128 : i32
        %add3A_333 = arith.addi %add3A_332, %add3A_331 : i32
        %broadcast_in_dim3A_334 = vector.broadcast %add3A_333 : i32 to vector<16xi32>
        %gather3A_335 = tpu.vector_load_idx %arg15[%broadcast_in_dim3A_334] : memref<256xf32, #tpu.memory_space<vmem>>[vector<16xi32>], vector<16xf32>,
        %get3A_336 = arith.index_cast %add3A_331 : i32 to index
        %get3A_337 = arith.constant 0 : index
        %get3A_338 = tpu.vector_load %arg18[%get3A_336, %get3A_337] {strides = array<i32>} : memref<128x144xf32, #tpu.memory_space<vmem>>, vector<16xf32>,
        %mul3A_339 = arith.mulf %get3A_338, %gather3A_335 : vector<16xf32>
        %swap3A_340 = arith.index_cast %add3A_331 : i32 to index
        %swap3A_341 = arith.constant 0 : index
        %swap3A_342 = tpu.vector_load %arg18[%swap3A_340, %swap3A_341] {strides = array<i32>} : memref<128x144xf32, #tpu.memory_space<vmem>>, vector<16xf32>,
        tpu.vector_store %arg18[%swap3A_340, %swap3A_341], %mul3A_339 {strides = array<i32>} : memref<128x144xf32, #tpu.memory_space<vmem>>, vector<16xf32>,
        %get3A_343 = arith.index_cast %add3A_331 : i32 to index
        %get3A_344 = arith.constant 16 : index
        %get3A_345 = tpu.vector_load %arg18[%get3A_343, %get3A_344] {strides = array<i32>} : memref<128x144xf32, #tpu.memory_space<vmem>>, vector<16xf32>,
        %mul3A_346 = arith.mulf %get3A_345, %gather3A_335 : vector<16xf32>
        %swap3A_347 = arith.index_cast %add3A_331 : i32 to index
        %swap3A_348 = arith.constant 16 : index
        %swap3A_349 = tpu.vector_load %arg18[%swap3A_347, %swap3A_348] {strides = array<i32>} : memref<128x144xf32, #tpu.memory_space<vmem>>, vector<16xf32>,
        tpu.vector_store %arg18[%swap3A_347, %swap3A_348], %mul3A_346 {strides = array<i32>} : memref<128x144xf32, #tpu.memory_space<vmem>>, vector<16xf32>,
        %get3A_350 = arith.index_cast %add3A_331 : i32 to index
        %get3A_351 = arith.constant 32 : index
        %get3A_352 = tpu.vector_load %arg18[%get3A_350, %get3A_351] {strides = array<i32>} : memref<128x144xf32, #tpu.memory_space<vmem>>, vector<16xf32>,
        %mul3A_353 = arith.mulf %get3A_352, %gather3A_335 : vector<16xf32>
        %swap3A_354 = arith.index_cast %add3A_331 : i32 to index
        %swap3A_355 = arith.constant 32 : index
        %swap3A_356 = tpu.vector_load %arg18[%swap3A_354, %swap3A_355] {strides = array<i32>} : memref<128x144xf32, #tpu.memory_space<vmem>>, vector<16xf32>,
        tpu.vector_store %arg18[%swap3A_354, %swap3A_355], %mul3A_353 {strides = array<i32>} : memref<128x144xf32, #tpu.memory_space<vmem>>, vector<16xf32>,
        %get3A_357 = arith.index_cast %add3A_331 : i32 to index
        %get3A_358 = arith.constant 48 : index
        %get3A_359 = tpu.vector_load %arg18[%get3A_357, %get3A_358] {strides = array<i32>} : memref<128x144xf32, #tpu.memory_space<vmem>>, vector<16xf32>,
        %mul3A_360 = arith.mulf %get3A_359, %gather3A_335 : vector<16xf32>
        %swap3A_361 = arith.index_cast %add3A_331 : i32 to index
        %swap3A_362 = arith.constant 48 : index
        %swap3A_363 = tpu.vector_load %arg18[%swap3A_361, %swap3A_362] {strides = array<i32>} : memref<128x144xf32, #tpu.memory_space<vmem>>, vector<16xf32>,
        tpu.vector_store %arg18[%swap3A_361, %swap3A_362], %mul3A_360 {strides = array<i32>} : memref<128x144xf32, #tpu.memory_space<vmem>>, vector<16xf32>,
        %get3A_364 = arith.index_cast %add3A_331 : i32 to index
        %get3A_365 = arith.constant 64 : index
        %get3A_366 = tpu.vector_load %arg18[%get3A_364, %get3A_365] {strides = array<i32>} : memref<128x144xf32, #tpu.memory_space<vmem>>, vector<16xf32>,
        %mul3A_367 = arith.mulf %get3A_366, %gather3A_335 : vector<16xf32>
        %swap3A_368 = arith.index_cast %add3A_331 : i32 to index
        %swap3A_369 = arith.constant 64 : index
        %swap3A_370 = tpu.vector_load %arg18[%swap3A_368, %swap3A_369] {strides = array<i32>} : memref<128x144xf32, #tpu.memory_space<vmem>>, vector<16xf32>,
        tpu.vector_store %arg18[%swap3A_368, %swap3A_369], %mul3A_367 {strides = array<i32>} : memref<128x144xf32, #tpu.memory_space<vmem>>, vector<16xf32>,
        %get3A_371 = arith.index_cast %add3A_331 : i32 to index
        %get3A_372 = arith.constant 80 : index
        %get3A_373 = tpu.vector_load %arg18[%get3A_371, %get3A_372] {strides = array<i32>} : memref<128x144xf32, #tpu.memory_space<vmem>>, vector<16xf32>,
        %mul3A_374 = arith.mulf %get3A_373, %gather3A_335 : vector<16xf32>
        %swap3A_375 = arith.index_cast %add3A_331 : i32 to index
        %swap3A_376 = arith.constant 80 : index
        %swap3A_377 = tpu.vector_load %arg18[%swap3A_375, %swap3A_376] {strides = array<i32>} : memref<128x144xf32, #tpu.memory_space<vmem>>, vector<16xf32>,
        tpu.vector_store %arg18[%swap3A_375, %swap3A_376], %mul3A_374 {strides = array<i32>} : memref<128x144xf32, #tpu.memory_space<vmem>>, vector<16xf32>,
        %get3A_378 = arith.index_cast %add3A_331 : i32 to index
        %get3A_379 = arith.constant 96 : index
        %get3A_380 = tpu.vector_load %arg18[%get3A_378, %get3A_379] {strides = array<i32>} : memref<128x144xf32, #tpu.memory_space<vmem>>, vector<16xf32>,
        %mul3A_381 = arith.mulf %get3A_380, %gather3A_335 : vector<16xf32>
        %swap3A_382 = arith.index_cast %add3A_331 : i32 to index
        %swap3A_383 = arith.constant 96 : index
        %swap3A_384 = tpu.vector_load %arg18[%swap3A_382, %swap3A_383] {strides = array<i32>} : memref<128x144xf32, #tpu.memory_space<vmem>>, vector<16xf32>,
        tpu.vector_store %arg18[%swap3A_382, %swap3A_383], %mul3A_381 {strides = array<i32>} : memref<128x144xf32, #tpu.memory_space<vmem>>, vector<16xf32>,
        %get3A_385 = arith.index_cast %add3A_331 : i32 to index
        %get3A_386 = arith.constant 112 : index
        %get3A_387 = tpu.vector_load %arg18[%get3A_385, %get3A_386] {strides = array<i32>} : memref<128x144xf32, #tpu.memory_space<vmem>>, vector<16xf32>,
        %mul3A_388 = arith.mulf %get3A_387, %gather3A_335 : vector<16xf32>
        %swap3A_389 = arith.index_cast %add3A_331 : i32 to index
        %swap3A_390 = arith.constant 112 : index
        %swap3A_391 = tpu.vector_load %arg18[%swap3A_389, %swap3A_390] {strides = array<i32>} : memref<128x144xf32, #tpu.memory_space<vmem>>, vector<16xf32>,
        tpu.vector_store %arg18[%swap3A_389, %swap3A_390], %mul3A_388 {strides = array<i32>} : memref<128x144xf32, #tpu.memory_space<vmem>>, vector<16xf32>,
        %get3A_392 = arith.index_cast %add3A_331 : i32 to index
        %get3A_393 = arith.constant 128 : index
        %get3A_394 = tpu.vector_load %arg18[%get3A_392, %get3A_393] {strides = array<i32>} : memref<128x144xf32, #tpu.memory_space<vmem>>, vector<16xf32>,
        %mul3A_395 = arith.mulf %get3A_394, %gather3A_335 : vector<16xf32>
        %swap3A_396 = arith.index_cast %add3A_331 : i32 to index
        %swap3A_397 = arith.constant 128 : index
        %swap3A_398 = tpu.vector_load %arg18[%swap3A_396, %swap3A_397] {strides = array<i32>} : memref<128x144xf32, #tpu.memory_space<vmem>>, vector<16xf32>,
        tpu.vector_store %arg18[%swap3A_396, %swap3A_397], %mul3A_395 {strides = array<i32>} : memref<128x144xf32, #tpu.memory_space<vmem>>, vector<16xf32>,
        %scan3A_399 = arith.constant 3 : i32
        %scan3A_400 = arith.addi %scan3A_185, %scan3A_399 : i32
        %mul3A_401 = arith.constant 1 : i32
        %mul3A_402 = arith.muli %scan3A_400, %mul3A_401 : i32
        %add3A_403 = arith.constant 0 : i32
        %add3A_404 = arith.addi %add3A_403, %mul3A_402 : i32
        %add3A_405 = arith.constant 128 : i32
        %add3A_406 = arith.addi %add3A_405, %add3A_404 : i32
        %broadcast_in_dim3A_407 = vector.broadcast %add3A_406 : i32 to vector<16xi32>
        %gather3A_408 = tpu.vector_load_idx %arg15[%broadcast_in_dim3A_407] : memref<256xf32, #tpu.memory_space<vmem>>[vector<16xi32>], vector<16xf32>,
        %get3A_409 = arith.index_cast %add3A_404 : i32 to index
        %get3A_410 = arith.constant 0 : index
        %get3A_411 = tpu.vector_load %arg18[%get3A_409, %get3A_410] {strides = array<i32>} : memref<128x144xf32, #tpu.memory_space<vmem>>, vector<16xf32>,
        %mul3A_412 = arith.mulf %get3A_411, %gather3A_408 : vector<16xf32>
        %swap3A_413 = arith.index_cast %add3A_404 : i32 to index
        %swap3A_414 = arith.constant 0 : index
        %swap3A_415 = tpu.vector_load %arg18[%swap3A_413, %swap3A_414] {strides = array<i32>} : memref<128x144xf32, #tpu.memory_space<vmem>>, vector<16xf32>,
        tpu.vector_store %arg18[%swap3A_413, %swap3A_414], %mul3A_412 {strides = array<i32>} : memref<128x144xf32, #tpu.memory_space<vmem>>, vector<16xf32>,
        %get3A_416 = arith.index_cast %add3A_404 : i32 to index
        %get3A_417 = arith.constant 16 : index
        %get3A_418 = tpu.vector_load %arg18[%get3A_416, %get3A_417] {strides = array<i32>} : memref<128x144xf32, #tpu.memory_space<vmem>>, vector<16xf32>,
        %mul3A_419 = arith.mulf %get3A_418, %gather3A_408 : vector<16xf32>
        %swap3A_420 = arith.index_cast %add3A_404 : i32 to index
        %swap3A_421 = arith.constant 16 : index
        %swap3A_422 = tpu.vector_load %arg18[%swap3A_420, %swap3A_421] {strides = array<i32>} : memref<128x144xf32, #tpu.memory_space<vmem>>, vector<16xf32>,
        tpu.vector_store %arg18[%swap3A_420, %swap3A_421], %mul3A_419 {strides = array<i32>} : memref<128x144xf32, #tpu.memory_space<vmem>>, vector<16xf32>,
        %get3A_423 = arith.index_cast %add3A_404 : i32 to index
        %get3A_424 = arith.constant 32 : index
        %get3A_425 = tpu.vector_load %arg18[%get3A_423, %get3A_424] {strides = array<i32>} : memref<128x144xf32, #tpu.memory_space<vmem>>, vector<16xf32>,
        %mul3A_426 = arith.mulf %get3A_425, %gather3A_408 : vector<16xf32>
        %swap3A_427 = arith.index_cast %add3A_404 : i32 to index
        %swap3A_428 = arith.constant 32 : index
        %swap3A_429 = tpu.vector_load %arg18[%swap3A_427, %swap3A_428] {strides = array<i32>} : memref<128x144xf32, #tpu.memory_space<vmem>>, vector<16xf32>,
        tpu.vector_store %arg18[%swap3A_427, %swap3A_428], %mul3A_426 {strides = array<i32>} : memref<128x144xf32, #tpu.memory_space<vmem>>, vector<16xf32>,
        %get3A_430 = arith.index_cast %add3A_404 : i32 to index
        %get3A_431 = arith.constant 48 : index
        %get3A_432 = tpu.vector_load %arg18[%get3A_430, %get3A_431] {strides = array<i32>} : memref<128x144xf32, #tpu.memory_space<vmem>>, vector<16xf32>,
        %mul3A_433 = arith.mulf %get3A_432, %gather3A_408 : vector<16xf32>
        %swap3A_434 = arith.index_cast %add3A_404 : i32 to index
        %swap3A_435 = arith.constant 48 : index
        %swap3A_436 = tpu.vector_load %arg18[%swap3A_434, %swap3A_435] {strides = array<i32>} : memref<128x144xf32, #tpu.memory_space<vmem>>, vector<16xf32>,
        tpu.vector_store %arg18[%swap3A_434, %swap3A_435], %mul3A_433 {strides = array<i32>} : memref<128x144xf32, #tpu.memory_space<vmem>>, vector<16xf32>,
        %get3A_437 = arith.index_cast %add3A_404 : i32 to index
        %get3A_438 = arith.constant 64 : index
        %get3A_439 = tpu.vector_load %arg18[%get3A_437, %get3A_438] {strides = array<i32>} : memref<128x144xf32, #tpu.memory_space<vmem>>, vector<16xf32>,
        %mul3A_440 = arith.mulf %get3A_439, %gather3A_408 : vector<16xf32>
        %swap3A_441 = arith.index_cast %add3A_404 : i32 to index
        %swap3A_442 = arith.constant 64 : index
        %swap3A_443 = tpu.vector_load %arg18[%swap3A_441, %swap3A_442] {strides = array<i32>} : memref<128x144xf32, #tpu.memory_space<vmem>>, vector<16xf32>,
        tpu.vector_store %arg18[%swap3A_441, %swap3A_442], %mul3A_440 {strides = array<i32>} : memref<128x144xf32, #tpu.memory_space<vmem>>, vector<16xf32>,
        %get3A_444 = arith.index_cast %add3A_404 : i32 to index
        %get3A_445 = arith.constant 80 : index
        %get3A_446 = tpu.vector_load %arg18[%get3A_444, %get3A_445] {strides = array<i32>} : memref<128x144xf32, #tpu.memory_space<vmem>>, vector<16xf32>,
        %mul3A_447 = arith.mulf %get3A_446, %gather3A_408 : vector<16xf32>
        %swap3A_448 = arith.index_cast %add3A_404 : i32 to index
        %swap3A_449 = arith.constant 80 : index
        %swap3A_450 = tpu.vector_load %arg18[%swap3A_448, %swap3A_449] {strides = array<i32>} : memref<128x144xf32, #tpu.memory_space<vmem>>, vector<16xf32>,
        tpu.vector_store %arg18[%swap3A_448, %swap3A_449], %mul3A_447 {strides = array<i32>} : memref<128x144xf32, #tpu.memory_space<vmem>>, vector<16xf32>,
        %get3A_451 = arith.index_cast %add3A_404 : i32 to index
        %get3A_452 = arith.constant 96 : index
        %get3A_453 = tpu.vector_load %arg18[%get3A_451, %get3A_452] {strides = array<i32>} : memref<128x144xf32, #tpu.memory_space<vmem>>, vector<16xf32>,
        %mul3A_454 = arith.mulf %get3A_453, %gather3A_408 : vector<16xf32>
        %swap3A_455 = arith.index_cast %add3A_404 : i32 to index
        %swap3A_456 = arith.constant 96 : index
        %swap3A_457 = tpu.vector_load %arg18[%swap3A_455, %swap3A_456] {strides = array<i32>} : memref<128x144xf32, #tpu.memory_space<vmem>>, vector<16xf32>,
        tpu.vector_store %arg18[%swap3A_455, %swap3A_456], %mul3A_454 {strides = array<i32>} : memref<128x144xf32, #tpu.memory_space<vmem>>, vector<16xf32>,
        %get3A_458 = arith.index_cast %add3A_404 : i32 to index
        %get3A_459 = arith.constant 112 : index
        %get3A_460 = tpu.vector_load %arg18[%get3A_458, %get3A_459] {strides = array<i32>} : memref<128x144xf32, #tpu.memory_space<vmem>>, vector<16xf32>,
        %mul3A_461 = arith.mulf %get3A_460, %gather3A_408 : vector<16xf32>
        %swap3A_462 = arith.index_cast %add3A_404 : i32 to index
        %swap3A_463 = arith.constant 112 : index
        %swap3A_464 = tpu.vector_load %arg18[%swap3A_462, %swap3A_463] {strides = array<i32>} : memref<128x144xf32, #tpu.memory_space<vmem>>, vector<16xf32>,
        tpu.vector_store %arg18[%swap3A_462, %swap3A_463], %mul3A_461 {strides = array<i32>} : memref<128x144xf32, #tpu.memory_space<vmem>>, vector<16xf32>,
        %get3A_465 = arith.index_cast %add3A_404 : i32 to index
        %get3A_466 = arith.constant 128 : index
        %get3A_467 = tpu.vector_load %arg18[%get3A_465, %get3A_466] {strides = array<i32>} : memref<128x144xf32, #tpu.memory_space<vmem>>, vector<16xf32>,
        %mul3A_468 = arith.mulf %get3A_467, %gather3A_408 : vector<16xf32>
        %swap3A_469 = arith.index_cast %add3A_404 : i32 to index
        %swap3A_470 = arith.constant 128 : index
        %swap3A_471 = tpu.vector_load %arg18[%swap3A_469, %swap3A_470] {strides = array<i32>} : memref<128x144xf32, #tpu.memory_space<vmem>>, vector<16xf32>,
        tpu.vector_store %arg18[%swap3A_469, %swap3A_470], %mul3A_468 {strides = array<i32>} : memref<128x144xf32, #tpu.memory_space<vmem>>, vector<16xf32>,
      }
      %scan3A_128 = arith.constant 128 : i32
      %dma_start3A_129 = arith.constant 0 : i32
      %dma_start3A_130 = arith.constant 0 : i32
      %dma_start3A_131 = tpu.memref_slice %arg19[%dma_start3A_129, %dma_start3A_130] : memref<10240x144xf32, #tpu.memory_space<vmem_shared>> -> memref<10240x144xf32, #tpu.memory_space<vmem_shared>>
      tpu.enqueue_indirect_dma source(%arg18 : memref<128x144xf32, #tpu.memory_space<vmem>>) target(%dma_start3A_131 : memref<10240x144xf32, #tpu.memory_space<vmem_shared>>) offsets(%arg12 : memref<128xi32, #tpu.memory_space<vmem>>) semaphore(%arg23 : memref<!tpu.dma_semaphore, #tpu.memory_space<semaphore_mem>>) {add = true}
      %add3A_132 = arith.constant 1 : i32
      %add3A_133 = arith.addi %add3A_98, %add3A_132 : i32
      %lt3A_134 = arith.constant 40 : i32
      %lt3A_135 = arith.cmpi slt, %add3A_133, %lt3A_134 : i32
      %convert_element_type3A_136 = arith.extui %lt3A_135 : i1 to i32
      %cond3A_137 = arith.constant 0 : i32
      %cond3A_138 = arith.cmpi ne, %convert_element_type3A_136, %cond3A_137 : i32
      scf.if %cond3A_138 {
        %dma_wait3A_185 = arith.constant 0 : i32
        %dma_wait3A_186 = arith.constant 0 : i32
        %dma_wait3A_187 = tpu.memref_slice %arg19[%dma_wait3A_185, %dma_wait3A_186] : memref<10240x144xf32, #tpu.memory_space<vmem_shared>> -> memref<10240x144xf32, #tpu.memory_space<vmem_shared>>
        tpu.wait_indirect_dma semaphore(%arg22 : memref<!tpu.dma_semaphore, #tpu.memory_space<semaphore_mem>>) src(%arg17 : memref<128x144xf32, #tpu.memory_space<vmem>>) dst(%dma_wait3A_187 : memref<10240x144xf32, #tpu.memory_space<vmem_shared>>)
        %add3A_188 = arith.constant 1 : i32
        %add3A_189 = arith.addi %add3A_98, %add3A_188 : i32
        %mul3A_190 = arith.constant 10240 : i32
        %mul3A_191 = arith.muli %add3A, %mul3A_190 : i32
        %mul3A_192 = arith.constant 2 : i32
        %mul3A_193 = arith.muli %add3A_189, %mul3A_192 : i32
        %mul3A_194 = arith.constant 128 : i32
        %mul3A_195 = arith.muli %mul3A_193, %mul3A_194 : i32
        %add3A_196 = arith.addi %mul3A_191, %mul3A_195 : i32
        %add3A_197 = arith.constant 128 : i32
        %add3A_198 = arith.addi %add3A_196, %add3A_197 : i32
        %add3A_199 = arith.constant 128 : i32
        %add3A_200 = arith.addi %add3A_196, %add3A_199 : i32
        %dma_wait3A_201 = tpu.memref_slice %arg2[%add3A_196] : memref<327680xi32, #tpu.memory_space<hbm>> -> memref<128xi32, #tpu.memory_space<hbm>>
        %dma_wait3A_202 = tpu.memref_slice %arg2[%add3A_196] : memref<327680xi32, #tpu.memory_space<hbm>> -> memref<128xi32, #tpu.memory_space<hbm>>
        tpu.wait_dma2 semaphore(%arg25 : memref<!tpu.dma_semaphore, #tpu.memory_space<semaphore_mem>>) src(%dma_wait3A_202 : memref<128xi32, #tpu.memory_space<hbm>>) dst(%arg9 : memref<128xi32, #tpu.memory_space<vmem>>)
        %dma_wait3A_203 = tpu.memref_slice %arg2[%add3A_198] : memref<327680xi32, #tpu.memory_space<hbm>> -> memref<128xi32, #tpu.memory_space<hbm>>
        %dma_wait3A_204 = tpu.memref_slice %arg2[%add3A_198] : memref<327680xi32, #tpu.memory_space<hbm>> -> memref<128xi32, #tpu.memory_space<hbm>>
        tpu.wait_dma2 semaphore(%arg25 : memref<!tpu.dma_semaphore, #tpu.memory_space<semaphore_mem>>) src(%dma_wait3A_204 : memref<128xi32, #tpu.memory_space<hbm>>) dst(%arg10 : memref<128xi32, #tpu.memory_space<vmem>>)
        %dma_wait3A_205 = tpu.memref_slice %arg3[%add3A_196] : memref<327680xi32, #tpu.memory_space<hbm>> -> memref<128xi32, #tpu.memory_space<hbm>>
        %dma_wait3A_206 = tpu.memref_slice %arg3[%add3A_196] : memref<327680xi32, #tpu.memory_space<hbm>> -> memref<128xi32, #tpu.memory_space<hbm>>
        tpu.wait_dma2 semaphore(%arg25 : memref<!tpu.dma_semaphore, #tpu.memory_space<semaphore_mem>>) src(%dma_wait3A_206 : memref<128xi32, #tpu.memory_space<hbm>>) dst(%arg13 : memref<128xi32, #tpu.memory_space<vmem>>)
        %dma_wait3A_207 = tpu.memref_slice %arg3[%add3A_200] : memref<327680xi32, #tpu.memory_space<hbm>> -> memref<128xi32, #tpu.memory_space<hbm>>
        %dma_wait3A_208 = tpu.memref_slice %arg3[%add3A_200] : memref<327680xi32, #tpu.memory_space<hbm>> -> memref<128xi32, #tpu.memory_space<hbm>>
        tpu.wait_dma2 semaphore(%arg25 : memref<!tpu.dma_semaphore, #tpu.memory_space<semaphore_mem>>) src(%dma_wait3A_208 : memref<128xi32, #tpu.memory_space<hbm>>) dst(%arg14 : memref<128xi32, #tpu.memory_space<vmem>>)
        %dma_wait3A_209 = tpu.memref_slice %arg4[%add3A_196] : memref<327680xf32, #tpu.memory_space<hbm>> -> memref<256xf32, #tpu.memory_space<hbm>>
        %dma_wait3A_210 = tpu.memref_slice %arg4[%add3A_196] : memref<327680xf32, #tpu.memory_space<hbm>> -> memref<256xf32, #tpu.memory_space<hbm>>
        tpu.wait_dma2 semaphore(%arg25 : memref<!tpu.dma_semaphore, #tpu.memory_space<semaphore_mem>>) src(%dma_wait3A_210 : memref<256xf32, #tpu.memory_space<hbm>>) dst(%arg16 : memref<256xf32, #tpu.memory_space<vmem>>)
        %dma_start3A_211 = arith.constant 0 : i32
        %dma_start3A_212 = arith.constant 0 : i32
        %dma_start3A_213 = tpu.memref_slice %arg5[%dma_start3A_211, %dma_start3A_212] : memref<10000x144xf32, #tpu.memory_space<hbm>> -> memref<10000x144xf32, #tpu.memory_space<hbm>>
        tpu.enqueue_indirect_dma source(%dma_start3A_213 : memref<10000x144xf32, #tpu.memory_space<hbm>>) target(%arg17 : memref<128x144xf32, #tpu.memory_space<vmem>>) offsets(%arg9 : memref<128xi32, #tpu.memory_space<vmem>>) semaphore(%arg20 : memref<!tpu.dma_semaphore, #tpu.memory_space<semaphore_mem>>)
      } else {
      }
      %add3A_139 = arith.constant 1 : i32
      %add3A_140 = arith.addi %add3A_98, %add3A_139 : i32
      %ge3A_141 = arith.constant 1 : i32
      %ge3A_142 = arith.cmpi sge, %add3A_140, %ge3A_141 : i32
      %convert_element_type3A_143 = arith.extui %ge3A_142 : i1 to i32
      %cond3A_144 = arith.constant 0 : i32
      %cond3A_145 = arith.cmpi ne, %convert_element_type3A_143, %cond3A_144 : i32
      scf.if %cond3A_145 {
        %dma_wait3A_185 = arith.constant 0 : i32
        %dma_wait3A_186 = arith.constant 0 : i32
        %dma_wait3A_187 = tpu.memref_slice %arg19[%dma_wait3A_185, %dma_wait3A_186] : memref<10240x144xf32, #tpu.memory_space<vmem_shared>> -> memref<10240x144xf32, #tpu.memory_space<vmem_shared>>
        tpu.wait_indirect_dma semaphore(%arg23 : memref<!tpu.dma_semaphore, #tpu.memory_space<semaphore_mem>>) src(%arg18 : memref<128x144xf32, #tpu.memory_space<vmem>>) dst(%dma_wait3A_187 : memref<10240x144xf32, #tpu.memory_space<vmem_shared>>)
      } else {
      }
      %dma_start3A_146 = arith.constant 0 : i32
      %dma_start3A_147 = arith.constant 0 : i32
      %dma_start3A_148 = tpu.memref_slice %arg5[%dma_start3A_146, %dma_start3A_147] : memref<10000x144xf32, #tpu.memory_space<hbm>> -> memref<10000x144xf32, #tpu.memory_space<hbm>>
      tpu.enqueue_indirect_dma source(%dma_start3A_148 : memref<10000x144xf32, #tpu.memory_space<hbm>>) target(%arg18 : memref<128x144xf32, #tpu.memory_space<vmem>>) offsets(%arg10 : memref<128xi32, #tpu.memory_space<vmem>>) semaphore(%arg21 : memref<!tpu.dma_semaphore, #tpu.memory_space<semaphore_mem>>)
      %add3A_149 = arith.constant 1 : i32
      %add3A_150 = arith.addi %add3A_140, %add3A_149 : i32
      %lt3A_151 = arith.constant 40 : i32
      %lt3A_152 = arith.cmpi slt, %add3A_150, %lt3A_151 : i32
      %convert_element_type3A_153 = arith.extui %lt3A_152 : i1 to i32
      %cond3A_154 = arith.constant 0 : i32
      %cond3A_155 = arith.cmpi ne, %convert_element_type3A_153, %cond3A_154 : i32
      scf.if %cond3A_155 {
        %add3A_185 = arith.constant 1 : i32
        %add3A_186 = arith.addi %add3A_140, %add3A_185 : i32
        %mul3A_187 = arith.constant 10240 : i32
        %mul3A_188 = arith.muli %add3A, %mul3A_187 : i32
        %mul3A_189 = arith.constant 2 : i32
        %mul3A_190 = arith.muli %add3A_186, %mul3A_189 : i32
        %mul3A_191 = arith.constant 128 : i32
        %mul3A_192 = arith.muli %mul3A_190, %mul3A_191 : i32
        %add3A_193 = arith.addi %mul3A_188, %mul3A_192 : i32
        %add3A_194 = arith.constant 128 : i32
        %add3A_195 = arith.addi %add3A_193, %add3A_194 : i32
        %add3A_196 = arith.constant 128 : i32
        %add3A_197 = arith.addi %add3A_193, %add3A_196 : i32
        %dma_start3A_198 = tpu.memref_slice %arg2[%add3A_193] : memref<327680xi32, #tpu.memory_space<hbm>> -> memref<128xi32, #tpu.memory_space<hbm>>
        %dma_start3A_199 = tpu.memref_slice %arg2[%add3A_193] : memref<327680xi32, #tpu.memory_space<hbm>> -> memref<128xi32, #tpu.memory_space<hbm>>
        tpu.enqueue_dma source(%dma_start3A_199 : memref<128xi32, #tpu.memory_space<hbm>>) target(%arg7 : memref<128xi32, #tpu.memory_space<vmem>>) target_semaphore(%arg24 : memref<!tpu.dma_semaphore, #tpu.memory_space<semaphore_mem>>)
        %dma_start3A_200 = tpu.memref_slice %arg2[%add3A_195] : memref<327680xi32, #tpu.memory_space<hbm>> -> memref<128xi32, #tpu.memory_space<hbm>>
        %dma_start3A_201 = tpu.memref_slice %arg2[%add3A_195] : memref<327680xi32, #tpu.memory_space<hbm>> -> memref<128xi32, #tpu.memory_space<hbm>>
        tpu.enqueue_dma source(%dma_start3A_201 : memref<128xi32, #tpu.memory_space<hbm>>) target(%arg8 : memref<128xi32, #tpu.memory_space<vmem>>) target_semaphore(%arg24 : memref<!tpu.dma_semaphore, #tpu.memory_space<semaphore_mem>>)
        %dma_start3A_202 = tpu.memref_slice %arg3[%add3A_193] : memref<327680xi32, #tpu.memory_space<hbm>> -> memref<128xi32, #tpu.memory_space<hbm>>
        %dma_start3A_203 = tpu.memref_slice %arg3[%add3A_193] : memref<327680xi32, #tpu.memory_space<hbm>> -> memref<128xi32, #tpu.memory_space<hbm>>
        tpu.enqueue_dma source(%dma_start3A_203 : memref<128xi32, #tpu.memory_space<hbm>>) target(%arg11 : memref<128xi32, #tpu.memory_space<vmem>>) target_semaphore(%arg24 : memref<!tpu.dma_semaphore, #tpu.memory_space<semaphore_mem>>)
        %dma_start3A_204 = tpu.memref_slice %arg3[%add3A_197] : memref<327680xi32, #tpu.memory_space<hbm>> -> memref<128xi32, #tpu.memory_space<hbm>>
        %dma_start3A_205 = tpu.memref_slice %arg3[%add3A_197] : memref<327680xi32, #tpu.memory_space<hbm>> -> memref<128xi32, #tpu.memory_space<hbm>>
        tpu.enqueue_dma source(%dma_start3A_205 : memref<128xi32, #tpu.memory_space<hbm>>) target(%arg12 : memref<128xi32, #tpu.memory_space<vmem>>) target_semaphore(%arg24 : memref<!tpu.dma_semaphore, #tpu.memory_space<semaphore_mem>>)
        %dma_start3A_206 = tpu.memref_slice %arg4[%add3A_193] : memref<327680xf32, #tpu.memory_space<hbm>> -> memref<256xf32, #tpu.memory_space<hbm>>
        %dma_start3A_207 = tpu.memref_slice %arg4[%add3A_193] : memref<327680xf32, #tpu.memory_space<hbm>> -> memref<256xf32, #tpu.memory_space<hbm>>
        tpu.enqueue_dma source(%dma_start3A_207 : memref<256xf32, #tpu.memory_space<hbm>>) target(%arg15 : memref<256xf32, #tpu.memory_space<vmem>>) target_semaphore(%arg24 : memref<!tpu.dma_semaphore, #tpu.memory_space<semaphore_mem>>)
      } else {
      }
      %dma_wait3A_156 = arith.constant 0 : i32
      %dma_wait3A_157 = arith.constant 0 : i32
      %dma_wait3A_158 = tpu.memref_slice %arg5[%dma_wait3A_156, %dma_wait3A_157] : memref<10000x144xf32, #tpu.memory_space<hbm>> -> memref<10000x144xf32, #tpu.memory_space<hbm>>
      tpu.wait_indirect_dma semaphore(%arg20 : memref<!tpu.dma_semaphore, #tpu.memory_space<semaphore_mem>>) src(%dma_wait3A_158 : memref<10000x144xf32, #tpu.memory_space<hbm>>) dst(%arg17 : memref<128x144xf32, #tpu.memory_space<vmem>>)
      %scan3A_159 = arith.constant 0 : i32
      %scan3A_160 = arith.constant 128 : i32
      %scan3A_161 = arith.addi %scan3A_159, %scan3A_160 : i32
      %scan3A_162 = arith.constant 4 : i32
      scf.for %scan3A_185 = %scan3A_159 to %scan3A_161 step %scan3A_162  : i32 {
        %mul3A_186 = arith.constant 1 : i32
        %mul3A_187 = arith.muli %scan3A_185, %mul3A_186 : i32
        %add3A_188 = arith.constant 0 : i32
        %add3A_189 = arith.addi %add3A_188, %mul3A_187 : i32
        %add3A_190 = arith.constant 0 : i32
        %add3A_191 = arith.addi %add3A_190, %add3A_189 : i32
        %broadcast_in_dim3A = vector.broadcast %add3A_191 : i32 to vector<16xi32>
        %gather3A = tpu.vector_load_idx %arg16[%broadcast_in_dim3A] : memref<256xf32, #tpu.memory_space<vmem>>[vector<16xi32>], vector<16xf32>,
        %get3A = arith.index_cast %add3A_189 : i32 to index
        %get3A_192 = arith.constant 0 : index
        %get3A_193 = tpu.vector_load %arg17[%get3A, %get3A_192] {strides = array<i32>} : memref<128x144xf32, #tpu.memory_space<vmem>>, vector<16xf32>,
        %mul3A_194 = arith.mulf %get3A_193, %gather3A : vector<16xf32>
        %swap3A = arith.index_cast %add3A_189 : i32 to index
        %swap3A_195 = arith.constant 0 : index
        %swap3A_196 = tpu.vector_load %arg17[%swap3A, %swap3A_195] {strides = array<i32>} : memref<128x144xf32, #tpu.memory_space<vmem>>, vector<16xf32>,
        tpu.vector_store %arg17[%swap3A, %swap3A_195], %mul3A_194 {strides = array<i32>} : memref<128x144xf32, #tpu.memory_space<vmem>>, vector<16xf32>,
        %get3A_197 = arith.index_cast %add3A_189 : i32 to index
        %get3A_198 = arith.constant 16 : index
        %get3A_199 = tpu.vector_load %arg17[%get3A_197, %get3A_198] {strides = array<i32>} : memref<128x144xf32, #tpu.memory_space<vmem>>, vector<16xf32>,
        %mul3A_200 = arith.mulf %get3A_199, %gather3A : vector<16xf32>
        %swap3A_201 = arith.index_cast %add3A_189 : i32 to index
        %swap3A_202 = arith.constant 16 : index
        %swap3A_203 = tpu.vector_load %arg17[%swap3A_201, %swap3A_202] {strides = array<i32>} : memref<128x144xf32, #tpu.memory_space<vmem>>, vector<16xf32>,
        tpu.vector_store %arg17[%swap3A_201, %swap3A_202], %mul3A_200 {strides = array<i32>} : memref<128x144xf32, #tpu.memory_space<vmem>>, vector<16xf32>,
        %get3A_204 = arith.index_cast %add3A_189 : i32 to index
        %get3A_205 = arith.constant 32 : index
        %get3A_206 = tpu.vector_load %arg17[%get3A_204, %get3A_205] {strides = array<i32>} : memref<128x144xf32, #tpu.memory_space<vmem>>, vector<16xf32>,
        %mul3A_207 = arith.mulf %get3A_206, %gather3A : vector<16xf32>
        %swap3A_208 = arith.index_cast %add3A_189 : i32 to index
        %swap3A_209 = arith.constant 32 : index
        %swap3A_210 = tpu.vector_load %arg17[%swap3A_208, %swap3A_209] {strides = array<i32>} : memref<128x144xf32, #tpu.memory_space<vmem>>, vector<16xf32>,
        tpu.vector_store %arg17[%swap3A_208, %swap3A_209], %mul3A_207 {strides = array<i32>} : memref<128x144xf32, #tpu.memory_space<vmem>>, vector<16xf32>,
        %get3A_211 = arith.index_cast %add3A_189 : i32 to index
        %get3A_212 = arith.constant 48 : index
        %get3A_213 = tpu.vector_load %arg17[%get3A_211, %get3A_212] {strides = array<i32>} : memref<128x144xf32, #tpu.memory_space<vmem>>, vector<16xf32>,
        %mul3A_214 = arith.mulf %get3A_213, %gather3A : vector<16xf32>
        %swap3A_215 = arith.index_cast %add3A_189 : i32 to index
        %swap3A_216 = arith.constant 48 : index
        %swap3A_217 = tpu.vector_load %arg17[%swap3A_215, %swap3A_216] {strides = array<i32>} : memref<128x144xf32, #tpu.memory_space<vmem>>, vector<16xf32>,
        tpu.vector_store %arg17[%swap3A_215, %swap3A_216], %mul3A_214 {strides = array<i32>} : memref<128x144xf32, #tpu.memory_space<vmem>>, vector<16xf32>,
        %get3A_218 = arith.index_cast %add3A_189 : i32 to index
        %get3A_219 = arith.constant 64 : index
        %get3A_220 = tpu.vector_load %arg17[%get3A_218, %get3A_219] {strides = array<i32>} : memref<128x144xf32, #tpu.memory_space<vmem>>, vector<16xf32>,
        %mul3A_221 = arith.mulf %get3A_220, %gather3A : vector<16xf32>
        %swap3A_222 = arith.index_cast %add3A_189 : i32 to index
        %swap3A_223 = arith.constant 64 : index
        %swap3A_224 = tpu.vector_load %arg17[%swap3A_222, %swap3A_223] {strides = array<i32>} : memref<128x144xf32, #tpu.memory_space<vmem>>, vector<16xf32>,
        tpu.vector_store %arg17[%swap3A_222, %swap3A_223], %mul3A_221 {strides = array<i32>} : memref<128x144xf32, #tpu.memory_space<vmem>>, vector<16xf32>,
        %get3A_225 = arith.index_cast %add3A_189 : i32 to index
        %get3A_226 = arith.constant 80 : index
        %get3A_227 = tpu.vector_load %arg17[%get3A_225, %get3A_226] {strides = array<i32>} : memref<128x144xf32, #tpu.memory_space<vmem>>, vector<16xf32>,
        %mul3A_228 = arith.mulf %get3A_227, %gather3A : vector<16xf32>
        %swap3A_229 = arith.index_cast %add3A_189 : i32 to index
        %swap3A_230 = arith.constant 80 : index
        %swap3A_231 = tpu.vector_load %arg17[%swap3A_229, %swap3A_230] {strides = array<i32>} : memref<128x144xf32, #tpu.memory_space<vmem>>, vector<16xf32>,
        tpu.vector_store %arg17[%swap3A_229, %swap3A_230], %mul3A_228 {strides = array<i32>} : memref<128x144xf32, #tpu.memory_space<vmem>>, vector<16xf32>,
        %get3A_232 = arith.index_cast %add3A_189 : i32 to index
        %get3A_233 = arith.constant 96 : index
        %get3A_234 = tpu.vector_load %arg17[%get3A_232, %get3A_233] {strides = array<i32>} : memref<128x144xf32, #tpu.memory_space<vmem>>, vector<16xf32>,
        %mul3A_235 = arith.mulf %get3A_234, %gather3A : vector<16xf32>
        %swap3A_236 = arith.index_cast %add3A_189 : i32 to index
        %swap3A_237 = arith.constant 96 : index
        %swap3A_238 = tpu.vector_load %arg17[%swap3A_236, %swap3A_237] {strides = array<i32>} : memref<128x144xf32, #tpu.memory_space<vmem>>, vector<16xf32>,
        tpu.vector_store %arg17[%swap3A_236, %swap3A_237], %mul3A_235 {strides = array<i32>} : memref<128x144xf32, #tpu.memory_space<vmem>>, vector<16xf32>,
        %get3A_239 = arith.index_cast %add3A_189 : i32 to index
        %get3A_240 = arith.constant 112 : index
        %get3A_241 = tpu.vector_load %arg17[%get3A_239, %get3A_240] {strides = array<i32>} : memref<128x144xf32, #tpu.memory_space<vmem>>, vector<16xf32>,
        %mul3A_242 = arith.mulf %get3A_241, %gather3A : vector<16xf32>
        %swap3A_243 = arith.index_cast %add3A_189 : i32 to index
        %swap3A_244 = arith.constant 112 : index
        %swap3A_245 = tpu.vector_load %arg17[%swap3A_243, %swap3A_244] {strides = array<i32>} : memref<128x144xf32, #tpu.memory_space<vmem>>, vector<16xf32>,
        tpu.vector_store %arg17[%swap3A_243, %swap3A_244], %mul3A_242 {strides = array<i32>} : memref<128x144xf32, #tpu.memory_space<vmem>>, vector<16xf32>,
        %get3A_246 = arith.index_cast %add3A_189 : i32 to index
        %get3A_247 = arith.constant 128 : index
        %get3A_248 = tpu.vector_load %arg17[%get3A_246, %get3A_247] {strides = array<i32>} : memref<128x144xf32, #tpu.memory_space<vmem>>, vector<16xf32>,
        %mul3A_249 = arith.mulf %get3A_248, %gather3A : vector<16xf32>
        %swap3A_250 = arith.index_cast %add3A_189 : i32 to index
        %swap3A_251 = arith.constant 128 : index
        %swap3A_252 = tpu.vector_load %arg17[%swap3A_250, %swap3A_251] {strides = array<i32>} : memref<128x144xf32, #tpu.memory_space<vmem>>, vector<16xf32>,
        tpu.vector_store %arg17[%swap3A_250, %swap3A_251], %mul3A_249 {strides = array<i32>} : memref<128x144xf32, #tpu.memory_space<vmem>>, vector<16xf32>,
        %scan3A_253 = arith.constant 1 : i32
        %scan3A_254 = arith.addi %scan3A_185, %scan3A_253 : i32
        %mul3A_255 = arith.constant 1 : i32
        %mul3A_256 = arith.muli %scan3A_254, %mul3A_255 : i32
        %add3A_257 = arith.constant 0 : i32
        %add3A_258 = arith.addi %add3A_257, %mul3A_256 : i32
        %add3A_259 = arith.constant 0 : i32
        %add3A_260 = arith.addi %add3A_259, %add3A_258 : i32
        %broadcast_in_dim3A_261 = vector.broadcast %add3A_260 : i32 to vector<16xi32>
        %gather3A_262 = tpu.vector_load_idx %arg16[%broadcast_in_dim3A_261] : memref<256xf32, #tpu.memory_space<vmem>>[vector<16xi32>], vector<16xf32>,
        %get3A_263 = arith.index_cast %add3A_258 : i32 to index
        %get3A_264 = arith.constant 0 : index
        %get3A_265 = tpu.vector_load %arg17[%get3A_263, %get3A_264] {strides = array<i32>} : memref<128x144xf32, #tpu.memory_space<vmem>>, vector<16xf32>,
        %mul3A_266 = arith.mulf %get3A_265, %gather3A_262 : vector<16xf32>
        %swap3A_267 = arith.index_cast %add3A_258 : i32 to index
        %swap3A_268 = arith.constant 0 : index
        %swap3A_269 = tpu.vector_load %arg17[%swap3A_267, %swap3A_268] {strides = array<i32>} : memref<128x144xf32, #tpu.memory_space<vmem>>, vector<16xf32>,
        tpu.vector_store %arg17[%swap3A_267, %swap3A_268], %mul3A_266 {strides = array<i32>} : memref<128x144xf32, #tpu.memory_space<vmem>>, vector<16xf32>,
        %get3A_270 = arith.index_cast %add3A_258 : i32 to index
        %get3A_271 = arith.constant 16 : index
        %get3A_272 = tpu.vector_load %arg17[%get3A_270, %get3A_271] {strides = array<i32>} : memref<128x144xf32, #tpu.memory_space<vmem>>, vector<16xf32>,
        %mul3A_273 = arith.mulf %get3A_272, %gather3A_262 : vector<16xf32>
        %swap3A_274 = arith.index_cast %add3A_258 : i32 to index
        %swap3A_275 = arith.constant 16 : index
        %swap3A_276 = tpu.vector_load %arg17[%swap3A_274, %swap3A_275] {strides = array<i32>} : memref<128x144xf32, #tpu.memory_space<vmem>>, vector<16xf32>,
        tpu.vector_store %arg17[%swap3A_274, %swap3A_275], %mul3A_273 {strides = array<i32>} : memref<128x144xf32, #tpu.memory_space<vmem>>, vector<16xf32>,
        %get3A_277 = arith.index_cast %add3A_258 : i32 to index
        %get3A_278 = arith.constant 32 : index
        %get3A_279 = tpu.vector_load %arg17[%get3A_277, %get3A_278] {strides = array<i32>} : memref<128x144xf32, #tpu.memory_space<vmem>>, vector<16xf32>,
        %mul3A_280 = arith.mulf %get3A_279, %gather3A_262 : vector<16xf32>
        %swap3A_281 = arith.index_cast %add3A_258 : i32 to index
        %swap3A_282 = arith.constant 32 : index
        %swap3A_283 = tpu.vector_load %arg17[%swap3A_281, %swap3A_282] {strides = array<i32>} : memref<128x144xf32, #tpu.memory_space<vmem>>, vector<16xf32>,
        tpu.vector_store %arg17[%swap3A_281, %swap3A_282], %mul3A_280 {strides = array<i32>} : memref<128x144xf32, #tpu.memory_space<vmem>>, vector<16xf32>,
        %get3A_284 = arith.index_cast %add3A_258 : i32 to index
        %get3A_285 = arith.constant 48 : index
        %get3A_286 = tpu.vector_load %arg17[%get3A_284, %get3A_285] {strides = array<i32>} : memref<128x144xf32, #tpu.memory_space<vmem>>, vector<16xf32>,
        %mul3A_287 = arith.mulf %get3A_286, %gather3A_262 : vector<16xf32>
        %swap3A_288 = arith.index_cast %add3A_258 : i32 to index
        %swap3A_289 = arith.constant 48 : index
        %swap3A_290 = tpu.vector_load %arg17[%swap3A_288, %swap3A_289] {strides = array<i32>} : memref<128x144xf32, #tpu.memory_space<vmem>>, vector<16xf32>,
        tpu.vector_store %arg17[%swap3A_288, %swap3A_289], %mul3A_287 {strides = array<i32>} : memref<128x144xf32, #tpu.memory_space<vmem>>, vector<16xf32>,
        %get3A_291 = arith.index_cast %add3A_258 : i32 to index
        %get3A_292 = arith.constant 64 : index
        %get3A_293 = tpu.vector_load %arg17[%get3A_291, %get3A_292] {strides = array<i32>} : memref<128x144xf32, #tpu.memory_space<vmem>>, vector<16xf32>,
        %mul3A_294 = arith.mulf %get3A_293, %gather3A_262 : vector<16xf32>
        %swap3A_295 = arith.index_cast %add3A_258 : i32 to index
        %swap3A_296 = arith.constant 64 : index
        %swap3A_297 = tpu.vector_load %arg17[%swap3A_295, %swap3A_296] {strides = array<i32>} : memref<128x144xf32, #tpu.memory_space<vmem>>, vector<16xf32>,
        tpu.vector_store %arg17[%swap3A_295, %swap3A_296], %mul3A_294 {strides = array<i32>} : memref<128x144xf32, #tpu.memory_space<vmem>>, vector<16xf32>,
        %get3A_298 = arith.index_cast %add3A_258 : i32 to index
        %get3A_299 = arith.constant 80 : index
        %get3A_300 = tpu.vector_load %arg17[%get3A_298, %get3A_299] {strides = array<i32>} : memref<128x144xf32, #tpu.memory_space<vmem>>, vector<16xf32>,
        %mul3A_301 = arith.mulf %get3A_300, %gather3A_262 : vector<16xf32>
        %swap3A_302 = arith.index_cast %add3A_258 : i32 to index
        %swap3A_303 = arith.constant 80 : index
        %swap3A_304 = tpu.vector_load %arg17[%swap3A_302, %swap3A_303] {strides = array<i32>} : memref<128x144xf32, #tpu.memory_space<vmem>>, vector<16xf32>,
        tpu.vector_store %arg17[%swap3A_302, %swap3A_303], %mul3A_301 {strides = array<i32>} : memref<128x144xf32, #tpu.memory_space<vmem>>, vector<16xf32>,
        %get3A_305 = arith.index_cast %add3A_258 : i32 to index
        %get3A_306 = arith.constant 96 : index
        %get3A_307 = tpu.vector_load %arg17[%get3A_305, %get3A_306] {strides = array<i32>} : memref<128x144xf32, #tpu.memory_space<vmem>>, vector<16xf32>,
        %mul3A_308 = arith.mulf %get3A_307, %gather3A_262 : vector<16xf32>
        %swap3A_309 = arith.index_cast %add3A_258 : i32 to index
        %swap3A_310 = arith.constant 96 : index
        %swap3A_311 = tpu.vector_load %arg17[%swap3A_309, %swap3A_310] {strides = array<i32>} : memref<128x144xf32, #tpu.memory_space<vmem>>, vector<16xf32>,
        tpu.vector_store %arg17[%swap3A_309, %swap3A_310], %mul3A_308 {strides = array<i32>} : memref<128x144xf32, #tpu.memory_space<vmem>>, vector<16xf32>,
        %get3A_312 = arith.index_cast %add3A_258 : i32 to index
        %get3A_313 = arith.constant 112 : index
        %get3A_314 = tpu.vector_load %arg17[%get3A_312, %get3A_313] {strides = array<i32>} : memref<128x144xf32, #tpu.memory_space<vmem>>, vector<16xf32>,
        %mul3A_315 = arith.mulf %get3A_314, %gather3A_262 : vector<16xf32>
        %swap3A_316 = arith.index_cast %add3A_258 : i32 to index
        %swap3A_317 = arith.constant 112 : index
        %swap3A_318 = tpu.vector_load %arg17[%swap3A_316, %swap3A_317] {strides = array<i32>} : memref<128x144xf32, #tpu.memory_space<vmem>>, vector<16xf32>,
        tpu.vector_store %arg17[%swap3A_316, %swap3A_317], %mul3A_315 {strides = array<i32>} : memref<128x144xf32, #tpu.memory_space<vmem>>, vector<16xf32>,
        %get3A_319 = arith.index_cast %add3A_258 : i32 to index
        %get3A_320 = arith.constant 128 : index
        %get3A_321 = tpu.vector_load %arg17[%get3A_319, %get3A_320] {strides = array<i32>} : memref<128x144xf32, #tpu.memory_space<vmem>>, vector<16xf32>,
        %mul3A_322 = arith.mulf %get3A_321, %gather3A_262 : vector<16xf32>
        %swap3A_323 = arith.index_cast %add3A_258 : i32 to index
        %swap3A_324 = arith.constant 128 : index
        %swap3A_325 = tpu.vector_load %arg17[%swap3A_323, %swap3A_324] {strides = array<i32>} : memref<128x144xf32, #tpu.memory_space<vmem>>, vector<16xf32>,
        tpu.vector_store %arg17[%swap3A_323, %swap3A_324], %mul3A_322 {strides = array<i32>} : memref<128x144xf32, #tpu.memory_space<vmem>>, vector<16xf32>,
        %scan3A_326 = arith.constant 2 : i32
        %scan3A_327 = arith.addi %scan3A_185, %scan3A_326 : i32
        %mul3A_328 = arith.constant 1 : i32
        %mul3A_329 = arith.muli %scan3A_327, %mul3A_328 : i32
        %add3A_330 = arith.constant 0 : i32
        %add3A_331 = arith.addi %add3A_330, %mul3A_329 : i32
        %add3A_332 = arith.constant 0 : i32
        %add3A_333 = arith.addi %add3A_332, %add3A_331 : i32
        %broadcast_in_dim3A_334 = vector.broadcast %add3A_333 : i32 to vector<16xi32>
        %gather3A_335 = tpu.vector_load_idx %arg16[%broadcast_in_dim3A_334] : memref<256xf32, #tpu.memory_space<vmem>>[vector<16xi32>], vector<16xf32>,
        %get3A_336 = arith.index_cast %add3A_331 : i32 to index
        %get3A_337 = arith.constant 0 : index
        %get3A_338 = tpu.vector_load %arg17[%get3A_336, %get3A_337] {strides = array<i32>} : memref<128x144xf32, #tpu.memory_space<vmem>>, vector<16xf32>,
        %mul3A_339 = arith.mulf %get3A_338, %gather3A_335 : vector<16xf32>
        %swap3A_340 = arith.index_cast %add3A_331 : i32 to index
        %swap3A_341 = arith.constant 0 : index
        %swap3A_342 = tpu.vector_load %arg17[%swap3A_340, %swap3A_341] {strides = array<i32>} : memref<128x144xf32, #tpu.memory_space<vmem>>, vector<16xf32>,
        tpu.vector_store %arg17[%swap3A_340, %swap3A_341], %mul3A_339 {strides = array<i32>} : memref<128x144xf32, #tpu.memory_space<vmem>>, vector<16xf32>,
        %get3A_343 = arith.index_cast %add3A_331 : i32 to index
        %get3A_344 = arith.constant 16 : index
        %get3A_345 = tpu.vector_load %arg17[%get3A_343, %get3A_344] {strides = array<i32>} : memref<128x144xf32, #tpu.memory_space<vmem>>, vector<16xf32>,
        %mul3A_346 = arith.mulf %get3A_345, %gather3A_335 : vector<16xf32>
        %swap3A_347 = arith.index_cast %add3A_331 : i32 to index
        %swap3A_348 = arith.constant 16 : index
        %swap3A_349 = tpu.vector_load %arg17[%swap3A_347, %swap3A_348] {strides = array<i32>} : memref<128x144xf32, #tpu.memory_space<vmem>>, vector<16xf32>,
        tpu.vector_store %arg17[%swap3A_347, %swap3A_348], %mul3A_346 {strides = array<i32>} : memref<128x144xf32, #tpu.memory_space<vmem>>, vector<16xf32>,
        %get3A_350 = arith.index_cast %add3A_331 : i32 to index
        %get3A_351 = arith.constant 32 : index
        %get3A_352 = tpu.vector_load %arg17[%get3A_350, %get3A_351] {strides = array<i32>} : memref<128x144xf32, #tpu.memory_space<vmem>>, vector<16xf32>,
        %mul3A_353 = arith.mulf %get3A_352, %gather3A_335 : vector<16xf32>
        %swap3A_354 = arith.index_cast %add3A_331 : i32 to index
        %swap3A_355 = arith.constant 32 : index
        %swap3A_356 = tpu.vector_load %arg17[%swap3A_354, %swap3A_355] {strides = array<i32>} : memref<128x144xf32, #tpu.memory_space<vmem>>, vector<16xf32>,
        tpu.vector_store %arg17[%swap3A_354, %swap3A_355], %mul3A_353 {strides = array<i32>} : memref<128x144xf32, #tpu.memory_space<vmem>>, vector<16xf32>,
        %get3A_357 = arith.index_cast %add3A_331 : i32 to index
        %get3A_358 = arith.constant 48 : index
        %get3A_359 = tpu.vector_load %arg17[%get3A_357, %get3A_358] {strides = array<i32>} : memref<128x144xf32, #tpu.memory_space<vmem>>, vector<16xf32>,
        %mul3A_360 = arith.mulf %get3A_359, %gather3A_335 : vector<16xf32>
        %swap3A_361 = arith.index_cast %add3A_331 : i32 to index
        %swap3A_362 = arith.constant 48 : index
        %swap3A_363 = tpu.vector_load %arg17[%swap3A_361, %swap3A_362] {strides = array<i32>} : memref<128x144xf32, #tpu.memory_space<vmem>>, vector<16xf32>,
        tpu.vector_store %arg17[%swap3A_361, %swap3A_362], %mul3A_360 {strides = array<i32>} : memref<128x144xf32, #tpu.memory_space<vmem>>, vector<16xf32>,
        %get3A_364 = arith.index_cast %add3A_331 : i32 to index
        %get3A_365 = arith.constant 64 : index
        %get3A_366 = tpu.vector_load %arg17[%get3A_364, %get3A_365] {strides = array<i32>} : memref<128x144xf32, #tpu.memory_space<vmem>>, vector<16xf32>,
        %mul3A_367 = arith.mulf %get3A_366, %gather3A_335 : vector<16xf32>
        %swap3A_368 = arith.index_cast %add3A_331 : i32 to index
        %swap3A_369 = arith.constant 64 : index
        %swap3A_370 = tpu.vector_load %arg17[%swap3A_368, %swap3A_369] {strides = array<i32>} : memref<128x144xf32, #tpu.memory_space<vmem>>, vector<16xf32>,
        tpu.vector_store %arg17[%swap3A_368, %swap3A_369], %mul3A_367 {strides = array<i32>} : memref<128x144xf32, #tpu.memory_space<vmem>>, vector<16xf32>,
        %get3A_371 = arith.index_cast %add3A_331 : i32 to index
        %get3A_372 = arith.constant 80 : index
        %get3A_373 = tpu.vector_load %arg17[%get3A_371, %get3A_372] {strides = array<i32>} : memref<128x144xf32, #tpu.memory_space<vmem>>, vector<16xf32>,
        %mul3A_374 = arith.mulf %get3A_373, %gather3A_335 : vector<16xf32>
        %swap3A_375 = arith.index_cast %add3A_331 : i32 to index
        %swap3A_376 = arith.constant 80 : index
        %swap3A_377 = tpu.vector_load %arg17[%swap3A_375, %swap3A_376] {strides = array<i32>} : memref<128x144xf32, #tpu.memory_space<vmem>>, vector<16xf32>,
        tpu.vector_store %arg17[%swap3A_375, %swap3A_376], %mul3A_374 {strides = array<i32>} : memref<128x144xf32, #tpu.memory_space<vmem>>, vector<16xf32>,
        %get3A_378 = arith.index_cast %add3A_331 : i32 to index
        %get3A_379 = arith.constant 96 : index
        %get3A_380 = tpu.vector_load %arg17[%get3A_378, %get3A_379] {strides = array<i32>} : memref<128x144xf32, #tpu.memory_space<vmem>>, vector<16xf32>,
        %mul3A_381 = arith.mulf %get3A_380, %gather3A_335 : vector<16xf32>
        %swap3A_382 = arith.index_cast %add3A_331 : i32 to index
        %swap3A_383 = arith.constant 96 : index
        %swap3A_384 = tpu.vector_load %arg17[%swap3A_382, %swap3A_383] {strides = array<i32>} : memref<128x144xf32, #tpu.memory_space<vmem>>, vector<16xf32>,
        tpu.vector_store %arg17[%swap3A_382, %swap3A_383], %mul3A_381 {strides = array<i32>} : memref<128x144xf32, #tpu.memory_space<vmem>>, vector<16xf32>,
        %get3A_385 = arith.index_cast %add3A_331 : i32 to index
        %get3A_386 = arith.constant 112 : index
        %get3A_387 = tpu.vector_load %arg17[%get3A_385, %get3A_386] {strides = array<i32>} : memref<128x144xf32, #tpu.memory_space<vmem>>, vector<16xf32>,
        %mul3A_388 = arith.mulf %get3A_387, %gather3A_335 : vector<16xf32>
        %swap3A_389 = arith.index_cast %add3A_331 : i32 to index
        %swap3A_390 = arith.constant 112 : index
        %swap3A_391 = tpu.vector_load %arg17[%swap3A_389, %swap3A_390] {strides = array<i32>} : memref<128x144xf32, #tpu.memory_space<vmem>>, vector<16xf32>,
        tpu.vector_store %arg17[%swap3A_389, %swap3A_390], %mul3A_388 {strides = array<i32>} : memref<128x144xf32, #tpu.memory_space<vmem>>, vector<16xf32>,
        %get3A_392 = arith.index_cast %add3A_331 : i32 to index
        %get3A_393 = arith.constant 128 : index
        %get3A_394 = tpu.vector_load %arg17[%get3A_392, %get3A_393] {strides = array<i32>} : memref<128x144xf32, #tpu.memory_space<vmem>>, vector<16xf32>,
        %mul3A_395 = arith.mulf %get3A_394, %gather3A_335 : vector<16xf32>
        %swap3A_396 = arith.index_cast %add3A_331 : i32 to index
        %swap3A_397 = arith.constant 128 : index
        %swap3A_398 = tpu.vector_load %arg17[%swap3A_396, %swap3A_397] {strides = array<i32>} : memref<128x144xf32, #tpu.memory_space<vmem>>, vector<16xf32>,
        tpu.vector_store %arg17[%swap3A_396, %swap3A_397], %mul3A_395 {strides = array<i32>} : memref<128x144xf32, #tpu.memory_space<vmem>>, vector<16xf32>,
        %scan3A_399 = arith.constant 3 : i32
        %scan3A_400 = arith.addi %scan3A_185, %scan3A_399 : i32
        %mul3A_401 = arith.constant 1 : i32
        %mul3A_402 = arith.muli %scan3A_400, %mul3A_401 : i32
        %add3A_403 = arith.constant 0 : i32
        %add3A_404 = arith.addi %add3A_403, %mul3A_402 : i32
        %add3A_405 = arith.constant 0 : i32
        %add3A_406 = arith.addi %add3A_405, %add3A_404 : i32
        %broadcast_in_dim3A_407 = vector.broadcast %add3A_406 : i32 to vector<16xi32>
        %gather3A_408 = tpu.vector_load_idx %arg16[%broadcast_in_dim3A_407] : memref<256xf32, #tpu.memory_space<vmem>>[vector<16xi32>], vector<16xf32>,
        %get3A_409 = arith.index_cast %add3A_404 : i32 to index
        %get3A_410 = arith.constant 0 : index
        %get3A_411 = tpu.vector_load %arg17[%get3A_409, %get3A_410] {strides = array<i32>} : memref<128x144xf32, #tpu.memory_space<vmem>>, vector<16xf32>,
        %mul3A_412 = arith.mulf %get3A_411, %gather3A_408 : vector<16xf32>
        %swap3A_413 = arith.index_cast %add3A_404 : i32 to index
        %swap3A_414 = arith.constant 0 : index
        %swap3A_415 = tpu.vector_load %arg17[%swap3A_413, %swap3A_414] {strides = array<i32>} : memref<128x144xf32, #tpu.memory_space<vmem>>, vector<16xf32>,
        tpu.vector_store %arg17[%swap3A_413, %swap3A_414], %mul3A_412 {strides = array<i32>} : memref<128x144xf32, #tpu.memory_space<vmem>>, vector<16xf32>,
        %get3A_416 = arith.index_cast %add3A_404 : i32 to index
        %get3A_417 = arith.constant 16 : index
        %get3A_418 = tpu.vector_load %arg17[%get3A_416, %get3A_417] {strides = array<i32>} : memref<128x144xf32, #tpu.memory_space<vmem>>, vector<16xf32>,
        %mul3A_419 = arith.mulf %get3A_418, %gather3A_408 : vector<16xf32>
        %swap3A_420 = arith.index_cast %add3A_404 : i32 to index
        %swap3A_421 = arith.constant 16 : index
        %swap3A_422 = tpu.vector_load %arg17[%swap3A_420, %swap3A_421] {strides = array<i32>} : memref<128x144xf32, #tpu.memory_space<vmem>>, vector<16xf32>,
        tpu.vector_store %arg17[%swap3A_420, %swap3A_421], %mul3A_419 {strides = array<i32>} : memref<128x144xf32, #tpu.memory_space<vmem>>, vector<16xf32>,
        %get3A_423 = arith.index_cast %add3A_404 : i32 to index
        %get3A_424 = arith.constant 32 : index
        %get3A_425 = tpu.vector_load %arg17[%get3A_423, %get3A_424] {strides = array<i32>} : memref<128x144xf32, #tpu.memory_space<vmem>>, vector<16xf32>,
        %mul3A_426 = arith.mulf %get3A_425, %gather3A_408 : vector<16xf32>
        %swap3A_427 = arith.index_cast %add3A_404 : i32 to index
        %swap3A_428 = arith.constant 32 : index
        %swap3A_429 = tpu.vector_load %arg17[%swap3A_427, %swap3A_428] {strides = array<i32>} : memref<128x144xf32, #tpu.memory_space<vmem>>, vector<16xf32>,
        tpu.vector_store %arg17[%swap3A_427, %swap3A_428], %mul3A_426 {strides = array<i32>} : memref<128x144xf32, #tpu.memory_space<vmem>>, vector<16xf32>,
        %get3A_430 = arith.index_cast %add3A_404 : i32 to index
        %get3A_431 = arith.constant 48 : index
        %get3A_432 = tpu.vector_load %arg17[%get3A_430, %get3A_431] {strides = array<i32>} : memref<128x144xf32, #tpu.memory_space<vmem>>, vector<16xf32>,
        %mul3A_433 = arith.mulf %get3A_432, %gather3A_408 : vector<16xf32>
        %swap3A_434 = arith.index_cast %add3A_404 : i32 to index
        %swap3A_435 = arith.constant 48 : index
        %swap3A_436 = tpu.vector_load %arg17[%swap3A_434, %swap3A_435] {strides = array<i32>} : memref<128x144xf32, #tpu.memory_space<vmem>>, vector<16xf32>,
        tpu.vector_store %arg17[%swap3A_434, %swap3A_435], %mul3A_433 {strides = array<i32>} : memref<128x144xf32, #tpu.memory_space<vmem>>, vector<16xf32>,
        %get3A_437 = arith.index_cast %add3A_404 : i32 to index
        %get3A_438 = arith.constant 64 : index
        %get3A_439 = tpu.vector_load %arg17[%get3A_437, %get3A_438] {strides = array<i32>} : memref<128x144xf32, #tpu.memory_space<vmem>>, vector<16xf32>,
        %mul3A_440 = arith.mulf %get3A_439, %gather3A_408 : vector<16xf32>
        %swap3A_441 = arith.index_cast %add3A_404 : i32 to index
        %swap3A_442 = arith.constant 64 : index
        %swap3A_443 = tpu.vector_load %arg17[%swap3A_441, %swap3A_442] {strides = array<i32>} : memref<128x144xf32, #tpu.memory_space<vmem>>, vector<16xf32>,
        tpu.vector_store %arg17[%swap3A_441, %swap3A_442], %mul3A_440 {strides = array<i32>} : memref<128x144xf32, #tpu.memory_space<vmem>>, vector<16xf32>,
        %get3A_444 = arith.index_cast %add3A_404 : i32 to index
        %get3A_445 = arith.constant 80 : index
        %get3A_446 = tpu.vector_load %arg17[%get3A_444, %get3A_445] {strides = array<i32>} : memref<128x144xf32, #tpu.memory_space<vmem>>, vector<16xf32>,
        %mul3A_447 = arith.mulf %get3A_446, %gather3A_408 : vector<16xf32>
        %swap3A_448 = arith.index_cast %add3A_404 : i32 to index
        %swap3A_449 = arith.constant 80 : index
        %swap3A_450 = tpu.vector_load %arg17[%swap3A_448, %swap3A_449] {strides = array<i32>} : memref<128x144xf32, #tpu.memory_space<vmem>>, vector<16xf32>,
        tpu.vector_store %arg17[%swap3A_448, %swap3A_449], %mul3A_447 {strides = array<i32>} : memref<128x144xf32, #tpu.memory_space<vmem>>, vector<16xf32>,
        %get3A_451 = arith.index_cast %add3A_404 : i32 to index
        %get3A_452 = arith.constant 96 : index
        %get3A_453 = tpu.vector_load %arg17[%get3A_451, %get3A_452] {strides = array<i32>} : memref<128x144xf32, #tpu.memory_space<vmem>>, vector<16xf32>,
        %mul3A_454 = arith.mulf %get3A_453, %gather3A_408 : vector<16xf32>
        %swap3A_455 = arith.index_cast %add3A_404 : i32 to index
        %swap3A_456 = arith.constant 96 : index
        %swap3A_457 = tpu.vector_load %arg17[%swap3A_455, %swap3A_456] {strides = array<i32>} : memref<128x144xf32, #tpu.memory_space<vmem>>, vector<16xf32>,
        tpu.vector_store %arg17[%swap3A_455, %swap3A_456], %mul3A_454 {strides = array<i32>} : memref<128x144xf32, #tpu.memory_space<vmem>>, vector<16xf32>,
        %get3A_458 = arith.index_cast %add3A_404 : i32 to index
        %get3A_459 = arith.constant 112 : index
        %get3A_460 = tpu.vector_load %arg17[%get3A_458, %get3A_459] {strides = array<i32>} : memref<128x144xf32, #tpu.memory_space<vmem>>, vector<16xf32>,
        %mul3A_461 = arith.mulf %get3A_460, %gather3A_408 : vector<16xf32>
        %swap3A_462 = arith.index_cast %add3A_404 : i32 to index
        %swap3A_463 = arith.constant 112 : index
        %swap3A_464 = tpu.vector_load %arg17[%swap3A_462, %swap3A_463] {strides = array<i32>} : memref<128x144xf32, #tpu.memory_space<vmem>>, vector<16xf32>,
        tpu.vector_store %arg17[%swap3A_462, %swap3A_463], %mul3A_461 {strides = array<i32>} : memref<128x144xf32, #tpu.memory_space<vmem>>, vector<16xf32>,
        %get3A_465 = arith.index_cast %add3A_404 : i32 to index
        %get3A_466 = arith.constant 128 : index
        %get3A_467 = tpu.vector_load %arg17[%get3A_465, %get3A_466] {strides = array<i32>} : memref<128x144xf32, #tpu.memory_space<vmem>>, vector<16xf32>,
        %mul3A_468 = arith.mulf %get3A_467, %gather3A_408 : vector<16xf32>
        %swap3A_469 = arith.index_cast %add3A_404 : i32 to index
        %swap3A_470 = arith.constant 128 : index
        %swap3A_471 = tpu.vector_load %arg17[%swap3A_469, %swap3A_470] {strides = array<i32>} : memref<128x144xf32, #tpu.memory_space<vmem>>, vector<16xf32>,
        tpu.vector_store %arg17[%swap3A_469, %swap3A_470], %mul3A_468 {strides = array<i32>} : memref<128x144xf32, #tpu.memory_space<vmem>>, vector<16xf32>,
      }
      %scan3A_163 = arith.constant 128 : i32
      %dma_start3A_164 = arith.constant 0 : i32
      %dma_start3A_165 = arith.constant 0 : i32
      %dma_start3A_166 = tpu.memref_slice %arg19[%dma_start3A_164, %dma_start3A_165] : memref<10240x144xf32, #tpu.memory_space<vmem_shared>> -> memref<10240x144xf32, #tpu.memory_space<vmem_shared>>
      tpu.enqueue_indirect_dma source(%arg17 : memref<128x144xf32, #tpu.memory_space<vmem>>) target(%dma_start3A_166 : memref<10240x144xf32, #tpu.memory_space<vmem_shared>>) offsets(%arg13 : memref<128xi32, #tpu.memory_space<vmem>>) semaphore(%arg22 : memref<!tpu.dma_semaphore, #tpu.memory_space<semaphore_mem>>) {add = true}
      %dma_wait3A_167 = arith.constant 0 : i32
      %dma_wait3A_168 = arith.constant 0 : i32
      %dma_wait3A_169 = tpu.memref_slice %arg5[%dma_wait3A_167, %dma_wait3A_168] : memref<10000x144xf32, #tpu.memory_space<hbm>> -> memref<10000x144xf32, #tpu.memory_space<hbm>>
      tpu.wait_indirect_dma semaphore(%arg21 : memref<!tpu.dma_semaphore, #tpu.memory_space<semaphore_mem>>) src(%dma_wait3A_169 : memref<10000x144xf32, #tpu.memory_space<hbm>>) dst(%arg18 : memref<128x144xf32, #tpu.memory_space<vmem>>)
      %scan3A_170 = arith.constant 0 : i32
      %scan3A_171 = arith.constant 128 : i32
      %scan3A_172 = arith.addi %scan3A_170, %scan3A_171 : i32
      %scan3A_173 = arith.constant 4 : i32
      scf.for %scan3A_185 = %scan3A_170 to %scan3A_172 step %scan3A_173  : i32 {
        %mul3A_186 = arith.constant 1 : i32
        %mul3A_187 = arith.muli %scan3A_185, %mul3A_186 : i32
        %add3A_188 = arith.constant 0 : i32
        %add3A_189 = arith.addi %add3A_188, %mul3A_187 : i32
        %add3A_190 = arith.constant 128 : i32
        %add3A_191 = arith.addi %add3A_190, %add3A_189 : i32
        %broadcast_in_dim3A = vector.broadcast %add3A_191 : i32 to vector<16xi32>
        %gather3A = tpu.vector_load_idx %arg16[%broadcast_in_dim3A] : memref<256xf32, #tpu.memory_space<vmem>>[vector<16xi32>], vector<16xf32>,
        %get3A = arith.index_cast %add3A_189 : i32 to index
        %get3A_192 = arith.constant 0 : index
        %get3A_193 = tpu.vector_load %arg18[%get3A, %get3A_192] {strides = array<i32>} : memref<128x144xf32, #tpu.memory_space<vmem>>, vector<16xf32>,
        %mul3A_194 = arith.mulf %get3A_193, %gather3A : vector<16xf32>
        %swap3A = arith.index_cast %add3A_189 : i32 to index
        %swap3A_195 = arith.constant 0 : index
        %swap3A_196 = tpu.vector_load %arg18[%swap3A, %swap3A_195] {strides = array<i32>} : memref<128x144xf32, #tpu.memory_space<vmem>>, vector<16xf32>,
        tpu.vector_store %arg18[%swap3A, %swap3A_195], %mul3A_194 {strides = array<i32>} : memref<128x144xf32, #tpu.memory_space<vmem>>, vector<16xf32>,
        %get3A_197 = arith.index_cast %add3A_189 : i32 to index
        %get3A_198 = arith.constant 16 : index
        %get3A_199 = tpu.vector_load %arg18[%get3A_197, %get3A_198] {strides = array<i32>} : memref<128x144xf32, #tpu.memory_space<vmem>>, vector<16xf32>,
        %mul3A_200 = arith.mulf %get3A_199, %gather3A : vector<16xf32>
        %swap3A_201 = arith.index_cast %add3A_189 : i32 to index
        %swap3A_202 = arith.constant 16 : index
        %swap3A_203 = tpu.vector_load %arg18[%swap3A_201, %swap3A_202] {strides = array<i32>} : memref<128x144xf32, #tpu.memory_space<vmem>>, vector<16xf32>,
        tpu.vector_store %arg18[%swap3A_201, %swap3A_202], %mul3A_200 {strides = array<i32>} : memref<128x144xf32, #tpu.memory_space<vmem>>, vector<16xf32>,
        %get3A_204 = arith.index_cast %add3A_189 : i32 to index
        %get3A_205 = arith.constant 32 : index
        %get3A_206 = tpu.vector_load %arg18[%get3A_204, %get3A_205] {strides = array<i32>} : memref<128x144xf32, #tpu.memory_space<vmem>>, vector<16xf32>,
        %mul3A_207 = arith.mulf %get3A_206, %gather3A : vector<16xf32>
        %swap3A_208 = arith.index_cast %add3A_189 : i32 to index
        %swap3A_209 = arith.constant 32 : index
        %swap3A_210 = tpu.vector_load %arg18[%swap3A_208, %swap3A_209] {strides = array<i32>} : memref<128x144xf32, #tpu.memory_space<vmem>>, vector<16xf32>,
        tpu.vector_store %arg18[%swap3A_208, %swap3A_209], %mul3A_207 {strides = array<i32>} : memref<128x144xf32, #tpu.memory_space<vmem>>, vector<16xf32>,
        %get3A_211 = arith.index_cast %add3A_189 : i32 to index
        %get3A_212 = arith.constant 48 : index
        %get3A_213 = tpu.vector_load %arg18[%get3A_211, %get3A_212] {strides = array<i32>} : memref<128x144xf32, #tpu.memory_space<vmem>>, vector<16xf32>,
        %mul3A_214 = arith.mulf %get3A_213, %gather3A : vector<16xf32>
        %swap3A_215 = arith.index_cast %add3A_189 : i32 to index
        %swap3A_216 = arith.constant 48 : index
        %swap3A_217 = tpu.vector_load %arg18[%swap3A_215, %swap3A_216] {strides = array<i32>} : memref<128x144xf32, #tpu.memory_space<vmem>>, vector<16xf32>,
        tpu.vector_store %arg18[%swap3A_215, %swap3A_216], %mul3A_214 {strides = array<i32>} : memref<128x144xf32, #tpu.memory_space<vmem>>, vector<16xf32>,
        %get3A_218 = arith.index_cast %add3A_189 : i32 to index
        %get3A_219 = arith.constant 64 : index
        %get3A_220 = tpu.vector_load %arg18[%get3A_218, %get3A_219] {strides = array<i32>} : memref<128x144xf32, #tpu.memory_space<vmem>>, vector<16xf32>,
        %mul3A_221 = arith.mulf %get3A_220, %gather3A : vector<16xf32>
        %swap3A_222 = arith.index_cast %add3A_189 : i32 to index
        %swap3A_223 = arith.constant 64 : index
        %swap3A_224 = tpu.vector_load %arg18[%swap3A_222, %swap3A_223] {strides = array<i32>} : memref<128x144xf32, #tpu.memory_space<vmem>>, vector<16xf32>,
        tpu.vector_store %arg18[%swap3A_222, %swap3A_223], %mul3A_221 {strides = array<i32>} : memref<128x144xf32, #tpu.memory_space<vmem>>, vector<16xf32>,
        %get3A_225 = arith.index_cast %add3A_189 : i32 to index
        %get3A_226 = arith.constant 80 : index
        %get3A_227 = tpu.vector_load %arg18[%get3A_225, %get3A_226] {strides = array<i32>} : memref<128x144xf32, #tpu.memory_space<vmem>>, vector<16xf32>,
        %mul3A_228 = arith.mulf %get3A_227, %gather3A : vector<16xf32>
        %swap3A_229 = arith.index_cast %add3A_189 : i32 to index
        %swap3A_230 = arith.constant 80 : index
        %swap3A_231 = tpu.vector_load %arg18[%swap3A_229, %swap3A_230] {strides = array<i32>} : memref<128x144xf32, #tpu.memory_space<vmem>>, vector<16xf32>,
        tpu.vector_store %arg18[%swap3A_229, %swap3A_230], %mul3A_228 {strides = array<i32>} : memref<128x144xf32, #tpu.memory_space<vmem>>, vector<16xf32>,
        %get3A_232 = arith.index_cast %add3A_189 : i32 to index
        %get3A_233 = arith.constant 96 : index
        %get3A_234 = tpu.vector_load %arg18[%get3A_232, %get3A_233] {strides = array<i32>} : memref<128x144xf32, #tpu.memory_space<vmem>>, vector<16xf32>,
        %mul3A_235 = arith.mulf %get3A_234, %gather3A : vector<16xf32>
        %swap3A_236 = arith.index_cast %add3A_189 : i32 to index
        %swap3A_237 = arith.constant 96 : index
        %swap3A_238 = tpu.vector_load %arg18[%swap3A_236, %swap3A_237] {strides = array<i32>} : memref<128x144xf32, #tpu.memory_space<vmem>>, vector<16xf32>,
        tpu.vector_store %arg18[%swap3A_236, %swap3A_237], %mul3A_235 {strides = array<i32>} : memref<128x144xf32, #tpu.memory_space<vmem>>, vector<16xf32>,
        %get3A_239 = arith.index_cast %add3A_189 : i32 to index
        %get3A_240 = arith.constant 112 : index
        %get3A_241 = tpu.vector_load %arg18[%get3A_239, %get3A_240] {strides = array<i32>} : memref<128x144xf32, #tpu.memory_space<vmem>>, vector<16xf32>,
        %mul3A_242 = arith.mulf %get3A_241, %gather3A : vector<16xf32>
        %swap3A_243 = arith.index_cast %add3A_189 : i32 to index
        %swap3A_244 = arith.constant 112 : index
        %swap3A_245 = tpu.vector_load %arg18[%swap3A_243, %swap3A_244] {strides = array<i32>} : memref<128x144xf32, #tpu.memory_space<vmem>>, vector<16xf32>,
        tpu.vector_store %arg18[%swap3A_243, %swap3A_244], %mul3A_242 {strides = array<i32>} : memref<128x144xf32, #tpu.memory_space<vmem>>, vector<16xf32>,
        %get3A_246 = arith.index_cast %add3A_189 : i32 to index
        %get3A_247 = arith.constant 128 : index
        %get3A_248 = tpu.vector_load %arg18[%get3A_246, %get3A_247] {strides = array<i32>} : memref<128x144xf32, #tpu.memory_space<vmem>>, vector<16xf32>,
        %mul3A_249 = arith.mulf %get3A_248, %gather3A : vector<16xf32>
        %swap3A_250 = arith.index_cast %add3A_189 : i32 to index
        %swap3A_251 = arith.constant 128 : index
        %swap3A_252 = tpu.vector_load %arg18[%swap3A_250, %swap3A_251] {strides = array<i32>} : memref<128x144xf32, #tpu.memory_space<vmem>>, vector<16xf32>,
        tpu.vector_store %arg18[%swap3A_250, %swap3A_251], %mul3A_249 {strides = array<i32>} : memref<128x144xf32, #tpu.memory_space<vmem>>, vector<16xf32>,
        %scan3A_253 = arith.constant 1 : i32
        %scan3A_254 = arith.addi %scan3A_185, %scan3A_253 : i32
        %mul3A_255 = arith.constant 1 : i32
        %mul3A_256 = arith.muli %scan3A_254, %mul3A_255 : i32
        %add3A_257 = arith.constant 0 : i32
        %add3A_258 = arith.addi %add3A_257, %mul3A_256 : i32
        %add3A_259 = arith.constant 128 : i32
        %add3A_260 = arith.addi %add3A_259, %add3A_258 : i32
        %broadcast_in_dim3A_261 = vector.broadcast %add3A_260 : i32 to vector<16xi32>
        %gather3A_262 = tpu.vector_load_idx %arg16[%broadcast_in_dim3A_261] : memref<256xf32, #tpu.memory_space<vmem>>[vector<16xi32>], vector<16xf32>,
        %get3A_263 = arith.index_cast %add3A_258 : i32 to index
        %get3A_264 = arith.constant 0 : index
        %get3A_265 = tpu.vector_load %arg18[%get3A_263, %get3A_264] {strides = array<i32>} : memref<128x144xf32, #tpu.memory_space<vmem>>, vector<16xf32>,
        %mul3A_266 = arith.mulf %get3A_265, %gather3A_262 : vector<16xf32>
        %swap3A_267 = arith.index_cast %add3A_258 : i32 to index
        %swap3A_268 = arith.constant 0 : index
        %swap3A_269 = tpu.vector_load %arg18[%swap3A_267, %swap3A_268] {strides = array<i32>} : memref<128x144xf32, #tpu.memory_space<vmem>>, vector<16xf32>,
        tpu.vector_store %arg18[%swap3A_267, %swap3A_268], %mul3A_266 {strides = array<i32>} : memref<128x144xf32, #tpu.memory_space<vmem>>, vector<16xf32>,
        %get3A_270 = arith.index_cast %add3A_258 : i32 to index
        %get3A_271 = arith.constant 16 : index
        %get3A_272 = tpu.vector_load %arg18[%get3A_270, %get3A_271] {strides = array<i32>} : memref<128x144xf32, #tpu.memory_space<vmem>>, vector<16xf32>,
        %mul3A_273 = arith.mulf %get3A_272, %gather3A_262 : vector<16xf32>
        %swap3A_274 = arith.index_cast %add3A_258 : i32 to index
        %swap3A_275 = arith.constant 16 : index
        %swap3A_276 = tpu.vector_load %arg18[%swap3A_274, %swap3A_275] {strides = array<i32>} : memref<128x144xf32, #tpu.memory_space<vmem>>, vector<16xf32>,
        tpu.vector_store %arg18[%swap3A_274, %swap3A_275], %mul3A_273 {strides = array<i32>} : memref<128x144xf32, #tpu.memory_space<vmem>>, vector<16xf32>,
        %get3A_277 = arith.index_cast %add3A_258 : i32 to index
        %get3A_278 = arith.constant 32 : index
        %get3A_279 = tpu.vector_load %arg18[%get3A_277, %get3A_278] {strides = array<i32>} : memref<128x144xf32, #tpu.memory_space<vmem>>, vector<16xf32>,
        %mul3A_280 = arith.mulf %get3A_279, %gather3A_262 : vector<16xf32>
        %swap3A_281 = arith.index_cast %add3A_258 : i32 to index
        %swap3A_282 = arith.constant 32 : index
        %swap3A_283 = tpu.vector_load %arg18[%swap3A_281, %swap3A_282] {strides = array<i32>} : memref<128x144xf32, #tpu.memory_space<vmem>>, vector<16xf32>,
        tpu.vector_store %arg18[%swap3A_281, %swap3A_282], %mul3A_280 {strides = array<i32>} : memref<128x144xf32, #tpu.memory_space<vmem>>, vector<16xf32>,
        %get3A_284 = arith.index_cast %add3A_258 : i32 to index
        %get3A_285 = arith.constant 48 : index
        %get3A_286 = tpu.vector_load %arg18[%get3A_284, %get3A_285] {strides = array<i32>} : memref<128x144xf32, #tpu.memory_space<vmem>>, vector<16xf32>,
        %mul3A_287 = arith.mulf %get3A_286, %gather3A_262 : vector<16xf32>
        %swap3A_288 = arith.index_cast %add3A_258 : i32 to index
        %swap3A_289 = arith.constant 48 : index
        %swap3A_290 = tpu.vector_load %arg18[%swap3A_288, %swap3A_289] {strides = array<i32>} : memref<128x144xf32, #tpu.memory_space<vmem>>, vector<16xf32>,
        tpu.vector_store %arg18[%swap3A_288, %swap3A_289], %mul3A_287 {strides = array<i32>} : memref<128x144xf32, #tpu.memory_space<vmem>>, vector<16xf32>,
        %get3A_291 = arith.index_cast %add3A_258 : i32 to index
        %get3A_292 = arith.constant 64 : index
        %get3A_293 = tpu.vector_load %arg18[%get3A_291, %get3A_292] {strides = array<i32>} : memref<128x144xf32, #tpu.memory_space<vmem>>, vector<16xf32>,
        %mul3A_294 = arith.mulf %get3A_293, %gather3A_262 : vector<16xf32>
        %swap3A_295 = arith.index_cast %add3A_258 : i32 to index
        %swap3A_296 = arith.constant 64 : index
        %swap3A_297 = tpu.vector_load %arg18[%swap3A_295, %swap3A_296] {strides = array<i32>} : memref<128x144xf32, #tpu.memory_space<vmem>>, vector<16xf32>,
        tpu.vector_store %arg18[%swap3A_295, %swap3A_296], %mul3A_294 {strides = array<i32>} : memref<128x144xf32, #tpu.memory_space<vmem>>, vector<16xf32>,
        %get3A_298 = arith.index_cast %add3A_258 : i32 to index
        %get3A_299 = arith.constant 80 : index
        %get3A_300 = tpu.vector_load %arg18[%get3A_298, %get3A_299] {strides = array<i32>} : memref<128x144xf32, #tpu.memory_space<vmem>>, vector<16xf32>,
        %mul3A_301 = arith.mulf %get3A_300, %gather3A_262 : vector<16xf32>
        %swap3A_302 = arith.index_cast %add3A_258 : i32 to index
        %swap3A_303 = arith.constant 80 : index
        %swap3A_304 = tpu.vector_load %arg18[%swap3A_302, %swap3A_303] {strides = array<i32>} : memref<128x144xf32, #tpu.memory_space<vmem>>, vector<16xf32>,
        tpu.vector_store %arg18[%swap3A_302, %swap3A_303], %mul3A_301 {strides = array<i32>} : memref<128x144xf32, #tpu.memory_space<vmem>>, vector<16xf32>,
        %get3A_305 = arith.index_cast %add3A_258 : i32 to index
        %get3A_306 = arith.constant 96 : index
        %get3A_307 = tpu.vector_load %arg18[%get3A_305, %get3A_306] {strides = array<i32>} : memref<128x144xf32, #tpu.memory_space<vmem>>, vector<16xf32>,
        %mul3A_308 = arith.mulf %get3A_307, %gather3A_262 : vector<16xf32>
        %swap3A_309 = arith.index_cast %add3A_258 : i32 to index
        %swap3A_310 = arith.constant 96 : index
        %swap3A_311 = tpu.vector_load %arg18[%swap3A_309, %swap3A_310] {strides = array<i32>} : memref<128x144xf32, #tpu.memory_space<vmem>>, vector<16xf32>,
        tpu.vector_store %arg18[%swap3A_309, %swap3A_310], %mul3A_308 {strides = array<i32>} : memref<128x144xf32, #tpu.memory_space<vmem>>, vector<16xf32>,
        %get3A_312 = arith.index_cast %add3A_258 : i32 to index
        %get3A_313 = arith.constant 112 : index
        %get3A_314 = tpu.vector_load %arg18[%get3A_312, %get3A_313] {strides = array<i32>} : memref<128x144xf32, #tpu.memory_space<vmem>>, vector<16xf32>,
        %mul3A_315 = arith.mulf %get3A_314, %gather3A_262 : vector<16xf32>
        %swap3A_316 = arith.index_cast %add3A_258 : i32 to index
        %swap3A_317 = arith.constant 112 : index
        %swap3A_318 = tpu.vector_load %arg18[%swap3A_316, %swap3A_317] {strides = array<i32>} : memref<128x144xf32, #tpu.memory_space<vmem>>, vector<16xf32>,
        tpu.vector_store %arg18[%swap3A_316, %swap3A_317], %mul3A_315 {strides = array<i32>} : memref<128x144xf32, #tpu.memory_space<vmem>>, vector<16xf32>,
        %get3A_319 = arith.index_cast %add3A_258 : i32 to index
        %get3A_320 = arith.constant 128 : index
        %get3A_321 = tpu.vector_load %arg18[%get3A_319, %get3A_320] {strides = array<i32>} : memref<128x144xf32, #tpu.memory_space<vmem>>, vector<16xf32>,
        %mul3A_322 = arith.mulf %get3A_321, %gather3A_262 : vector<16xf32>
        %swap3A_323 = arith.index_cast %add3A_258 : i32 to index
        %swap3A_324 = arith.constant 128 : index
        %swap3A_325 = tpu.vector_load %arg18[%swap3A_323, %swap3A_324] {strides = array<i32>} : memref<128x144xf32, #tpu.memory_space<vmem>>, vector<16xf32>,
        tpu.vector_store %arg18[%swap3A_323, %swap3A_324], %mul3A_322 {strides = array<i32>} : memref<128x144xf32, #tpu.memory_space<vmem>>, vector<16xf32>,
        %scan3A_326 = arith.constant 2 : i32
        %scan3A_327 = arith.addi %scan3A_185, %scan3A_326 : i32
        %mul3A_328 = arith.constant 1 : i32
        %mul3A_329 = arith.muli %scan3A_327, %mul3A_328 : i32
        %add3A_330 = arith.constant 0 : i32
        %add3A_331 = arith.addi %add3A_330, %mul3A_329 : i32
        %add3A_332 = arith.constant 128 : i32
        %add3A_333 = arith.addi %add3A_332, %add3A_331 : i32
        %broadcast_in_dim3A_334 = vector.broadcast %add3A_333 : i32 to vector<16xi32>
        %gather3A_335 = tpu.vector_load_idx %arg16[%broadcast_in_dim3A_334] : memref<256xf32, #tpu.memory_space<vmem>>[vector<16xi32>], vector<16xf32>,
        %get3A_336 = arith.index_cast %add3A_331 : i32 to index
        %get3A_337 = arith.constant 0 : index
        %get3A_338 = tpu.vector_load %arg18[%get3A_336, %get3A_337] {strides = array<i32>} : memref<128x144xf32, #tpu.memory_space<vmem>>, vector<16xf32>,
        %mul3A_339 = arith.mulf %get3A_338, %gather3A_335 : vector<16xf32>
        %swap3A_340 = arith.index_cast %add3A_331 : i32 to index
        %swap3A_341 = arith.constant 0 : index
        %swap3A_342 = tpu.vector_load %arg18[%swap3A_340, %swap3A_341] {strides = array<i32>} : memref<128x144xf32, #tpu.memory_space<vmem>>, vector<16xf32>,
        tpu.vector_store %arg18[%swap3A_340, %swap3A_341], %mul3A_339 {strides = array<i32>} : memref<128x144xf32, #tpu.memory_space<vmem>>, vector<16xf32>,
        %get3A_343 = arith.index_cast %add3A_331 : i32 to index
        %get3A_344 = arith.constant 16 : index
        %get3A_345 = tpu.vector_load %arg18[%get3A_343, %get3A_344] {strides = array<i32>} : memref<128x144xf32, #tpu.memory_space<vmem>>, vector<16xf32>,
        %mul3A_346 = arith.mulf %get3A_345, %gather3A_335 : vector<16xf32>
        %swap3A_347 = arith.index_cast %add3A_331 : i32 to index
        %swap3A_348 = arith.constant 16 : index
        %swap3A_349 = tpu.vector_load %arg18[%swap3A_347, %swap3A_348] {strides = array<i32>} : memref<128x144xf32, #tpu.memory_space<vmem>>, vector<16xf32>,
        tpu.vector_store %arg18[%swap3A_347, %swap3A_348], %mul3A_346 {strides = array<i32>} : memref<128x144xf32, #tpu.memory_space<vmem>>, vector<16xf32>,
        %get3A_350 = arith.index_cast %add3A_331 : i32 to index
        %get3A_351 = arith.constant 32 : index
        %get3A_352 = tpu.vector_load %arg18[%get3A_350, %get3A_351] {strides = array<i32>} : memref<128x144xf32, #tpu.memory_space<vmem>>, vector<16xf32>,
        %mul3A_353 = arith.mulf %get3A_352, %gather3A_335 : vector<16xf32>
        %swap3A_354 = arith.index_cast %add3A_331 : i32 to index
        %swap3A_355 = arith.constant 32 : index
        %swap3A_356 = tpu.vector_load %arg18[%swap3A_354, %swap3A_355] {strides = array<i32>} : memref<128x144xf32, #tpu.memory_space<vmem>>, vector<16xf32>,
        tpu.vector_store %arg18[%swap3A_354, %swap3A_355], %mul3A_353 {strides = array<i32>} : memref<128x144xf32, #tpu.memory_space<vmem>>, vector<16xf32>,
        %get3A_357 = arith.index_cast %add3A_331 : i32 to index
        %get3A_358 = arith.constant 48 : index
        %get3A_359 = tpu.vector_load %arg18[%get3A_357, %get3A_358] {strides = array<i32>} : memref<128x144xf32, #tpu.memory_space<vmem>>, vector<16xf32>,
        %mul3A_360 = arith.mulf %get3A_359, %gather3A_335 : vector<16xf32>
        %swap3A_361 = arith.index_cast %add3A_331 : i32 to index
        %swap3A_362 = arith.constant 48 : index
        %swap3A_363 = tpu.vector_load %arg18[%swap3A_361, %swap3A_362] {strides = array<i32>} : memref<128x144xf32, #tpu.memory_space<vmem>>, vector<16xf32>,
        tpu.vector_store %arg18[%swap3A_361, %swap3A_362], %mul3A_360 {strides = array<i32>} : memref<128x144xf32, #tpu.memory_space<vmem>>, vector<16xf32>,
        %get3A_364 = arith.index_cast %add3A_331 : i32 to index
        %get3A_365 = arith.constant 64 : index
        %get3A_366 = tpu.vector_load %arg18[%get3A_364, %get3A_365] {strides = array<i32>} : memref<128x144xf32, #tpu.memory_space<vmem>>, vector<16xf32>,
        %mul3A_367 = arith.mulf %get3A_366, %gather3A_335 : vector<16xf32>
        %swap3A_368 = arith.index_cast %add3A_331 : i32 to index
        %swap3A_369 = arith.constant 64 : index
        %swap3A_370 = tpu.vector_load %arg18[%swap3A_368, %swap3A_369] {strides = array<i32>} : memref<128x144xf32, #tpu.memory_space<vmem>>, vector<16xf32>,
        tpu.vector_store %arg18[%swap3A_368, %swap3A_369], %mul3A_367 {strides = array<i32>} : memref<128x144xf32, #tpu.memory_space<vmem>>, vector<16xf32>,
        %get3A_371 = arith.index_cast %add3A_331 : i32 to index
        %get3A_372 = arith.constant 80 : index
        %get3A_373 = tpu.vector_load %arg18[%get3A_371, %get3A_372] {strides = array<i32>} : memref<128x144xf32, #tpu.memory_space<vmem>>, vector<16xf32>,
        %mul3A_374 = arith.mulf %get3A_373, %gather3A_335 : vector<16xf32>
        %swap3A_375 = arith.index_cast %add3A_331 : i32 to index
        %swap3A_376 = arith.constant 80 : index
        %swap3A_377 = tpu.vector_load %arg18[%swap3A_375, %swap3A_376] {strides = array<i32>} : memref<128x144xf32, #tpu.memory_space<vmem>>, vector<16xf32>,
        tpu.vector_store %arg18[%swap3A_375, %swap3A_376], %mul3A_374 {strides = array<i32>} : memref<128x144xf32, #tpu.memory_space<vmem>>, vector<16xf32>,
        %get3A_378 = arith.index_cast %add3A_331 : i32 to index
        %get3A_379 = arith.constant 96 : index
        %get3A_380 = tpu.vector_load %arg18[%get3A_378, %get3A_379] {strides = array<i32>} : memref<128x144xf32, #tpu.memory_space<vmem>>, vector<16xf32>,
        %mul3A_381 = arith.mulf %get3A_380, %gather3A_335 : vector<16xf32>
        %swap3A_382 = arith.index_cast %add3A_331 : i32 to index
        %swap3A_383 = arith.constant 96 : index
        %swap3A_384 = tpu.vector_load %arg18[%swap3A_382, %swap3A_383] {strides = array<i32>} : memref<128x144xf32, #tpu.memory_space<vmem>>, vector<16xf32>,
        tpu.vector_store %arg18[%swap3A_382, %swap3A_383], %mul3A_381 {strides = array<i32>} : memref<128x144xf32, #tpu.memory_space<vmem>>, vector<16xf32>,
        %get3A_385 = arith.index_cast %add3A_331 : i32 to index
        %get3A_386 = arith.constant 112 : index
        %get3A_387 = tpu.vector_load %arg18[%get3A_385, %get3A_386] {strides = array<i32>} : memref<128x144xf32, #tpu.memory_space<vmem>>, vector<16xf32>,
        %mul3A_388 = arith.mulf %get3A_387, %gather3A_335 : vector<16xf32>
        %swap3A_389 = arith.index_cast %add3A_331 : i32 to index
        %swap3A_390 = arith.constant 112 : index
        %swap3A_391 = tpu.vector_load %arg18[%swap3A_389, %swap3A_390] {strides = array<i32>} : memref<128x144xf32, #tpu.memory_space<vmem>>, vector<16xf32>,
        tpu.vector_store %arg18[%swap3A_389, %swap3A_390], %mul3A_388 {strides = array<i32>} : memref<128x144xf32, #tpu.memory_space<vmem>>, vector<16xf32>,
        %get3A_392 = arith.index_cast %add3A_331 : i32 to index
        %get3A_393 = arith.constant 128 : index
        %get3A_394 = tpu.vector_load %arg18[%get3A_392, %get3A_393] {strides = array<i32>} : memref<128x144xf32, #tpu.memory_space<vmem>>, vector<16xf32>,
        %mul3A_395 = arith.mulf %get3A_394, %gather3A_335 : vector<16xf32>
        %swap3A_396 = arith.index_cast %add3A_331 : i32 to index
        %swap3A_397 = arith.constant 128 : index
        %swap3A_398 = tpu.vector_load %arg18[%swap3A_396, %swap3A_397] {strides = array<i32>} : memref<128x144xf32, #tpu.memory_space<vmem>>, vector<16xf32>,
        tpu.vector_store %arg18[%swap3A_396, %swap3A_397], %mul3A_395 {strides = array<i32>} : memref<128x144xf32, #tpu.memory_space<vmem>>, vector<16xf32>,
        %scan3A_399 = arith.constant 3 : i32
        %scan3A_400 = arith.addi %scan3A_185, %scan3A_399 : i32
        %mul3A_401 = arith.constant 1 : i32
        %mul3A_402 = arith.muli %scan3A_400, %mul3A_401 : i32
        %add3A_403 = arith.constant 0 : i32
        %add3A_404 = arith.addi %add3A_403, %mul3A_402 : i32
        %add3A_405 = arith.constant 128 : i32
        %add3A_406 = arith.addi %add3A_405, %add3A_404 : i32
        %broadcast_in_dim3A_407 = vector.broadcast %add3A_406 : i32 to vector<16xi32>
        %gather3A_408 = tpu.vector_load_idx %arg16[%broadcast_in_dim3A_407] : memref<256xf32, #tpu.memory_space<vmem>>[vector<16xi32>], vector<16xf32>,
        %get3A_409 = arith.index_cast %add3A_404 : i32 to index
        %get3A_410 = arith.constant 0 : index
        %get3A_411 = tpu.vector_load %arg18[%get3A_409, %get3A_410] {strides = array<i32>} : memref<128x144xf32, #tpu.memory_space<vmem>>, vector<16xf32>,
        %mul3A_412 = arith.mulf %get3A_411, %gather3A_408 : vector<16xf32>
        %swap3A_413 = arith.index_cast %add3A_404 : i32 to index
        %swap3A_414 = arith.constant 0 : index
        %swap3A_415 = tpu.vector_load %arg18[%swap3A_413, %swap3A_414] {strides = array<i32>} : memref<128x144xf32, #tpu.memory_space<vmem>>, vector<16xf32>,
        tpu.vector_store %arg18[%swap3A_413, %swap3A_414], %mul3A_412 {strides = array<i32>} : memref<128x144xf32, #tpu.memory_space<vmem>>, vector<16xf32>,
        %get3A_416 = arith.index_cast %add3A_404 : i32 to index
        %get3A_417 = arith.constant 16 : index
        %get3A_418 = tpu.vector_load %arg18[%get3A_416, %get3A_417] {strides = array<i32>} : memref<128x144xf32, #tpu.memory_space<vmem>>, vector<16xf32>,
        %mul3A_419 = arith.mulf %get3A_418, %gather3A_408 : vector<16xf32>
        %swap3A_420 = arith.index_cast %add3A_404 : i32 to index
        %swap3A_421 = arith.constant 16 : index
        %swap3A_422 = tpu.vector_load %arg18[%swap3A_420, %swap3A_421] {strides = array<i32>} : memref<128x144xf32, #tpu.memory_space<vmem>>, vector<16xf32>,
        tpu.vector_store %arg18[%swap3A_420, %swap3A_421], %mul3A_419 {strides = array<i32>} : memref<128x144xf32, #tpu.memory_space<vmem>>, vector<16xf32>,
        %get3A_423 = arith.index_cast %add3A_404 : i32 to index
        %get3A_424 = arith.constant 32 : index
        %get3A_425 = tpu.vector_load %arg18[%get3A_423, %get3A_424] {strides = array<i32>} : memref<128x144xf32, #tpu.memory_space<vmem>>, vector<16xf32>,
        %mul3A_426 = arith.mulf %get3A_425, %gather3A_408 : vector<16xf32>
        %swap3A_427 = arith.index_cast %add3A_404 : i32 to index
        %swap3A_428 = arith.constant 32 : index
        %swap3A_429 = tpu.vector_load %arg18[%swap3A_427, %swap3A_428] {strides = array<i32>} : memref<128x144xf32, #tpu.memory_space<vmem>>, vector<16xf32>,
        tpu.vector_store %arg18[%swap3A_427, %swap3A_428], %mul3A_426 {strides = array<i32>} : memref<128x144xf32, #tpu.memory_space<vmem>>, vector<16xf32>,
        %get3A_430 = arith.index_cast %add3A_404 : i32 to index
        %get3A_431 = arith.constant 48 : index
        %get3A_432 = tpu.vector_load %arg18[%get3A_430, %get3A_431] {strides = array<i32>} : memref<128x144xf32, #tpu.memory_space<vmem>>, vector<16xf32>,
        %mul3A_433 = arith.mulf %get3A_432, %gather3A_408 : vector<16xf32>
        %swap3A_434 = arith.index_cast %add3A_404 : i32 to index
        %swap3A_435 = arith.constant 48 : index
        %swap3A_436 = tpu.vector_load %arg18[%swap3A_434, %swap3A_435] {strides = array<i32>} : memref<128x144xf32, #tpu.memory_space<vmem>>, vector<16xf32>,
        tpu.vector_store %arg18[%swap3A_434, %swap3A_435], %mul3A_433 {strides = array<i32>} : memref<128x144xf32, #tpu.memory_space<vmem>>, vector<16xf32>,
        %get3A_437 = arith.index_cast %add3A_404 : i32 to index
        %get3A_438 = arith.constant 64 : index
        %get3A_439 = tpu.vector_load %arg18[%get3A_437, %get3A_438] {strides = array<i32>} : memref<128x144xf32, #tpu.memory_space<vmem>>, vector<16xf32>,
        %mul3A_440 = arith.mulf %get3A_439, %gather3A_408 : vector<16xf32>
        %swap3A_441 = arith.index_cast %add3A_404 : i32 to index
        %swap3A_442 = arith.constant 64 : index
        %swap3A_443 = tpu.vector_load %arg18[%swap3A_441, %swap3A_442] {strides = array<i32>} : memref<128x144xf32, #tpu.memory_space<vmem>>, vector<16xf32>,
        tpu.vector_store %arg18[%swap3A_441, %swap3A_442], %mul3A_440 {strides = array<i32>} : memref<128x144xf32, #tpu.memory_space<vmem>>, vector<16xf32>,
        %get3A_444 = arith.index_cast %add3A_404 : i32 to index
        %get3A_445 = arith.constant 80 : index
        %get3A_446 = tpu.vector_load %arg18[%get3A_444, %get3A_445] {strides = array<i32>} : memref<128x144xf32, #tpu.memory_space<vmem>>, vector<16xf32>,
        %mul3A_447 = arith.mulf %get3A_446, %gather3A_408 : vector<16xf32>
        %swap3A_448 = arith.index_cast %add3A_404 : i32 to index
        %swap3A_449 = arith.constant 80 : index
        %swap3A_450 = tpu.vector_load %arg18[%swap3A_448, %swap3A_449] {strides = array<i32>} : memref<128x144xf32, #tpu.memory_space<vmem>>, vector<16xf32>,
        tpu.vector_store %arg18[%swap3A_448, %swap3A_449], %mul3A_447 {strides = array<i32>} : memref<128x144xf32, #tpu.memory_space<vmem>>, vector<16xf32>,
        %get3A_451 = arith.index_cast %add3A_404 : i32 to index
        %get3A_452 = arith.constant 96 : index
        %get3A_453 = tpu.vector_load %arg18[%get3A_451, %get3A_452] {strides = array<i32>} : memref<128x144xf32, #tpu.memory_space<vmem>>, vector<16xf32>,
        %mul3A_454 = arith.mulf %get3A_453, %gather3A_408 : vector<16xf32>
        %swap3A_455 = arith.index_cast %add3A_404 : i32 to index
        %swap3A_456 = arith.constant 96 : index
        %swap3A_457 = tpu.vector_load %arg18[%swap3A_455, %swap3A_456] {strides = array<i32>} : memref<128x144xf32, #tpu.memory_space<vmem>>, vector<16xf32>,
        tpu.vector_store %arg18[%swap3A_455, %swap3A_456], %mul3A_454 {strides = array<i32>} : memref<128x144xf32, #tpu.memory_space<vmem>>, vector<16xf32>,
        %get3A_458 = arith.index_cast %add3A_404 : i32 to index
        %get3A_459 = arith.constant 112 : index
        %get3A_460 = tpu.vector_load %arg18[%get3A_458, %get3A_459] {strides = array<i32>} : memref<128x144xf32, #tpu.memory_space<vmem>>, vector<16xf32>,
        %mul3A_461 = arith.mulf %get3A_460, %gather3A_408 : vector<16xf32>
        %swap3A_462 = arith.index_cast %add3A_404 : i32 to index
        %swap3A_463 = arith.constant 112 : index
        %swap3A_464 = tpu.vector_load %arg18[%swap3A_462, %swap3A_463] {strides = array<i32>} : memref<128x144xf32, #tpu.memory_space<vmem>>, vector<16xf32>,
        tpu.vector_store %arg18[%swap3A_462, %swap3A_463], %mul3A_461 {strides = array<i32>} : memref<128x144xf32, #tpu.memory_space<vmem>>, vector<16xf32>,
        %get3A_465 = arith.index_cast %add3A_404 : i32 to index
        %get3A_466 = arith.constant 128 : index
        %get3A_467 = tpu.vector_load %arg18[%get3A_465, %get3A_466] {strides = array<i32>} : memref<128x144xf32, #tpu.memory_space<vmem>>, vector<16xf32>,
        %mul3A_468 = arith.mulf %get3A_467, %gather3A_408 : vector<16xf32>
        %swap3A_469 = arith.index_cast %add3A_404 : i32 to index
        %swap3A_470 = arith.constant 128 : index
        %swap3A_471 = tpu.vector_load %arg18[%swap3A_469, %swap3A_470] {strides = array<i32>} : memref<128x144xf32, #tpu.memory_space<vmem>>, vector<16xf32>,
        tpu.vector_store %arg18[%swap3A_469, %swap3A_470], %mul3A_468 {strides = array<i32>} : memref<128x144xf32, #tpu.memory_space<vmem>>, vector<16xf32>,
      }
      %scan3A_174 = arith.constant 128 : i32
      %dma_start3A_175 = arith.constant 0 : i32
      %dma_start3A_176 = arith.constant 0 : i32
      %dma_start3A_177 = tpu.memref_slice %arg19[%dma_start3A_175, %dma_start3A_176] : memref<10240x144xf32, #tpu.memory_space<vmem_shared>> -> memref<10240x144xf32, #tpu.memory_space<vmem_shared>>
      tpu.enqueue_indirect_dma source(%arg18 : memref<128x144xf32, #tpu.memory_space<vmem>>) target(%dma_start3A_177 : memref<10240x144xf32, #tpu.memory_space<vmem_shared>>) offsets(%arg14 : memref<128xi32, #tpu.memory_space<vmem>>) semaphore(%arg23 : memref<!tpu.dma_semaphore, #tpu.memory_space<semaphore_mem>>) {add = true}
      %add3A_178 = arith.constant 1 : i32
      %add3A_179 = arith.addi %add3A_140, %add3A_178 : i32
      %lt3A_180 = arith.constant 40 : i32
      %lt3A_181 = arith.cmpi slt, %add3A_179, %lt3A_180 : i32
      %convert_element_type3A_182 = arith.extui %lt3A_181 : i1 to i32
      %cond3A_183 = arith.constant 0 : i32
      %cond3A_184 = arith.cmpi ne, %convert_element_type3A_182, %cond3A_183 : i32
      scf.if %cond3A_184 {
        %dma_wait3A_185 = arith.constant 0 : i32
        %dma_wait3A_186 = arith.constant 0 : i32
        %dma_wait3A_187 = tpu.memref_slice %arg19[%dma_wait3A_185, %dma_wait3A_186] : memref<10240x144xf32, #tpu.memory_space<vmem_shared>> -> memref<10240x144xf32, #tpu.memory_space<vmem_shared>>
        tpu.wait_indirect_dma semaphore(%arg22 : memref<!tpu.dma_semaphore, #tpu.memory_space<semaphore_mem>>) src(%arg17 : memref<128x144xf32, #tpu.memory_space<vmem>>) dst(%dma_wait3A_187 : memref<10240x144xf32, #tpu.memory_space<vmem_shared>>)
        %add3A_188 = arith.constant 1 : i32
        %add3A_189 = arith.addi %add3A_140, %add3A_188 : i32
        %mul3A_190 = arith.constant 10240 : i32
        %mul3A_191 = arith.muli %add3A, %mul3A_190 : i32
        %mul3A_192 = arith.constant 2 : i32
        %mul3A_193 = arith.muli %add3A_189, %mul3A_192 : i32
        %mul3A_194 = arith.constant 128 : i32
        %mul3A_195 = arith.muli %mul3A_193, %mul3A_194 : i32
        %add3A_196 = arith.addi %mul3A_191, %mul3A_195 : i32
        %add3A_197 = arith.constant 128 : i32
        %add3A_198 = arith.addi %add3A_196, %add3A_197 : i32
        %add3A_199 = arith.constant 128 : i32
        %add3A_200 = arith.addi %add3A_196, %add3A_199 : i32
        %dma_wait3A_201 = tpu.memref_slice %arg2[%add3A_196] : memref<327680xi32, #tpu.memory_space<hbm>> -> memref<128xi32, #tpu.memory_space<hbm>>
        %dma_wait3A_202 = tpu.memref_slice %arg2[%add3A_196] : memref<327680xi32, #tpu.memory_space<hbm>> -> memref<128xi32, #tpu.memory_space<hbm>>
        tpu.wait_dma2 semaphore(%arg24 : memref<!tpu.dma_semaphore, #tpu.memory_space<semaphore_mem>>) src(%dma_wait3A_202 : memref<128xi32, #tpu.memory_space<hbm>>) dst(%arg7 : memref<128xi32, #tpu.memory_space<vmem>>)
        %dma_wait3A_203 = tpu.memref_slice %arg2[%add3A_198] : memref<327680xi32, #tpu.memory_space<hbm>> -> memref<128xi32, #tpu.memory_space<hbm>>
        %dma_wait3A_204 = tpu.memref_slice %arg2[%add3A_198] : memref<327680xi32, #tpu.memory_space<hbm>> -> memref<128xi32, #tpu.memory_space<hbm>>
        tpu.wait_dma2 semaphore(%arg24 : memref<!tpu.dma_semaphore, #tpu.memory_space<semaphore_mem>>) src(%dma_wait3A_204 : memref<128xi32, #tpu.memory_space<hbm>>) dst(%arg8 : memref<128xi32, #tpu.memory_space<vmem>>)
        %dma_wait3A_205 = tpu.memref_slice %arg3[%add3A_196] : memref<327680xi32, #tpu.memory_space<hbm>> -> memref<128xi32, #tpu.memory_space<hbm>>
        %dma_wait3A_206 = tpu.memref_slice %arg3[%add3A_196] : memref<327680xi32, #tpu.memory_space<hbm>> -> memref<128xi32, #tpu.memory_space<hbm>>
        tpu.wait_dma2 semaphore(%arg24 : memref<!tpu.dma_semaphore, #tpu.memory_space<semaphore_mem>>) src(%dma_wait3A_206 : memref<128xi32, #tpu.memory_space<hbm>>) dst(%arg11 : memref<128xi32, #tpu.memory_space<vmem>>)
        %dma_wait3A_207 = tpu.memref_slice %arg3[%add3A_200] : memref<327680xi32, #tpu.memory_space<hbm>> -> memref<128xi32, #tpu.memory_space<hbm>>
        %dma_wait3A_208 = tpu.memref_slice %arg3[%add3A_200] : memref<327680xi32, #tpu.memory_space<hbm>> -> memref<128xi32, #tpu.memory_space<hbm>>
        tpu.wait_dma2 semaphore(%arg24 : memref<!tpu.dma_semaphore, #tpu.memory_space<semaphore_mem>>) src(%dma_wait3A_208 : memref<128xi32, #tpu.memory_space<hbm>>) dst(%arg12 : memref<128xi32, #tpu.memory_space<vmem>>)
        %dma_wait3A_209 = tpu.memref_slice %arg4[%add3A_196] : memref<327680xf32, #tpu.memory_space<hbm>> -> memref<256xf32, #tpu.memory_space<hbm>>
        %dma_wait3A_210 = tpu.memref_slice %arg4[%add3A_196] : memref<327680xf32, #tpu.memory_space<hbm>> -> memref<256xf32, #tpu.memory_space<hbm>>
        tpu.wait_dma2 semaphore(%arg24 : memref<!tpu.dma_semaphore, #tpu.memory_space<semaphore_mem>>) src(%dma_wait3A_210 : memref<256xf32, #tpu.memory_space<hbm>>) dst(%arg15 : memref<256xf32, #tpu.memory_space<vmem>>)
        %dma_start3A_211 = arith.constant 0 : i32
        %dma_start3A_212 = arith.constant 0 : i32
        %dma_start3A_213 = tpu.memref_slice %arg5[%dma_start3A_211, %dma_start3A_212] : memref<10000x144xf32, #tpu.memory_space<hbm>> -> memref<10000x144xf32, #tpu.memory_space<hbm>>
        tpu.enqueue_indirect_dma source(%dma_start3A_213 : memref<10000x144xf32, #tpu.memory_space<hbm>>) target(%arg17 : memref<128x144xf32, #tpu.memory_space<vmem>>) offsets(%arg7 : memref<128xi32, #tpu.memory_space<vmem>>) semaphore(%arg20 : memref<!tpu.dma_semaphore, #tpu.memory_space<semaphore_mem>>)
      } else {
      }
    }
    %scan3A_66 = arith.constant 20 : i32
    %dma_wait3A_67 = arith.constant 0 : i32
    %dma_wait3A_68 = arith.constant 0 : i32
    %dma_wait3A_69 = tpu.memref_slice %arg19[%dma_wait3A_67, %dma_wait3A_68] : memref<10240x144xf32, #tpu.memory_space<vmem_shared>> -> memref<10240x144xf32, #tpu.memory_space<vmem_shared>>
    tpu.wait_indirect_dma semaphore(%arg22 : memref<!tpu.dma_semaphore, #tpu.memory_space<semaphore_mem>>) src(%arg17 : memref<128x144xf32, #tpu.memory_space<vmem>>) dst(%dma_wait3A_69 : memref<10240x144xf32, #tpu.memory_space<vmem_shared>>)
    %dma_wait3A_70 = arith.constant 0 : i32
    %dma_wait3A_71 = arith.constant 0 : i32
    %dma_wait3A_72 = tpu.memref_slice %arg19[%dma_wait3A_70, %dma_wait3A_71] : memref<10240x144xf32, #tpu.memory_space<vmem_shared>> -> memref<10240x144xf32, #tpu.memory_space<vmem_shared>>
    tpu.wait_indirect_dma semaphore(%arg23 : memref<!tpu.dma_semaphore, #tpu.memory_space<semaphore_mem>>) src(%arg18 : memref<128x144xf32, #tpu.memory_space<vmem>>) dst(%dma_wait3A_72 : memref<10240x144xf32, #tpu.memory_space<vmem_shared>>)
    %barrier3A_73 = arith.constant 0 : index
    tpu.barrier barrier_id(%barrier3A_73)
    %mul3A_74 = arith.constant 640 : i32
    %mul3A_75 = arith.muli %arg1, %mul3A_74 : i32
    %add3A_76 = arith.constant 0 : i32
    %add3A_77 = arith.addi %mul3A_75, %add3A_76 : i32
    "tpu.region"() ({
      %run_scoped3A = tpu.sem_alloc : memref<!tpu.dma_semaphore, #tpu.memory_space<semaphore_mem>>
      %dma_start3A_94 = arith.constant 0 : i32
      %dma_start3A_95 = arith.constant 0 : i32
      %dma_start3A_96 = tpu.memref_slice %arg6[%arg0, %dma_start3A_94, %dma_start3A_95] : memref<2x10240x144xf32, #tpu.memory_space<hbm>> -> memref<1x10240x144xf32, #tpu.memory_space<hbm>>
      %dma_start3A_97 = tpu.memref_squeeze %dma_start3A_96 : memref<1x10240x144xf32, #tpu.memory_space<hbm>> -> memref<10240x144xf32, #tpu.memory_space<hbm>>
      %dma_start3A_98 = arith.constant 0 : i32
      %dma_start3A_99 = tpu.memref_slice %dma_start3A_97[%add3A_77, %dma_start3A_98] : memref<10240x144xf32, #tpu.memory_space<hbm>> -> memref<128x144xf32, #tpu.memory_space<hbm>>
      %dma_start3A_100 = arith.constant 0 : i32
      %dma_start3A_101 = tpu.memref_slice %arg19[%add3A_77, %dma_start3A_100] : memref<10240x144xf32, #tpu.memory_space<vmem_shared>> -> memref<128x144xf32, #tpu.memory_space<vmem_shared>>
      tpu.enqueue_dma source(%dma_start3A_101 : memref<128x144xf32, #tpu.memory_space<vmem_shared>>) target(%dma_start3A_99 : memref<128x144xf32, #tpu.memory_space<hbm>>) target_semaphore(%run_scoped3A : memref<!tpu.dma_semaphore, #tpu.memory_space<semaphore_mem>>)
      %dma_wait3A_102 = arith.constant 0 : i32
      %dma_wait3A_103 = arith.constant 0 : i32
      %dma_wait3A_104 = tpu.memref_slice %arg6[%arg0, %dma_wait3A_102, %dma_wait3A_103] : memref<2x10240x144xf32, #tpu.memory_space<hbm>> -> memref<1x10240x144xf32, #tpu.memory_space<hbm>>
      %dma_wait3A_105 = tpu.memref_squeeze %dma_wait3A_104 : memref<1x10240x144xf32, #tpu.memory_space<hbm>> -> memref<10240x144xf32, #tpu.memory_space<hbm>>
      %dma_wait3A_106 = arith.constant 0 : i32
      %dma_wait3A_107 = tpu.memref_slice %dma_wait3A_105[%add3A_77, %dma_wait3A_106] : memref<10240x144xf32, #tpu.memory_space<hbm>> -> memref<128x144xf32, #tpu.memory_space<hbm>>
      %dma_wait3A_108 = arith.constant 0 : i32
      %dma_wait3A_109 = tpu.memref_slice %arg19[%add3A_77, %dma_wait3A_108] : memref<10240x144xf32, #tpu.memory_space<vmem_shared>> -> memref<128x144xf32, #tpu.memory_space<vmem_shared>>
      tpu.wait_dma2 semaphore(%run_scoped3A : memref<!tpu.dma_semaphore, #tpu.memory_space<semaphore_mem>>) src(%dma_wait3A_109 : memref<128x144xf32, #tpu.memory_space<vmem_shared>>) dst(%dma_wait3A_107 : memref<128x144xf32, #tpu.memory_space<hbm>>)
      tpu.yield
    }) : () -> ()
    %mul3A_78 = arith.constant 640 : i32
    %mul3A_79 = arith.muli %arg1, %mul3A_78 : i32
    %add3A_80 = arith.constant 128 : i32
    %add3A_81 = arith.addi %mul3A_79, %add3A_80 : i32
    "tpu.region"() ({
      %run_scoped3A = tpu.sem_alloc : memref<!tpu.dma_semaphore, #tpu.memory_space<semaphore_mem>>
      %dma_start3A_94 = arith.constant 0 : i32
      %dma_start3A_95 = arith.constant 0 : i32
      %dma_start3A_96 = tpu.memref_slice %arg6[%arg0, %dma_start3A_94, %dma_start3A_95] : memref<2x10240x144xf32, #tpu.memory_space<hbm>> -> memref<1x10240x144xf32, #tpu.memory_space<hbm>>
      %dma_start3A_97 = tpu.memref_squeeze %dma_start3A_96 : memref<1x10240x144xf32, #tpu.memory_space<hbm>> -> memref<10240x144xf32, #tpu.memory_space<hbm>>
      %dma_start3A_98 = arith.constant 0 : i32
      %dma_start3A_99 = tpu.memref_slice %dma_start3A_97[%add3A_81, %dma_start3A_98] : memref<10240x144xf32, #tpu.memory_space<hbm>> -> memref<128x144xf32, #tpu.memory_space<hbm>>
      %dma_start3A_100 = arith.constant 0 : i32
      %dma_start3A_101 = tpu.memref_slice %arg19[%add3A_81, %dma_start3A_100] : memref<10240x144xf32, #tpu.memory_space<vmem_shared>> -> memref<128x144xf32, #tpu.memory_space<vmem_shared>>
      tpu.enqueue_dma source(%dma_start3A_101 : memref<128x144xf32, #tpu.memory_space<vmem_shared>>) target(%dma_start3A_99 : memref<128x144xf32, #tpu.memory_space<hbm>>) target_semaphore(%run_scoped3A : memref<!tpu.dma_semaphore, #tpu.memory_space<semaphore_mem>>)
      %dma_wait3A_102 = arith.constant 0 : i32
      %dma_wait3A_103 = arith.constant 0 : i32
      %dma_wait3A_104 = tpu.memref_slice %arg6[%arg0, %dma_wait3A_102, %dma_wait3A_103] : memref<2x10240x144xf32, #tpu.memory_space<hbm>> -> memref<1x10240x144xf32, #tpu.memory_space<hbm>>
      %dma_wait3A_105 = tpu.memref_squeeze %dma_wait3A_104 : memref<1x10240x144xf32, #tpu.memory_space<hbm>> -> memref<10240x144xf32, #tpu.memory_space<hbm>>
      %dma_wait3A_106 = arith.constant 0 : i32
      %dma_wait3A_107 = tpu.memref_slice %dma_wait3A_105[%add3A_81, %dma_wait3A_106] : memref<10240x144xf32, #tpu.memory_space<hbm>> -> memref<128x144xf32, #tpu.memory_space<hbm>>
      %dma_wait3A_108 = arith.constant 0 : i32
      %dma_wait3A_109 = tpu.memref_slice %arg19[%add3A_81, %dma_wait3A_108] : memref<10240x144xf32, #tpu.memory_space<vmem_shared>> -> memref<128x144xf32, #tpu.memory_space<vmem_shared>>
      tpu.wait_dma2 semaphore(%run_scoped3A : memref<!tpu.dma_semaphore, #tpu.memory_space<semaphore_mem>>) src(%dma_wait3A_109 : memref<128x144xf32, #tpu.memory_space<vmem_shared>>) dst(%dma_wait3A_107 : memref<128x144xf32, #tpu.memory_space<hbm>>)
      tpu.yield
    }) : () -> ()
    %mul3A_82 = arith.constant 640 : i32
    %mul3A_83 = arith.muli %arg1, %mul3A_82 : i32
    %add3A_84 = arith.constant 256 : i32
    %add3A_85 = arith.addi %mul3A_83, %add3A_84 : i32
    "tpu.region"() ({
      %run_scoped3A = tpu.sem_alloc : memref<!tpu.dma_semaphore, #tpu.memory_space<semaphore_mem>>
      %dma_start3A_94 = arith.constant 0 : i32
      %dma_start3A_95 = arith.constant 0 : i32
      %dma_start3A_96 = tpu.memref_slice %arg6[%arg0, %dma_start3A_94, %dma_start3A_95] : memref<2x10240x144xf32, #tpu.memory_space<hbm>> -> memref<1x10240x144xf32, #tpu.memory_space<hbm>>
      %dma_start3A_97 = tpu.memref_squeeze %dma_start3A_96 : memref<1x10240x144xf32, #tpu.memory_space<hbm>> -> memref<10240x144xf32, #tpu.memory_space<hbm>>
      %dma_start3A_98 = arith.constant 0 : i32
      %dma_start3A_99 = tpu.memref_slice %dma_start3A_97[%add3A_85, %dma_start3A_98] : memref<10240x144xf32, #tpu.memory_space<hbm>> -> memref<128x144xf32, #tpu.memory_space<hbm>>
      %dma_start3A_100 = arith.constant 0 : i32
      %dma_start3A_101 = tpu.memref_slice %arg19[%add3A_85, %dma_start3A_100] : memref<10240x144xf32, #tpu.memory_space<vmem_shared>> -> memref<128x144xf32, #tpu.memory_space<vmem_shared>>
      tpu.enqueue_dma source(%dma_start3A_101 : memref<128x144xf32, #tpu.memory_space<vmem_shared>>) target(%dma_start3A_99 : memref<128x144xf32, #tpu.memory_space<hbm>>) target_semaphore(%run_scoped3A : memref<!tpu.dma_semaphore, #tpu.memory_space<semaphore_mem>>)
      %dma_wait3A_102 = arith.constant 0 : i32
      %dma_wait3A_103 = arith.constant 0 : i32
      %dma_wait3A_104 = tpu.memref_slice %arg6[%arg0, %dma_wait3A_102, %dma_wait3A_103] : memref<2x10240x144xf32, #tpu.memory_space<hbm>> -> memref<1x10240x144xf32, #tpu.memory_space<hbm>>
      %dma_wait3A_105 = tpu.memref_squeeze %dma_wait3A_104 : memref<1x10240x144xf32, #tpu.memory_space<hbm>> -> memref<10240x144xf32, #tpu.memory_space<hbm>>
      %dma_wait3A_106 = arith.constant 0 : i32
      %dma_wait3A_107 = tpu.memref_slice %dma_wait3A_105[%add3A_85, %dma_wait3A_106] : memref<10240x144xf32, #tpu.memory_space<hbm>> -> memref<128x144xf32, #tpu.memory_space<hbm>>
      %dma_wait3A_108 = arith.constant 0 : i32
      %dma_wait3A_109 = tpu.memref_slice %arg19[%add3A_85, %dma_wait3A_108] : memref<10240x144xf32, #tpu.memory_space<vmem_shared>> -> memref<128x144xf32, #tpu.memory_space<vmem_shared>>
      tpu.wait_dma2 semaphore(%run_scoped3A : memref<!tpu.dma_semaphore, #tpu.memory_space<semaphore_mem>>) src(%dma_wait3A_109 : memref<128x144xf32, #tpu.memory_space<vmem_shared>>) dst(%dma_wait3A_107 : memref<128x144xf32, #tpu.memory_space<hbm>>)
      tpu.yield
    }) : () -> ()
    %mul3A_86 = arith.constant 640 : i32
    %mul3A_87 = arith.muli %arg1, %mul3A_86 : i32
    %add3A_88 = arith.constant 384 : i32
    %add3A_89 = arith.addi %mul3A_87, %add3A_88 : i32
    "tpu.region"() ({
      %run_scoped3A = tpu.sem_alloc : memref<!tpu.dma_semaphore, #tpu.memory_space<semaphore_mem>>
      %dma_start3A_94 = arith.constant 0 : i32
      %dma_start3A_95 = arith.constant 0 : i32
      %dma_start3A_96 = tpu.memref_slice %arg6[%arg0, %dma_start3A_94, %dma_start3A_95] : memref<2x10240x144xf32, #tpu.memory_space<hbm>> -> memref<1x10240x144xf32, #tpu.memory_space<hbm>>
      %dma_start3A_97 = tpu.memref_squeeze %dma_start3A_96 : memref<1x10240x144xf32, #tpu.memory_space<hbm>> -> memref<10240x144xf32, #tpu.memory_space<hbm>>
      %dma_start3A_98 = arith.constant 0 : i32
      %dma_start3A_99 = tpu.memref_slice %dma_start3A_97[%add3A_89, %dma_start3A_98] : memref<10240x144xf32, #tpu.memory_space<hbm>> -> memref<128x144xf32, #tpu.memory_space<hbm>>
      %dma_start3A_100 = arith.constant 0 : i32
      %dma_start3A_101 = tpu.memref_slice %arg19[%add3A_89, %dma_start3A_100] : memref<10240x144xf32, #tpu.memory_space<vmem_shared>> -> memref<128x144xf32, #tpu.memory_space<vmem_shared>>
      tpu.enqueue_dma source(%dma_start3A_101 : memref<128x144xf32, #tpu.memory_space<vmem_shared>>) target(%dma_start3A_99 : memref<128x144xf32, #tpu.memory_space<hbm>>) target_semaphore(%run_scoped3A : memref<!tpu.dma_semaphore, #tpu.memory_space<semaphore_mem>>)
      %dma_wait3A_102 = arith.constant 0 : i32
      %dma_wait3A_103 = arith.constant 0 : i32
      %dma_wait3A_104 = tpu.memref_slice %arg6[%arg0, %dma_wait3A_102, %dma_wait3A_103] : memref<2x10240x144xf32, #tpu.memory_space<hbm>> -> memref<1x10240x144xf32, #tpu.memory_space<hbm>>
      %dma_wait3A_105 = tpu.memref_squeeze %dma_wait3A_104 : memref<1x10240x144xf32, #tpu.memory_space<hbm>> -> memref<10240x144xf32, #tpu.memory_space<hbm>>
      %dma_wait3A_106 = arith.constant 0 : i32
      %dma_wait3A_107 = tpu.memref_slice %dma_wait3A_105[%add3A_89, %dma_wait3A_106] : memref<10240x144xf32, #tpu.memory_space<hbm>> -> memref<128x144xf32, #tpu.memory_space<hbm>>
      %dma_wait3A_108 = arith.constant 0 : i32
      %dma_wait3A_109 = tpu.memref_slice %arg19[%add3A_89, %dma_wait3A_108] : memref<10240x144xf32, #tpu.memory_space<vmem_shared>> -> memref<128x144xf32, #tpu.memory_space<vmem_shared>>
      tpu.wait_dma2 semaphore(%run_scoped3A : memref<!tpu.dma_semaphore, #tpu.memory_space<semaphore_mem>>) src(%dma_wait3A_109 : memref<128x144xf32, #tpu.memory_space<vmem_shared>>) dst(%dma_wait3A_107 : memref<128x144xf32, #tpu.memory_space<hbm>>)
      tpu.yield
    }) : () -> ()
    %mul3A_90 = arith.constant 640 : i32
    %mul3A_91 = arith.muli %arg1, %mul3A_90 : i32
    %add3A_92 = arith.constant 512 : i32
    %add3A_93 = arith.addi %mul3A_91, %add3A_92 : i32
    "tpu.region"() ({
      %run_scoped3A = tpu.sem_alloc : memref<!tpu.dma_semaphore, #tpu.memory_space<semaphore_mem>>
      %dma_start3A_94 = arith.constant 0 : i32
      %dma_start3A_95 = arith.constant 0 : i32
      %dma_start3A_96 = tpu.memref_slice %arg6[%arg0, %dma_start3A_94, %dma_start3A_95] : memref<2x10240x144xf32, #tpu.memory_space<hbm>> -> memref<1x10240x144xf32, #tpu.memory_space<hbm>>
      %dma_start3A_97 = tpu.memref_squeeze %dma_start3A_96 : memref<1x10240x144xf32, #tpu.memory_space<hbm>> -> memref<10240x144xf32, #tpu.memory_space<hbm>>
      %dma_start3A_98 = arith.constant 0 : i32
      %dma_start3A_99 = tpu.memref_slice %dma_start3A_97[%add3A_93, %dma_start3A_98] : memref<10240x144xf32, #tpu.memory_space<hbm>> -> memref<128x144xf32, #tpu.memory_space<hbm>>
      %dma_start3A_100 = arith.constant 0 : i32
      %dma_start3A_101 = tpu.memref_slice %arg19[%add3A_93, %dma_start3A_100] : memref<10240x144xf32, #tpu.memory_space<vmem_shared>> -> memref<128x144xf32, #tpu.memory_space<vmem_shared>>
      tpu.enqueue_dma source(%dma_start3A_101 : memref<128x144xf32, #tpu.memory_space<vmem_shared>>) target(%dma_start3A_99 : memref<128x144xf32, #tpu.memory_space<hbm>>) target_semaphore(%run_scoped3A : memref<!tpu.dma_semaphore, #tpu.memory_space<semaphore_mem>>)
      %dma_wait3A_102 = arith.constant 0 : i32
      %dma_wait3A_103 = arith.constant 0 : i32
      %dma_wait3A_104 = tpu.memref_slice %arg6[%arg0, %dma_wait3A_102, %dma_wait3A_103] : memref<2x10240x144xf32, #tpu.memory_space<hbm>> -> memref<1x10240x144xf32, #tpu.memory_space<hbm>>
      %dma_wait3A_105 = tpu.memref_squeeze %dma_wait3A_104 : memref<1x10240x144xf32, #tpu.memory_space<hbm>> -> memref<10240x144xf32, #tpu.memory_space<hbm>>
      %dma_wait3A_106 = arith.constant 0 : i32
      %dma_wait3A_107 = tpu.memref_slice %dma_wait3A_105[%add3A_93, %dma_wait3A_106] : memref<10240x144xf32, #tpu.memory_space<hbm>> -> memref<128x144xf32, #tpu.memory_space<hbm>>
      %dma_wait3A_108 = arith.constant 0 : i32
      %dma_wait3A_109 = tpu.memref_slice %arg19[%add3A_93, %dma_wait3A_108] : memref<10240x144xf32, #tpu.memory_space<vmem_shared>> -> memref<128x144xf32, #tpu.memory_space<vmem_shared>>
      tpu.wait_dma2 semaphore(%run_scoped3A : memref<!tpu.dma_semaphore, #tpu.memory_space<semaphore_mem>>) src(%dma_wait3A_109 : memref<128x144xf32, #tpu.memory_space<vmem_shared>>) dst(%dma_wait3A_107 : memref<128x144xf32, #tpu.memory_space<hbm>>)
      tpu.yield
    }) : () -> ()
    return
  }
}

#map = affine_map<(d0, d1) -> (0)>
module attributes {stable_mosaic.version = 14 : i64} {
  func.func @score_kernel(%arg0: i32, %arg1: i32, %arg2: memref<10000xf32, #tpu.memory_space<hbm>>, %arg3: memref<10000xf32, #tpu.memory_space<hbm>>, %arg4: memref<327680xi32, #tpu.memory_space<hbm>>, %arg5: memref<327680xi32, #tpu.memory_space<hbm>>, %arg6: memref<327680xf32, #tpu.memory_space<hbm>>, %arg7: memref<10000xf32, #tpu.memory_space<vmem>>, %arg8: memref<10000xf32, #tpu.memory_space<vmem>>, %arg9: memref<512xi32, #tpu.memory_space<vmem>>, %arg10: memref<512xi32, #tpu.memory_space<vmem>>, %arg11: memref<512xi32, #tpu.memory_space<vmem>>, %arg12: memref<512xi32, #tpu.memory_space<vmem>>, %arg13: memref<512xf32, #tpu.memory_space<vmem>>, %arg14: memref<512xf32, #tpu.memory_space<vmem>>, %arg15: memref<!tpu.dma_semaphore, #tpu.memory_space<semaphore_mem>>, %arg16: memref<!tpu.dma_semaphore, #tpu.memory_space<semaphore_mem>>) attributes {dimension_semantics = [#tpu.dimension_semantics<core_parallel>, #tpu.dimension_semantics<subcore_parallel>], iteration_bounds = array<i64: 2, 16>, scalar_prefetch = 0 : i64, scratch_operands = 10 : i64, tpu.core_type = #tpu.core_type<sc_vector_subcore>, window_params = [{transform_indices = #map}, {transform_indices = #map}, {transform_indices = #map}, {transform_indices = #map}, {transform_indices = #map}]} {
    %mul3A = arith.constant 2 : i32
    %mul3A_0 = arith.muli %arg1, %mul3A : i32
    %add3A = arith.addi %mul3A_0, %arg0 : i32
    "tpu.region"() ({
      %run_scoped3A = tpu.sem_alloc : memref<!tpu.dma_semaphore, #tpu.memory_space<semaphore_mem>>
      tpu.enqueue_dma source(%arg2 : memref<10000xf32, #tpu.memory_space<hbm>>) target(%arg7 : memref<10000xf32, #tpu.memory_space<vmem>>) target_semaphore(%run_scoped3A : memref<!tpu.dma_semaphore, #tpu.memory_space<semaphore_mem>>)
      tpu.wait_dma2 semaphore(%run_scoped3A : memref<!tpu.dma_semaphore, #tpu.memory_space<semaphore_mem>>) src(%arg2 : memref<10000xf32, #tpu.memory_space<hbm>>) dst(%arg7 : memref<10000xf32, #tpu.memory_space<vmem>>)
      tpu.yield
    }) : () -> ()
    "tpu.region"() ({
      %run_scoped3A = tpu.sem_alloc : memref<!tpu.dma_semaphore, #tpu.memory_space<semaphore_mem>>
      tpu.enqueue_dma source(%arg3 : memref<10000xf32, #tpu.memory_space<hbm>>) target(%arg8 : memref<10000xf32, #tpu.memory_space<vmem>>) target_semaphore(%run_scoped3A : memref<!tpu.dma_semaphore, #tpu.memory_space<semaphore_mem>>)
      tpu.wait_dma2 semaphore(%run_scoped3A : memref<!tpu.dma_semaphore, #tpu.memory_space<semaphore_mem>>) src(%arg3 : memref<10000xf32, #tpu.memory_space<hbm>>) dst(%arg8 : memref<10000xf32, #tpu.memory_space<vmem>>)
      tpu.yield
    }) : () -> ()
    %mul3A_1 = arith.constant 10240 : i32
    %mul3A_2 = arith.muli %add3A, %mul3A_1 : i32
    %add3A_3 = arith.constant 0 : i32
    %add3A_4 = arith.addi %mul3A_2, %add3A_3 : i32
    %dma_start3A = tpu.memref_slice %arg4[%add3A_4] : memref<327680xi32, #tpu.memory_space<hbm>> -> memref<512xi32, #tpu.memory_space<hbm>>
    %dma_start3A_5 = tpu.memref_slice %arg4[%add3A_4] : memref<327680xi32, #tpu.memory_space<hbm>> -> memref<512xi32, #tpu.memory_space<hbm>>
    tpu.enqueue_dma source(%dma_start3A_5 : memref<512xi32, #tpu.memory_space<hbm>>) target(%arg9 : memref<512xi32, #tpu.memory_space<vmem>>) target_semaphore(%arg15 : memref<!tpu.dma_semaphore, #tpu.memory_space<semaphore_mem>>)
    %dma_start3A_6 = tpu.memref_slice %arg5[%add3A_4] : memref<327680xi32, #tpu.memory_space<hbm>> -> memref<512xi32, #tpu.memory_space<hbm>>
    %dma_start3A_7 = tpu.memref_slice %arg5[%add3A_4] : memref<327680xi32, #tpu.memory_space<hbm>> -> memref<512xi32, #tpu.memory_space<hbm>>
    tpu.enqueue_dma source(%dma_start3A_7 : memref<512xi32, #tpu.memory_space<hbm>>) target(%arg11 : memref<512xi32, #tpu.memory_space<vmem>>) target_semaphore(%arg15 : memref<!tpu.dma_semaphore, #tpu.memory_space<semaphore_mem>>)
    %scan3A = arith.constant 0 : i32
    %scan3A_8 = arith.constant 10 : i32
    %scan3A_9 = arith.addi %scan3A, %scan3A_8 : i32
    %scan3A_10 = arith.constant 1 : i32
    scf.for %scan3A_12 = %scan3A to %scan3A_9 step %scan3A_10  : i32 {
      %mul3A_13 = arith.constant 2 : i32
      %mul3A_14 = arith.muli %scan3A_12, %mul3A_13 : i32
      %add3A_15 = arith.constant 0 : i32
      %add3A_16 = arith.addi %add3A_15, %mul3A_14 : i32
      %add3A_17 = arith.constant 1 : i32
      %add3A_18 = arith.addi %add3A_16, %add3A_17 : i32
      %mul3A_19 = arith.constant 10240 : i32
      %mul3A_20 = arith.muli %add3A, %mul3A_19 : i32
      %mul3A_21 = arith.constant 512 : i32
      %mul3A_22 = arith.muli %add3A_18, %mul3A_21 : i32
      %add3A_23 = arith.addi %mul3A_20, %mul3A_22 : i32
      %dma_start3A_24 = tpu.memref_slice %arg4[%add3A_23] : memref<327680xi32, #tpu.memory_space<hbm>> -> memref<512xi32, #tpu.memory_space<hbm>>
      %dma_start3A_25 = tpu.memref_slice %arg4[%add3A_23] : memref<327680xi32, #tpu.memory_space<hbm>> -> memref<512xi32, #tpu.memory_space<hbm>>
      tpu.enqueue_dma source(%dma_start3A_25 : memref<512xi32, #tpu.memory_space<hbm>>) target(%arg10 : memref<512xi32, #tpu.memory_space<vmem>>) target_semaphore(%arg16 : memref<!tpu.dma_semaphore, #tpu.memory_space<semaphore_mem>>)
      %dma_start3A_26 = tpu.memref_slice %arg5[%add3A_23] : memref<327680xi32, #tpu.memory_space<hbm>> -> memref<512xi32, #tpu.memory_space<hbm>>
      %dma_start3A_27 = tpu.memref_slice %arg5[%add3A_23] : memref<327680xi32, #tpu.memory_space<hbm>> -> memref<512xi32, #tpu.memory_space<hbm>>
      tpu.enqueue_dma source(%dma_start3A_27 : memref<512xi32, #tpu.memory_space<hbm>>) target(%arg12 : memref<512xi32, #tpu.memory_space<vmem>>) target_semaphore(%arg16 : memref<!tpu.dma_semaphore, #tpu.memory_space<semaphore_mem>>)
      %mul3A_28 = arith.constant 10240 : i32
      %mul3A_29 = arith.muli %add3A, %mul3A_28 : i32
      %mul3A_30 = arith.constant 512 : i32
      %mul3A_31 = arith.muli %add3A_16, %mul3A_30 : i32
      %add3A_32 = arith.addi %mul3A_29, %mul3A_31 : i32
      %dma_wait3A = tpu.memref_slice %arg4[%add3A_32] : memref<327680xi32, #tpu.memory_space<hbm>> -> memref<512xi32, #tpu.memory_space<hbm>>
      %dma_wait3A_33 = tpu.memref_slice %arg4[%add3A_32] : memref<327680xi32, #tpu.memory_space<hbm>> -> memref<512xi32, #tpu.memory_space<hbm>>
      tpu.wait_dma2 semaphore(%arg15 : memref<!tpu.dma_semaphore, #tpu.memory_space<semaphore_mem>>) src(%dma_wait3A_33 : memref<512xi32, #tpu.memory_space<hbm>>) dst(%arg9 : memref<512xi32, #tpu.memory_space<vmem>>)
      %dma_wait3A_34 = tpu.memref_slice %arg5[%add3A_32] : memref<327680xi32, #tpu.memory_space<hbm>> -> memref<512xi32, #tpu.memory_space<hbm>>
      %dma_wait3A_35 = tpu.memref_slice %arg5[%add3A_32] : memref<327680xi32, #tpu.memory_space<hbm>> -> memref<512xi32, #tpu.memory_space<hbm>>
      tpu.wait_dma2 semaphore(%arg15 : memref<!tpu.dma_semaphore, #tpu.memory_space<semaphore_mem>>) src(%dma_wait3A_35 : memref<512xi32, #tpu.memory_space<hbm>>) dst(%arg11 : memref<512xi32, #tpu.memory_space<vmem>>)
      %scan3A_36 = arith.constant 0 : i32
      %scan3A_37 = arith.constant 32 : i32
      %scan3A_38 = arith.addi %scan3A_36, %scan3A_37 : i32
      %scan3A_39 = arith.constant 4 : i32
      scf.for %scan3A_61 = %scan3A_36 to %scan3A_38 step %scan3A_39  : i32 {
        %mul3A_62 = arith.constant 1 : i32
        %mul3A_63 = arith.muli %scan3A_61, %mul3A_62 : i32
        %add3A_64 = arith.constant 0 : i32
        %add3A_65 = arith.addi %add3A_64, %mul3A_63 : i32
        %mul3A_66 = arith.constant 16 : i32
        %mul3A_67 = arith.muli %add3A_65, %mul3A_66 : i32
        %get3A = arith.index_cast %mul3A_67 : i32 to index
        %get3A_68 = tpu.vector_load %arg9[%get3A] {strides = array<i32>} : memref<512xi32, #tpu.memory_space<vmem>>, vector<16xi32>,
        %mul3A_69 = arith.constant 16 : i32
        %mul3A_70 = arith.muli %add3A_65, %mul3A_69 : i32
        %get3A_71 = arith.index_cast %mul3A_70 : i32 to index
        %get3A_72 = tpu.vector_load %arg11[%get3A_71] {strides = array<i32>} : memref<512xi32, #tpu.memory_space<vmem>>, vector<16xi32>,
        %gather3A = tpu.vector_load_idx %arg7[%get3A_68] : memref<10000xf32, #tpu.memory_space<vmem>>[vector<16xi32>], vector<16xf32>,
        %gather3A_73 = tpu.vector_load_idx %arg8[%get3A_72] : memref<10000xf32, #tpu.memory_space<vmem>>[vector<16xi32>], vector<16xf32>,
        %add3A_74 = arith.addf %gather3A, %gather3A_73 : vector<16xf32>
        %mul3A_75 = arith.constant 2.000000e-01 : f32
        %mul3A_76 = vector.broadcast %mul3A_75 : f32 to vector<16xf32>
        %mul3A_77 = arith.mulf %mul3A_76, %add3A_74 : vector<16xf32>
        %max3A = arith.maximumf %add3A_74, %mul3A_77 : vector<16xf32>
        %exp3A = math.exp %max3A : vector<16xf32>
        %mul3A_78 = arith.constant 16 : i32
        %mul3A_79 = arith.muli %add3A_65, %mul3A_78 : i32
        %swap3A = arith.index_cast %mul3A_79 : i32 to index
        %swap3A_80 = tpu.vector_load %arg13[%swap3A] {strides = array<i32>} : memref<512xf32, #tpu.memory_space<vmem>>, vector<16xf32>,
        tpu.vector_store %arg13[%swap3A], %exp3A {strides = array<i32>} : memref<512xf32, #tpu.memory_space<vmem>>, vector<16xf32>,
        %scan3A_81 = arith.constant 1 : i32
        %scan3A_82 = arith.addi %scan3A_61, %scan3A_81 : i32
        %mul3A_83 = arith.constant 1 : i32
        %mul3A_84 = arith.muli %scan3A_82, %mul3A_83 : i32
        %add3A_85 = arith.constant 0 : i32
        %add3A_86 = arith.addi %add3A_85, %mul3A_84 : i32
        %mul3A_87 = arith.constant 16 : i32
        %mul3A_88 = arith.muli %add3A_86, %mul3A_87 : i32
        %get3A_89 = arith.index_cast %mul3A_88 : i32 to index
        %get3A_90 = tpu.vector_load %arg9[%get3A_89] {strides = array<i32>} : memref<512xi32, #tpu.memory_space<vmem>>, vector<16xi32>,
        %mul3A_91 = arith.constant 16 : i32
        %mul3A_92 = arith.muli %add3A_86, %mul3A_91 : i32
        %get3A_93 = arith.index_cast %mul3A_92 : i32 to index
        %get3A_94 = tpu.vector_load %arg11[%get3A_93] {strides = array<i32>} : memref<512xi32, #tpu.memory_space<vmem>>, vector<16xi32>,
        %gather3A_95 = tpu.vector_load_idx %arg7[%get3A_90] : memref<10000xf32, #tpu.memory_space<vmem>>[vector<16xi32>], vector<16xf32>,
        %gather3A_96 = tpu.vector_load_idx %arg8[%get3A_94] : memref<10000xf32, #tpu.memory_space<vmem>>[vector<16xi32>], vector<16xf32>,
        %add3A_97 = arith.addf %gather3A_95, %gather3A_96 : vector<16xf32>
        %mul3A_98 = arith.constant 2.000000e-01 : f32
        %mul3A_99 = vector.broadcast %mul3A_98 : f32 to vector<16xf32>
        %mul3A_100 = arith.mulf %mul3A_99, %add3A_97 : vector<16xf32>
        %max3A_101 = arith.maximumf %add3A_97, %mul3A_100 : vector<16xf32>
        %exp3A_102 = math.exp %max3A_101 : vector<16xf32>
        %mul3A_103 = arith.constant 16 : i32
        %mul3A_104 = arith.muli %add3A_86, %mul3A_103 : i32
        %swap3A_105 = arith.index_cast %mul3A_104 : i32 to index
        %swap3A_106 = tpu.vector_load %arg13[%swap3A_105] {strides = array<i32>} : memref<512xf32, #tpu.memory_space<vmem>>, vector<16xf32>,
        tpu.vector_store %arg13[%swap3A_105], %exp3A_102 {strides = array<i32>} : memref<512xf32, #tpu.memory_space<vmem>>, vector<16xf32>,
        %scan3A_107 = arith.constant 2 : i32
        %scan3A_108 = arith.addi %scan3A_61, %scan3A_107 : i32
        %mul3A_109 = arith.constant 1 : i32
        %mul3A_110 = arith.muli %scan3A_108, %mul3A_109 : i32
        %add3A_111 = arith.constant 0 : i32
        %add3A_112 = arith.addi %add3A_111, %mul3A_110 : i32
        %mul3A_113 = arith.constant 16 : i32
        %mul3A_114 = arith.muli %add3A_112, %mul3A_113 : i32
        %get3A_115 = arith.index_cast %mul3A_114 : i32 to index
        %get3A_116 = tpu.vector_load %arg9[%get3A_115] {strides = array<i32>} : memref<512xi32, #tpu.memory_space<vmem>>, vector<16xi32>,
        %mul3A_117 = arith.constant 16 : i32
        %mul3A_118 = arith.muli %add3A_112, %mul3A_117 : i32
        %get3A_119 = arith.index_cast %mul3A_118 : i32 to index
        %get3A_120 = tpu.vector_load %arg11[%get3A_119] {strides = array<i32>} : memref<512xi32, #tpu.memory_space<vmem>>, vector<16xi32>,
        %gather3A_121 = tpu.vector_load_idx %arg7[%get3A_116] : memref<10000xf32, #tpu.memory_space<vmem>>[vector<16xi32>], vector<16xf32>,
        %gather3A_122 = tpu.vector_load_idx %arg8[%get3A_120] : memref<10000xf32, #tpu.memory_space<vmem>>[vector<16xi32>], vector<16xf32>,
        %add3A_123 = arith.addf %gather3A_121, %gather3A_122 : vector<16xf32>
        %mul3A_124 = arith.constant 2.000000e-01 : f32
        %mul3A_125 = vector.broadcast %mul3A_124 : f32 to vector<16xf32>
        %mul3A_126 = arith.mulf %mul3A_125, %add3A_123 : vector<16xf32>
        %max3A_127 = arith.maximumf %add3A_123, %mul3A_126 : vector<16xf32>
        %exp3A_128 = math.exp %max3A_127 : vector<16xf32>
        %mul3A_129 = arith.constant 16 : i32
        %mul3A_130 = arith.muli %add3A_112, %mul3A_129 : i32
        %swap3A_131 = arith.index_cast %mul3A_130 : i32 to index
        %swap3A_132 = tpu.vector_load %arg13[%swap3A_131] {strides = array<i32>} : memref<512xf32, #tpu.memory_space<vmem>>, vector<16xf32>,
        tpu.vector_store %arg13[%swap3A_131], %exp3A_128 {strides = array<i32>} : memref<512xf32, #tpu.memory_space<vmem>>, vector<16xf32>,
        %scan3A_133 = arith.constant 3 : i32
        %scan3A_134 = arith.addi %scan3A_61, %scan3A_133 : i32
        %mul3A_135 = arith.constant 1 : i32
        %mul3A_136 = arith.muli %scan3A_134, %mul3A_135 : i32
        %add3A_137 = arith.constant 0 : i32
        %add3A_138 = arith.addi %add3A_137, %mul3A_136 : i32
        %mul3A_139 = arith.constant 16 : i32
        %mul3A_140 = arith.muli %add3A_138, %mul3A_139 : i32
        %get3A_141 = arith.index_cast %mul3A_140 : i32 to index
        %get3A_142 = tpu.vector_load %arg9[%get3A_141] {strides = array<i32>} : memref<512xi32, #tpu.memory_space<vmem>>, vector<16xi32>,
        %mul3A_143 = arith.constant 16 : i32
        %mul3A_144 = arith.muli %add3A_138, %mul3A_143 : i32
        %get3A_145 = arith.index_cast %mul3A_144 : i32 to index
        %get3A_146 = tpu.vector_load %arg11[%get3A_145] {strides = array<i32>} : memref<512xi32, #tpu.memory_space<vmem>>, vector<16xi32>,
        %gather3A_147 = tpu.vector_load_idx %arg7[%get3A_142] : memref<10000xf32, #tpu.memory_space<vmem>>[vector<16xi32>], vector<16xf32>,
        %gather3A_148 = tpu.vector_load_idx %arg8[%get3A_146] : memref<10000xf32, #tpu.memory_space<vmem>>[vector<16xi32>], vector<16xf32>,
        %add3A_149 = arith.addf %gather3A_147, %gather3A_148 : vector<16xf32>
        %mul3A_150 = arith.constant 2.000000e-01 : f32
        %mul3A_151 = vector.broadcast %mul3A_150 : f32 to vector<16xf32>
        %mul3A_152 = arith.mulf %mul3A_151, %add3A_149 : vector<16xf32>
        %max3A_153 = arith.maximumf %add3A_149, %mul3A_152 : vector<16xf32>
        %exp3A_154 = math.exp %max3A_153 : vector<16xf32>
        %mul3A_155 = arith.constant 16 : i32
        %mul3A_156 = arith.muli %add3A_138, %mul3A_155 : i32
        %swap3A_157 = arith.index_cast %mul3A_156 : i32 to index
        %swap3A_158 = tpu.vector_load %arg13[%swap3A_157] {strides = array<i32>} : memref<512xf32, #tpu.memory_space<vmem>>, vector<16xf32>,
        tpu.vector_store %arg13[%swap3A_157], %exp3A_154 {strides = array<i32>} : memref<512xf32, #tpu.memory_space<vmem>>, vector<16xf32>,
      }
      %scan3A_40 = arith.constant 32 : i32
      "tpu.region"() ({
        %run_scoped3A = tpu.sem_alloc : memref<!tpu.dma_semaphore, #tpu.memory_space<semaphore_mem>>
        %dma_start3A_61 = tpu.memref_slice %arg6[%add3A_32] : memref<327680xf32, #tpu.memory_space<hbm>> -> memref<512xf32, #tpu.memory_space<hbm>>
        %dma_start3A_62 = tpu.memref_slice %arg6[%add3A_32] : memref<327680xf32, #tpu.memory_space<hbm>> -> memref<512xf32, #tpu.memory_space<hbm>>
        tpu.enqueue_dma source(%arg13 : memref<512xf32, #tpu.memory_space<vmem>>) target(%dma_start3A_62 : memref<512xf32, #tpu.memory_space<hbm>>) target_semaphore(%run_scoped3A : memref<!tpu.dma_semaphore, #tpu.memory_space<semaphore_mem>>)
        %dma_wait3A_63 = tpu.memref_slice %arg6[%add3A_32] : memref<327680xf32, #tpu.memory_space<hbm>> -> memref<512xf32, #tpu.memory_space<hbm>>
        %dma_wait3A_64 = tpu.memref_slice %arg6[%add3A_32] : memref<327680xf32, #tpu.memory_space<hbm>> -> memref<512xf32, #tpu.memory_space<hbm>>
        tpu.wait_dma2 semaphore(%run_scoped3A : memref<!tpu.dma_semaphore, #tpu.memory_space<semaphore_mem>>) src(%arg13 : memref<512xf32, #tpu.memory_space<vmem>>) dst(%dma_wait3A_64 : memref<512xf32, #tpu.memory_space<hbm>>)
        tpu.yield
      }) : () -> ()
      %add3A_41 = arith.constant 2 : i32
      %add3A_42 = arith.addi %add3A_16, %add3A_41 : i32
      %lt3A = arith.constant 20 : i32
      %lt3A_43 = arith.cmpi slt, %add3A_42, %lt3A : i32
      %convert_element_type3A = arith.extui %lt3A_43 : i1 to i32
      %cond3A = arith.constant 0 : i32
      %cond3A_44 = arith.cmpi ne, %convert_element_type3A, %cond3A : i32
      scf.if %cond3A_44 {
        %add3A_61 = arith.constant 2 : i32
        %add3A_62 = arith.addi %add3A_16, %add3A_61 : i32
        %mul3A_63 = arith.constant 10240 : i32
        %mul3A_64 = arith.muli %add3A, %mul3A_63 : i32
        %mul3A_65 = arith.constant 512 : i32
        %mul3A_66 = arith.muli %add3A_62, %mul3A_65 : i32
        %add3A_67 = arith.addi %mul3A_64, %mul3A_66 : i32
        %dma_start3A_68 = tpu.memref_slice %arg4[%add3A_67] : memref<327680xi32, #tpu.memory_space<hbm>> -> memref<512xi32, #tpu.memory_space<hbm>>
        %dma_start3A_69 = tpu.memref_slice %arg4[%add3A_67] : memref<327680xi32, #tpu.memory_space<hbm>> -> memref<512xi32, #tpu.memory_space<hbm>>
        tpu.enqueue_dma source(%dma_start3A_69 : memref<512xi32, #tpu.memory_space<hbm>>) target(%arg9 : memref<512xi32, #tpu.memory_space<vmem>>) target_semaphore(%arg15 : memref<!tpu.dma_semaphore, #tpu.memory_space<semaphore_mem>>)
        %dma_start3A_70 = tpu.memref_slice %arg5[%add3A_67] : memref<327680xi32, #tpu.memory_space<hbm>> -> memref<512xi32, #tpu.memory_space<hbm>>
        %dma_start3A_71 = tpu.memref_slice %arg5[%add3A_67] : memref<327680xi32, #tpu.memory_space<hbm>> -> memref<512xi32, #tpu.memory_space<hbm>>
        tpu.enqueue_dma source(%dma_start3A_71 : memref<512xi32, #tpu.memory_space<hbm>>) target(%arg11 : memref<512xi32, #tpu.memory_space<vmem>>) target_semaphore(%arg15 : memref<!tpu.dma_semaphore, #tpu.memory_space<semaphore_mem>>)
      } else {
      }
      %add3A_45 = arith.constant 1 : i32
      %add3A_46 = arith.addi %add3A_16, %add3A_45 : i32
      %mul3A_47 = arith.constant 10240 : i32
      %mul3A_48 = arith.muli %add3A, %mul3A_47 : i32
      %mul3A_49 = arith.constant 512 : i32
      %mul3A_50 = arith.muli %add3A_46, %mul3A_49 : i32
      %add3A_51 = arith.addi %mul3A_48, %mul3A_50 : i32
      %dma_wait3A_52 = tpu.memref_slice %arg4[%add3A_51] : memref<327680xi32, #tpu.memory_space<hbm>> -> memref<512xi32, #tpu.memory_space<hbm>>
      %dma_wait3A_53 = tpu.memref_slice %arg4[%add3A_51] : memref<327680xi32, #tpu.memory_space<hbm>> -> memref<512xi32, #tpu.memory_space<hbm>>
      tpu.wait_dma2 semaphore(%arg16 : memref<!tpu.dma_semaphore, #tpu.memory_space<semaphore_mem>>) src(%dma_wait3A_53 : memref<512xi32, #tpu.memory_space<hbm>>) dst(%arg10 : memref<512xi32, #tpu.memory_space<vmem>>)
      %dma_wait3A_54 = tpu.memref_slice %arg5[%add3A_51] : memref<327680xi32, #tpu.memory_space<hbm>> -> memref<512xi32, #tpu.memory_space<hbm>>
      %dma_wait3A_55 = tpu.memref_slice %arg5[%add3A_51] : memref<327680xi32, #tpu.memory_space<hbm>> -> memref<512xi32, #tpu.memory_space<hbm>>
      tpu.wait_dma2 semaphore(%arg16 : memref<!tpu.dma_semaphore, #tpu.memory_space<semaphore_mem>>) src(%dma_wait3A_55 : memref<512xi32, #tpu.memory_space<hbm>>) dst(%arg12 : memref<512xi32, #tpu.memory_space<vmem>>)
      %scan3A_56 = arith.constant 0 : i32
      %scan3A_57 = arith.constant 32 : i32
      %scan3A_58 = arith.addi %scan3A_56, %scan3A_57 : i32
      %scan3A_59 = arith.constant 4 : i32
      scf.for %scan3A_61 = %scan3A_56 to %scan3A_58 step %scan3A_59  : i32 {
        %mul3A_62 = arith.constant 1 : i32
        %mul3A_63 = arith.muli %scan3A_61, %mul3A_62 : i32
        %add3A_64 = arith.constant 0 : i32
        %add3A_65 = arith.addi %add3A_64, %mul3A_63 : i32
        %mul3A_66 = arith.constant 16 : i32
        %mul3A_67 = arith.muli %add3A_65, %mul3A_66 : i32
        %get3A = arith.index_cast %mul3A_67 : i32 to index
        %get3A_68 = tpu.vector_load %arg10[%get3A] {strides = array<i32>} : memref<512xi32, #tpu.memory_space<vmem>>, vector<16xi32>,
        %mul3A_69 = arith.constant 16 : i32
        %mul3A_70 = arith.muli %add3A_65, %mul3A_69 : i32
        %get3A_71 = arith.index_cast %mul3A_70 : i32 to index
        %get3A_72 = tpu.vector_load %arg12[%get3A_71] {strides = array<i32>} : memref<512xi32, #tpu.memory_space<vmem>>, vector<16xi32>,
        %gather3A = tpu.vector_load_idx %arg7[%get3A_68] : memref<10000xf32, #tpu.memory_space<vmem>>[vector<16xi32>], vector<16xf32>,
        %gather3A_73 = tpu.vector_load_idx %arg8[%get3A_72] : memref<10000xf32, #tpu.memory_space<vmem>>[vector<16xi32>], vector<16xf32>,
        %add3A_74 = arith.addf %gather3A, %gather3A_73 : vector<16xf32>
        %mul3A_75 = arith.constant 2.000000e-01 : f32
        %mul3A_76 = vector.broadcast %mul3A_75 : f32 to vector<16xf32>
        %mul3A_77 = arith.mulf %mul3A_76, %add3A_74 : vector<16xf32>
        %max3A = arith.maximumf %add3A_74, %mul3A_77 : vector<16xf32>
        %exp3A = math.exp %max3A : vector<16xf32>
        %mul3A_78 = arith.constant 16 : i32
        %mul3A_79 = arith.muli %add3A_65, %mul3A_78 : i32
        %swap3A = arith.index_cast %mul3A_79 : i32 to index
        %swap3A_80 = tpu.vector_load %arg14[%swap3A] {strides = array<i32>} : memref<512xf32, #tpu.memory_space<vmem>>, vector<16xf32>,
        tpu.vector_store %arg14[%swap3A], %exp3A {strides = array<i32>} : memref<512xf32, #tpu.memory_space<vmem>>, vector<16xf32>,
        %scan3A_81 = arith.constant 1 : i32
        %scan3A_82 = arith.addi %scan3A_61, %scan3A_81 : i32
        %mul3A_83 = arith.constant 1 : i32
        %mul3A_84 = arith.muli %scan3A_82, %mul3A_83 : i32
        %add3A_85 = arith.constant 0 : i32
        %add3A_86 = arith.addi %add3A_85, %mul3A_84 : i32
        %mul3A_87 = arith.constant 16 : i32
        %mul3A_88 = arith.muli %add3A_86, %mul3A_87 : i32
        %get3A_89 = arith.index_cast %mul3A_88 : i32 to index
        %get3A_90 = tpu.vector_load %arg10[%get3A_89] {strides = array<i32>} : memref<512xi32, #tpu.memory_space<vmem>>, vector<16xi32>,
        %mul3A_91 = arith.constant 16 : i32
        %mul3A_92 = arith.muli %add3A_86, %mul3A_91 : i32
        %get3A_93 = arith.index_cast %mul3A_92 : i32 to index
        %get3A_94 = tpu.vector_load %arg12[%get3A_93] {strides = array<i32>} : memref<512xi32, #tpu.memory_space<vmem>>, vector<16xi32>,
        %gather3A_95 = tpu.vector_load_idx %arg7[%get3A_90] : memref<10000xf32, #tpu.memory_space<vmem>>[vector<16xi32>], vector<16xf32>,
        %gather3A_96 = tpu.vector_load_idx %arg8[%get3A_94] : memref<10000xf32, #tpu.memory_space<vmem>>[vector<16xi32>], vector<16xf32>,
        %add3A_97 = arith.addf %gather3A_95, %gather3A_96 : vector<16xf32>
        %mul3A_98 = arith.constant 2.000000e-01 : f32
        %mul3A_99 = vector.broadcast %mul3A_98 : f32 to vector<16xf32>
        %mul3A_100 = arith.mulf %mul3A_99, %add3A_97 : vector<16xf32>
        %max3A_101 = arith.maximumf %add3A_97, %mul3A_100 : vector<16xf32>
        %exp3A_102 = math.exp %max3A_101 : vector<16xf32>
        %mul3A_103 = arith.constant 16 : i32
        %mul3A_104 = arith.muli %add3A_86, %mul3A_103 : i32
        %swap3A_105 = arith.index_cast %mul3A_104 : i32 to index
        %swap3A_106 = tpu.vector_load %arg14[%swap3A_105] {strides = array<i32>} : memref<512xf32, #tpu.memory_space<vmem>>, vector<16xf32>,
        tpu.vector_store %arg14[%swap3A_105], %exp3A_102 {strides = array<i32>} : memref<512xf32, #tpu.memory_space<vmem>>, vector<16xf32>,
        %scan3A_107 = arith.constant 2 : i32
        %scan3A_108 = arith.addi %scan3A_61, %scan3A_107 : i32
        %mul3A_109 = arith.constant 1 : i32
        %mul3A_110 = arith.muli %scan3A_108, %mul3A_109 : i32
        %add3A_111 = arith.constant 0 : i32
        %add3A_112 = arith.addi %add3A_111, %mul3A_110 : i32
        %mul3A_113 = arith.constant 16 : i32
        %mul3A_114 = arith.muli %add3A_112, %mul3A_113 : i32
        %get3A_115 = arith.index_cast %mul3A_114 : i32 to index
        %get3A_116 = tpu.vector_load %arg10[%get3A_115] {strides = array<i32>} : memref<512xi32, #tpu.memory_space<vmem>>, vector<16xi32>,
        %mul3A_117 = arith.constant 16 : i32
        %mul3A_118 = arith.muli %add3A_112, %mul3A_117 : i32
        %get3A_119 = arith.index_cast %mul3A_118 : i32 to index
        %get3A_120 = tpu.vector_load %arg12[%get3A_119] {strides = array<i32>} : memref<512xi32, #tpu.memory_space<vmem>>, vector<16xi32>,
        %gather3A_121 = tpu.vector_load_idx %arg7[%get3A_116] : memref<10000xf32, #tpu.memory_space<vmem>>[vector<16xi32>], vector<16xf32>,
        %gather3A_122 = tpu.vector_load_idx %arg8[%get3A_120] : memref<10000xf32, #tpu.memory_space<vmem>>[vector<16xi32>], vector<16xf32>,
        %add3A_123 = arith.addf %gather3A_121, %gather3A_122 : vector<16xf32>
        %mul3A_124 = arith.constant 2.000000e-01 : f32
        %mul3A_125 = vector.broadcast %mul3A_124 : f32 to vector<16xf32>
        %mul3A_126 = arith.mulf %mul3A_125, %add3A_123 : vector<16xf32>
        %max3A_127 = arith.maximumf %add3A_123, %mul3A_126 : vector<16xf32>
        %exp3A_128 = math.exp %max3A_127 : vector<16xf32>
        %mul3A_129 = arith.constant 16 : i32
        %mul3A_130 = arith.muli %add3A_112, %mul3A_129 : i32
        %swap3A_131 = arith.index_cast %mul3A_130 : i32 to index
        %swap3A_132 = tpu.vector_load %arg14[%swap3A_131] {strides = array<i32>} : memref<512xf32, #tpu.memory_space<vmem>>, vector<16xf32>,
        tpu.vector_store %arg14[%swap3A_131], %exp3A_128 {strides = array<i32>} : memref<512xf32, #tpu.memory_space<vmem>>, vector<16xf32>,
        %scan3A_133 = arith.constant 3 : i32
        %scan3A_134 = arith.addi %scan3A_61, %scan3A_133 : i32
        %mul3A_135 = arith.constant 1 : i32
        %mul3A_136 = arith.muli %scan3A_134, %mul3A_135 : i32
        %add3A_137 = arith.constant 0 : i32
        %add3A_138 = arith.addi %add3A_137, %mul3A_136 : i32
        %mul3A_139 = arith.constant 16 : i32
        %mul3A_140 = arith.muli %add3A_138, %mul3A_139 : i32
        %get3A_141 = arith.index_cast %mul3A_140 : i32 to index
        %get3A_142 = tpu.vector_load %arg10[%get3A_141] {strides = array<i32>} : memref<512xi32, #tpu.memory_space<vmem>>, vector<16xi32>,
        %mul3A_143 = arith.constant 16 : i32
        %mul3A_144 = arith.muli %add3A_138, %mul3A_143 : i32
        %get3A_145 = arith.index_cast %mul3A_144 : i32 to index
        %get3A_146 = tpu.vector_load %arg12[%get3A_145] {strides = array<i32>} : memref<512xi32, #tpu.memory_space<vmem>>, vector<16xi32>,
        %gather3A_147 = tpu.vector_load_idx %arg7[%get3A_142] : memref<10000xf32, #tpu.memory_space<vmem>>[vector<16xi32>], vector<16xf32>,
        %gather3A_148 = tpu.vector_load_idx %arg8[%get3A_146] : memref<10000xf32, #tpu.memory_space<vmem>>[vector<16xi32>], vector<16xf32>,
        %add3A_149 = arith.addf %gather3A_147, %gather3A_148 : vector<16xf32>
        %mul3A_150 = arith.constant 2.000000e-01 : f32
        %mul3A_151 = vector.broadcast %mul3A_150 : f32 to vector<16xf32>
        %mul3A_152 = arith.mulf %mul3A_151, %add3A_149 : vector<16xf32>
        %max3A_153 = arith.maximumf %add3A_149, %mul3A_152 : vector<16xf32>
        %exp3A_154 = math.exp %max3A_153 : vector<16xf32>
        %mul3A_155 = arith.constant 16 : i32
        %mul3A_156 = arith.muli %add3A_138, %mul3A_155 : i32
        %swap3A_157 = arith.index_cast %mul3A_156 : i32 to index
        %swap3A_158 = tpu.vector_load %arg14[%swap3A_157] {strides = array<i32>} : memref<512xf32, #tpu.memory_space<vmem>>, vector<16xf32>,
        tpu.vector_store %arg14[%swap3A_157], %exp3A_154 {strides = array<i32>} : memref<512xf32, #tpu.memory_space<vmem>>, vector<16xf32>,
      }
      %scan3A_60 = arith.constant 32 : i32
      "tpu.region"() ({
        %run_scoped3A = tpu.sem_alloc : memref<!tpu.dma_semaphore, #tpu.memory_space<semaphore_mem>>
        %dma_start3A_61 = tpu.memref_slice %arg6[%add3A_51] : memref<327680xf32, #tpu.memory_space<hbm>> -> memref<512xf32, #tpu.memory_space<hbm>>
        %dma_start3A_62 = tpu.memref_slice %arg6[%add3A_51] : memref<327680xf32, #tpu.memory_space<hbm>> -> memref<512xf32, #tpu.memory_space<hbm>>
        tpu.enqueue_dma source(%arg14 : memref<512xf32, #tpu.memory_space<vmem>>) target(%dma_start3A_62 : memref<512xf32, #tpu.memory_space<hbm>>) target_semaphore(%run_scoped3A : memref<!tpu.dma_semaphore, #tpu.memory_space<semaphore_mem>>)
        %dma_wait3A_63 = tpu.memref_slice %arg6[%add3A_51] : memref<327680xf32, #tpu.memory_space<hbm>> -> memref<512xf32, #tpu.memory_space<hbm>>
        %dma_wait3A_64 = tpu.memref_slice %arg6[%add3A_51] : memref<327680xf32, #tpu.memory_space<hbm>> -> memref<512xf32, #tpu.memory_space<hbm>>
        tpu.wait_dma2 semaphore(%run_scoped3A : memref<!tpu.dma_semaphore, #tpu.memory_space<semaphore_mem>>) src(%arg14 : memref<512xf32, #tpu.memory_space<vmem>>) dst(%dma_wait3A_64 : memref<512xf32, #tpu.memory_space<hbm>>)
        tpu.yield
      }) : () -> ()
    }
    %scan3A_11 = arith.constant 10 : i32
    return
  }
}

module attributes {stable_mosaic.version = 14 : i64} {
  func.func @_prep_body(%arg0: i32, %arg1: memref<1000x128xf32, #tpu.memory_space<vmem>>, %arg2: memref<128x128xf32, #tpu.memory_space<vmem>>, %arg3: memref<128x2xf32, #tpu.memory_space<vmem>>, %arg4: memref<1000x144xf32, #tpu.memory_space<vmem>>, %arg5: memref<1000x2xf32, #tpu.memory_space<vmem>>) attributes {dimension_semantics = [#tpu.dimension_semantics<arbitrary>], iteration_bounds = array<i64: 10>, scalar_prefetch = 0 : i64, scratch_operands = 0 : i64, tpu.core_type = #tpu.core_type<tc>, window_params = [{transform_indices = @transform_0, window_bounds = array<i64: 1000, 128>}, {pipeline_mode = #tpu.pipeline_mode<synchronous>, transform_indices = @transform_1, window_bounds = array<i64: 128, 128>}, {pipeline_mode = #tpu.pipeline_mode<synchronous>, transform_indices = @transform_2, window_bounds = array<i64: 128, 2>}, {transform_indices = @transform_3, window_bounds = array<i64: 1000, 144>}, {transform_indices = @transform_4, window_bounds = array<i64: 1000, 2>}]} {
    %get3A = arith.constant 0 : index
    %get3A_0 = arith.constant 0 : index
    %get3A_1 = vector.load %arg1[%get3A, %get3A_0] : memref<1000x128xf32, #tpu.memory_space<vmem>>, vector<1000x128xf32>
    %get3A_2 = arith.constant 0 : index
    %get3A_3 = arith.constant 0 : index
    %get3A_4 = vector.load %arg2[%get3A_2, %get3A_3] : memref<128x128xf32, #tpu.memory_space<vmem>>, vector<128x128xf32>
    %dot_general3A = arith.constant dense<0.000000e+00> : vector<1000x128xf32>
    %dot_general3A_5 = tpu.matmul %get3A_1, %get3A_4, %dot_general3A {dimension_numbers = #tpu.dot_dimension_numbers<[1], [1], [0], [0], [0, 0, 1, 0], [], []>, transpose_lhs_hint = false} : vector<1000x128xf32>, vector<128x128xf32>, vector<1000x128xf32> -> vector<1000x128xf32>
    %get3A_6 = arith.constant 0 : index
    %get3A_7 = arith.constant 0 : index
    %get3A_8 = vector.load %arg3[%get3A_6, %get3A_7] : memref<128x2xf32, #tpu.memory_space<vmem>>, vector<128x2xf32>
    %dot_general3A_9 = arith.constant dense<0.000000e+00> : vector<1000x2xf32>
    %dot_general3A_10 = tpu.matmul %dot_general3A_5, %get3A_8, %dot_general3A_9 {dimension_numbers = #tpu.dot_dimension_numbers<[1], [0], [0], [1], [0, 0, 1, 1], [], []>, transpose_lhs_hint = false} : vector<1000x128xf32>, vector<128x2xf32>, vector<1000x2xf32> -> vector<1000x2xf32>
    %swap3A = arith.constant 0 : index
    %swap3A_11 = arith.constant 0 : index
    %swap3A_12 = vector.load %arg5[%swap3A, %swap3A_11] : memref<1000x2xf32, #tpu.memory_space<vmem>>, vector<1000x2xf32>
    tpu.vector_store %arg5[%swap3A, %swap3A_11], %dot_general3A_10 {strides = array<i32>} : memref<1000x2xf32, #tpu.memory_space<vmem>>, vector<1000x2xf32>,
    %swap3A_13 = arith.constant 0 : index
    %swap3A_14 = arith.constant 0 : index
    %swap3A_15 = vector.load %arg4[%swap3A_13, %swap3A_14] : memref<1000x144xf32, #tpu.memory_space<vmem>>, vector<1000x128xf32>
    tpu.vector_store %arg4[%swap3A_13, %swap3A_14], %dot_general3A_5 {strides = array<i32>} : memref<1000x144xf32, #tpu.memory_space<vmem>>, vector<1000x128xf32>,
    %iota3A = tpu.iota {dimensions = array<i32: 1>} : vector<1000x16xi32>
    %eq3A = arith.constant 0 : i32
    %eq3A_16 = vector.broadcast %eq3A : i32 to vector<1000x16xi32>
    %eq3A_17 = arith.cmpi eq, %iota3A, %eq3A_16 : vector<1000x16xi32>
    %jit3A = arith.constant 1.000000e+00 : f32
    %jit3A_18 = arith.constant 0.000000e+00 : f32
    %broadcast_in_dim3A = vector.broadcast %jit3A : f32 to vector<1000x16xf32>
    %broadcast_in_dim3A_19 = vector.broadcast %jit3A_18 : f32 to vector<1000x16xf32>
    %select_n3A = arith.select %eq3A_17, %broadcast_in_dim3A, %broadcast_in_dim3A_19 : vector<1000x16xi1>, vector<1000x16xf32>
    %swap3A_20 = arith.constant 0 : index
    %swap3A_21 = arith.constant 128 : index
    %swap3A_22 = vector.load %arg4[%swap3A_20, %swap3A_21] : memref<1000x144xf32, #tpu.memory_space<vmem>>, vector<1000x16xf32>
    tpu.vector_store %arg4[%swap3A_20, %swap3A_21], %select_n3A {strides = array<i32>} : memref<1000x144xf32, #tpu.memory_space<vmem>>, vector<1000x16xf32>,
    return
  }
  func.func @transform_0(%arg0: i32) -> (i32, i32) {
    %c0_i32 = arith.constant 0 : i32
    %c0_i32_0 = arith.constant 0 : i32
    return %arg0, %c0_i32 : i32, i32
  }
  func.func @transform_1(%arg0: i32) -> (i32, i32) {
    %c0_i32 = arith.constant 0 : i32
    %c0_i32_0 = arith.constant 0 : i32
    %c0_i32_1 = arith.constant 0 : i32
    return %c0_i32, %c0_i32_0 : i32, i32
  }
  func.func @transform_2(%arg0: i32) -> (i32, i32) {
    %c0_i32 = arith.constant 0 : i32
    %c0_i32_0 = arith.constant 0 : i32
    %c0_i32_1 = arith.constant 0 : i32
    return %c0_i32, %c0_i32_0 : i32, i32
  }
  func.func @transform_3(%arg0: i32) -> (i32, i32) {
    %c0_i32 = arith.constant 0 : i32
    %c0_i32_0 = arith.constant 0 : i32
    return %arg0, %c0_i32 : i32, i32
  }
  func.func @transform_4(%arg0: i32) -> (i32, i32) {
    %c0_i32 = arith.constant 0 : i32
    %c0_i32_0 = arith.constant 0 : i32
    return %arg0, %c0_i32 : i32, i32
  }
}

module attributes {stable_mosaic.version = 14 : i64} {
  func.func @_fin_body(%arg0: i32, %arg1: memref<2x1024x144xf32, #tpu.memory_space<vmem>>, %arg2: memref<1024x128xf32, #tpu.memory_space<vmem>>) attributes {dimension_semantics = [#tpu.dimension_semantics<arbitrary>], iteration_bounds = array<i64: 10>, scalar_prefetch = 0 : i64, scratch_operands = 0 : i64, tpu.core_type = #tpu.core_type<tc>, window_params = [{transform_indices = @transform_0, window_bounds = array<i64: 2, 1024, 144>}, {transform_indices = @transform_1, window_bounds = array<i64: 1024, 128>}]} {
    %get3A = arith.constant 0 : index
    %get3A_0 = arith.constant 0 : index
    %get3A_1 = arith.constant 0 : index
    %get3A_2 = vector.load %arg1[%get3A, %get3A_0, %get3A_1] : memref<2x1024x144xf32, #tpu.memory_space<vmem>>, vector<1x1024x144xf32>
    %get3A_3 = vector.shape_cast %get3A_2 : vector<1x1024x144xf32> to vector<1024x144xf32>
    %get3A_4 = arith.constant 1 : index
    %get3A_5 = arith.constant 0 : index
    %get3A_6 = arith.constant 0 : index
    %get3A_7 = vector.load %arg1[%get3A_4, %get3A_5, %get3A_6] : memref<2x1024x144xf32, #tpu.memory_space<vmem>>, vector<1x1024x144xf32>
    %get3A_8 = vector.shape_cast %get3A_7 : vector<1x1024x144xf32> to vector<1024x144xf32>
    %add3A = arith.addf %get3A_3, %get3A_8 : vector<1024x144xf32>
    %slice3A = vector.extract_strided_slice %add3A {offsets = [0, 0], sizes = [1024, 128], strides = [1, 1]} : vector<1024x144xf32> to vector<1024x128xf32>
    %slice3A_9 = vector.extract_strided_slice %add3A {offsets = [0, 128], sizes = [1024, 1], strides = [1, 1]} : vector<1024x144xf32> to vector<1024x1xf32>
    %eq3A = arith.constant 0.000000e+00 : f32
    %eq3A_10 = vector.broadcast %eq3A : f32 to vector<1024x1xf32>
    %eq3A_11 = arith.cmpf oeq, %slice3A_9, %eq3A_10 : vector<1024x1xf32>
    %jit3A = arith.constant 1.000000e+00 : f32
    %broadcast_in_dim3A = vector.broadcast %jit3A : f32 to vector<1024x1xf32>
    %select_n3A = arith.select %eq3A_11, %broadcast_in_dim3A, %slice3A_9 : vector<1024x1xi1>, vector<1024x1xf32>
    %div3A = vector.broadcast %select_n3A : vector<1024x1xf32> to vector<1024x128xf32>
    %div3A_12 = arith.divf %slice3A, %div3A : vector<1024x128xf32>
    %gt3A = arith.constant 0.000000e+00 : f32
    %gt3A_13 = vector.broadcast %gt3A : f32 to vector<1024x128xf32>
    %gt3A_14 = arith.cmpf ogt, %div3A_12, %gt3A_13 : vector<1024x128xf32>
    %min3A = arith.constant 0.000000e+00 : f32
    %min3A_15 = vector.broadcast %min3A : f32 to vector<1024x128xf32>
    %min3A_16 = arith.minimumf %div3A_12, %min3A_15 : vector<1024x128xf32>
    %exp3A = math.exp %min3A_16 : vector<1024x128xf32>
    %sub3A = arith.constant 1.000000e+00 : f32
    %sub3A_17 = vector.broadcast %sub3A : f32 to vector<1024x128xf32>
    %sub3A_18 = arith.subf %exp3A, %sub3A_17 : vector<1024x128xf32>
    %select_n3A_19 = arith.select %gt3A_14, %div3A_12, %sub3A_18 : vector<1024x128xi1>, vector<1024x128xf32>
    %swap3A = arith.constant 0 : index
    %swap3A_20 = arith.constant 0 : index
    %swap3A_21 = vector.load %arg2[%swap3A, %swap3A_20] : memref<1024x128xf32, #tpu.memory_space<vmem>>, vector<1024x128xf32>
    tpu.vector_store %arg2[%swap3A, %swap3A_20], %select_n3A_19 {strides = array<i32>} : memref<1024x128xf32, #tpu.memory_space<vmem>>, vector<1024x128xf32>,
    return
  }
  func.func @transform_0(%arg0: i32) -> (i32, i32, i32) {
    %c0_i32 = arith.constant 0 : i32
    %c0_i32_0 = arith.constant 0 : i32
    %c0_i32_1 = arith.constant 0 : i32
    return %c0_i32, %arg0, %c0_i32_0 : i32, i32, i32
  }
  func.func @transform_1(%arg0: i32) -> (i32, i32) {
    %c0_i32 = arith.constant 0 : i32
    %c0_i32_0 = arith.constant 0 : i32
    return %arg0, %c0_i32 : i32, i32
  }
}

</mosaic_0001>

<sc_bundles>
// kernel: kernel.6.cloned.1.call-start
scs
__scs_entry_jumppad:
0x0: {  	(pc) =	sbr.rel $0x88, $3  }
0x1: {  	(tag) =	ssettag $0x0;
	lr =	simm.s32 $0x1  }
0x2: {  	[smem:$0x3F9D] =	sst lr;
	_ =	strace $0xD0000000  }
0x3: {  	_ = 	snop  }
0x4: {  	_ = 	snop  }
0x5: {  	_ = 	snop  }
0x6: {  	_ = 	snop  }
0x7: {  	_ = 	snop  }
__scs_overlays_trampoline_lowered:
0x8: {  	[smem:$0x3FAC] =	sst s0  }
0x9: {  	[smem:$0x3FAD] =	sst s1  }
0xa: {  	[smem:$0x3FAE] =	sst s2  }
0xb: {  	[smem:$0x3FAF] =	sst s3  }
0xc: {  	[smem:$0x3FB0] =	sst s4  }
0xd: {  	[smem:$0x3FB1] =	sst s5  }
0xe: {  	[smem:$0x3FB2] =	sst s6  }
0xf: {  	[smem:$0x3FB3] =	sst s7  }
0x10: {  	[smem:$0x3FB4] =	sst s8  }
0x11: {  	[smem:$0x3FB5] =	sst s9;
	s0 =	simm.s32 @!p0 $0x0  }
0x12: {  	s1 =	sld [smem:$0x3F9B];
	s0 =	simm.s32 @p0 $0x1  }
0x13: {  	[smem:$0x3FB6] =	sst s0;
	s0 =	simm.s32 @!p1 $0x0  }
0x14: {  	s2 =	sld [smem:$0x3F9A];
	s0 =	simm.s32 @p1 $0x1  }
0x15: {  	[smem:$0x3FB7] =	sst s0;
	s0 =	simm.s32 @!p2 $0x0  }
0x16: {  	s3 =	sld [smem:$0x3FDB];
	s0 =	simm.s32 @p2 $0x1  }
0x17: {  	s4 =	simm.s32 $0x1BF5;
	[smem:$0x3FB9] =	sst s0  }
0x18: {  	s0 =	sld [smem:$0x3F9C];
	_ =	swait.ge [sflag:s4], $0x0  }
0x19: {  	s7 =	sld [smem:$0x3F9D]  }
0x1a: {  	s8 =	sadd.s32 $0xFFFFE003, lr  }
0x1b: {  	s9 =	sadd.s32 $0xFFFFFEF7, lr;
	s5 =	simm.s32 $0xFFFFFFFF;
	p2 =	slt.u32 s8, $0xFFFFF086  }
0x1c: {  	p1 =	slt.u32 s9, $0xF7A;
	s5 =	simm.s32 @!p2 $0x0  }
0x1d: {  	s5 =	simm.s32 @p1 $0x1;
	p0 =	seq.s32 s7, s2  }
0x1e: {  	s7 =	smul.u32 @!p0 $0xF7A, s2;
	p2 =	seq.s32 @!p0 s5, $0x0  }
0x1f: {  	s9 =	smul.u32 $0xF7A, s1;
	s8 =	simm.s32 @!p0 $0x1BF5;
	p2 =	por !p2, p0  }
0x20: {  	[sflag:s8] =	ssyncset.s32 @!p0 $0xFFFFF086;
	s6 =	sadd.s32 @!p0 s3, s7;
	s7 =	simm.s32 @!p0 $0x108  }
0x21: {  	s3 =	sadd.s32 s3, s9;
	s6 =	sadd.s32 @!p0 $0x88, s6;
	s7 =	simm.s32 @p2 $0x1082  }
0x22: {  	[simem:s7], [sflag:s8] =	dma.local @!p0 [hbm:s6], $0xF7A  }
0x23: {  	s9 =	sor.u32 $0xD0000000, s2;
	s6 =	simm.s32 $0x108;
	_ =	swait.ge @!p0 [sflag:s8], $0x0  }
0x24: {  	s3 =	sadd.s32 $0x88, s3;
	s6 =	simm.s32 @!p1 $0x1082;
	[sflag:s4] =	ssyncset.s32 $0xFFFFF086  }
0x25: {  	[simem:s6], [sflag:s4] =	dma.local [hbm:s3], $0xF7A  }
0x26: {  	[smem:$0x3F9D] =	sst s1;
	(tag) =	ssettag s2;
	_ =	strace s9  }
0x27: {  	s1 =	sld [smem:$0x3FAD]  }
0x28: {  	s2 =	sld [smem:$0x3FAE]  }
0x29: {  	s4 =	sld [smem:$0x3FB0]  }
0x2a: {  	p0 =	seq.s32 s5, $0x0;
	s5 =	sld [smem:$0x3FB1]  }
0x2b: {  	s6 =	sld [smem:$0x3FB2]  }
0x2c: {  	s7 =	sld [smem:$0x3FB3]  }
0x2d: {  	s3 =	simm.s32 $0x108;
	s8 =	sld [smem:$0x3FB4]  }
0x2e: {  	s3 =	simm.s32 @!p0 $0x1082;
	s9 =	sld [smem:$0x3FB5]  }
0x2f: {  	lr =	sadd.s32 s0, s3;
	s0 =	sld [smem:$0x3FAC]  }
0x30: {  	s3 =	sld [smem:$0x3FAF]  }
0x31: {  	[smem:$0x3FB8] =	sst s10  }
0x32: {  	s10 =	sld [smem:$0x3FB6];
	_ =	sdelay $0x3  }
0x33: {  	p0 =	seq.s32 s10, $0x1;
	s10 =	sld [smem:$0x3FB8];
	_ =	sdelay $0x3  }
0x34: {  	[smem:$0x3FB8] =	sst s10  }
0x35: {  	s10 =	sld [smem:$0x3FB7];
	_ =	sdelay $0x3  }
0x36: {  	p1 =	seq.s32 s10, $0x1;
	s10 =	sld [smem:$0x3FB8];
	_ =	sdelay $0x3  }
0x37: {  	[smem:$0x3FB8] =	sst s10  }
0x38: {  	s10 =	sld [smem:$0x3FB9]  }
0x39: {  	_ = 	snop;
	(pc) =	sbr.ind lr, $3  }
0x3a: {  	_ = 	snop  }
0x3b: {  	_ = 	snop  }
0x3c: {  	p2 =	seq.s32 s10, $0x1;
	s10 =	sld [smem:$0x3FB8]  }
0x3d: {  	_ =	shalt  }
0x3e: {  	_ =	shalt  }
0x3f: {  	_ =	shalt  }
0x40: {  	_ =	shalt  }
0x41: {  	_ =	shalt  }
0x42: {  	_ =	shalt  }
0x43: {  	_ =	shalt  }
0x44: {  	_ =	shalt  }
0x45: {  	_ =	shalt  }
0x46: {  	_ =	shalt  }
0x47: {  	_ =	shalt  }
0x48: {  	_ =	shalt  }
0x49: {  	_ =	shalt  }
0x4a: {  	_ =	shalt  }
0x4b: {  	_ =	shalt  }
0x4c: {  	_ =	shalt  }
0x4d: {  	_ =	shalt  }
0x4e: {  	_ =	shalt  }
0x4f: {  	_ =	shalt  }
0x50: {  	_ =	shalt  }
0x51: {  	_ =	shalt  }
0x52: {  	_ =	shalt  }
0x53: {  	_ =	shalt  }
0x54: {  	_ =	shalt  }
0x55: {  	_ =	shalt  }
0x56: {  	_ =	shalt  }
0x57: {  	_ =	shalt  }
0x58: {  	_ =	shalt  }
0x59: {  	_ =	shalt  }
0x5a: {  	_ =	shalt  }
0x5b: {  	_ =	shalt  }
0x5c: {  	_ =	shalt  }
0x5d: {  	_ =	shalt  }
0x5e: {  	_ =	shalt  }
0x5f: {  	_ =	shalt  }
0x60: {  	_ =	shalt  }
0x61: {  	_ =	shalt  }
0x62: {  	_ =	shalt  }
0x63: {  	_ =	shalt  }
0x64: {  	_ =	shalt  }
0x65: {  	_ =	shalt  }
0x66: {  	_ =	shalt  }
0x67: {  	_ =	shalt  }
0x68: {  	_ =	shalt  }
0x69: {  	_ =	shalt  }
0x6a: {  	_ =	shalt  }
0x6b: {  	_ =	shalt  }
0x6c: {  	_ =	shalt  }
0x6d: {  	_ =	shalt  }
0x6e: {  	_ =	shalt  }
0x6f: {  	_ =	shalt  }
0x70: {  	_ =	shalt  }
0x71: {  	_ =	shalt  }
0x72: {  	_ =	shalt  }
0x73: {  	_ =	shalt  }
0x74: {  	_ =	shalt  }
0x75: {  	_ =	shalt  }
0x76: {  	_ =	shalt  }
0x77: {  	_ =	shalt  }
0x78: {  	_ =	shalt  }
0x79: {  	_ =	shalt  }
0x7a: {  	_ =	shalt  }
0x7b: {  	_ =	shalt  }
0x7c: {  	_ =	shalt  }
0x7d: {  	_ =	shalt  }
0x7e: {  	_ =	shalt  }
0x7f: {  	_ =	shalt  }
0x80: {  	_ =	shalt  }
0x81: {  	_ =	shalt  }
0x82: {  	_ =	shalt  }
0x83: {  	_ =	shalt  }
0x84: {  	_ =	shalt  }
0x85: {  	_ =	shalt  }
0x86: {  	_ =	shalt  }
0x87: {  	_ =	shalt  }
.Lfunc_end0:
.L_simem_size_0:
called_computation_lowered:
.L_overlay_start_0:
0x88: {  	s2 =	sld [smem:$0x3FD9]  }
0x89: {  	s3 =	sld [smem:$0x3FFE];
	_ =	sdelay $0x1  }
0x8a: {  	s1 =	srdreg.scid  }
0x8b: {  	s0 =	sand.u32 $0x1, s1  }
0x8c: {  	s17 =	sshll.u32 s0, $0xA;
	s2 =	sadd.s32 s3, s2  }
0x8d: {  	s2 =	sadd.s32 s2, s17  }
0x8e: {  	[smem:$0x3FC4] =	sst s2  }
0x8f: {  	_ = 	snop  }
0x90: {  	s2 =	sld [smem:$0x3FD0];
	(tm) =	ssettm $0x1  }
0x91: {  	s18 =	sld [smem:$0x3FFB];
	_ =	sdelay $0x3  }
0x92: {  	_ =	strace s18  }
0x93: {  	s3 =	sld [smem:$0x3FFC];
	_ =	sdelay $0x3  }
0x94: {  	_ =	strace s3  }
0x95: {  	s3 =	sld [smem:$0x3FFD];
	_ =	sdelay $0x3  }
0x96: {  	_ =	strace s3  }
0x97: {  	_ =	strace $0x8FFFFFFF  }
0x98: {  	s19 =	sld [smem:$0x3FDB];
	_ =	sdelay $0x1  }
0x99: {  	s4 =	simm.s32 $_scs_section_size  }
0x9a: {  	s5 =	simm.s32 $_size__tile_overlayer_lowered;
	s6 =	simm.s32 $_tile_overlayer_lowered  }
0x9b: {  	s22 =	simm.s32 $0x1BFF;
	s21 =	sshll.u32 s6, $0x1;
	s3 =	sadd.s32 s4, s19  }
0x9c: {  	s7 =	simm.s32 $0x0;
	s20 =	sshll.u32 s5, $0x1;
	s5 =	sadd.s32 s21, s3  }
0x9d: {  	[timem:s7], [sflag:s22] =	dma.local [hbm:s5], s20  }
0x9e: {  	_ =	swait.ge [sflag:s22], s20  }
0x9f: {  	s4 =	ssub.s32 $0x0, s20;
	[sflag:s22] =	ssyncset.done $0x0  }
0xa0: {  	[sflag:s22] =	ssyncadd.s32 s4;
	_ =	sdelay $0x1  }
0xa1: {  	s23 =	simm.s32 $0x1B8B  }
0xa2: {  	_ =	swait.ge [sflag:s23], $0x1  }
0xa3: {  	[sflag:s23] =	ssyncset.done $0x0  }
0xa4: {  	s25 =	simm.s32 $0x1B8E;
	s24 =	sld [smem:$0x3FFE];
	[sflag:s23] =	ssyncadd.s32 $0xFFFFFFFF  }
0xa5: {  	s26 =	simm.s32 $execute0_lowered;
	[smem:$0x3FD2] =	sst s25  }
0xa6: {  	s5 =	sshll.u32 s26, $0x1;
	_ =	strace $0x80000046;
	[dreg:$0x1] =	wrdreg $0xFFFFFFFF  }
0xa7: {  	s28 =	simm.s32 $_size_execute0_lowered;
	s3 =	sadd.s32 s3, s5;
	[dreg:$0x0] =	wrdreg $0x0  }
0xa8: {  	s5 =	sshll.u32 s28, $0x1;
	[dreg:$0x2] =	wrdreg s3  }
0xa9: {  	[dreg:$0x3] =	wrdreg s5  }
0xaa: {  	[dreg:$0x4] =	wrdreg $0xC0  }
0xab: {  	_ =	task [dreg:s7], $0x5FFFF  }
0xac: {  	[dreg:$0x1] =	wrdreg $0xFFFFFFFF  }
0xad: {  	[dreg:$0x0] =	wrdreg $0x60  }
0xae: {  	[dreg:$0x2] =	wrdreg s24  }
0xaf: {  	[dreg:$0x3] =	wrdreg s2  }
0xb0: {  	[dreg:$0x4] =	wrdreg $0x9  }
0xb1: {  	_ =	task.clear_ibuf [dreg:s7], $0x5FFFF;
	_ =	strace $0x90000046  }
0xb2: {  	s29 =	simm.s32 $0x9;
	_ =	strace $0x80000048  }
0xb3: {  	_ =	swait.ge [sflag:s29], $0x1  }
0xb4: {  	[sflag:s29] =	ssyncadd.s32 $0xFFFFFFFF  }
0xb5: {  	_ =	strace $0x90000048  }
0xb6: {  	_ =	sfence  }
0xb7: {  	s30 =	sld [smem:$0x0];
	_ =	sdelay $0x2  }
0xb8: {  	s31 =	sshll.u32 s1, $0xD;
	s1 =	sshrl.u32 s1, $0x2  }
0xb9: {  	s3 =	sand.u32 $0x4000, s31;
	s1 =	sadd.s32 s1, s30  }
0xba: {  	s0 =	sor.u32 s3, s0;
	s1 =	sshll.u32 s1, $0x11  }
0xbb: {  	s0 =	sor.u32 s1, s0  }
0xbc: {  	s0 =	sadd.s32 $0x8F2B, s0  }
0xbd: {  	[sflag:s0] =	ssyncadd.remote.s32 $0x1  }
0xbe: {  	_ =	sfence.sel $0xFFFF  }
0xbf: {  	[dreg:$0x0] =	wrdreg $0xFFFFFFFF;
	(pc) =	sbr.abs _section_cstart, $3  }
0xc0: {  	[dreg:$0x1] =	wrdreg $0xFFFFFFFF  }
0xc1: {  	_ =	task.clear_ibuf [dreg:s7], $0x2FFFF;
	_ =	strace $0x9FFFFFFF  }
0xc2: {  	(tm) =	ssettm $0x7FFFFFFF  }
0xc3: {  	_ =	shalt  }
tec
execute0_lowered:
.L_overlay_start_1:
0x0: {  	(tag) =	ssettag $0x1  }
0x1: {  	s2 =	rddreg [dreg:$0x0];
	s1 =	srdreg.scid  }
0x2: {  	s0 =	stileid.u32;
	s3 =	rddreg [dreg:$0x1]  }
0x3: {  	s4 =	simm.s32 $0x0;
	s14 =	simm.s32 $0x3;
	s15 =	simm.s32 $0x2710  }
0x4: {  	s16 =	simm.s32 $0x4E20;
	s17 =	simm.s32 $0x5220;
	s18 =	simm.s32 $0x5020  }
0x5: {  	s19 =	simm.s32 $0x5420;
	s20 =	simm.s32 $0x1;
	s21 =	simm.s32 $0x5620  }
0x6: {  	s22 =	simm.s32 $0x2;
	s23 =	simm.s32 $0x5820;
	s24 =	simm.s32 $0x0  }
0x7: {  	s1 =	sand.u32 $0x1, s1;
	s5 =	sshll.u32 s0, $0x1;
	[smem:$0x7FF] =	sst s4  }
0x8: {  	s6 =	sadd.s32 $0x600, s2;
	s5 =	sor.u32 s1, s5;
	s1 =	ssub.s32 $0x2, s1  }
0x9: {  	s7 =	sadd.s32 $0xC00, s2;
	s5 =	smul.u32 $0x2800, s5;
	s9 =	sshrl.u32 s1, $0x1  }
0xa: {  	s8 =	sadd.s32 $0xAC00, s2;
	_ =	strace $0x80000047;
	s1 =	ssub.s32 s1, s9  }
0xb: {  	s10 =	sshrl.u32 s5, $0x3;
	s11 =	sor.u32 $0x200, s5;
	s12 =	sor.u32 $0x400, s5  }
0xc: {  	s13 =	smax.u32 s1, $0x1;
	s9 =	sadd.s32 s3, s10;
	s10 =	sadd.s32 s7, s10  }
.LBB2_1:
0xd: {  	[tilespmem:s4], [sflag:$0x3] =	stream.linear.gather [hbm4b:s6+s4], $0x2710, $0x38;
	[tilespmem:$0x5A20] =	vst v63  }
0xe: {  	_ =	swait.ge [sflag:s14], $0x2710  }
0xf: {  	[sflag:s14] =	ssyncset.done $0x0  }
0x10: {  	[sflag:s14] =	ssyncadd.s32 $0xFFFFD8F0  }
0x11: {  	[tilespmem:s15], [sflag:$0x3] =	stream.linear.gather [hbm4b:s2+s4], $0x2710, $0x38;
	[tilespmem:$0x5A20] =	vst v63  }
0x12: {  	_ =	swait.ge [sflag:s14], $0x2710  }
0x13: {  	[sflag:s14] =	ssyncset.done $0x0  }
0x14: {  	[sflag:s14] =	ssyncadd.s32 $0xFFFFD8F0  }
0x15: {  	[tilespmem:s16], [sflag:$0x1] =	stream.linear.gather [hbm4b:s9+s4], $0x200, $0x38;
	[tilespmem:$0x5A20] =	vst v63  }
0x16: {  	s25 =	simm.s32 $0x0  }
0x17: {  	[tilespmem:s17], [sflag:$0x1] =	stream.linear.gather [hbm4b:s10+s4], $0x200, $0x38;
	[tilespmem:$0x5A20] =	vst v63  }
.LBB2_2:
0x18: {  	s28 =	sshll.u32 s25, $0xA  }
0x19: {  	s1 =	sadd.s32 s28, s11  }
0x1a: {  	s26 =	sshrl.u32 s1, $0x3  }
0x1b: {  	s1 =	sadd.s32 s3, s26  }
0x1c: {  	[tilespmem:s18], [sflag:$0x2] =	stream.linear.gather [hbm4b:s1+s4], $0x200, $0x38;
	[tilespmem:$0x5A20] =	vst v63  }
0x1d: {  	s1 =	sadd.s32 s7, s26  }
0x1e: {  	[tilespmem:s19], [sflag:$0x2] =	stream.linear.gather [hbm4b:s1+s4], $0x200, $0x38;
	[tilespmem:$0x5A20] =	vst v63  }
0x1f: {  	_ =	swait.ge [sflag:s20], $0x200  }
0x20: {  	[sflag:s20] =	ssyncset.done $0x0  }
0x21: {  	[sflag:s20] =	ssyncadd.s32 $0xFFFFFE00  }
0x22: {  	_ =	swait.ge [sflag:s20], $0x200  }
0x23: {  	s29 =	simm.s32 $0xFFFFFFFC;
	s30 =	simm.s32 $0x4E40;
	[sflag:s20] =	ssyncset.done $0x0  }
0x24: {  	s31 =	simm.s32 $0x5240;
	s1 =	simm.s32 $0x5640;
	[sflag:s20] =	ssyncadd.s32 $0xFFFFFE00  }
.LBB2_3:
0x25: {  	v0 =	vld [tilespmem:s30+$0xFFFFFFE0]  }
0x26: {  	v1 =	vld [tilespmem:s31+$0xFFFFFFE0];
	_ =	sdelay $0x6  }
0x27: {  	v0 =	vld.idx.msk [tilespmem:v0+s4+$0x0], $0xffff  }
0x28: {  	v1 =	vld.idx.msk [tilespmem:v1+s15+$0x0], $0xffff;
	_ =	sdelay $0x4  }
0x29: {  	v0 =	vadd.f32 v1, v0;
	_ =	sdelay $0x1  }
0x2a: {  	v1 =	vmul.f32 $2.000000030e-01, v0;
	_ =	sdelay $0x1  }
0x2b: {  	v0 =	vmax.f32 v0, v1  }
0x2c: {  	v0 =	vmul.f32 $1.442695020e+00, v0;
	_ =	sdelay $0x1  }
0x2d: {  	(erf) = vpow2.f32 v0;
	_ =	sdelay $0x8  }
0x2e: {  	v0 =	vpop (erf)  }
0x2f: {  	[tilespmem:s1+$0xFFFFFFE0] =	vst v0  }
0x30: {  	v0 =	vld [tilespmem:s30+$0xFFFFFFF0]  }
0x31: {  	v61 =	vld [tilespmem:s31+$0xFFFFFFF0];
	_ =	sdelay $0x6  }
0x32: {  	v0 =	vld.idx.msk [tilespmem:v0+s4+$0x0], $0xffff  }
0x33: {  	v1 =	vld.idx.msk [tilespmem:v61+s15+$0x0], $0xffff;
	_ =	sdelay $0x4  }
0x34: {  	v0 =	vadd.f32 v1, v0;
	_ =	sdelay $0x1  }
0x35: {  	v1 =	vmul.f32 $2.000000030e-01, v0;
	_ =	sdelay $0x1  }
0x36: {  	v0 =	vmax.f32 v0, v1  }
0x37: {  	v0 =	vmul.f32 $1.442695020e+00, v0;
	_ =	sdelay $0x1  }
0x38: {  	(erf) = vpow2.f32 v0;
	_ =	sdelay $0x8  }
0x39: {  	v0 =	vpop (erf)  }
0x3a: {  	[tilespmem:s1+$0xFFFFFFF0] =	vst v0  }
0x3b: {  	v0 =	vld [tilespmem:s30+$0x0]  }
0x3c: {  	v62 =	vld [tilespmem:s31+$0x0];
	_ =	sdelay $0x6  }
0x3d: {  	v0 =	vld.idx.msk [tilespmem:v0+s4+$0x0], $0xffff  }
0x3e: {  	v1 =	vld.idx.msk [tilespmem:v62+s15+$0x0], $0xffff;
	_ =	sdelay $0x4  }
0x3f: {  	v0 =	vadd.f32 v1, v0;
	_ =	sdelay $0x1  }
0x40: {  	v1 =	vmul.f32 $2.000000030e-01, v0;
	_ =	sdelay $0x1  }
0x41: {  	v0 =	vmax.f32 v0, v1  }
0x42: {  	v0 =	vmul.f32 $1.442695020e+00, v0;
	_ =	sdelay $0x1  }
0x43: {  	(erf) = vpow2.f32 v0;
	_ =	sdelay $0x8  }
0x44: {  	v0 =	vpop (erf)  }
0x45: {  	[tilespmem:s1+$0x0] =	vst v0  }
0x46: {  	v0 =	vld [tilespmem:s30+$0x10]  }
0x47: {  	v63 =	vld [tilespmem:s31+$0x10];
	_ =	sdelay $0x6  }
0x48: {  	v0 =	vld.idx.msk [tilespmem:v0+s4+$0x0], $0xffff  }
0x49: {  	v1 =	vld.idx.msk [tilespmem:v63+s15+$0x0], $0xffff;
	_ =	sdelay $0x4  }
0x4a: {  	v0 =	vadd.f32 v1, v0;
	_ =	sdelay $0x1  }
0x4b: {  	v1 =	vmul.f32 $2.000000030e-01, v0;
	_ =	sdelay $0x1  }
0x4c: {  	v0 =	vmax.f32 v0, v1  }
0x4d: {  	v0 =	vmul.f32 $1.442695020e+00, v0;
	_ =	sdelay $0x1  }
0x4e: {  	(erf) = vpow2.f32 v0;
	_ =	sdelay $0x3  }
0x4f: {  	s29 =	sadd.s32 $0x4, s29  }
0x50: {  	p0 =	slt.u32 s29, $0x1C  }
.Ltmp0:
0x51: {  	_ = 	snop;
	(pc) =	sbr.rel @p0 .LBB2_3-.Ltmp0, $3  }
0x52: {  	_ =	sdelay $0x1  }
0x53: {  	v0 =	vpop (erf)  }
0x54: {  	s30 =	sadd.s32 $0x40, s30;
	s31 =	sadd.s32 $0x40, s31;
	[tilespmem:s1+$0x10] =	vst v0;
	s1 =	sadd.s32 $0x40, s1  }
0x55: {  	s1 =	sadd.s32 s5, s28  }
0x56: {  	s1 =	sshrl.u32 s1, $0x3  }
0x57: {  	p0 =	seq.s32 s25, $0x9;
	s1 =	sadd.s32 s8, s1  }
0x58: {  	[hbm4b:s1+s4] =	stream.linear.scatter [tilespmem:s21], [sflag:$0x3], $0x200, $0x38;
	[tilespmem:$0x5A20] =	vst v63  }
0x59: {  	s1 =	sadd.s32 @!p0 s28, s12;
	_ =	swait.ge [sflag:s14], $0x200  }
0x5a: {  	s29 =	simm.s32 @!p0 $0x0;
	s1 =	sshrl.u32 @!p0 s1, $0x3;
	[sflag:s14] =	ssyncset.done $0x0  }
0x5b: {  	s30 =	simm.s32 @!p0 $0x4E20;
	s28 =	sadd.s32 @!p0 s3, s1;
	[sflag:s14] =	ssyncadd.s32 $0xFFFFFE00  }
0x5c: {  	[tilespmem:s30], [sflag:$0x1] =	stream.linear.gather @!p0 [hbm4b:s28+s29], $0x200, $0x38;
	[tilespmem:$0x5A20] =	vst v63  }
0x5d: {  	s1 =	sadd.s32 @!p0 s7, s1;
	s28 =	simm.s32 @!p0 $0x5220  }
0x5e: {  	[tilespmem:s28], [sflag:$0x1] =	stream.linear.gather @!p0 [hbm4b:s1+s29], $0x200, $0x38;
	[tilespmem:$0x5A20] =	vst v63  }
0x5f: {  	_ =	swait.ge [sflag:s22], $0x200  }
0x60: {  	[sflag:s22] =	ssyncset.done $0x0  }
0x61: {  	[sflag:s22] =	ssyncadd.s32 $0xFFFFFE00  }
0x62: {  	_ =	swait.ge [sflag:s22], $0x200  }
0x63: {  	s30 =	simm.s32 $0x5440;
	s28 =	simm.s32 $0xFFFFFFFC;
	[sflag:s22] =	ssyncset.done $0x0  }
0x64: {  	s29 =	simm.s32 $0x5040;
	s1 =	simm.s32 $0x5840;
	[sflag:s22] =	ssyncadd.s32 $0xFFFFFE00  }
.LBB2_5:
0x65: {  	v0 =	vld [tilespmem:s29+$0xFFFFFFE0]  }
0x66: {  	v1 =	vld [tilespmem:s30+$0xFFFFFFE0];
	_ =	sdelay $0x6  }
0x67: {  	v0 =	vld.idx.msk [tilespmem:v0+s4+$0x0], $0xffff  }
0x68: {  	v1 =	vld.idx.msk [tilespmem:v1+s15+$0x0], $0xffff;
	_ =	sdelay $0x4  }
0x69: {  	v0 =	vadd.f32 v1, v0;
	_ =	sdelay $0x1  }
0x6a: {  	v1 =	vmul.f32 $2.000000030e-01, v0;
	_ =	sdelay $0x1  }
0x6b: {  	v0 =	vmax.f32 v0, v1  }
0x6c: {  	v0 =	vmul.f32 $1.442695020e+00, v0;
	_ =	sdelay $0x1  }
0x6d: {  	(erf) = vpow2.f32 v0;
	_ =	sdelay $0x8  }
0x6e: {  	v0 =	vpop (erf)  }
0x6f: {  	[tilespmem:s1+$0xFFFFFFE0] =	vst v0  }
0x70: {  	v0 =	vld [tilespmem:s29+$0xFFFFFFF0]  }
0x71: {  	v61 =	vld [tilespmem:s30+$0xFFFFFFF0];
	_ =	sdelay $0x6  }
0x72: {  	v0 =	vld.idx.msk [tilespmem:v0+s4+$0x0], $0xffff  }
0x73: {  	v1 =	vld.idx.msk [tilespmem:v61+s15+$0x0], $0xffff;
	_ =	sdelay $0x4  }
0x74: {  	v0 =	vadd.f32 v1, v0;
	_ =	sdelay $0x1  }
0x75: {  	v1 =	vmul.f32 $2.000000030e-01, v0;
	_ =	sdelay $0x1  }
0x76: {  	v0 =	vmax.f32 v0, v1  }
0x77: {  	v0 =	vmul.f32 $1.442695020e+00, v0;
	_ =	sdelay $0x1  }
0x78: {  	(erf) = vpow2.f32 v0;
	_ =	sdelay $0x8  }
0x79: {  	v0 =	vpop (erf)  }
0x7a: {  	[tilespmem:s1+$0xFFFFFFF0] =	vst v0  }
0x7b: {  	v0 =	vld [tilespmem:s29+$0x0]  }
0x7c: {  	v62 =	vld [tilespmem:s30+$0x0];
	_ =	sdelay $0x6  }
0x7d: {  	v0 =	vld.idx.msk [tilespmem:v0+s4+$0x0], $0xffff  }
0x7e: {  	v1 =	vld.idx.msk [tilespmem:v62+s15+$0x0], $0xffff;
	_ =	sdelay $0x4  }
0x7f: {  	v0 =	vadd.f32 v1, v0;
	_ =	sdelay $0x1  }
0x80: {  	v1 =	vmul.f32 $2.000000030e-01, v0;
	_ =	sdelay $0x1  }
0x81: {  	v0 =	vmax.f32 v0, v1  }
0x82: {  	v0 =	vmul.f32 $1.442695020e+00, v0;
	_ =	sdelay $0x1  }
0x83: {  	(erf) = vpow2.f32 v0;
	_ =	sdelay $0x8  }
0x84: {  	v0 =	vpop (erf)  }
0x85: {  	[tilespmem:s1+$0x0] =	vst v0  }
0x86: {  	v0 =	vld [tilespmem:s29+$0x10]  }
0x87: {  	v63 =	vld [tilespmem:s30+$0x10];
	_ =	sdelay $0x6  }
0x88: {  	v0 =	vld.idx.msk [tilespmem:v0+s4+$0x0], $0xffff  }
0x89: {  	v1 =	vld.idx.msk [tilespmem:v63+s15+$0x0], $0xffff;
	_ =	sdelay $0x4  }
0x8a: {  	v0 =	vadd.f32 v1, v0;
	_ =	sdelay $0x1  }
0x8b: {  	v1 =	vmul.f32 $2.000000030e-01, v0;
	_ =	sdelay $0x1  }
0x8c: {  	v0 =	vmax.f32 v0, v1  }
0x8d: {  	v0 =	vmul.f32 $1.442695020e+00, v0;
	_ =	sdelay $0x1  }
0x8e: {  	(erf) = vpow2.f32 v0;
	_ =	sdelay $0x3  }
0x8f: {  	s28 =	sadd.s32 $0x4, s28  }
0x90: {  	p0 =	slt.u32 s28, $0x1C  }
.Ltmp1:
0x91: {  	_ = 	snop;
	(pc) =	sbr.rel @p0 .LBB2_5-.Ltmp1, $3  }
0x92: {  	_ =	sdelay $0x1  }
0x93: {  	v0 =	vpop (erf)  }
0x94: {  	s29 =	sadd.s32 $0x40, s29;
	s30 =	sadd.s32 $0x40, s30;
	[tilespmem:s1+$0x10] =	vst v0;
	s1 =	sadd.s32 $0x40, s1  }
0x95: {  	s25 =	sadd.s32 $0x1, s25  }
0x96: {  	p0 =	sne.s32 s25, $0xA  }
.Ltmp2:
0x97: {  	s1 =	sadd.s32 s8, s26;
	(pc) =	sbr.rel @p0 .LBB2_2-.Ltmp2, $4  }
0x98: {  	[hbm4b:s1+s4] =	stream.linear.scatter [tilespmem:s23], [sflag:$0x3], $0x200, $0x38;
	[tilespmem:$0x5A20] =	vst v63  }
0x99: {  	_ =	swait.ge [sflag:s14], $0x200  }
0x9a: {  	[sflag:s14] =	ssyncset.done $0x0  }
0x9b: {  	[sflag:s14] =	ssyncadd.s32 $0xFFFFFE00  }
0x9c: {  	s24 =	sadd.s32 $0x1, s24  }
0x9d: {  	p0 =	sne.s32 s24, s13  }
.Ltmp3:
0x9e: {  	_ = 	snop;
	(pc) =	sbr.rel @p0 .LBB2_1-.Ltmp3, $1  }
0x9f: {  	_ =	sdelay $0x3  }
0xa0: {  	_ =	sfence.sel $0x180000  }
0xa1: {  	[bflag:$0x0] =	sbarrier.arrive $0xFFFF  }
0xa2: {  	_ =	strace $0x90000047  }
0xa3: {  	[bflag:$0x2] =	sbarrier.arrive $0xFFFF  }
0xa4: {  	p0 =	sne.s32 s0, $0x0;
	s0 =	rddreg [dreg:$0x2]  }
0xa5: {  	s0 =	sadd.s32 @!p0 $0x100000, s0  }
0xa6: {  	[sflag:s0] =	ssyncadd.tile.s32 @!p0 $0x1;
	_ =	shalt  }
.Lfunc_end2:
_tile_overlayer_lowered:
.L_overlay_start_2:
0xa7: {  	(tag) =	ssettag $0x2  }
0xa8: {  	s0 =	rddreg [dreg:$0x0];
	s2 =	stileid.u32  }
0xa9: {  	s1 =	rddreg [dreg:$0x1];
	p0 =	sne.s32 s2, $0x0  }
0xaa: {  	s3 =	rddreg [dreg:$0x2];
	[bflag:$0x3] =	sbarrier.arrive $0xFFFF;
	s2 =	simm.s32 @!p0 $0x1C03  }
0xab: {  	[timem:s3], [sflag:s2] =	dma.local @!p0 [hbm:s0], s1  }
0xac: {  	s0 =	simm.s32 @!p0 $0x3  }
0xad: {  	_ =	swait.ge @!p0 [sflag:s0], s1  }
0xae: {  	s1 =	ssub.s32 @!p0 $0x0, s1;
	[sflag:s0] =	ssyncset.done @!p0 $0x0  }
0xaf: {  	[sflag:s0] =	ssyncadd.s32 @!p0 s1  }
0xb0: {  	[bflag:$0x3] =	sbarrier.arrive $0xFFFF  }
0xb1: {  	_ =	shalt  }

// kernel: kernel.9.cloned.1.call-start
scs
__scs_entry_jumppad:
0x0: {  	(pc) =	sbr.rel $0x88, $3  }
0x1: {  	(tag) =	ssettag $0x0;
	lr =	simm.s32 $0x1  }
0x2: {  	[smem:$0x3F9D] =	sst lr;
	_ =	strace $0xD0000000  }
0x3: {  	_ = 	snop  }
0x4: {  	_ = 	snop  }
0x5: {  	_ = 	snop  }
0x6: {  	_ = 	snop  }
0x7: {  	_ = 	snop  }
__scs_overlays_trampoline_lowered:
0x8: {  	[smem:$0x3FAC] =	sst s0  }
0x9: {  	[smem:$0x3FAD] =	sst s1  }
0xa: {  	[smem:$0x3FAE] =	sst s2  }
0xb: {  	[smem:$0x3FAF] =	sst s3  }
0xc: {  	[smem:$0x3FB0] =	sst s4  }
0xd: {  	[smem:$0x3FB1] =	sst s5  }
0xe: {  	[smem:$0x3FB2] =	sst s6  }
0xf: {  	[smem:$0x3FB3] =	sst s7  }
0x10: {  	[smem:$0x3FB4] =	sst s8  }
0x11: {  	[smem:$0x3FB5] =	sst s9;
	s0 =	simm.s32 @!p0 $0x0  }
0x12: {  	s1 =	sld [smem:$0x3F9B];
	s0 =	simm.s32 @p0 $0x1  }
0x13: {  	[smem:$0x3FB6] =	sst s0;
	s0 =	simm.s32 @!p1 $0x0  }
0x14: {  	s2 =	sld [smem:$0x3F9A];
	s0 =	simm.s32 @p1 $0x1  }
0x15: {  	[smem:$0x3FB7] =	sst s0;
	s0 =	simm.s32 @!p2 $0x0  }
0x16: {  	s3 =	sld [smem:$0x3FDB];
	s0 =	simm.s32 @p2 $0x1  }
0x17: {  	s4 =	simm.s32 $0x1BF5;
	[smem:$0x3FB9] =	sst s0  }
0x18: {  	s0 =	sld [smem:$0x3F9C];
	_ =	swait.ge [sflag:s4], $0x0  }
0x19: {  	s7 =	sld [smem:$0x3F9D]  }
0x1a: {  	s8 =	sadd.s32 $0xFFFFE003, lr  }
0x1b: {  	s9 =	sadd.s32 $0xFFFFFEF7, lr;
	s5 =	simm.s32 $0xFFFFFFFF;
	p2 =	slt.u32 s8, $0xFFFFF086  }
0x1c: {  	p1 =	slt.u32 s9, $0xF7A;
	s5 =	simm.s32 @!p2 $0x0  }
0x1d: {  	s5 =	simm.s32 @p1 $0x1;
	p0 =	seq.s32 s7, s2  }
0x1e: {  	s7 =	smul.u32 @!p0 $0xF7A, s2;
	p2 =	seq.s32 @!p0 s5, $0x0  }
0x1f: {  	s9 =	smul.u32 $0xF7A, s1;
	s8 =	simm.s32 @!p0 $0x1BF5;
	p2 =	por !p2, p0  }
0x20: {  	[sflag:s8] =	ssyncset.s32 @!p0 $0xFFFFF086;
	s6 =	sadd.s32 @!p0 s3, s7;
	s7 =	simm.s32 @!p0 $0x108  }
0x21: {  	s3 =	sadd.s32 s3, s9;
	s6 =	sadd.s32 @!p0 $0x88, s6;
	s7 =	simm.s32 @p2 $0x1082  }
0x22: {  	[simem:s7], [sflag:s8] =	dma.local @!p0 [hbm:s6], $0xF7A  }
0x23: {  	s9 =	sor.u32 $0xD0000000, s2;
	s6 =	simm.s32 $0x108;
	_ =	swait.ge @!p0 [sflag:s8], $0x0  }
0x24: {  	s3 =	sadd.s32 $0x88, s3;
	s6 =	simm.s32 @!p1 $0x1082;
	[sflag:s4] =	ssyncset.s32 $0xFFFFF086  }
0x25: {  	[simem:s6], [sflag:s4] =	dma.local [hbm:s3], $0xF7A  }
0x26: {  	[smem:$0x3F9D] =	sst s1;
	(tag) =	ssettag s2;
	_ =	strace s9  }
0x27: {  	s1 =	sld [smem:$0x3FAD]  }
0x28: {  	s2 =	sld [smem:$0x3FAE]  }
0x29: {  	s4 =	sld [smem:$0x3FB0]  }
0x2a: {  	p0 =	seq.s32 s5, $0x0;
	s5 =	sld [smem:$0x3FB1]  }
0x2b: {  	s6 =	sld [smem:$0x3FB2]  }
0x2c: {  	s7 =	sld [smem:$0x3FB3]  }
0x2d: {  	s3 =	simm.s32 $0x108;
	s8 =	sld [smem:$0x3FB4]  }
0x2e: {  	s3 =	simm.s32 @!p0 $0x1082;
	s9 =	sld [smem:$0x3FB5]  }
0x2f: {  	lr =	sadd.s32 s0, s3;
	s0 =	sld [smem:$0x3FAC]  }
0x30: {  	s3 =	sld [smem:$0x3FAF]  }
0x31: {  	[smem:$0x3FB8] =	sst s10  }
0x32: {  	s10 =	sld [smem:$0x3FB6];
	_ =	sdelay $0x3  }
0x33: {  	p0 =	seq.s32 s10, $0x1;
	s10 =	sld [smem:$0x3FB8];
	_ =	sdelay $0x3  }
0x34: {  	[smem:$0x3FB8] =	sst s10  }
0x35: {  	s10 =	sld [smem:$0x3FB7];
	_ =	sdelay $0x3  }
0x36: {  	p1 =	seq.s32 s10, $0x1;
	s10 =	sld [smem:$0x3FB8];
	_ =	sdelay $0x3  }
0x37: {  	[smem:$0x3FB8] =	sst s10  }
0x38: {  	s10 =	sld [smem:$0x3FB9]  }
0x39: {  	_ = 	snop;
	(pc) =	sbr.ind lr, $3  }
0x3a: {  	_ = 	snop  }
0x3b: {  	_ = 	snop  }
0x3c: {  	p2 =	seq.s32 s10, $0x1;
	s10 =	sld [smem:$0x3FB8]  }
0x3d: {  	_ =	shalt  }
0x3e: {  	_ =	shalt  }
0x3f: {  	_ =	shalt  }
0x40: {  	_ =	shalt  }
0x41: {  	_ =	shalt  }
0x42: {  	_ =	shalt  }
0x43: {  	_ =	shalt  }
0x44: {  	_ =	shalt  }
0x45: {  	_ =	shalt  }
0x46: {  	_ =	shalt  }
0x47: {  	_ =	shalt  }
0x48: {  	_ =	shalt  }
0x49: {  	_ =	shalt  }
0x4a: {  	_ =	shalt  }
0x4b: {  	_ =	shalt  }
0x4c: {  	_ =	shalt  }
0x4d: {  	_ =	shalt  }
0x4e: {  	_ =	shalt  }
0x4f: {  	_ =	shalt  }
0x50: {  	_ =	shalt  }
0x51: {  	_ =	shalt  }
0x52: {  	_ =	shalt  }
0x53: {  	_ =	shalt  }
0x54: {  	_ =	shalt  }
0x55: {  	_ =	shalt  }
0x56: {  	_ =	shalt  }
0x57: {  	_ =	shalt  }
0x58: {  	_ =	shalt  }
0x59: {  	_ =	shalt  }
0x5a: {  	_ =	shalt  }
0x5b: {  	_ =	shalt  }
0x5c: {  	_ =	shalt  }
0x5d: {  	_ =	shalt  }
0x5e: {  	_ =	shalt  }
0x5f: {  	_ =	shalt  }
0x60: {  	_ =	shalt  }
0x61: {  	_ =	shalt  }
0x62: {  	_ =	shalt  }
0x63: {  	_ =	shalt  }
0x64: {  	_ =	shalt  }
0x65: {  	_ =	shalt  }
0x66: {  	_ =	shalt  }
0x67: {  	_ =	shalt  }
0x68: {  	_ =	shalt  }
0x69: {  	_ =	shalt  }
0x6a: {  	_ =	shalt  }
0x6b: {  	_ =	shalt  }
0x6c: {  	_ =	shalt  }
0x6d: {  	_ =	shalt  }
0x6e: {  	_ =	shalt  }
0x6f: {  	_ =	shalt  }
0x70: {  	_ =	shalt  }
0x71: {  	_ =	shalt  }
0x72: {  	_ =	shalt  }
0x73: {  	_ =	shalt  }
0x74: {  	_ =	shalt  }
0x75: {  	_ =	shalt  }
0x76: {  	_ =	shalt  }
0x77: {  	_ =	shalt  }
0x78: {  	_ =	shalt  }
0x79: {  	_ =	shalt  }
0x7a: {  	_ =	shalt  }
0x7b: {  	_ =	shalt  }
0x7c: {  	_ =	shalt  }
0x7d: {  	_ =	shalt  }
0x7e: {  	_ =	shalt  }
0x7f: {  	_ =	shalt  }
0x80: {  	_ =	shalt  }
0x81: {  	_ =	shalt  }
0x82: {  	_ =	shalt  }
0x83: {  	_ =	shalt  }
0x84: {  	_ =	shalt  }
0x85: {  	_ =	shalt  }
0x86: {  	_ =	shalt  }
0x87: {  	_ =	shalt  }
.Lfunc_end0:
.L_simem_size_0:
called_computation.1_lowered:
.L_overlay_start_0:
0x88: {  	s2 =	sld [smem:$0x3FD9]  }
0x89: {  	s3 =	sld [smem:$0x3FFE];
	_ =	sdelay $0x1  }
0x8a: {  	s1 =	srdreg.scid  }
0x8b: {  	s0 =	sand.u32 $0x1, s1  }
0x8c: {  	s17 =	sshll.u32 s0, $0xA;
	s2 =	sadd.s32 s3, s2  }
0x8d: {  	s2 =	sadd.s32 s2, s17  }
0x8e: {  	[smem:$0x3FC4] =	sst s2  }
0x8f: {  	_ = 	snop  }
0x90: {  	s2 =	sld [smem:$0x3FD0];
	(tm) =	ssettm $0x1  }
0x91: {  	s18 =	sld [smem:$0x3FFB];
	_ =	sdelay $0x3  }
0x92: {  	_ =	strace s18  }
0x93: {  	s3 =	sld [smem:$0x3FFC];
	_ =	sdelay $0x3  }
0x94: {  	_ =	strace s3  }
0x95: {  	s3 =	sld [smem:$0x3FFD];
	_ =	sdelay $0x3  }
0x96: {  	_ =	strace s3  }
0x97: {  	_ =	strace $0x8FFFFFFF  }
0x98: {  	s19 =	sld [smem:$0x3FDB];
	_ =	sdelay $0x1  }
0x99: {  	s4 =	simm.s32 $_scs_section_size  }
0x9a: {  	s5 =	simm.s32 $_size__tile_overlayer_lowered;
	s6 =	simm.s32 $_tile_overlayer_lowered  }
0x9b: {  	s22 =	simm.s32 $0x1BFF;
	s21 =	sshll.u32 s6, $0x1;
	s3 =	sadd.s32 s4, s19  }
0x9c: {  	s7 =	simm.s32 $0x0;
	s20 =	sshll.u32 s5, $0x1;
	s5 =	sadd.s32 s21, s3  }
0x9d: {  	[timem:s7], [sflag:s22] =	dma.local [hbm:s5], s20  }
0x9e: {  	_ =	swait.ge [sflag:s22], s20  }
0x9f: {  	s4 =	ssub.s32 $0x0, s20;
	[sflag:s22] =	ssyncset.done $0x0  }
0xa0: {  	[sflag:s22] =	ssyncadd.s32 s4;
	_ =	sdelay $0x1  }
0xa1: {  	s23 =	simm.s32 $0x1B8B  }
0xa2: {  	_ =	swait.ge [sflag:s23], $0x1  }
0xa3: {  	[sflag:s23] =	ssyncset.done $0x0  }
0xa4: {  	s25 =	simm.s32 $0x1B8E;
	s24 =	sld [smem:$0x3FFE];
	[sflag:s23] =	ssyncadd.s32 $0xFFFFFFFF  }
0xa5: {  	s26 =	simm.s32 $execute0_lowered;
	[smem:$0x3FD2] =	sst s25  }
0xa6: {  	s5 =	sshll.u32 s26, $0x1;
	_ =	strace $0x80000049;
	[dreg:$0x1] =	wrdreg $0xFFFFFFFF  }
0xa7: {  	s28 =	simm.s32 $_size_execute0_lowered;
	s3 =	sadd.s32 s3, s5;
	[dreg:$0x0] =	wrdreg $0x0  }
0xa8: {  	s5 =	sshll.u32 s28, $0x1;
	[dreg:$0x2] =	wrdreg s3  }
0xa9: {  	[dreg:$0x3] =	wrdreg s5  }
0xaa: {  	[dreg:$0x4] =	wrdreg $0xC0  }
0xab: {  	_ =	task [dreg:s7], $0x5FFFF  }
0xac: {  	[dreg:$0x1] =	wrdreg $0xFFFFFFFF  }
0xad: {  	[dreg:$0x0] =	wrdreg $0x60  }
0xae: {  	[dreg:$0x2] =	wrdreg s2  }
0xaf: {  	[dreg:$0x3] =	wrdreg s24  }
0xb0: {  	[dreg:$0x4] =	wrdreg $0x96000  }
0xb1: {  	[dreg:$0x5] =	wrdreg $0x9  }
0xb2: {  	_ =	task.clear_ibuf [dreg:s7], $0x6FFFF;
	_ =	strace $0x90000049  }
0xb3: {  	s29 =	simm.s32 $0x9;
	_ =	strace $0x8000004B  }
0xb4: {  	_ =	swait.ge [sflag:s29], $0x1  }
0xb5: {  	[sflag:s29] =	ssyncadd.s32 $0xFFFFFFFF  }
0xb6: {  	_ =	strace $0x9000004B  }
0xb7: {  	_ =	sfence  }
0xb8: {  	s30 =	sld [smem:$0x0];
	_ =	sdelay $0x2  }
0xb9: {  	s31 =	sshll.u32 s1, $0xD;
	s1 =	sshrl.u32 s1, $0x2  }
0xba: {  	s3 =	sand.u32 $0x4000, s31;
	s1 =	sadd.s32 s1, s30  }
0xbb: {  	s0 =	sor.u32 s3, s0;
	s1 =	sshll.u32 s1, $0x11  }
0xbc: {  	s0 =	sor.u32 s1, s0  }
0xbd: {  	s0 =	sadd.s32 $0x8F2B, s0  }
0xbe: {  	[sflag:s0] =	ssyncadd.remote.s32 $0x1  }
0xbf: {  	_ =	sfence.sel $0xFFFF  }
0xc0: {  	[dreg:$0x0] =	wrdreg $0xFFFFFFFF;
	(pc) =	sbr.abs _section_cstart, $3  }
0xc1: {  	[dreg:$0x1] =	wrdreg $0xFFFFFFFF  }
0xc2: {  	_ =	task.clear_ibuf [dreg:s7], $0x2FFFF;
	_ =	strace $0x9FFFFFFF  }
0xc3: {  	(tm) =	ssettm $0x7FFFFFFF  }
tec
execute0_lowered:
.L_overlay_start_1:
0x0: {  	(tag) =	ssettag $0x1  }
0x1: {  	s1 =	rddreg [dreg:$0x0]  }
0x2: {  	s0 =	rddreg [dreg:$0x1]  }
0x3: {  	s2 =	rddreg [dreg:$0x2];
	s3 =	simm.s32 $0x0  }
0x4: {  	s15 =	srdreg.scid;
	s10 =	stileid.u32;
	s29 =	simm.s32 $0x80  }
0x5: {  	[smem:$0x7FF] =	sst s3;
	s4 =	sadd.s32 $0xC00, s0;
	s6 =	sadd.s32 $0xAC00, s0  }
0x6: {  	s3 =	sand.u32 $0x1, s15;
	s7 =	sadd.s32 $0x14C00, s0;
	s9 =	sshll.u32 s10, $0x1  }
0x7: {  	s10 =	smul.u32 $0x16800, s10;
	_ =	strace $0x8000004A;
	s8 =	ssub.s32 $0x2, s3  }
0x8: {  	s5 =	smul.u32 $0x2D000, s3;
	s3 =	sor.u32 s3, s9;
	s16 =	sshrl.u32 s8, $0x1  }
0x9: {  	s17 =	sadd.s32 $0x4800, s10;
	s3 =	smul.u32 $0x2800, s3;
	s28 =	sadd.s32 s10, s2  }
0xa: {  	s18 =	sadd.s32 $0x9000, s10;
	s19 =	sadd.s32 $0xD800, s10;
	s20 =	sadd.s32 $0x12000, s10  }
0xb: {  	s10 =	sshrl.u32 s10, $0x3;
	s0 =	sadd.s32 s5, s0;
	s5 =	ssub.s32 s8, s16  }
0xc: {  	s30 =	sadd.s32 s17, s2;
	s11 =	sadd.s32 s18, s2;
	s13 =	sadd.s32 s19, s2  }
0xd: {  	s15 =	sadd.s32 s20, s2;
	s8 =	sshrl.u32 s17, $0x3;
	s9 =	sshrl.u32 s18, $0x3  }
0xe: {  	s24 =	sshrl.u32 s20, $0x3;
	s16 =	simm.s32 $0x300;
	[dreg:$0x4] =	wrdreg s28  }
0xf: {  	s17 =	simm.s32 $0x380;
	s18 =	simm.s32 $0x500;
	[dreg:$0x6] =	wrdreg s11  }
0x10: {  	s20 =	simm.s32 $0x2;
	s12 =	sshrl.u32 s3, $0x3;
	[dreg:$0x7] =	wrdreg s13  }
0x11: {  	[dreg:$0x8] =	wrdreg s15;
	s0 =	sadd.s32 $0x40C00, s0;
	s11 =	sshrl.u32 s19, $0x3  }
0x12: {  	s31 =	smax.u32 s5, $0x1;
	s5 =	simm.s32 $0x5;
	[dreg:$0x5] =	wrdreg s30  }
0x13: {  	s13 =	simm.s32 $0x4E00;
	s21 =	sadd.s32 s1, s12;
	[dreg:$0x13] =	wrdreg s31  }
0x14: {  	s15 =	simm.s32 $0x180;
	s23 =	sadd.s32 s4, s12;
	[dreg:$0x9] =	wrdreg s21  }
0x15: {  	s14 =	sor.u32 $0x10, s12;
	s12 =	sadd.s32 s6, s12;
	[dreg:$0xb] =	wrdreg s23  }
0x16: {  	s19 =	simm.s32 $0x1;
	s10 =	sadd.s32 s10, s0;
	[dreg:$0xd] =	wrdreg s12  }
0x17: {  	s8 =	sadd.s32 s8, s0;
	s25 =	sadd.s32 s9, s0;
	[dreg:$0xe] =	wrdreg s10  }
0x18: {  	s26 =	sadd.s32 s11, s0;
	s0 =	sadd.s32 s24, s0;
	[dreg:$0xf] =	wrdreg s8  }
0x19: {  	s24 =	sor.u32 $0x200, s3;
	s22 =	sadd.s32 s1, s14;
	[dreg:$0x10] =	wrdreg s25  }
.Ltmp0:
0x1a: {  	s14 =	sadd.s32 s4, s14;
	[dreg:$0x11] =	wrdreg s26;
	(pc) =	sbr.rel .LBB2_1-.Ltmp0, $4  }
0x1b: {  	[dreg:$0x12] =	wrdreg s0;
	s23 =	sor.u32 $0x100, s3;
	s26 =	simm.s32 $0x600  }
0x1c: {  	s10 =	simm.s32 $0x7;
	s0 =	simm.s32 $0x400;
	s21 =	simm.s32 $0x3  }
0x1d: {  	s25 =	simm.s32 $0x4;
	s8 =	simm.s32 $0x0;
	[dreg:$0xa] =	wrdreg s22  }
0x1e: {  	v0 =	vimm.f32 $0.0e+00;
	[dreg:$0xc] =	wrdreg s14;
	s14 =	simm.s32 $0x100;
	s22 =	simm.s32 $0x6  }
.LBB2_14:
0x1f: {  	_ =	swait.ge [sflag:s25], $0x4800  }
0x20: {  	[sflag:s25] =	ssyncset.done $0x0  }
0x21: {  	[sflag:s25] =	ssyncadd.s32 $0xFFFFB800  }
0x22: {  	s3 =	stileid.u32;
	[bflag:$0x0] =	sbarrier.arrive $0xFFFF  }
0x23: {  	s10 =	simm.s32 $0x7;
	s3 =	sshll.u32 s3, $0x6;
	s28 =	rddreg [dreg:$0x4]  }
0x24: {  	s3 =	sor.u32 $0x1C07, s3;
	s9 =	rddreg [dreg:$0xe];
	s8 =	sshrl.u32 s28, $0x3  }
0x25: {  	[hbm:s9], [sflag:s3] =	dma.local [spmem:s8], $0x900  }
0x26: {  	_ =	swait.ge [sflag:s10], $0x900  }
0x27: {  	[sflag:s10] =	ssyncset.done $0x0;
	s30 =	rddreg [dreg:$0x5]  }
0x28: {  	s31 =	rddreg [dreg:$0xf];
	[sflag:s10] =	ssyncadd.s32 $0xFFFFF700;
	s12 =	sshrl.u32 s30, $0x3  }
0x29: {  	[hbm:s31], [sflag:s3] =	dma.local [spmem:s12], $0x900  }
0x2a: {  	_ =	swait.ge [sflag:s10], $0x900  }
0x2b: {  	[sflag:s10] =	ssyncset.done $0x0;
	s9 =	rddreg [dreg:$0x6]  }
0x2c: {  	s11 =	rddreg [dreg:$0x10];
	[sflag:s10] =	ssyncadd.s32 $0xFFFFF700;
	s8 =	sshrl.u32 s9, $0x3  }
0x2d: {  	[hbm:s11], [sflag:s3] =	dma.local [spmem:s8], $0x900  }
0x2e: {  	_ =	swait.ge [sflag:s10], $0x900  }
0x2f: {  	[sflag:s10] =	ssyncset.done $0x0;
	s12 =	rddreg [dreg:$0x7]  }
0x30: {  	s31 =	rddreg [dreg:$0x11];
	[sflag:s10] =	ssyncadd.s32 $0xFFFFF700;
	s8 =	sshrl.u32 s12, $0x3  }
0x31: {  	[hbm:s31], [sflag:s3] =	dma.local [spmem:s8], $0x900  }
0x32: {  	_ =	swait.ge [sflag:s10], $0x900  }
0x33: {  	[sflag:s10] =	ssyncset.done $0x0;
	s9 =	rddreg [dreg:$0x8]  }
0x34: {  	s11 =	rddreg [dreg:$0x12];
	[sflag:s10] =	ssyncadd.s32 $0xFFFFF700;
	s8 =	sshrl.u32 s9, $0x3  }
0x35: {  	[hbm:s11], [sflag:s3] =	dma.local [spmem:s8], $0x900  }
0x36: {  	_ =	swait.ge [sflag:s10], $0x900  }
0x37: {  	s12 =	rddreg [dreg:$0x14]  }
0x38: {  	s31 =	rddreg [dreg:$0x13];
	s8 =	sadd.s32 $0x1, s12  }
0x39: {  	p0 =	sne.s32 s8, s31  }
.Ltmp1:
0x3a: {  	_ = 	snop;
	(pc) =	sbr.rel @!p0 .LBB2_15-.Ltmp1, $3  }
0x3b: {  	_ =	sdelay $0x1  }
0x3c: {  	[sflag:s10] =	ssyncset.done $0x0  }
0x3d: {  	[sflag:s10] =	ssyncadd.s32 $0xFFFFF700  }
.LBB2_1:
0x3e: {  	[dreg:$0x14] =	wrdreg s8;
	s3 =	simm.s32 $0x0;
	s8 =	simm.s32 $0x240  }
.LBB2_2:
0x3f: {  	p0 =	sne.s32 s8, $0x11DC0;
	[tilespmem:s3+$0x680] =	vst v0  }
0x40: {  	[tilespmem:s3+$0x600] =	vst v0  }
0x41: {  	[tilespmem:s3+$0x610] =	vst v0  }
0x42: {  	[tilespmem:s3+$0x620] =	vst v0  }
.Ltmp2:
0x43: {  	[tilespmem:s3+$0x630] =	vst v0;
	(pc) =	sbr.rel @p0 .LBB2_2-.Ltmp2, $4  }
0x44: {  	[tilespmem:s3+$0x640] =	vst v0  }
0x45: {  	[tilespmem:s3+$0x650] =	vst v0  }
0x46: {  	[tilespmem:s3+$0x660] =	vst v0  }
0x47: {  	[tilespmem:s3+$0x670] =	vst v0;
	s3 =	sshra.s32 s8, $0x2;
	s8 =	sadd.s32 $0x240, s8  }
0x48: {  	[tilespmem:s3+$0x680] =	vst v0  }
0x49: {  	[tilespmem:s3+$0x600] =	vst v0  }
0x4a: {  	[tilespmem:s3+$0x610] =	vst v0  }
0x4b: {  	[tilespmem:s3+$0x620] =	vst v0  }
0x4c: {  	[tilespmem:s3+$0x630] =	vst v0  }
0x4d: {  	[tilespmem:s3+$0x640] =	vst v0  }
0x4e: {  	[tilespmem:s3+$0x650] =	vst v0  }
0x4f: {  	[tilespmem:s3+$0x660] =	vst v0  }
0x50: {  	[tilespmem:s3+$0x670] =	vst v0  }
0x51: {  	[spmem:s28] =	stream.linear.scatter [tilespmem:s26], [sflag:$0x7], $0x4800, $0x38;
	[tilespmem:$0x1FE00] =	vst v63  }
0x52: {  	_ =	swait.ge [sflag:s10], $0x4800  }
0x53: {  	[sflag:s10] =	ssyncset.done $0x0  }
0x54: {  	[sflag:s10] =	ssyncadd.s32 $0xFFFFB800  }
0x55: {  	[spmem:s30] =	stream.linear.scatter [tilespmem:s26], [sflag:$0x7], $0x4800, $0x38;
	[tilespmem:$0x1FE00] =	vst v63  }
0x56: {  	_ =	swait.ge [sflag:s10], $0x4800  }
0x57: {  	[sflag:s10] =	ssyncset.done $0x0  }
0x58: {  	s31 =	rddreg [dreg:$0x6];
	[sflag:s10] =	ssyncadd.s32 $0xFFFFB800  }
0x59: {  	[spmem:s31] =	stream.linear.scatter [tilespmem:s26], [sflag:$0x7], $0x4800, $0x38;
	[tilespmem:$0x1FE00] =	vst v63  }
0x5a: {  	_ =	swait.ge [sflag:s10], $0x4800  }
0x5b: {  	[sflag:s10] =	ssyncset.done $0x0  }
0x5c: {  	s8 =	rddreg [dreg:$0x7];
	[sflag:s10] =	ssyncadd.s32 $0xFFFFB800  }
0x5d: {  	[spmem:s8] =	stream.linear.scatter [tilespmem:s26], [sflag:$0x7], $0x4800, $0x38;
	[tilespmem:$0x1FE00] =	vst v63  }
0x5e: {  	_ =	swait.ge [sflag:s10], $0x4800  }
0x5f: {  	[sflag:s10] =	ssyncset.done $0x0  }
0x60: {  	s9 =	rddreg [dreg:$0x8];
	[sflag:s10] =	ssyncadd.s32 $0xFFFFB800  }
0x61: {  	[spmem:s9] =	stream.linear.scatter [tilespmem:s26], [sflag:$0x7], $0x4800, $0x38;
	[tilespmem:$0x1FE00] =	vst v63  }
0x62: {  	_ =	swait.ge [sflag:s10], $0x4800  }
0x63: {  	[sflag:s10] =	ssyncset.done $0x0  }
0x64: {  	[sflag:s10] =	ssyncadd.s32 $0xFFFFB800  }
0x65: {  	[bflag:$0x0] =	sbarrier.arrive $0xFFFF  }
0x66: {  	s9 =	simm.s32 $0x0;
	s10 =	rddreg [dreg:$0x9]  }
0x67: {  	[tilespmem:s9], [sflag:$0x5] =	stream.linear.gather [hbm4b:s10+s9], $0x80, $0x38;
	[tilespmem:$0x1FE00] =	vst v63  }
0x68: {  	s11 =	rddreg [dreg:$0xa]  }
0x69: {  	[tilespmem:s29], [sflag:$0x5] =	stream.linear.gather [hbm4b:s11+s9], $0x80, $0x38;
	[tilespmem:$0x1FE00] =	vst v63  }
0x6a: {  	s8 =	simm.s32 $0x200;
	s12 =	rddreg [dreg:$0xb]  }
0x6b: {  	[tilespmem:s8], [sflag:$0x5] =	stream.linear.gather [hbm4b:s12+s9], $0x80, $0x38;
	[tilespmem:$0x1FE00] =	vst v63  }
0x6c: {  	s30 =	simm.s32 $0x280;
	s28 =	rddreg [dreg:$0xc]  }
0x6d: {  	[tilespmem:s30], [sflag:$0x5] =	stream.linear.gather [hbm4b:s28+s9], $0x80, $0x38;
	[tilespmem:$0x1FE00] =	vst v63  }
0x6e: {  	s31 =	rddreg [dreg:$0xd]  }
0x6f: {  	[tilespmem:s0], [sflag:$0x5] =	stream.linear.gather [hbm4b:s31+s9], $0x100, $0x38;
	[tilespmem:$0x1FE00] =	vst v63  }
0x70: {  	_ =	swait.ge [sflag:s5], $0x80  }
0x71: {  	[sflag:s5] =	ssyncset.done $0x0  }
0x72: {  	[sflag:s5] =	ssyncadd.s32 $0xFFFFFF80  }
0x73: {  	_ =	swait.ge [sflag:s5], $0x80  }
0x74: {  	[sflag:s5] =	ssyncset.done $0x0  }
0x75: {  	[sflag:s5] =	ssyncadd.s32 $0xFFFFFF80  }
0x76: {  	_ =	swait.ge [sflag:s5], $0x80  }
0x77: {  	[sflag:s5] =	ssyncset.done $0x0  }
0x78: {  	[sflag:s5] =	ssyncadd.s32 $0xFFFFFF80  }
0x79: {  	_ =	swait.ge [sflag:s5], $0x80  }
0x7a: {  	[sflag:s5] =	ssyncset.done $0x0  }
0x7b: {  	[sflag:s5] =	ssyncadd.s32 $0xFFFFFF80  }
0x7c: {  	_ =	swait.ge [sflag:s5], $0x100  }
0x7d: {  	[sflag:s5] =	ssyncset.done $0x0  }
0x7e: {  	s10 =	simm.s32 $0x0;
	[sflag:s5] =	ssyncadd.s32 $0xFFFFFF00  }
0x7f: {  	[tilespmem:s26], [sflag:$0x1] =	stream.indirect.gather [hbm4b:s7+s29], $0x90, s9, s29, $0xb8;
	[tilespmem:$0x1FE00] =	vst v63  }
.LBB2_4:
0x80: {  	p0 =	seq.s32 s10, $0x0  }
0x81: {  	s3 =	simm.s32 @!p0 $0x4  }
0x82: {  	s11 =	sshll.u32 s10, $0x9;
	_ =	swait.ge @!p0 [sflag:s3], $0x4800  }
0x83: {  	s12 =	sadd.s32 s11, s23;
	[sflag:s3] =	ssyncset.done @!p0 $0x0  }
0x84: {  	[sflag:s3] =	ssyncadd.s32 @!p0 $0xFFFFB800;
	s3 =	sshrl.u32 s12, $0x3  }
0x85: {  	[tilespmem:s13], [sflag:$0x2] =	stream.indirect.gather [hbm4b:s7+s29], $0x90, s29, s29, $0xb8;
	[tilespmem:$0x1FE00] =	vst v63  }
0x86: {  	s8 =	sadd.s32 s1, s3;
	s30 =	sor.u32 $0x10, s3  }
0x87: {  	[tilespmem:s14], [sflag:$0x6] =	stream.linear.gather [hbm4b:s8+s9], $0x80, $0x38;
	[tilespmem:$0x1FE00] =	vst v63  }
0x88: {  	s12 =	sadd.s32 s1, s30  }
0x89: {  	[tilespmem:s15], [sflag:$0x6] =	stream.linear.gather [hbm4b:s12+s9], $0x80, $0x38;
	[tilespmem:$0x1FE00] =	vst v63  }
0x8a: {  	s31 =	sadd.s32 s4, s3  }
0x8b: {  	v1 =	vmov s9;
	[tilespmem:s16], [sflag:$0x6] =	stream.linear.gather [hbm4b:s31+s9], $0x80, $0x38;
	[tilespmem:$0x1FE00] =	vst v63  }
0x8c: {  	v1 =	vand.u32 $0xFFFFFFFC, v1;
	s8 =	sadd.s32 s4, s30  }
0x8d: {  	v1 =	vbroadcast v1, $0x0;
	[tilespmem:s17], [sflag:$0x6] =	stream.linear.gather [hbm4b:s8+s9], $0x80, $0x38;
	[tilespmem:$0x1FE00] =	vst v63  }
0x8e: {  	s3 =	sadd.s32 s6, s3  }
0x8f: {  	[tilespmem:s18], [sflag:$0x6] =	stream.linear.gather [hbm4b:s3+s9], $0x100, $0x38;
	[tilespmem:$0x1FE00] =	vst v63  }
0x90: {  	_ =	swait.ge [sflag:s19], $0x4800  }
0x91: {  	[sflag:s19] =	ssyncset.done $0x0  }
0x92: {  	[sflag:s19] =	ssyncadd.s32 $0xFFFFB800  }
0x93: {  	s12 =	simm.s32 $0x720;
	v1 =	vld.idx.msk [tilespmem:v1+s0+$0x0], $0xffff  }
0x94: {  	v2 =	vld [tilespmem:s12+$0xFFFFFEE0]  }
0x95: {  	v3 =	vld [tilespmem:s12+$0xFFFFFF60]  }
0x96: {  	v4 =	vld [tilespmem:s12+$0xFFFFFF30]  }
0x97: {  	v5 =	vld [tilespmem:s12+$0xFFFFFF00]  }
0x98: {  	v6 =	vld [tilespmem:s12+$0xFFFFFF10]  }
0x99: {  	v7 =	vld [tilespmem:s12+$0xFFFFFF50];
	v2 =	vmul.f32 v2, v1  }
0x9a: {  	v8 =	vld [tilespmem:s12+$0xFFFFFEF0];
	v3 =	vmul.f32 v3, v1  }
0x9b: {  	s30 =	simm.s32 $0x1;
	v9 =	vld [tilespmem:s12+$0xFFFFFF40];
	v4 =	vmul.f32 v4, v1;
	[tilespmem:s12+$0xFFFFFEE0] =	vst v2  }
0x9c: {  	v5 =	vmul.f32 v5, v1;
	v2 =	vld [tilespmem:s12+$0xFFFFFF20];
	[tilespmem:s12+$0xFFFFFF60] =	vst v3;
	v3 =	vmov s30  }
0x9d: {  	v6 =	vmul.f32 v6, v1;
	[tilespmem:s12+$0xFFFFFF30] =	vst v4;
	v3 =	vand.u32 $0xFFFFFFFD, v3  }
0x9e: {  	v4 =	vmul.f32 v7, v1;
	[tilespmem:s12+$0xFFFFFF00] =	vst v5;
	v3 =	vbroadcast v3, $0x0  }
0x9f: {  	v5 =	vmul.f32 v8, v1;
	[tilespmem:s12+$0xFFFFFF10] =	vst v6  }
0xa0: {  	v6 =	vmul.f32 v9, v1;
	[tilespmem:s12+$0xFFFFFF50] =	vst v4  }
0xa1: {  	[tilespmem:s12+$0xFFFFFEF0] =	vst v5;
	v1 =	vmul.f32 v2, v1  }
0xa2: {  	[tilespmem:s12+$0xFFFFFF40] =	vst v6  }
0xa3: {  	[tilespmem:s12+$0xFFFFFF20] =	vst v1;
	v1 =	vld [tilespmem:s12+$0xFFFFFF70]  }
0xa4: {  	v3 =	vld.idx.msk [tilespmem:v3+s0+$0x0], $0xffff  }
0xa5: {  	v4 =	vld [tilespmem:s12+$0xFFFFFFA0]  }
0xa6: {  	v5 =	vld [tilespmem:s12+$0xFFFFFFB0]  }
0xa7: {  	v6 =	vld [tilespmem:s12+$0xFFFFFFE0]  }
0xa8: {  	v2 =	vld [tilespmem:s12+$0xFFFFFFC0]  }
0xa9: {  	v62 =	vld [tilespmem:s12+$0xFFFFFFF0];
	v1 =	vmul.f32 v1, v3  }
0xaa: {  	v7 =	vld [tilespmem:s12+$0xFFFFFF90];
	v4 =	vmul.f32 v4, v3  }
0xab: {  	s31 =	simm.s32 $0x2;
	v63 =	vld [tilespmem:s12+$0xFFFFFF80];
	v5 =	vmul.f32 v5, v3;
	[tilespmem:s12+$0xFFFFFF70] =	vst v1  }
0xac: {  	v10 =	vld [tilespmem:s12+$0xFFFFFFD0];
	v6 =	vmul.f32 v6, v3;
	[tilespmem:s12+$0xFFFFFFA0] =	vst v4;
	v4 =	vmov s31  }
0xad: {  	v2 =	vmul.f32 v2, v3;
	[tilespmem:s12+$0xFFFFFFB0] =	vst v5;
	v4 =	vand.u32 $0xFFFFFFFE, v4  }
0xae: {  	v5 =	vmul.f32 v62, v3;
	[tilespmem:s12+$0xFFFFFFE0] =	vst v6;
	v6 =	vbroadcast v4, $0x0  }
0xaf: {  	[tilespmem:s12+$0xFFFFFFC0] =	vst v2;
	v4 =	vmul.f32 v7, v3  }
0xb0: {  	v1 =	vld [tilespmem:s12+$0x0];
	v7 =	vmul.f32 v63, v3;
	[tilespmem:s12+$0xFFFFFFF0] =	vst v5  }
0xb1: {  	v2 =	vld [tilespmem:s12+$0x80];
	v3 =	vmul.f32 v10, v3;
	[tilespmem:s12+$0xFFFFFF90] =	vst v4  }
0xb2: {  	v5 =	vld [tilespmem:s12+$0x40];
	[tilespmem:s12+$0xFFFFFF80] =	vst v7  }
0xb3: {  	v4 =	vld [tilespmem:s12+$0x70];
	[tilespmem:s12+$0xFFFFFFD0] =	vst v3  }
0xb4: {  	s28 =	simm.s32 $0x4;
	s8 =	simm.s32 $0x0;
	s3 =	simm.s32 $0x720;
	v3 =	vld.idx.msk [tilespmem:v6+s0+$0x0], $0xffff  }
.LBB2_5:
0xb5: {  	p0 =	slt.u32 s28, $0x7C  }
0xb6: {  	v6 =	vld [tilespmem:s12+$0x20];
	s3 =	sadd.s32 $0x240, s3;
	s30 =	smov.u32 s28;
	s28 =	sadd.s32 $0x4, s28  }
0xb7: {  	v7 =	vld [tilespmem:s12+$0x30]  }
0xb8: {  	v8 =	vld [tilespmem:s12+$0x50]  }
0xb9: {  	v9 =	vld [tilespmem:s12+$0x60]  }
0xba: {  	v10 =	vld [tilespmem:s12+$0x10]  }
0xbb: {  	v1 =	vmul.f32 v1, v3;
	v2 =	vmul.f32 v2, v3  }
0xbc: {  	v6 =	vmul.f32 v6, v3;
	v7 =	vmul.f32 v7, v3  }
0xbd: {  	v5 =	vmul.f32 v5, v3;
	[tilespmem:s12+$0x0] =	vst v1;
	v8 =	vmul.f32 v8, v3  }
0xbe: {  	v4 =	vmul.f32 v4, v3;
	v9 =	vmul.f32 v9, v3;
	[tilespmem:s12+$0x80] =	vst v2  }
0xbf: {  	v2 =	vld [tilespmem:s3+$0x80];
	v3 =	vmul.f32 v10, v3;
	[tilespmem:s12+$0x30] =	vst v7  }
0xc0: {  	s31 =	sadd.s32 $0x3, s8;
	s8 =	smov.u32 s30;
	v1 =	vld [tilespmem:s3+$0x0];
	[tilespmem:s12+$0x70] =	vst v4  }
0xc1: {  	v4 =	vmov s31;
	[tilespmem:s12+$0x20] =	vst v6  }
0xc2: {  	[tilespmem:s12+$0x40] =	vst v5;
	v5 =	vld [tilespmem:s12+$0xB0]  }
0xc3: {  	[tilespmem:s12+$0x10] =	vst v3;
	v3 =	vld [tilespmem:s12+$0x90]  }
0xc4: {  	[tilespmem:s12+$0x50] =	vst v8;
	v6 =	vld [tilespmem:s12+$0xD0]  }
0xc5: {  	[tilespmem:s12+$0x60] =	vst v9;
	v7 =	vld [tilespmem:s12+$0xC0]  }
0xc6: {  	v4 =	vld.idx.msk [tilespmem:v4+s0+$0x0], $0xffff  }
0xc7: {  	v8 =	vld [tilespmem:s12+$0xA0]  }
0xc8: {  	v9 =	vld [tilespmem:s12+$0x100]  }
0xc9: {  	v10 =	vld [tilespmem:s12+$0xE0]  }
0xca: {  	v11 =	vld [tilespmem:s12+$0xF0]  }
0xcb: {  	v12 =	vld [tilespmem:s12+$0x110]  }
0xcc: {  	v3 =	vmul.f32 v3, v4;
	v8 =	vmul.f32 v8, v4  }
0xcd: {  	v5 =	vmul.f32 v5, v4;
	v7 =	vmul.f32 v7, v4  }
0xce: {  	[tilespmem:s12+$0x90] =	vst v3;
	v3 =	vmul.f32 v6, v4;
	v6 =	vmul.f32 v10, v4  }
0xcf: {  	v9 =	vmul.f32 v9, v4;
	v10 =	vmov s8;
	[tilespmem:s12+$0xB0] =	vst v5;
	v5 =	vmul.f32 v11, v4  }
0xd0: {  	v10 =	vand.u32 $0xFFFFFFFC, v10;
	[tilespmem:s12+$0xC0] =	vst v7;
	v4 =	vmul.f32 v12, v4  }
0xd1: {  	v7 =	vbroadcast v10, $0x0;
	[tilespmem:s12+$0xD0] =	vst v3  }
0xd2: {  	[tilespmem:s12+$0xA0] =	vst v8  }
0xd3: {  	v3 =	vld [tilespmem:s3+$0xFFFFFF20];
	[tilespmem:s12+$0x110] =	vst v4  }
0xd4: {  	v4 =	vld [tilespmem:s3+$0xFFFFFF40];
	[tilespmem:s12+$0xE0] =	vst v6  }
0xd5: {  	v6 =	vld [tilespmem:s3+$0xFFFFFF30];
	[tilespmem:s12+$0x100] =	vst v9  }
0xd6: {  	v8 =	vld [tilespmem:s3+$0xFFFFFF60];
	[tilespmem:s12+$0xF0] =	vst v5;
	s12 =	smov.u32 s3  }
0xd7: {  	v5 =	vld.idx.msk [tilespmem:v7+s0+$0x0], $0xffff  }
0xd8: {  	v7 =	vld [tilespmem:s3+$0xFFFFFEE0]  }
0xd9: {  	v9 =	vld [tilespmem:s3+$0xFFFFFF00]  }
0xda: {  	v10 =	vld [tilespmem:s3+$0xFFFFFEF0]  }
0xdb: {  	v11 =	vld [tilespmem:s3+$0xFFFFFF10]  }
0xdc: {  	v12 =	vld [tilespmem:s3+$0xFFFFFF50]  }
0xdd: {  	v8 =	vmul.f32 v8, v5;
	v7 =	vmul.f32 v7, v5  }
0xde: {  	v6 =	vmul.f32 v6, v5;
	v9 =	vmul.f32 v9, v5  }
0xdf: {  	s30 =	sadd.s32 $0x1, s8;
	v4 =	vmul.f32 v4, v5;
	[tilespmem:s3+$0xFFFFFEE0] =	vst v7;
	v7 =	vmul.f32 v10, v5  }
0xe0: {  	v3 =	vmul.f32 v3, v5;
	v10 =	vmul.f32 v11, v5;
	[tilespmem:s3+$0xFFFFFF60] =	vst v8;
	v8 =	vmov s30  }
0xe1: {  	[tilespmem:s3+$0xFFFFFF30] =	vst v6;
	v5 =	vmul.f32 v12, v5;
	v6 =	vand.u32 $0xFFFFFFFD, v8  }
0xe2: {  	[tilespmem:s3+$0xFFFFFF00] =	vst v9;
	v6 =	vbroadcast v6, $0x0  }
0xe3: {  	[tilespmem:s3+$0xFFFFFF10] =	vst v10  }
0xe4: {  	[tilespmem:s3+$0xFFFFFF50] =	vst v5;
	v5 =	vld [tilespmem:s3+$0xFFFFFFC0]  }
0xe5: {  	[tilespmem:s3+$0xFFFFFEF0] =	vst v7;
	v7 =	vld [tilespmem:s3+$0xFFFFFFD0]  }
0xe6: {  	[tilespmem:s3+$0xFFFFFF40] =	vst v4;
	v4 =	vld [tilespmem:s3+$0xFFFFFFA0]  }
0xe7: {  	[tilespmem:s3+$0xFFFFFF20] =	vst v3;
	v3 =	vld [tilespmem:s3+$0xFFFFFFE0]  }
0xe8: {  	v6 =	vld.idx.msk [tilespmem:v6+s0+$0x0], $0xffff  }
0xe9: {  	v8 =	vld [tilespmem:s3+$0xFFFFFF70]  }
0xea: {  	v9 =	vld [tilespmem:s3+$0xFFFFFF90]  }
0xeb: {  	v10 =	vld [tilespmem:s3+$0xFFFFFFB0]  }
0xec: {  	v11 =	vld [tilespmem:s3+$0xFFFFFF80]  }
0xed: {  	v12 =	vld [tilespmem:s3+$0xFFFFFFF0]  }
0xee: {  	v3 =	vmul.f32 v3, v6;
	v8 =	vmul.f32 v8, v6  }
0xef: {  	v4 =	vmul.f32 v4, v6;
	v9 =	vmul.f32 v9, v6  }
0xf0: {  	s30 =	sadd.s32 $0x2, s8;
	v7 =	vmul.f32 v7, v6;
	[tilespmem:s3+$0xFFFFFF70] =	vst v8;
	v8 =	vmul.f32 v10, v6  }
0xf1: {  	v10 =	vmul.f32 v11, v6;
	[tilespmem:s3+$0xFFFFFFA0] =	vst v4;
	v4 =	vmul.f32 v5, v6;
	v5 =	vmov s30  }
0xf2: {  	[tilespmem:s3+$0xFFFFFFB0] =	vst v8;
	v6 =	vmul.f32 v12, v6;
	v5 =	vand.u32 $0xFFFFFFFE, v5  }
0xf3: {  	[tilespmem:s3+$0xFFFFFFE0] =	vst v3;
	v3 =	vbroadcast v5, $0x0  }
0xf4: {  	[tilespmem:s3+$0xFFFFFFC0] =	vst v4  }
.Ltmp3:
0xf5: {  	[tilespmem:s3+$0xFFFFFFF0] =	vst v6;
	(pc) =	sbr.rel @p0 .LBB2_5-.Ltmp3, $4  }
0xf6: {  	[tilespmem:s3+$0xFFFFFF90] =	vst v9  }
0xf7: {  	[tilespmem:s3+$0xFFFFFF80] =	vst v10;
	v4 =	vld [tilespmem:s3+$0x70]  }
0xf8: {  	[tilespmem:s3+$0xFFFFFFD0] =	vst v7;
	v5 =	vld [tilespmem:s3+$0x40]  }
0xf9: {  	v3 =	vld.idx.msk [tilespmem:v3+s0+$0x0], $0xffff  }
0xfa: {  	_ = 	snop  }
0xfb: {  	v6 =	vld [tilespmem:s12+$0x30];
	_ =	sdelay $0x1  }
0xfc: {  	v7 =	vld [tilespmem:s12+$0x20]  }
0xfd: {  	v1 =	vmul.f32 v1, v3  }
0xfe: {  	v8 =	vld [tilespmem:s12+$0x50];
	v2 =	vmul.f32 v2, v3  }
0xff: {  	v9 =	vld [tilespmem:s12+$0x10];
	v6 =	vmul.f32 v6, v3;
	[tilespmem:s12+$0x0] =	vst v1  }
0x100: {  	v10 =	vld [tilespmem:s12+$0x60];
	v1 =	vmul.f32 v4, v3;
	[tilespmem:s12+$0x80] =	vst v2  }
0x101: {  	v2 =	vmul.f32 v7, v3;
	[tilespmem:s12+$0x30] =	vst v6  }
0x102: {  	s3 =	sadd.s32 $0x3, s8;
	v4 =	vmul.f32 v5, v3;
	[tilespmem:s12+$0x70] =	vst v1  }
0x103: {  	v5 =	vmul.f32 v8, v3;
	[tilespmem:s12+$0x20] =	vst v2;
	v2 =	vmov s3  }
0x104: {  	v1 =	vmul.f32 v9, v3;
	[tilespmem:s12+$0x40] =	vst v4  }
0x105: {  	v3 =	vmul.f32 v10, v3;
	[tilespmem:s12+$0x50] =	vst v5  }
0x106: {  	[tilespmem:s12+$0x10] =	vst v1  }
0x107: {  	v1 =	vld [tilespmem:s12+$0x90];
	[tilespmem:s12+$0x60] =	vst v3  }
0x108: {  	v2 =	vld.idx.msk [tilespmem:v2+s0+$0x0], $0xffff  }
0x109: {  	v3 =	vld [tilespmem:s12+$0xB0]  }
0x10a: {  	v4 =	vld [tilespmem:s12+$0xC0]  }
0x10b: {  	v5 =	vld [tilespmem:s12+$0xD0]  }
0x10c: {  	v6 =	vld [tilespmem:s12+$0xA0]  }
0x10d: {  	v7 =	vld [tilespmem:s12+$0x110];
	v1 =	vmul.f32 v1, v2  }
0x10e: {  	v57 =	vld [tilespmem:s12+$0xE0];
	v3 =	vmul.f32 v3, v2  }
0x10f: {  	v58 =	vld [tilespmem:s12+$0x100];
	v4 =	vmul.f32 v4, v2;
	[tilespmem:s12+$0x90] =	vst v1  }
0x110: {  	v5 =	vmul.f32 v5, v2;
	v1 =	vld [tilespmem:s12+$0xF0];
	[tilespmem:s12+$0xB0] =	vst v3  }
0x111: {  	v3 =	vmul.f32 v6, v2;
	[tilespmem:s12+$0xC0] =	vst v4  }
0x112: {  	v4 =	vmul.f32 v7, v2;
	[tilespmem:s12+$0xD0] =	vst v5  }
0x113: {  	s8 =	simm.s32 $0x80;
	v5 =	vmul.f32 v57, v2;
	[tilespmem:s12+$0xA0] =	vst v3  }
0x114: {  	v3 =	vmul.f32 v58, v2;
	[tilespmem:s12+$0x110] =	vst v4;
	v4 =	vmov s8  }
0x115: {  	[tilespmem:s12+$0xE0] =	vst v5;
	v1 =	vmul.f32 v1, v2;
	v2 =	vand.u32 $0xFFFFFFFC, v4  }
0x116: {  	[tilespmem:s12+$0x100] =	vst v3;
	v2 =	vbroadcast v2, $0x0  }
0x117: {  	[tilespmem:s12+$0xF0] =	vst v1;
	s12 =	simm.s32 $0x200  }
0x118: {  	[spmem:s2] =	stream.indirect.scatter.add.f32 [tilespmem:s26], [sflag:$0x3], $0x90, s12, s29, $0xb8;
	[tilespmem:$0x1FE00] =	vst v63  }
0x119: {  	_ =	swait.ge [sflag:s20], $0x4800  }
0x11a: {  	[sflag:s20] =	ssyncset.done $0x0  }
0x11b: {  	[sflag:s20] =	ssyncadd.s32 $0xFFFFB800  }
0x11c: {  	s12 =	simm.s32 $0x4F20;
	v1 =	vld.idx.msk [tilespmem:v2+s0+$0x0], $0xffff  }
0x11d: {  	v2 =	vld [tilespmem:s12+$0xFFFFFEE0]  }
0x11e: {  	v3 =	vld [tilespmem:s12+$0xFFFFFF60]  }
0x11f: {  	v4 =	vld [tilespmem:s12+$0xFFFFFF30]  }
0x120: {  	v5 =	vld [tilespmem:s12+$0xFFFFFF00]  }
0x121: {  	v6 =	vld [tilespmem:s12+$0xFFFFFF10]  }
0x122: {  	v7 =	vld [tilespmem:s12+$0xFFFFFF50];
	v2 =	vmul.f32 v2, v1  }
0x123: {  	v59 =	vld [tilespmem:s12+$0xFFFFFEF0];
	v3 =	vmul.f32 v3, v1  }
0x124: {  	s30 =	simm.s32 $0x81;
	v60 =	vld [tilespmem:s12+$0xFFFFFF40];
	v4 =	vmul.f32 v4, v1;
	[tilespmem:s12+$0xFFFFFEE0] =	vst v2  }
0x125: {  	v5 =	vmul.f32 v5, v1;
	v2 =	vld [tilespmem:s12+$0xFFFFFF20];
	[tilespmem:s12+$0xFFFFFF60] =	vst v3;
	v3 =	vmov s30  }
0x126: {  	v6 =	vmul.f32 v6, v1;
	[tilespmem:s12+$0xFFFFFF30] =	vst v4;
	v3 =	vand.u32 $0xFFFFFFFD, v3  }
0x127: {  	v4 =	vmul.f32 v7, v1;
	[tilespmem:s12+$0xFFFFFF00] =	vst v5;
	v3 =	vbroadcast v3, $0x0  }
0x128: {  	v5 =	vmul.f32 v59, v1;
	[tilespmem:s12+$0xFFFFFF10] =	vst v6  }
0x129: {  	v6 =	vmul.f32 v60, v1;
	[tilespmem:s12+$0xFFFFFF50] =	vst v4  }
0x12a: {  	[tilespmem:s12+$0xFFFFFEF0] =	vst v5;
	v1 =	vmul.f32 v2, v1  }
0x12b: {  	[tilespmem:s12+$0xFFFFFF40] =	vst v6  }
0x12c: {  	[tilespmem:s12+$0xFFFFFF20] =	vst v1;
	v1 =	vld [tilespmem:s12+$0xFFFFFF70]  }
0x12d: {  	v3 =	vld.idx.msk [tilespmem:v3+s0+$0x0], $0xffff  }
0x12e: {  	v4 =	vld [tilespmem:s12+$0xFFFFFFA0]  }
0x12f: {  	v5 =	vld [tilespmem:s12+$0xFFFFFFB0]  }
0x130: {  	v6 =	vld [tilespmem:s12+$0xFFFFFFE0]  }
0x131: {  	v2 =	vld [tilespmem:s12+$0xFFFFFFC0]  }
0x132: {  	v61 =	vld [tilespmem:s12+$0xFFFFFFF0];
	v1 =	vmul.f32 v1, v3  }
0x133: {  	v7 =	vld [tilespmem:s12+$0xFFFFFF90];
	v4 =	vmul.f32 v4, v3  }
0x134: {  	s31 =	simm.s32 $0x82;
	v62 =	vld [tilespmem:s12+$0xFFFFFF80];
	v5 =	vmul.f32 v5, v3;
	[tilespmem:s12+$0xFFFFFF70] =	vst v1  }
0x135: {  	v63 =	vld [tilespmem:s12+$0xFFFFFFD0];
	v6 =	vmul.f32 v6, v3;
	[tilespmem:s12+$0xFFFFFFA0] =	vst v4;
	v4 =	vmov s31  }
0x136: {  	v2 =	vmul.f32 v2, v3;
	[tilespmem:s12+$0xFFFFFFB0] =	vst v5;
	v4 =	vand.u32 $0xFFFFFFFE, v4  }
0x137: {  	v5 =	vmul.f32 v61, v3;
	[tilespmem:s12+$0xFFFFFFE0] =	vst v6;
	v6 =	vbroadcast v4, $0x0  }
0x138: {  	[tilespmem:s12+$0xFFFFFFC0] =	vst v2;
	v4 =	vmul.f32 v7, v3  }
0x139: {  	v1 =	vld [tilespmem:s12+$0x0];
	v7 =	vmul.f32 v62, v3;
	[tilespmem:s12+$0xFFFFFFF0] =	vst v5  }
0x13a: {  	v2 =	vld [tilespmem:s12+$0x80];
	v3 =	vmul.f32 v63, v3;
	[tilespmem:s12+$0xFFFFFF90] =	vst v4  }
0x13b: {  	v5 =	vld [tilespmem:s12+$0x40];
	[tilespmem:s12+$0xFFFFFF80] =	vst v7  }
0x13c: {  	v4 =	vld [tilespmem:s12+$0x70];
	[tilespmem:s12+$0xFFFFFFD0] =	vst v3  }
0x13d: {  	s28 =	simm.s32 $0x0;
	s3 =	simm.s32 $0x4F20;
	s8 =	simm.s32 $0xFFFFFFFC;
	v3 =	vld.idx.msk [tilespmem:v6+s0+$0x0], $0xffff  }
.LBB2_7:
0x13e: {  	v6 =	vld [tilespmem:s12+$0x20];
	s3 =	sadd.s32 $0x240, s3;
	s30 =	smov.u32 s28;
	s28 =	sadd.s32 $0x4, s28  }
0x13f: {  	p0 =	slt.u32 s28, $0x7C;
	v7 =	vld [tilespmem:s12+$0x30]  }
0x140: {  	v8 =	vld [tilespmem:s12+$0x50]  }
0x141: {  	v9 =	vld [tilespmem:s12+$0x60]  }
0x142: {  	v10 =	vld [tilespmem:s12+$0x10]  }
0x143: {  	v1 =	vmul.f32 v1, v3;
	v2 =	vmul.f32 v2, v3  }
0x144: {  	v6 =	vmul.f32 v6, v3;
	v7 =	vmul.f32 v7, v3  }
0x145: {  	v5 =	vmul.f32 v5, v3;
	[tilespmem:s12+$0x0] =	vst v1;
	v8 =	vmul.f32 v8, v3  }
0x146: {  	v4 =	vmul.f32 v4, v3;
	v9 =	vmul.f32 v9, v3;
	[tilespmem:s12+$0x80] =	vst v2  }
0x147: {  	v2 =	vld [tilespmem:s3+$0x80];
	v3 =	vmul.f32 v10, v3;
	[tilespmem:s12+$0x30] =	vst v7  }
0x148: {  	s31 =	sadd.s32 $0x87, s8;
	s8 =	smov.u32 s30;
	v1 =	vld [tilespmem:s3+$0x0];
	[tilespmem:s12+$0x70] =	vst v4  }
0x149: {  	v4 =	vmov s31;
	[tilespmem:s12+$0x20] =	vst v6  }
0x14a: {  	[tilespmem:s12+$0x40] =	vst v5;
	v5 =	vld [tilespmem:s12+$0xB0]  }
0x14b: {  	[tilespmem:s12+$0x10] =	vst v3;
	v3 =	vld [tilespmem:s12+$0x90]  }
0x14c: {  	[tilespmem:s12+$0x50] =	vst v8;
	v6 =	vld [tilespmem:s12+$0xD0]  }
0x14d: {  	[tilespmem:s12+$0x60] =	vst v9;
	v7 =	vld [tilespmem:s12+$0xC0]  }
0x14e: {  	v4 =	vld.idx.msk [tilespmem:v4+s0+$0x0], $0xffff  }
0x14f: {  	v8 =	vld [tilespmem:s12+$0xA0]  }
0x150: {  	v9 =	vld [tilespmem:s12+$0x100]  }
0x151: {  	v10 =	vld [tilespmem:s12+$0xE0]  }
0x152: {  	v11 =	vld [tilespmem:s12+$0xF0]  }
0x153: {  	v12 =	vld [tilespmem:s12+$0x110]  }
0x154: {  	v3 =	vmul.f32 v3, v4;
	v8 =	vmul.f32 v8, v4  }
0x155: {  	v5 =	vmul.f32 v5, v4;
	v7 =	vmul.f32 v7, v4  }
0x156: {  	s30 =	sadd.s32 $0x84, s8;
	[tilespmem:s12+$0x90] =	vst v3;
	v3 =	vmul.f32 v6, v4;
	v6 =	vmul.f32 v10, v4  }
0x157: {  	v9 =	vmul.f32 v9, v4;
	v10 =	vmov s30;
	[tilespmem:s12+$0xB0] =	vst v5;
	v5 =	vmul.f32 v11, v4  }
0x158: {  	v10 =	vand.u32 $0xFFFFFFFC, v10;
	[tilespmem:s12+$0xC0] =	vst v7;
	v4 =	vmul.f32 v12, v4  }
0x159: {  	v7 =	vbroadcast v10, $0x0;
	[tilespmem:s12+$0xD0] =	vst v3  }
0x15a: {  	[tilespmem:s12+$0xA0] =	vst v8  }
0x15b: {  	v3 =	vld [tilespmem:s3+$0xFFFFFF20];
	[tilespmem:s12+$0x110] =	vst v4  }
0x15c: {  	v4 =	vld [tilespmem:s3+$0xFFFFFF40];
	[tilespmem:s12+$0xE0] =	vst v6  }
0x15d: {  	v6 =	vld [tilespmem:s3+$0xFFFFFF30];
	[tilespmem:s12+$0x100] =	vst v9  }
0x15e: {  	v8 =	vld [tilespmem:s3+$0xFFFFFF60];
	[tilespmem:s12+$0xF0] =	vst v5;
	s12 =	smov.u32 s3  }
0x15f: {  	v5 =	vld.idx.msk [tilespmem:v7+s0+$0x0], $0xffff  }
0x160: {  	v7 =	vld [tilespmem:s3+$0xFFFFFEE0]  }
0x161: {  	v9 =	vld [tilespmem:s3+$0xFFFFFF00]  }
0x162: {  	v10 =	vld [tilespmem:s3+$0xFFFFFEF0]  }
0x163: {  	v11 =	vld [tilespmem:s3+$0xFFFFFF10]  }
0x164: {  	v12 =	vld [tilespmem:s3+$0xFFFFFF50]  }
0x165: {  	v8 =	vmul.f32 v8, v5;
	v7 =	vmul.f32 v7, v5  }
0x166: {  	v6 =	vmul.f32 v6, v5;
	v9 =	vmul.f32 v9, v5  }
0x167: {  	s30 =	sadd.s32 $0x85, s8;
	v4 =	vmul.f32 v4, v5;
	[tilespmem:s3+$0xFFFFFEE0] =	vst v7;
	v7 =	vmul.f32 v10, v5  }
0x168: {  	v3 =	vmul.f32 v3, v5;
	v10 =	vmul.f32 v11, v5;
	[tilespmem:s3+$0xFFFFFF60] =	vst v8;
	v8 =	vmov s30  }
0x169: {  	[tilespmem:s3+$0xFFFFFF30] =	vst v6;
	v5 =	vmul.f32 v12, v5;
	v6 =	vand.u32 $0xFFFFFFFD, v8  }
0x16a: {  	[tilespmem:s3+$0xFFFFFF00] =	vst v9;
	v6 =	vbroadcast v6, $0x0  }
0x16b: {  	[tilespmem:s3+$0xFFFFFF10] =	vst v10  }
0x16c: {  	[tilespmem:s3+$0xFFFFFF50] =	vst v5;
	v5 =	vld [tilespmem:s3+$0xFFFFFFC0]  }
0x16d: {  	[tilespmem:s3+$0xFFFFFEF0] =	vst v7;
	v7 =	vld [tilespmem:s3+$0xFFFFFFD0]  }
0x16e: {  	[tilespmem:s3+$0xFFFFFF40] =	vst v4;
	v4 =	vld [tilespmem:s3+$0xFFFFFFA0]  }
0x16f: {  	[tilespmem:s3+$0xFFFFFF20] =	vst v3;
	v3 =	vld [tilespmem:s3+$0xFFFFFFE0]  }
0x170: {  	v6 =	vld.idx.msk [tilespmem:v6+s0+$0x0], $0xffff  }
0x171: {  	v8 =	vld [tilespmem:s3+$0xFFFFFF70]  }
0x172: {  	v9 =	vld [tilespmem:s3+$0xFFFFFF90]  }
0x173: {  	v10 =	vld [tilespmem:s3+$0xFFFFFFB0]  }
0x174: {  	v11 =	vld [tilespmem:s3+$0xFFFFFF80]  }
0x175: {  	v12 =	vld [tilespmem:s3+$0xFFFFFFF0]  }
0x176: {  	v3 =	vmul.f32 v3, v6;
	v8 =	vmul.f32 v8, v6  }
0x177: {  	v4 =	vmul.f32 v4, v6;
	v9 =	vmul.f32 v9, v6  }
0x178: {  	s30 =	sadd.s32 $0x86, s8;
	v7 =	vmul.f32 v7, v6;
	[tilespmem:s3+$0xFFFFFF70] =	vst v8;
	v8 =	vmul.f32 v10, v6  }
0x179: {  	v10 =	vmul.f32 v11, v6;
	[tilespmem:s3+$0xFFFFFFA0] =	vst v4;
	v4 =	vmul.f32 v5, v6;
	v5 =	vmov s30  }
0x17a: {  	[tilespmem:s3+$0xFFFFFFB0] =	vst v8;
	v6 =	vmul.f32 v12, v6;
	v5 =	vand.u32 $0xFFFFFFFE, v5  }
0x17b: {  	[tilespmem:s3+$0xFFFFFFE0] =	vst v3;
	v3 =	vbroadcast v5, $0x0  }
0x17c: {  	[tilespmem:s3+$0xFFFFFFC0] =	vst v4  }
.Ltmp4:
0x17d: {  	[tilespmem:s3+$0xFFFFFFF0] =	vst v6;
	(pc) =	sbr.rel @p0 .LBB2_7-.Ltmp4, $4  }
0x17e: {  	[tilespmem:s3+$0xFFFFFF90] =	vst v9  }
0x17f: {  	[tilespmem:s3+$0xFFFFFF80] =	vst v10;
	v4 =	vld [tilespmem:s3+$0x70]  }
0x180: {  	[tilespmem:s3+$0xFFFFFFD0] =	vst v7;
	v5 =	vld [tilespmem:s3+$0x40]  }
0x181: {  	v3 =	vld.idx.msk [tilespmem:v3+s0+$0x0], $0xffff  }
0x182: {  	_ = 	snop  }
0x183: {  	v6 =	vld [tilespmem:s12+$0x30];
	_ =	sdelay $0x1  }
0x184: {  	v7 =	vld [tilespmem:s12+$0x20]  }
0x185: {  	v1 =	vmul.f32 v1, v3  }
0x186: {  	v8 =	vld [tilespmem:s12+$0x50];
	v2 =	vmul.f32 v2, v3  }
0x187: {  	v9 =	vld [tilespmem:s12+$0x10];
	v6 =	vmul.f32 v6, v3;
	[tilespmem:s12+$0x0] =	vst v1  }
0x188: {  	v10 =	vld [tilespmem:s12+$0x60];
	v1 =	vmul.f32 v4, v3;
	[tilespmem:s12+$0x80] =	vst v2  }
0x189: {  	v2 =	vmul.f32 v7, v3;
	[tilespmem:s12+$0x30] =	vst v6  }
0x18a: {  	s3 =	sadd.s32 $0x87, s8;
	v4 =	vmul.f32 v5, v3;
	[tilespmem:s12+$0x70] =	vst v1  }
0x18b: {  	v5 =	vmul.f32 v8, v3;
	[tilespmem:s12+$0x20] =	vst v2;
	v2 =	vmov s3  }
0x18c: {  	v1 =	vmul.f32 v9, v3;
	[tilespmem:s12+$0x40] =	vst v4  }
0x18d: {  	v3 =	vmul.f32 v10, v3;
	[tilespmem:s12+$0x50] =	vst v5  }
0x18e: {  	[tilespmem:s12+$0x10] =	vst v1  }
0x18f: {  	v1 =	vld [tilespmem:s12+$0x90];
	[tilespmem:s12+$0x60] =	vst v3  }
0x190: {  	v2 =	vld.idx.msk [tilespmem:v2+s0+$0x0], $0xffff  }
0x191: {  	v3 =	vld [tilespmem:s12+$0xB0]  }
0x192: {  	v4 =	vld [tilespmem:s12+$0xC0]  }
0x193: {  	v5 =	vld [tilespmem:s12+$0xD0]  }
0x194: {  	v6 =	vld [tilespmem:s12+$0xA0]  }
0x195: {  	v7 =	vld [tilespmem:s12+$0x110];
	v1 =	vmul.f32 v1, v2  }
0x196: {  	v57 =	vld [tilespmem:s12+$0xE0];
	v3 =	vmul.f32 v3, v2  }
0x197: {  	v58 =	vld [tilespmem:s12+$0x100];
	v4 =	vmul.f32 v4, v2;
	[tilespmem:s12+$0x90] =	vst v1  }
0x198: {  	v5 =	vmul.f32 v5, v2;
	v1 =	vld [tilespmem:s12+$0xF0];
	[tilespmem:s12+$0xB0] =	vst v3  }
0x199: {  	v3 =	vmul.f32 v6, v2;
	[tilespmem:s12+$0xC0] =	vst v4  }
0x19a: {  	v4 =	vmul.f32 v7, v2;
	[tilespmem:s12+$0xD0] =	vst v5  }
0x19b: {  	v5 =	vmul.f32 v57, v2;
	[tilespmem:s12+$0xA0] =	vst v3  }
0x19c: {  	v3 =	vmul.f32 v58, v2;
	[tilespmem:s12+$0x110] =	vst v4  }
0x19d: {  	[tilespmem:s12+$0xE0] =	vst v5;
	v1 =	vmul.f32 v1, v2  }
0x19e: {  	[tilespmem:s12+$0x100] =	vst v3  }
0x19f: {  	s28 =	simm.s32 $0x280;
	[tilespmem:s12+$0xF0] =	vst v1  }
0x1a0: {  	[spmem:s2] =	stream.indirect.scatter.add.f32 [tilespmem:s13], [sflag:$0x4], $0x90, s28, s29, $0xb8;
	[tilespmem:$0x1FE00] =	vst v63  }
0x1a1: {  	_ =	swait.ge [sflag:s21], $0x4800  }
0x1a2: {  	[sflag:s21] =	ssyncset.done $0x0  }
0x1a3: {  	[sflag:s21] =	ssyncadd.s32 $0xFFFFB800  }
0x1a4: {  	_ =	swait.ge [sflag:s22], $0x80  }
0x1a5: {  	[sflag:s22] =	ssyncset.done $0x0  }
0x1a6: {  	[sflag:s22] =	ssyncadd.s32 $0xFFFFFF80  }
0x1a7: {  	_ =	swait.ge [sflag:s22], $0x80  }
0x1a8: {  	[sflag:s22] =	ssyncset.done $0x0  }
0x1a9: {  	[sflag:s22] =	ssyncadd.s32 $0xFFFFFF80  }
0x1aa: {  	_ =	swait.ge [sflag:s22], $0x80  }
0x1ab: {  	[sflag:s22] =	ssyncset.done $0x0  }
0x1ac: {  	[sflag:s22] =	ssyncadd.s32 $0xFFFFFF80  }
0x1ad: {  	_ =	swait.ge [sflag:s22], $0x80  }
0x1ae: {  	[sflag:s22] =	ssyncset.done $0x0  }
0x1af: {  	[sflag:s22] =	ssyncadd.s32 $0xFFFFFF80  }
0x1b0: {  	_ =	swait.ge [sflag:s22], $0x100  }
0x1b1: {  	[sflag:s22] =	ssyncset.done $0x0  }
0x1b2: {  	[sflag:s22] =	ssyncadd.s32 $0xFFFFFF00  }
0x1b3: {  	[tilespmem:s26], [sflag:$0x1] =	stream.indirect.gather [hbm4b:s7+s29], $0x90, s14, s29, $0xb8;
	[tilespmem:$0x1FE00] =	vst v63  }
0x1b4: {  	p0 =	seq.s32 s10, $0x13;
	_ =	swait.ge [sflag:s25], $0x4800  }
0x1b5: {  	s3 =	sadd.s32 @!p0 s11, s24;
	[sflag:s25] =	ssyncset.done $0x0  }
0x1b6: {  	s3 =	sshrl.u32 @!p0 s3, $0x3;
	[sflag:s25] =	ssyncadd.s32 $0xFFFFB800  }
0x1b7: {  	[tilespmem:s13], [sflag:$0x2] =	stream.indirect.gather [hbm4b:s7+s29], $0x90, s15, s29, $0xb8;
	[tilespmem:$0x1FE00] =	vst v63  }
0x1b8: {  	s11 =	simm.s32 @!p0 $0x0;
	s8 =	sadd.s32 @!p0 s1, s3  }
0x1b9: {  	[tilespmem:s11], [sflag:$0x5] =	stream.linear.gather @!p0 [hbm4b:s8+s11], $0x80, $0x38;
	[tilespmem:$0x1FE00] =	vst v63  }
0x1ba: {  	s8 =	sor.u32 @!p0 $0x10, s3  }
0x1bb: {  	s28 =	simm.s32 @!p0 $0x80;
	s12 =	sadd.s32 @!p0 s1, s8  }
0x1bc: {  	[tilespmem:s28], [sflag:$0x5] =	stream.linear.gather @!p0 [hbm4b:s12+s11], $0x80, $0x38;
	[tilespmem:$0x1FE00] =	vst v63  }
0x1bd: {  	s30 =	simm.s32 @!p0 $0x200;
	s28 =	sadd.s32 @!p0 s4, s3;
	s12 =	simm.s32 $0x0  }
0x1be: {  	v1 =	vmov s12;
	[tilespmem:s30], [sflag:$0x5] =	stream.linear.gather @!p0 [hbm4b:s28+s11], $0x80, $0x38;
	[tilespmem:$0x1FE00] =	vst v63  }
0x1bf: {  	s8 =	sadd.s32 @!p0 s4, s8;
	s28 =	simm.s32 @!p0 $0x280;
	v1 =	vand.u32 $0xFFFFFFFC, v1  }
0x1c0: {  	v1 =	vbroadcast v1, $0x0;
	[tilespmem:s28], [sflag:$0x5] =	stream.linear.gather @!p0 [hbm4b:s8+s11], $0x80, $0x38;
	[tilespmem:$0x1FE00] =	vst v63  }
0x1c1: {  	s3 =	sadd.s32 @!p0 s6, s3;
	s8 =	simm.s32 @!p0 $0x400  }
0x1c2: {  	[tilespmem:s8], [sflag:$0x5] =	stream.linear.gather @!p0 [hbm4b:s3+s11], $0x100, $0x38;
	[tilespmem:$0x1FE00] =	vst v63  }
0x1c3: {  	_ =	swait.ge [sflag:s19], $0x4800  }
0x1c4: {  	[sflag:s19] =	ssyncset.done $0x0  }
0x1c5: {  	[sflag:s19] =	ssyncadd.s32 $0xFFFFB800  }
0x1c6: {  	s11 =	simm.s32 $0x720;
	v1 =	vld.idx.msk [tilespmem:v1+s18+$0x0], $0xffff  }
0x1c7: {  	v2 =	vld [tilespmem:s11+$0xFFFFFEE0]  }
0x1c8: {  	v3 =	vld [tilespmem:s11+$0xFFFFFF60]  }
0x1c9: {  	v4 =	vld [tilespmem:s11+$0xFFFFFF30]  }
0x1ca: {  	v5 =	vld [tilespmem:s11+$0xFFFFFF00]  }
0x1cb: {  	v6 =	vld [tilespmem:s11+$0xFFFFFF10]  }
0x1cc: {  	v7 =	vld [tilespmem:s11+$0xFFFFFF50];
	v2 =	vmul.f32 v2, v1  }
0x1cd: {  	v59 =	vld [tilespmem:s11+$0xFFFFFEF0];
	v3 =	vmul.f32 v3, v1  }
0x1ce: {  	s30 =	simm.s32 $0x1;
	v60 =	vld [tilespmem:s11+$0xFFFFFF40];
	v4 =	vmul.f32 v4, v1;
	[tilespmem:s11+$0xFFFFFEE0] =	vst v2  }
0x1cf: {  	v5 =	vmul.f32 v5, v1;
	v2 =	vld [tilespmem:s11+$0xFFFFFF20];
	[tilespmem:s11+$0xFFFFFF60] =	vst v3;
	v3 =	vmov s30  }
0x1d0: {  	v6 =	vmul.f32 v6, v1;
	[tilespmem:s11+$0xFFFFFF30] =	vst v4;
	v3 =	vand.u32 $0xFFFFFFFD, v3  }
0x1d1: {  	v4 =	vmul.f32 v7, v1;
	[tilespmem:s11+$0xFFFFFF00] =	vst v5;
	v3 =	vbroadcast v3, $0x0  }
0x1d2: {  	v5 =	vmul.f32 v59, v1;
	[tilespmem:s11+$0xFFFFFF10] =	vst v6  }
0x1d3: {  	v6 =	vmul.f32 v60, v1;
	[tilespmem:s11+$0xFFFFFF50] =	vst v4  }
0x1d4: {  	[tilespmem:s11+$0xFFFFFEF0] =	vst v5;
	v1 =	vmul.f32 v2, v1  }
0x1d5: {  	[tilespmem:s11+$0xFFFFFF40] =	vst v6  }
0x1d6: {  	[tilespmem:s11+$0xFFFFFF20] =	vst v1;
	v1 =	vld [tilespmem:s11+$0xFFFFFF70]  }
0x1d7: {  	v3 =	vld.idx.msk [tilespmem:v3+s18+$0x0], $0xffff  }
0x1d8: {  	v4 =	vld [tilespmem:s11+$0xFFFFFFA0]  }
0x1d9: {  	v5 =	vld [tilespmem:s11+$0xFFFFFFB0]  }
0x1da: {  	v6 =	vld [tilespmem:s11+$0xFFFFFFE0]  }
0x1db: {  	v2 =	vld [tilespmem:s11+$0xFFFFFFC0]  }
0x1dc: {  	v61 =	vld [tilespmem:s11+$0xFFFFFFF0];
	v1 =	vmul.f32 v1, v3  }
0x1dd: {  	v7 =	vld [tilespmem:s11+$0xFFFFFF90];
	v4 =	vmul.f32 v4, v3  }
0x1de: {  	s31 =	simm.s32 $0x2;
	v62 =	vld [tilespmem:s11+$0xFFFFFF80];
	v5 =	vmul.f32 v5, v3;
	[tilespmem:s11+$0xFFFFFF70] =	vst v1  }
0x1df: {  	v63 =	vld [tilespmem:s11+$0xFFFFFFD0];
	v6 =	vmul.f32 v6, v3;
	[tilespmem:s11+$0xFFFFFFA0] =	vst v4;
	v4 =	vmov s31  }
0x1e0: {  	v2 =	vmul.f32 v2, v3;
	[tilespmem:s11+$0xFFFFFFB0] =	vst v5;
	v4 =	vand.u32 $0xFFFFFFFE, v4  }
0x1e1: {  	v5 =	vmul.f32 v61, v3;
	[tilespmem:s11+$0xFFFFFFE0] =	vst v6;
	v6 =	vbroadcast v4, $0x0  }
0x1e2: {  	[tilespmem:s11+$0xFFFFFFC0] =	vst v2;
	v4 =	vmul.f32 v7, v3  }
0x1e3: {  	v1 =	vld [tilespmem:s11+$0x0];
	v7 =	vmul.f32 v62, v3;
	[tilespmem:s11+$0xFFFFFFF0] =	vst v5  }
0x1e4: {  	v2 =	vld [tilespmem:s11+$0x80];
	v3 =	vmul.f32 v63, v3;
	[tilespmem:s11+$0xFFFFFF90] =	vst v4  }
0x1e5: {  	v5 =	vld [tilespmem:s11+$0x40];
	[tilespmem:s11+$0xFFFFFF80] =	vst v7  }
0x1e6: {  	v4 =	vld [tilespmem:s11+$0x70];
	[tilespmem:s11+$0xFFFFFFD0] =	vst v3  }
0x1e7: {  	s8 =	simm.s32 $0x4;
	s3 =	simm.s32 $0x720;
	v3 =	vld.idx.msk [tilespmem:v6+s18+$0x0], $0xffff  }
.LBB2_9:
0x1e8: {  	p1 =	slt.u32 s8, $0x7C  }
0x1e9: {  	v6 =	vld [tilespmem:s11+$0x20];
	s3 =	sadd.s32 $0x240, s3;
	s28 =	smov.u32 s8;
	s8 =	sadd.s32 $0x4, s8  }
0x1ea: {  	v7 =	vld [tilespmem:s11+$0x30]  }
0x1eb: {  	v8 =	vld [tilespmem:s11+$0x50]  }
0x1ec: {  	v9 =	vld [tilespmem:s11+$0x60]  }
0x1ed: {  	v10 =	vld [tilespmem:s11+$0x10]  }
0x1ee: {  	v1 =	vmul.f32 v1, v3;
	v2 =	vmul.f32 v2, v3  }
0x1ef: {  	v6 =	vmul.f32 v6, v3;
	v7 =	vmul.f32 v7, v3  }
0x1f0: {  	v5 =	vmul.f32 v5, v3;
	[tilespmem:s11+$0x0] =	vst v1;
	v8 =	vmul.f32 v8, v3  }
0x1f1: {  	v4 =	vmul.f32 v4, v3;
	v9 =	vmul.f32 v9, v3;
	[tilespmem:s11+$0x80] =	vst v2  }
0x1f2: {  	v2 =	vld [tilespmem:s3+$0x80];
	v3 =	vmul.f32 v10, v3;
	[tilespmem:s11+$0x30] =	vst v7  }
0x1f3: {  	s30 =	sadd.s32 $0x3, s12;
	s12 =	smov.u32 s28;
	v1 =	vld [tilespmem:s3+$0x0];
	[tilespmem:s11+$0x70] =	vst v4  }
0x1f4: {  	v4 =	vmov s30;
	[tilespmem:s11+$0x20] =	vst v6  }
0x1f5: {  	[tilespmem:s11+$0x40] =	vst v5;
	v5 =	vld [tilespmem:s11+$0xB0]  }
0x1f6: {  	[tilespmem:s11+$0x10] =	vst v3;
	v3 =	vld [tilespmem:s11+$0x90]  }
0x1f7: {  	[tilespmem:s11+$0x50] =	vst v8;
	v6 =	vld [tilespmem:s11+$0xD0]  }
0x1f8: {  	[tilespmem:s11+$0x60] =	vst v9;
	v7 =	vld [tilespmem:s11+$0xC0]  }
0x1f9: {  	v4 =	vld.idx.msk [tilespmem:v4+s18+$0x0], $0xffff  }
0x1fa: {  	v8 =	vld [tilespmem:s11+$0xA0]  }
0x1fb: {  	v9 =	vld [tilespmem:s11+$0x100]  }
0x1fc: {  	v10 =	vld [tilespmem:s11+$0xE0]  }
0x1fd: {  	v11 =	vld [tilespmem:s11+$0xF0]  }
0x1fe: {  	v12 =	vld [tilespmem:s11+$0x110]  }
0x1ff: {  	v3 =	vmul.f32 v3, v4;
	v8 =	vmul.f32 v8, v4  }
0x200: {  	v5 =	vmul.f32 v5, v4;
	v7 =	vmul.f32 v7, v4  }
0x201: {  	[tilespmem:s11+$0x90] =	vst v3;
	v3 =	vmul.f32 v6, v4;
	v6 =	vmul.f32 v10, v4  }
0x202: {  	v9 =	vmul.f32 v9, v4;
	v10 =	vmov s12;
	[tilespmem:s11+$0xB0] =	vst v5;
	v5 =	vmul.f32 v11, v4  }
0x203: {  	v10 =	vand.u32 $0xFFFFFFFC, v10;
	[tilespmem:s11+$0xC0] =	vst v7;
	v4 =	vmul.f32 v12, v4  }
0x204: {  	v7 =	vbroadcast v10, $0x0;
	[tilespmem:s11+$0xD0] =	vst v3  }
0x205: {  	[tilespmem:s11+$0xA0] =	vst v8  }
0x206: {  	v3 =	vld [tilespmem:s3+$0xFFFFFF20];
	[tilespmem:s11+$0x110] =	vst v4  }
0x207: {  	v4 =	vld [tilespmem:s3+$0xFFFFFF40];
	[tilespmem:s11+$0xE0] =	vst v6  }
0x208: {  	v6 =	vld [tilespmem:s3+$0xFFFFFF30];
	[tilespmem:s11+$0x100] =	vst v9  }
0x209: {  	v8 =	vld [tilespmem:s3+$0xFFFFFF60];
	[tilespmem:s11+$0xF0] =	vst v5;
	s11 =	smov.u32 s3  }
0x20a: {  	v5 =	vld.idx.msk [tilespmem:v7+s18+$0x0], $0xffff  }
0x20b: {  	v7 =	vld [tilespmem:s3+$0xFFFFFEE0]  }
0x20c: {  	v9 =	vld [tilespmem:s3+$0xFFFFFF00]  }
0x20d: {  	v10 =	vld [tilespmem:s3+$0xFFFFFEF0]  }
0x20e: {  	v11 =	vld [tilespmem:s3+$0xFFFFFF10]  }
0x20f: {  	v12 =	vld [tilespmem:s3+$0xFFFFFF50]  }
0x210: {  	v8 =	vmul.f32 v8, v5;
	v7 =	vmul.f32 v7, v5  }
0x211: {  	v6 =	vmul.f32 v6, v5;
	v9 =	vmul.f32 v9, v5  }
0x212: {  	s28 =	sadd.s32 $0x1, s12;
	v4 =	vmul.f32 v4, v5;
	[tilespmem:s3+$0xFFFFFEE0] =	vst v7;
	v7 =	vmul.f32 v10, v5  }
0x213: {  	v3 =	vmul.f32 v3, v5;
	v10 =	vmul.f32 v11, v5;
	[tilespmem:s3+$0xFFFFFF60] =	vst v8;
	v8 =	vmov s28  }
0x214: {  	[tilespmem:s3+$0xFFFFFF30] =	vst v6;
	v5 =	vmul.f32 v12, v5;
	v6 =	vand.u32 $0xFFFFFFFD, v8  }
0x215: {  	[tilespmem:s3+$0xFFFFFF00] =	vst v9;
	v6 =	vbroadcast v6, $0x0  }
0x216: {  	[tilespmem:s3+$0xFFFFFF10] =	vst v10  }
0x217: {  	[tilespmem:s3+$0xFFFFFF50] =	vst v5;
	v5 =	vld [tilespmem:s3+$0xFFFFFFC0]  }
0x218: {  	[tilespmem:s3+$0xFFFFFEF0] =	vst v7;
	v7 =	vld [tilespmem:s3+$0xFFFFFFD0]  }
0x219: {  	[tilespmem:s3+$0xFFFFFF40] =	vst v4;
	v4 =	vld [tilespmem:s3+$0xFFFFFFA0]  }
0x21a: {  	[tilespmem:s3+$0xFFFFFF20] =	vst v3;
	v3 =	vld [tilespmem:s3+$0xFFFFFFE0]  }
0x21b: {  	v6 =	vld.idx.msk [tilespmem:v6+s18+$0x0], $0xffff  }
0x21c: {  	v8 =	vld [tilespmem:s3+$0xFFFFFF70]  }
0x21d: {  	v9 =	vld [tilespmem:s3+$0xFFFFFF90]  }
0x21e: {  	v10 =	vld [tilespmem:s3+$0xFFFFFFB0]  }
0x21f: {  	v11 =	vld [tilespmem:s3+$0xFFFFFF80]  }
0x220: {  	v12 =	vld [tilespmem:s3+$0xFFFFFFF0]  }
0x221: {  	v3 =	vmul.f32 v3, v6;
	v8 =	vmul.f32 v8, v6  }
0x222: {  	v4 =	vmul.f32 v4, v6;
	v9 =	vmul.f32 v9, v6  }
0x223: {  	s28 =	sadd.s32 $0x2, s12;
	v7 =	vmul.f32 v7, v6;
	[tilespmem:s3+$0xFFFFFF70] =	vst v8;
	v8 =	vmul.f32 v10, v6  }
0x224: {  	v10 =	vmul.f32 v11, v6;
	[tilespmem:s3+$0xFFFFFFA0] =	vst v4;
	v4 =	vmul.f32 v5, v6;
	v5 =	vmov s28  }
0x225: {  	[tilespmem:s3+$0xFFFFFFB0] =	vst v8;
	v6 =	vmul.f32 v12, v6;
	v5 =	vand.u32 $0xFFFFFFFE, v5  }
0x226: {  	[tilespmem:s3+$0xFFFFFFE0] =	vst v3;
	v3 =	vbroadcast v5, $0x0  }
0x227: {  	[tilespmem:s3+$0xFFFFFFC0] =	vst v4  }
.Ltmp5:
0x228: {  	[tilespmem:s3+$0xFFFFFFF0] =	vst v6;
	(pc) =	sbr.rel @p1 .LBB2_9-.Ltmp5, $4  }
0x229: {  	[tilespmem:s3+$0xFFFFFF90] =	vst v9  }
0x22a: {  	[tilespmem:s3+$0xFFFFFF80] =	vst v10;
	v4 =	vld [tilespmem:s3+$0x70]  }
0x22b: {  	[tilespmem:s3+$0xFFFFFFD0] =	vst v7;
	v5 =	vld [tilespmem:s3+$0x40]  }
0x22c: {  	v3 =	vld.idx.msk [tilespmem:v3+s18+$0x0], $0xffff  }
0x22d: {  	_ = 	snop  }
0x22e: {  	v6 =	vld [tilespmem:s11+$0x30];
	_ =	sdelay $0x1  }
0x22f: {  	v7 =	vld [tilespmem:s11+$0x20]  }
0x230: {  	v1 =	vmul.f32 v1, v3  }
0x231: {  	v8 =	vld [tilespmem:s11+$0x50];
	v2 =	vmul.f32 v2, v3  }
0x232: {  	v9 =	vld [tilespmem:s11+$0x10];
	v6 =	vmul.f32 v6, v3;
	[tilespmem:s11+$0x0] =	vst v1  }
0x233: {  	v10 =	vld [tilespmem:s11+$0x60];
	v1 =	vmul.f32 v4, v3;
	[tilespmem:s11+$0x80] =	vst v2  }
0x234: {  	v2 =	vmul.f32 v7, v3;
	[tilespmem:s11+$0x30] =	vst v6  }
0x235: {  	s3 =	sadd.s32 $0x3, s12;
	v4 =	vmul.f32 v5, v3;
	[tilespmem:s11+$0x70] =	vst v1  }
0x236: {  	v5 =	vmul.f32 v8, v3;
	[tilespmem:s11+$0x20] =	vst v2;
	v2 =	vmov s3  }
0x237: {  	v1 =	vmul.f32 v9, v3;
	[tilespmem:s11+$0x40] =	vst v4  }
0x238: {  	v3 =	vmul.f32 v10, v3;
	[tilespmem:s11+$0x50] =	vst v5  }
0x239: {  	[tilespmem:s11+$0x10] =	vst v1  }
0x23a: {  	v1 =	vld [tilespmem:s11+$0x90];
	[tilespmem:s11+$0x60] =	vst v3  }
0x23b: {  	v2 =	vld.idx.msk [tilespmem:v2+s18+$0x0], $0xffff  }
0x23c: {  	v3 =	vld [tilespmem:s11+$0xB0]  }
0x23d: {  	v4 =	vld [tilespmem:s11+$0xC0]  }
0x23e: {  	v5 =	vld [tilespmem:s11+$0xD0]  }
0x23f: {  	v6 =	vld [tilespmem:s11+$0xA0]  }
0x240: {  	v7 =	vld [tilespmem:s11+$0x110];
	v1 =	vmul.f32 v1, v2  }
0x241: {  	v57 =	vld [tilespmem:s11+$0xE0];
	v3 =	vmul.f32 v3, v2  }
0x242: {  	v58 =	vld [tilespmem:s11+$0x100];
	v4 =	vmul.f32 v4, v2;
	[tilespmem:s11+$0x90] =	vst v1  }
0x243: {  	v5 =	vmul.f32 v5, v2;
	v1 =	vld [tilespmem:s11+$0xF0];
	[tilespmem:s11+$0xB0] =	vst v3  }
0x244: {  	v3 =	vmul.f32 v6, v2;
	[tilespmem:s11+$0xC0] =	vst v4  }
0x245: {  	v4 =	vmul.f32 v7, v2;
	[tilespmem:s11+$0xD0] =	vst v5  }
0x246: {  	s28 =	simm.s32 $0x80;
	v5 =	vmul.f32 v57, v2;
	[tilespmem:s11+$0xA0] =	vst v3  }
0x247: {  	v3 =	vmul.f32 v58, v2;
	[tilespmem:s11+$0x110] =	vst v4;
	v4 =	vmov s28  }
0x248: {  	[tilespmem:s11+$0xE0] =	vst v5;
	v1 =	vmul.f32 v1, v2;
	v2 =	vand.u32 $0xFFFFFFFC, v4  }
0x249: {  	[tilespmem:s11+$0x100] =	vst v3;
	v2 =	vbroadcast v2, $0x0  }
0x24a: {  	[tilespmem:s11+$0xF0] =	vst v1  }
0x24b: {  	[spmem:s2] =	stream.indirect.scatter.add.f32 [tilespmem:s26], [sflag:$0x3], $0x90, s16, s29, $0xb8;
	[tilespmem:$0x1FE00] =	vst v63  }
0x24c: {  	_ =	swait.ge [sflag:s20], $0x4800  }
0x24d: {  	[sflag:s20] =	ssyncset.done $0x0  }
0x24e: {  	[sflag:s20] =	ssyncadd.s32 $0xFFFFB800  }
0x24f: {  	s11 =	simm.s32 $0x4F20;
	v1 =	vld.idx.msk [tilespmem:v2+s18+$0x0], $0xffff  }
0x250: {  	v2 =	vld [tilespmem:s11+$0xFFFFFEE0]  }
0x251: {  	v3 =	vld [tilespmem:s11+$0xFFFFFF60]  }
0x252: {  	v4 =	vld [tilespmem:s11+$0xFFFFFF30]  }
0x253: {  	v5 =	vld [tilespmem:s11+$0xFFFFFF00]  }
0x254: {  	v6 =	vld [tilespmem:s11+$0xFFFFFF10]  }
0x255: {  	v7 =	vld [tilespmem:s11+$0xFFFFFF50];
	v2 =	vmul.f32 v2, v1  }
0x256: {  	v59 =	vld [tilespmem:s11+$0xFFFFFEF0];
	v3 =	vmul.f32 v3, v1  }
0x257: {  	s30 =	simm.s32 $0x81;
	v60 =	vld [tilespmem:s11+$0xFFFFFF40];
	v4 =	vmul.f32 v4, v1;
	[tilespmem:s11+$0xFFFFFEE0] =	vst v2  }
0x258: {  	v5 =	vmul.f32 v5, v1;
	v2 =	vld [tilespmem:s11+$0xFFFFFF20];
	[tilespmem:s11+$0xFFFFFF60] =	vst v3;
	v3 =	vmov s30  }
0x259: {  	v6 =	vmul.f32 v6, v1;
	[tilespmem:s11+$0xFFFFFF30] =	vst v4;
	v3 =	vand.u32 $0xFFFFFFFD, v3  }
0x25a: {  	v4 =	vmul.f32 v7, v1;
	[tilespmem:s11+$0xFFFFFF00] =	vst v5;
	v3 =	vbroadcast v3, $0x0  }
0x25b: {  	v5 =	vmul.f32 v59, v1;
	[tilespmem:s11+$0xFFFFFF10] =	vst v6  }
0x25c: {  	v6 =	vmul.f32 v60, v1;
	[tilespmem:s11+$0xFFFFFF50] =	vst v4  }
0x25d: {  	[tilespmem:s11+$0xFFFFFEF0] =	vst v5;
	v1 =	vmul.f32 v2, v1  }
0x25e: {  	[tilespmem:s11+$0xFFFFFF40] =	vst v6  }
0x25f: {  	[tilespmem:s11+$0xFFFFFF20] =	vst v1;
	v1 =	vld [tilespmem:s11+$0xFFFFFF70]  }
0x260: {  	v3 =	vld.idx.msk [tilespmem:v3+s18+$0x0], $0xffff  }
0x261: {  	v4 =	vld [tilespmem:s11+$0xFFFFFFA0]  }
0x262: {  	v5 =	vld [tilespmem:s11+$0xFFFFFFB0]  }
0x263: {  	v6 =	vld [tilespmem:s11+$0xFFFFFFE0]  }
0x264: {  	v2 =	vld [tilespmem:s11+$0xFFFFFFC0]  }
0x265: {  	v61 =	vld [tilespmem:s11+$0xFFFFFFF0];
	v1 =	vmul.f32 v1, v3  }
0x266: {  	v7 =	vld [tilespmem:s11+$0xFFFFFF90];
	v4 =	vmul.f32 v4, v3  }
0x267: {  	s31 =	simm.s32 $0x82;
	v62 =	vld [tilespmem:s11+$0xFFFFFF80];
	v5 =	vmul.f32 v5, v3;
	[tilespmem:s11+$0xFFFFFF70] =	vst v1  }
0x268: {  	v63 =	vld [tilespmem:s11+$0xFFFFFFD0];
	v6 =	vmul.f32 v6, v3;
	[tilespmem:s11+$0xFFFFFFA0] =	vst v4;
	v4 =	vmov s31  }
0x269: {  	v2 =	vmul.f32 v2, v3;
	[tilespmem:s11+$0xFFFFFFB0] =	vst v5;
	v4 =	vand.u32 $0xFFFFFFFE, v4  }
0x26a: {  	v5 =	vmul.f32 v61, v3;
	[tilespmem:s11+$0xFFFFFFE0] =	vst v6;
	v6 =	vbroadcast v4, $0x0  }
0x26b: {  	[tilespmem:s11+$0xFFFFFFC0] =	vst v2;
	v4 =	vmul.f32 v7, v3  }
0x26c: {  	v1 =	vld [tilespmem:s11+$0x0];
	v7 =	vmul.f32 v62, v3;
	[tilespmem:s11+$0xFFFFFFF0] =	vst v5  }
0x26d: {  	v2 =	vld [tilespmem:s11+$0x80];
	v3 =	vmul.f32 v63, v3;
	[tilespmem:s11+$0xFFFFFF90] =	vst v4  }
0x26e: {  	v5 =	vld [tilespmem:s11+$0x40];
	[tilespmem:s11+$0xFFFFFF80] =	vst v7  }
0x26f: {  	v4 =	vld [tilespmem:s11+$0x70];
	[tilespmem:s11+$0xFFFFFFD0] =	vst v3  }
0x270: {  	s8 =	simm.s32 $0xFFFFFFFC;
	s12 =	simm.s32 $0x0;
	s3 =	simm.s32 $0x4F20;
	v3 =	vld.idx.msk [tilespmem:v6+s18+$0x0], $0xffff  }
.LBB2_11:
0x271: {  	v6 =	vld [tilespmem:s11+$0x20];
	s3 =	sadd.s32 $0x240, s3;
	s28 =	smov.u32 s12;
	s12 =	sadd.s32 $0x4, s12  }
0x272: {  	p1 =	slt.u32 s12, $0x7C;
	v7 =	vld [tilespmem:s11+$0x30]  }
0x273: {  	v8 =	vld [tilespmem:s11+$0x50]  }
0x274: {  	v9 =	vld [tilespmem:s11+$0x60]  }
0x275: {  	v10 =	vld [tilespmem:s11+$0x10]  }
0x276: {  	v1 =	vmul.f32 v1, v3;
	v2 =	vmul.f32 v2, v3  }
0x277: {  	v6 =	vmul.f32 v6, v3;
	v7 =	vmul.f32 v7, v3  }
0x278: {  	v5 =	vmul.f32 v5, v3;
	[tilespmem:s11+$0x0] =	vst v1;
	v8 =	vmul.f32 v8, v3  }
0x279: {  	v4 =	vmul.f32 v4, v3;
	v9 =	vmul.f32 v9, v3;
	[tilespmem:s11+$0x80] =	vst v2  }
0x27a: {  	v2 =	vld [tilespmem:s3+$0x80];
	v3 =	vmul.f32 v10, v3;
	[tilespmem:s11+$0x30] =	vst v7  }
0x27b: {  	s30 =	sadd.s32 $0x87, s8;
	s8 =	smov.u32 s28;
	v1 =	vld [tilespmem:s3+$0x0];
	[tilespmem:s11+$0x70] =	vst v4  }
0x27c: {  	v4 =	vmov s30;
	[tilespmem:s11+$0x20] =	vst v6  }
0x27d: {  	[tilespmem:s11+$0x40] =	vst v5;
	v5 =	vld [tilespmem:s11+$0xB0]  }
0x27e: {  	[tilespmem:s11+$0x10] =	vst v3;
	v3 =	vld [tilespmem:s11+$0x90]  }
0x27f: {  	[tilespmem:s11+$0x50] =	vst v8;
	v6 =	vld [tilespmem:s11+$0xD0]  }
0x280: {  	[tilespmem:s11+$0x60] =	vst v9;
	v7 =	vld [tilespmem:s11+$0xC0]  }
0x281: {  	v4 =	vld.idx.msk [tilespmem:v4+s18+$0x0], $0xffff  }
0x282: {  	v8 =	vld [tilespmem:s11+$0xA0]  }
0x283: {  	v9 =	vld [tilespmem:s11+$0x100]  }
0x284: {  	v10 =	vld [tilespmem:s11+$0xE0]  }
0x285: {  	v11 =	vld [tilespmem:s11+$0xF0]  }
0x286: {  	v12 =	vld [tilespmem:s11+$0x110]  }
0x287: {  	v3 =	vmul.f32 v3, v4;
	v8 =	vmul.f32 v8, v4  }
0x288: {  	v5 =	vmul.f32 v5, v4;
	v7 =	vmul.f32 v7, v4  }
0x289: {  	s28 =	sadd.s32 $0x84, s8;
	[tilespmem:s11+$0x90] =	vst v3;
	v3 =	vmul.f32 v6, v4;
	v6 =	vmul.f32 v10, v4  }
0x28a: {  	v9 =	vmul.f32 v9, v4;
	v10 =	vmov s28;
	[tilespmem:s11+$0xB0] =	vst v5;
	v5 =	vmul.f32 v11, v4  }
0x28b: {  	v10 =	vand.u32 $0xFFFFFFFC, v10;
	[tilespmem:s11+$0xC0] =	vst v7;
	v4 =	vmul.f32 v12, v4  }
0x28c: {  	v7 =	vbroadcast v10, $0x0;
	[tilespmem:s11+$0xD0] =	vst v3  }
0x28d: {  	[tilespmem:s11+$0xA0] =	vst v8  }
0x28e: {  	v3 =	vld [tilespmem:s3+$0xFFFFFF20];
	[tilespmem:s11+$0x110] =	vst v4  }
0x28f: {  	v4 =	vld [tilespmem:s3+$0xFFFFFF40];
	[tilespmem:s11+$0xE0] =	vst v6  }
0x290: {  	v6 =	vld [tilespmem:s3+$0xFFFFFF30];
	[tilespmem:s11+$0x100] =	vst v9  }
0x291: {  	v8 =	vld [tilespmem:s3+$0xFFFFFF60];
	[tilespmem:s11+$0xF0] =	vst v5;
	s11 =	smov.u32 s3  }
0x292: {  	v5 =	vld.idx.msk [tilespmem:v7+s18+$0x0], $0xffff  }
0x293: {  	v7 =	vld [tilespmem:s3+$0xFFFFFEE0]  }
0x294: {  	v9 =	vld [tilespmem:s3+$0xFFFFFF00]  }
0x295: {  	v10 =	vld [tilespmem:s3+$0xFFFFFEF0]  }
0x296: {  	v11 =	vld [tilespmem:s3+$0xFFFFFF10]  }
0x297: {  	v12 =	vld [tilespmem:s3+$0xFFFFFF50]  }
0x298: {  	v8 =	vmul.f32 v8, v5;
	v7 =	vmul.f32 v7, v5  }
0x299: {  	v6 =	vmul.f32 v6, v5;
	v9 =	vmul.f32 v9, v5  }
0x29a: {  	s28 =	sadd.s32 $0x85, s8;
	v4 =	vmul.f32 v4, v5;
	[tilespmem:s3+$0xFFFFFEE0] =	vst v7;
	v7 =	vmul.f32 v10, v5  }
0x29b: {  	v3 =	vmul.f32 v3, v5;
	v10 =	vmul.f32 v11, v5;
	[tilespmem:s3+$0xFFFFFF60] =	vst v8;
	v8 =	vmov s28  }
0x29c: {  	[tilespmem:s3+$0xFFFFFF30] =	vst v6;
	v5 =	vmul.f32 v12, v5;
	v6 =	vand.u32 $0xFFFFFFFD, v8  }
0x29d: {  	[tilespmem:s3+$0xFFFFFF00] =	vst v9;
	v6 =	vbroadcast v6, $0x0  }
0x29e: {  	[tilespmem:s3+$0xFFFFFF10] =	vst v10  }
0x29f: {  	[tilespmem:s3+$0xFFFFFF50] =	vst v5;
	v5 =	vld [tilespmem:s3+$0xFFFFFFC0]  }
0x2a0: {  	[tilespmem:s3+$0xFFFFFEF0] =	vst v7;
	v7 =	vld [tilespmem:s3+$0xFFFFFFD0]  }
0x2a1: {  	[tilespmem:s3+$0xFFFFFF40] =	vst v4;
	v4 =	vld [tilespmem:s3+$0xFFFFFFA0]  }
0x2a2: {  	[tilespmem:s3+$0xFFFFFF20] =	vst v3;
	v3 =	vld [tilespmem:s3+$0xFFFFFFE0]  }
0x2a3: {  	v6 =	vld.idx.msk [tilespmem:v6+s18+$0x0], $0xffff  }
0x2a4: {  	v8 =	vld [tilespmem:s3+$0xFFFFFF70]  }
0x2a5: {  	v9 =	vld [tilespmem:s3+$0xFFFFFF90]  }
0x2a6: {  	v10 =	vld [tilespmem:s3+$0xFFFFFFB0]  }
0x2a7: {  	v11 =	vld [tilespmem:s3+$0xFFFFFF80]  }
0x2a8: {  	v12 =	vld [tilespmem:s3+$0xFFFFFFF0]  }
0x2a9: {  	v3 =	vmul.f32 v3, v6;
	v8 =	vmul.f32 v8, v6  }
0x2aa: {  	v4 =	vmul.f32 v4, v6;
	v9 =	vmul.f32 v9, v6  }
0x2ab: {  	s28 =	sadd.s32 $0x86, s8;
	v7 =	vmul.f32 v7, v6;
	[tilespmem:s3+$0xFFFFFF70] =	vst v8;
	v8 =	vmul.f32 v10, v6  }
0x2ac: {  	v10 =	vmul.f32 v11, v6;
	[tilespmem:s3+$0xFFFFFFA0] =	vst v4;
	v4 =	vmul.f32 v5, v6;
	v5 =	vmov s28  }
0x2ad: {  	[tilespmem:s3+$0xFFFFFFB0] =	vst v8;
	v6 =	vmul.f32 v12, v6;
	v5 =	vand.u32 $0xFFFFFFFE, v5  }
0x2ae: {  	[tilespmem:s3+$0xFFFFFFE0] =	vst v3;
	v3 =	vbroadcast v5, $0x0  }
0x2af: {  	[tilespmem:s3+$0xFFFFFFC0] =	vst v4  }
.Ltmp6:
0x2b0: {  	[tilespmem:s3+$0xFFFFFFF0] =	vst v6;
	(pc) =	sbr.rel @p1 .LBB2_11-.Ltmp6, $4  }
0x2b1: {  	[tilespmem:s3+$0xFFFFFF90] =	vst v9  }
0x2b2: {  	[tilespmem:s3+$0xFFFFFF80] =	vst v10;
	v4 =	vld [tilespmem:s3+$0x70]  }
0x2b3: {  	[tilespmem:s3+$0xFFFFFFD0] =	vst v7;
	v5 =	vld [tilespmem:s3+$0x40]  }
0x2b4: {  	v3 =	vld.idx.msk [tilespmem:v3+s18+$0x0], $0xffff  }
0x2b5: {  	_ =	sdelay $0x1  }
0x2b6: {  	v6 =	vld [tilespmem:s11+$0x30]  }
0x2b7: {  	v7 =	vld [tilespmem:s11+$0x20]  }
0x2b8: {  	v1 =	vmul.f32 v1, v3  }
0x2b9: {  	v8 =	vld [tilespmem:s11+$0x50];
	v2 =	vmul.f32 v2, v3  }
0x2ba: {  	v9 =	vld [tilespmem:s11+$0x10];
	v54 =	vmul.f32 v5, v3;
	[tilespmem:s11+$0x0] =	vst v1  }
0x2bb: {  	v10 =	vld [tilespmem:s11+$0x60];
	v6 =	vmul.f32 v6, v3;
	[tilespmem:s11+$0x80] =	vst v2  }
0x2bc: {  	v2 =	vmul.f32 v7, v3;
	[tilespmem:s11+$0x40] =	vst v54  }
0x2bd: {  	s3 =	sadd.s32 $0x87, s8;
	v1 =	vmul.f32 v4, v3;
	[tilespmem:s11+$0x30] =	vst v6  }
0x2be: {  	v55 =	vmul.f32 v8, v3;
	[tilespmem:s11+$0x20] =	vst v2;
	v2 =	vmov s3  }
0x2bf: {  	[tilespmem:s11+$0x70] =	vst v1;
	v1 =	vmul.f32 v9, v3  }
0x2c0: {  	[tilespmem:s11+$0x50] =	vst v55;
	v3 =	vmul.f32 v10, v3  }
0x2c1: {  	[tilespmem:s11+$0x10] =	vst v1  }
0x2c2: {  	v1 =	vld [tilespmem:s11+$0x90];
	[tilespmem:s11+$0x60] =	vst v3  }
0x2c3: {  	v2 =	vld.idx.msk [tilespmem:v2+s18+$0x0], $0xffff  }
0x2c4: {  	v3 =	vld [tilespmem:s11+$0xB0]  }
0x2c5: {  	v56 =	vld [tilespmem:s11+$0xC0]  }
0x2c6: {  	v57 =	vld [tilespmem:s11+$0xD0]  }
0x2c7: {  	v59 =	vld [tilespmem:s11+$0x110]  }
0x2c8: {  	v58 =	vld [tilespmem:s11+$0xA0];
	v1 =	vmul.f32 v1, v2  }
0x2c9: {  	v60 =	vld [tilespmem:s11+$0xE0];
	v3 =	vmul.f32 v3, v2  }
0x2ca: {  	v61 =	vld [tilespmem:s11+$0x100];
	v4 =	vmul.f32 v56, v2;
	[tilespmem:s11+$0x90] =	vst v1  }
0x2cb: {  	v5 =	vmul.f32 v57, v2;
	v1 =	vld [tilespmem:s11+$0xF0];
	[tilespmem:s11+$0xB0] =	vst v3  }
0x2cc: {  	v62 =	vmul.f32 v59, v2;
	[tilespmem:s11+$0xC0] =	vst v4  }
0x2cd: {  	v3 =	vmul.f32 v58, v2;
	[tilespmem:s11+$0xD0] =	vst v5  }
0x2ce: {  	v63 =	vmul.f32 v60, v2;
	[tilespmem:s11+$0x110] =	vst v62  }
0x2cf: {  	[tilespmem:s11+$0xA0] =	vst v3;
	v3 =	vmul.f32 v61, v2  }
0x2d0: {  	[tilespmem:s11+$0xE0] =	vst v63;
	v1 =	vmul.f32 v1, v2  }
0x2d1: {  	[tilespmem:s11+$0x100] =	vst v3  }
.Ltmp7:
0x2d2: {  	[tilespmem:s11+$0xF0] =	vst v1;
	(pc) =	sbr.rel @p0 .LBB2_14-.Ltmp7, $4  }
0x2d3: {  	[spmem:s2] =	stream.indirect.scatter.add.f32 [tilespmem:s13], [sflag:$0x4], $0x90, s17, s29, $0xb8;
	[tilespmem:$0x1FE00] =	vst v63  }
0x2d4: {  	_ =	swait.ge [sflag:s21], $0x4800  }
0x2d5: {  	[sflag:s21] =	ssyncset.done $0x0  }
0x2d6: {  	[sflag:s21] =	ssyncadd.s32 $0xFFFFB800  }
0x2d7: {  	_ =	swait.ge [sflag:s5], $0x80  }
0x2d8: {  	[sflag:s5] =	ssyncset.done $0x0  }
0x2d9: {  	[sflag:s5] =	ssyncadd.s32 $0xFFFFFF80  }
0x2da: {  	_ =	swait.ge [sflag:s5], $0x80  }
0x2db: {  	[sflag:s5] =	ssyncset.done $0x0  }
0x2dc: {  	[sflag:s5] =	ssyncadd.s32 $0xFFFFFF80  }
0x2dd: {  	_ =	swait.ge [sflag:s5], $0x80  }
0x2de: {  	[sflag:s5] =	ssyncset.done $0x0  }
0x2df: {  	[sflag:s5] =	ssyncadd.s32 $0xFFFFFF80  }
0x2e0: {  	_ =	swait.ge [sflag:s5], $0x80  }
0x2e1: {  	[sflag:s5] =	ssyncset.done $0x0  }
.Ltmp8:
0x2e2: {  	[sflag:s5] =	ssyncadd.s32 $0xFFFFFF80;
	(pc) =	sbr.rel .LBB2_4-.Ltmp8, $4  }
0x2e3: {  	_ =	swait.ge [sflag:s5], $0x100  }
0x2e4: {  	[sflag:s5] =	ssyncset.done $0x0  }
0x2e5: {  	s3 =	simm.s32 $0x0;
	s10 =	sadd.s32 $0x1, s10;
	[sflag:s5] =	ssyncadd.s32 $0xFFFFFF00  }
0x2e6: {  	[tilespmem:s26], [sflag:$0x1] =	stream.indirect.gather [hbm4b:s7+s29], $0x90, s3, s29, $0xb8;
	[tilespmem:$0x1FE00] =	vst v63  }
.LBB2_15:
0x2e7: {  	_ =	sfence.sel $0x180000  }
0x2e8: {  	[bflag:$0x0] =	sbarrier.arrive $0xFFFF  }
0x2e9: {  	_ =	strace $0x9000004A  }
0x2ea: {  	s0 =	stileid.u32;
	[bflag:$0x2] =	sbarrier.arrive $0xFFFF  }
0x2eb: {  	p0 =	sne.s32 s0, $0x0;
	s0 =	rddreg [dreg:$0x3]  }
0x2ec: {  	s0 =	sadd.s32 @!p0 $0x100000, s0  }
0x2ed: {  	[sflag:s0] =	ssyncadd.tile.s32 @!p0 $0x1;
	_ =	shalt  }
.Lfunc_end2:
_tile_overlayer_lowered:
.L_overlay_start_2:
0x2ee: {  	(tag) =	ssettag $0x2  }
0x2ef: {  	s0 =	rddreg [dreg:$0x0];
	s2 =	stileid.u32  }
0x2f0: {  	s1 =	rddreg [dreg:$0x1];
	p0 =	sne.s32 s2, $0x0  }
0x2f1: {  	s3 =	rddreg [dreg:$0x2];
	[bflag:$0x3] =	sbarrier.arrive $0xFFFF;
	s2 =	simm.s32 @!p0 $0x1C07  }
0x2f2: {  	[timem:s3], [sflag:s2] =	dma.local @!p0 [hbm:s0], s1  }
0x2f3: {  	s0 =	simm.s32 @!p0 $0x7  }
0x2f4: {  	_ =	swait.ge @!p0 [sflag:s0], s1  }
0x2f5: {  	s1 =	ssub.s32 @!p0 $0x0, s1;
	[sflag:s0] =	ssyncset.done @!p0 $0x0  }
0x2f6: {  	[sflag:s0] =	ssyncadd.s32 @!p0 s1  }
0x2f7: {  	[bflag:$0x3] =	sbarrier.arrive $0xFFFF  }
0x2f8: {  	_ =	shalt  }

</sc_bundles>
